<compile_context>
chip_gen: v7x
topology: tpu7x:2x2x1
jax: 0.10.2.dev20260603
libtpu: 0.0.44.dev20260713+nightly
codegen_flags: <defaults>
</compile_context>

<pallas_src>
import functools

import jax
import jax.numpy as jnp
from jax import lax
from jax.experimental import pallas as pl
from jax.experimental.pallas import tpu as pltpu
from jax.experimental.pallas import tpu_sc as plsc

N = 5000
NCLS = 21
NFG = NCLS - 1
PROB_THRESH = 0.05
NMS_THRESH = 0.3
L = 16
NP = 5024
NCHUNKS = NP // L
NUM_CORES = 2
BIG_I32 = 2**30
T = 6
R = 8
TFRAC = NMS_THRESH / (1.0 + NMS_THRESH)

_mesh = plsc.VectorSubcoreMesh(core_axis_name="c", subcore_axis_name="s")


def _nms_body(scores_hbm, boxes_hbm, out_hbm,
              s_v, y1_v, x1_v, y2_v, x2_v,
              w_v, cy1_v, cx1_v, cy2_v, cx2_v, cidx_v, ca_v, cm_v,
              o0_v, o1_v, o2_v, o3_v, o4_v, sem):
    wid = lax.axis_index("s") * NUM_CORES + lax.axis_index("c")

    @pl.when(wid < NFG)
    def _run():
        lane_iota = lax.iota(jnp.int32, L)
        lane0 = lane_iota == 0
        neg1 = jnp.full((L,), -1.0, jnp.float32)
        zero16 = jnp.zeros((L,), jnp.float32)

        cps = [
            pltpu.async_copy(scores_hbm.at[wid], s_v, sem),
            pltpu.async_copy(boxes_hbm.at[wid * 4 + 0], y1_v, sem),
            pltpu.async_copy(boxes_hbm.at[wid * 4 + 1], x1_v, sem),
            pltpu.async_copy(boxes_hbm.at[wid * 4 + 2], y2_v, sem),
            pltpu.async_copy(boxes_hbm.at[wid * 4 + 3], x2_v, sem),
        ]

        @plsc.parallel_loop(0, NCHUNKS, 1, unroll=4)
        def init_body(i):
            d = pl.ds(pl.multiple_of(i * L, L), L)
            w_v[d] = neg1
            o0_v[d] = zero16
            o1_v[d] = zero16
            o2_v[d] = zero16
            o3_v[d] = zero16
            o4_v[d] = zero16

        def cm_init(i, carry):
            cm_v[pl.ds(pl.multiple_of(i * L, L), L)] = neg1
            return carry
        lax.fori_loop(0, NCHUNKS // L + 1, cm_init, 0)

        for cp in cps:
            cp.wait()

        def compact_body(i, base):
            d = pl.ds(pl.multiple_of(i * L, L), L)
            sv = s_v[d]
            msk = sv > PROB_THRESH
            pos = plsc.cumsum(msk.astype(jnp.int32))
            cnt = jnp.max(pos)
            dest = pos + (base - 1)
            v1 = y1_v[d]
            v2 = x1_v[d]
            v3 = y2_v[d]
            v4 = x2_v[d]
            plsc.store_scatter(w_v, [dest], sv, mask=msk)
            plsc.store_scatter(cy1_v, [dest], v1, mask=msk)
            plsc.store_scatter(cx1_v, [dest], v2, mask=msk)
            plsc.store_scatter(cy2_v, [dest], v3, mask=msk)
            plsc.store_scatter(cx2_v, [dest], v4, mask=msk)
            plsc.store_scatter(cidx_v, [dest], lane_iota + i * L, mask=msk)
            plsc.store_scatter(ca_v, [dest],
                               TFRAC * ((v3 - v1) * (v4 - v2)), mask=msk)
            return base + cnt
        m_count = lax.fori_loop(0, NCHUNKS, compact_body, 0)
        nch0 = (m_count + (L - 1)) // L

        @plsc.parallel_loop(0, nch0, 1, unroll=4)
        def cm_seed(i):
            wv = w_v[pl.ds(pl.multiple_of(i * L, L), L)]
            plsc.store_scatter(cm_v, [jnp.full((L,), i, jnp.int32)],
                               jnp.full((L,), jnp.max(wv), jnp.float32),
                               mask=lane0)

        def global_max(ncv):
            def b(i, acc):
                return jnp.maximum(acc, cm_v[pl.ds(pl.multiple_of(i * L, L), L)])
            return jnp.max(lax.fori_loop(0, ncv, b, neg1))

        def max_locate(ncv):
            def fb(i, acc):
                acc_v, acc_p = acc
                v = cm_v[pl.ds(pl.multiple_of(i * L, L), L)]
                gt = v > acc_v
                return (jnp.maximum(acc_v, v),
                        jnp.where(gt, lane_iota + i * L, acc_p))
            acc_v, acc_p = lax.fori_loop(
                0, ncv, fb,
                (jnp.full((L,), -2.0, jnp.float32),
                 jnp.full((L,), BIG_I32, jnp.int32)))
            m_k = jnp.max(acc_v)
            ci = jnp.min(jnp.where(acc_v == m_k, acc_p, BIG_I32))
            wv = w_v[pl.ds(pl.multiple_of(ci * L, L), L)]
            lane = jnp.min(jnp.where(wv == m_k, lane_iota, BIG_I32))
            return m_k, ci, wv, lane

        def round_cond(carry):
            return carry[0] > PROB_THRESH

        def round_body(carry):
            m0, nch_old = carry

            def rc_body(i, base):
                d = pl.ds(pl.multiple_of(i * L, L), L)
                wv = w_v[d]
                v1 = cy1_v[d]
                v2 = cx1_v[d]
                v3 = cy2_v[d]
                v4 = cx2_v[d]
                vi = cidx_v[d]
                va = ca_v[d]
                msk = wv > PROB_THRESH
                pos = plsc.cumsum(msk.astype(jnp.int32))
                cnt = jnp.max(pos)
                dest = pos + (base - 1)
                plsc.store_scatter(w_v, [dest], wv, mask=msk)
                plsc.store_scatter(cy1_v, [dest], v1, mask=msk)
                plsc.store_scatter(cx1_v, [dest], v2, mask=msk)
                plsc.store_scatter(cy2_v, [dest], v3, mask=msk)
                plsc.store_scatter(cx2_v, [dest], v4, mask=msk)
                plsc.store_scatter(cidx_v, [dest], vi, mask=msk)
                plsc.store_scatter(ca_v, [dest], va, mask=msk)
                return base + cnt
            alive = lax.fori_loop(0, nch_old, rc_body, 0)
            nch = (alive + (L - 1)) // L

            @plsc.parallel_loop(0, nch_old, 1, unroll=4)
            def cl_body(i):
                d = pl.ds(pl.multiple_of(i * L, L), L)
                wv = jnp.where(lane_iota + i * L < alive, w_v[d], -1.0)
                w_v[d] = wv
                plsc.store_scatter(cm_v, [jnp.full((L,), i, jnp.int32)],
                                   jnp.full((L,), jnp.max(wv), jnp.float32),
                                   mask=lane0)

            ncv = (nch + (L - 1)) // L

            def iter_body(_, m):
                @pl.when(m > PROB_THRESH)
                def _it():
                    lead = []
                    for k in range(T):
                        m_k, ci, wv, lane = max_locate(ncv)
                        j = ci * L + lane
                        jv = jnp.full((L,), j, jnp.int32)
                        ly1 = plsc.load_gather(cy1_v, [jv])
                        lx1 = plsc.load_gather(cx1_v, [jv])
                        ly2 = plsc.load_gather(cy2_v, [jv])
                        lx2 = plsc.load_gather(cx2_v, [jv])
                        lidx = plsc.load_gather(cidx_v, [jv])
                        nw = jnp.where(lane_iota == lane, -1.0, wv)
                        w_v[pl.ds(pl.multiple_of(ci * L, L), L)] = nw
                        plsc.store_scatter(
                            cm_v, [jnp.full((L,), ci, jnp.int32)],
                            jnp.full((L,), jnp.max(nw), jnp.float32),
                            mask=lane0)
                        valid = jnp.full((L,), m_k > PROB_THRESH)
                        lead.append((ly1, lx1, ly2, lx2, lidx, m_k, valid))

                    def ovl(a, b):
                        ay1, ax1, ay2, ax2 = a[0], a[1], a[2], a[3]
                        by1, bx1, by2, bx2 = b[0], b[1], b[2], b[3]
                        ih = jnp.maximum(
                            jnp.minimum(ay2, by2) - jnp.maximum(ay1, by1), 0.0)
                        iw = jnp.maximum(
                            jnp.minimum(ax2, bx2) - jnp.maximum(ax1, bx1), 0.0)
                        inter = ih * iw
                        aa = (ay2 - ay1) * (ax2 - ax1)
                        ab = (by2 - by1) * (bx2 - bx1)
                        return inter > NMS_THRESH * (aa + ab - inter)

                    acc = []
                    for k in range(T):
                        a_k = lead[k][6]
                        for kk in range(k):
                            a_k = a_k & ~(acc[kk] & ovl(lead[kk], lead[k]))
                        acc.append(a_k)

                    eff = []
                    for k in range(T):
                        ly1, lx1, ly2, lx2, lidx, m_k, _ = lead[k]
                        mk = lane0 & acc[k]
                        plsc.store_scatter(o0_v, [lidx], ly1, mask=mk)
                        plsc.store_scatter(o1_v, [lidx], lx1, mask=mk)
                        plsc.store_scatter(o2_v, [lidx], ly2, mask=mk)
                        plsc.store_scatter(o3_v, [lidx], lx2, mask=mk)
                        plsc.store_scatter(o4_v, [lidx],
                                           jnp.full((L,), m_k, jnp.float32),
                                           mask=mk)
                        eff.append((jnp.where(acc[k], ly1, 0.0),
                                    jnp.where(acc[k], lx1, 0.0),
                                    jnp.where(acc[k], ly2, 0.0),
                                    jnp.where(acc[k], lx2, 0.0)))

                    lca = [TFRAC * (e[2] - e[0]) * (e[3] - e[1])
                           for e in eff]

                    @plsc.parallel_loop(0, nch, 1, unroll=4)
                    def sb(i):
                        d = pl.ds(pl.multiple_of(i * L, L), L)
                        w = w_v[d]
                        y1 = cy1_v[d]
                        x1 = cx1_v[d]
                        y2 = cy2_v[d]
                        x2 = cx2_v[d]
                        pa = ca_v[d]
                        sup = None
                        for k in range(T):
                            ey1, ex1, ey2, ex2 = eff[k]
                            ih = jnp.maximum(jnp.minimum(y2, ey2)
                                             - jnp.maximum(y1, ey1), 0.0)
                            iw = jnp.maximum(jnp.minimum(x2, ex2)
                                             - jnp.maximum(x1, ex1), 0.0)
                            inter = ih * iw
                            s_k = inter > pa + lca[k]
                            sup = s_k if sup is None else (sup | s_k)
                        nw = jnp.where(sup, -1.0, w)
                        w_v[d] = nw
                        plsc.store_scatter(
                            cm_v, [jnp.full((L,), i, jnp.int32)],
                            jnp.full((L,), jnp.max(nw), jnp.float32),
                            mask=lane0)
                return global_max(ncv)

            m_out = lax.fori_loop(0, R, iter_body, m0)
            return (m_out, nch)

        lax.while_loop(round_cond, round_body, (global_max((nch0 + L - 1) // L),
                                                nch0))

        pltpu.sync_copy(o0_v, out_hbm.at[wid * 5 + 0])
        pltpu.sync_copy(o1_v, out_hbm.at[wid * 5 + 1])
        pltpu.sync_copy(o2_v, out_hbm.at[wid * 5 + 2])
        pltpu.sync_copy(o3_v, out_hbm.at[wid * 5 + 3])
        pltpu.sync_copy(o4_v, out_hbm.at[wid * 5 + 4])


_sc_nms = functools.partial(
    pl.kernel,
    out_type=jax.ShapeDtypeStruct((NFG * 5, NP), jnp.float32),
    mesh=_mesh,
    scratch_types=[
        pltpu.VMEM((NP,), jnp.float32),
        pltpu.VMEM((NP,), jnp.float32),
        pltpu.VMEM((NP,), jnp.float32),
        pltpu.VMEM((NP,), jnp.float32),
        pltpu.VMEM((NP,), jnp.float32),
        pltpu.VMEM((NP,), jnp.float32),
        pltpu.VMEM((NP,), jnp.float32),
        pltpu.VMEM((NP,), jnp.float32),
        pltpu.VMEM((NP,), jnp.float32),
        pltpu.VMEM((NP,), jnp.float32),
        pltpu.VMEM((NP,), jnp.int32),
        pltpu.VMEM((NP,), jnp.float32),
        pltpu.VMEM((320,), jnp.float32),
        pltpu.VMEM((NP,), jnp.float32),
        pltpu.VMEM((NP,), jnp.float32),
        pltpu.VMEM((NP,), jnp.float32),
        pltpu.VMEM((NP,), jnp.float32),
        pltpu.VMEM((NP,), jnp.float32),
        pltpu.SemaphoreType.DMA,
    ],
    compiler_params=pltpu.CompilerParams(needs_layout_passes=False),
)(_nms_body)


def kernel(raw_cls_bbox, raw_prob):
    cls_bbox = raw_cls_bbox.reshape(N, NCLS, 4)
    boxes_t = jnp.transpose(cls_bbox[:, 1:, :], (1, 2, 0))
    boxes_p = jnp.concatenate(
        [boxes_t, jnp.zeros((NFG, 4, NP - N), jnp.float32)],
        axis=-1).reshape(NFG * 4, NP)
    scores_t = jnp.transpose(raw_prob[:, 1:], (1, 0))
    scores_p = jnp.concatenate(
        [scores_t, jnp.full((NFG, NP - N), -1.0, jnp.float32)], axis=-1)
    out = _sc_nms(scores_p, boxes_p).reshape(NFG, 5, NP)
    return jnp.transpose(out[:, :, :N], (0, 2, 1))

# --- scband reference (transcript-rebuilt; emitter-appended) ---
"""Pipeline reference for scband-faster-rcnn-29858612641853 (READ-ONLY COPY).

The authoritative reference and input builder live on the scoring server;
editing this copy changes nothing except your own understanding.
"""

import jax, jax.numpy as jnp
import numpy as np

N = 5000
NCLS = 21  # 20 foreground classes + background (class 0)
PROB_THRESH = 0.05
NMS_THRESH = 0.3


def setup_inputs(seed: int = 0) -> dict:
    key = jax.random.key(seed)
    k1, k2, k3 = jax.random.split(key, 3)
    # Realistic decoded per-class boxes in (y1, x1, y2, x2) format, clamped to image.
    yx = jax.random.uniform(k1, (N, NCLS, 2), dtype=jnp.float32) * 500.0
    hw = jax.random.uniform(k2, (N, NCLS, 2), dtype=jnp.float32) * 100.0 + 1.0
    boxes = jnp.concatenate([yx, jnp.clip(yx + hw, 0.0, 600.0)], axis=-1)
    raw_cls_bbox = boxes.reshape(N, NCLS * 4)
    logits = jax.random.normal(k3, (N, NCLS), dtype=jnp.float32) * 2.0
    raw_prob = jax.nn.softmax(logits, axis=1)  # predict() applies softmax to roi_scores
    return {"raw_cls_bbox": raw_cls_bbox, "raw_prob": raw_prob}


def _pairwise_iou(b):
    area = (b[:, 2] - b[:, 0]) * (b[:, 3] - b[:, 1])
    tl = jnp.maximum(b[:, None, :2], b[None, :, :2])
    br = jnp.minimum(b[:, None, 2:], b[None, :, 2:])
    wh = jnp.clip(br - tl, 0.0, None)
    inter = wh[..., 0] * wh[..., 1]
    union = area[:, None] + area[None, :] - inter
    return inter / jnp.maximum(union, 1e-9)


def _nms_keep(boxes, scores, thresh):
    # Exact greedy NMS (same semantics as chainer/cupy non_maximum_suppression):
    # process boxes in descending score order; a box is kept iff no previously
    # kept box overlaps it with IoU > thresh. Returns a boolean keep mask in
    # the ORIGINAL box order (fixed-shape analogue of the index list `keep`).
    n = boxes.shape[0]
    order = jnp.argsort(-scores)
    b = jnp.take(boxes, order, axis=0)
    iou = _pairwise_iou(b)
    idx = jnp.arange(n)

    def body(i, keep):
        sup = (iou[i] > thresh) & (idx > i) & keep[i]
        return keep & (~sup)

    keep_sorted = jax.lax.fori_loop(0, n, body, jnp.ones((n,), dtype=bool))
    keep = jnp.zeros((n,), dtype=bool).at[order].set(keep_sorted)
    return keep


def reference(raw_cls_bbox, raw_prob):
    # Faithful fixed-shape translation of FasterRCNN._suppress:
    # for each foreground class l in 1..20: threshold probs at self.prob (0.05),
    # run NMS with IoU 0.3 on that class's boxes, collect surviving boxes+scores.
    # Dynamic boolean gathers are replaced by keep-masks (zeroed-out rows) so
    # shapes stay static; survivors are exactly the rows with nonzero score.
    cls_bbox = raw_cls_bbox.reshape(-1, NCLS, 4)
    outs = []
    for l in range(1, NCLS):
        bbox_l = cls_bbox[:, l, :]
        prob_l = raw_prob[:, l]
        mask = prob_l > PROB_THRESH
        scores_l = jnp.where(mask, prob_l, -1.0)  # thresholded-out boxes sort last
        keep = _nms_keep(bbox_l, scores_l, NMS_THRESH) & mask
        kf = keep.astype(raw_cls_bbox.dtype)
        outs.append(jnp.concatenate([bbox_l * kf[:, None], (prob_l * kf)[:, None]], axis=1))
    # [20, N, 5]: per foreground class, (y1, x1, y2, x2, score) zeroed where suppressed
    return jnp.stack(outs, axis=0)

if __name__ == "__main__":
    import jax
    _d = setup_inputs()
    print(jax.jit(kernel)(*tuple(_d.values())))

</pallas_src>

<mosaic_0001>
#map = affine_map<(d0, d1) -> (0, 0)>
module attributes {stable_mosaic.version = 14 : i64} {
  func.func @_nms_body(%arg0: i32, %arg1: i32, %arg2: memref<20x5024xf32, #tpu.memory_space<hbm>>, %arg3: memref<80x5024xf32, #tpu.memory_space<hbm>>, %arg4: memref<100x5024xf32, #tpu.memory_space<hbm>>, %arg5: memref<5024xf32, #tpu.memory_space<vmem>>, %arg6: memref<5024xf32, #tpu.memory_space<vmem>>, %arg7: memref<5024xf32, #tpu.memory_space<vmem>>, %arg8: memref<5024xf32, #tpu.memory_space<vmem>>, %arg9: memref<5024xf32, #tpu.memory_space<vmem>>, %arg10: memref<5024xf32, #tpu.memory_space<vmem>>, %arg11: memref<5024xf32, #tpu.memory_space<vmem>>, %arg12: memref<5024xf32, #tpu.memory_space<vmem>>, %arg13: memref<5024xf32, #tpu.memory_space<vmem>>, %arg14: memref<5024xf32, #tpu.memory_space<vmem>>, %arg15: memref<5024xi32, #tpu.memory_space<vmem>>, %arg16: memref<5024xf32, #tpu.memory_space<vmem>>, %arg17: memref<320xf32, #tpu.memory_space<vmem>>, %arg18: memref<5024xf32, #tpu.memory_space<vmem>>, %arg19: memref<5024xf32, #tpu.memory_space<vmem>>, %arg20: memref<5024xf32, #tpu.memory_space<vmem>>, %arg21: memref<5024xf32, #tpu.memory_space<vmem>>, %arg22: memref<5024xf32, #tpu.memory_space<vmem>>, %arg23: memref<!tpu.dma_semaphore, #tpu.memory_space<semaphore_mem>>) attributes {dimension_semantics = [#tpu.dimension_semantics<core_parallel>, #tpu.dimension_semantics<subcore_parallel>], iteration_bounds = array<i64: 2, 16>, scalar_prefetch = 0 : i64, scratch_operands = 19 : i64, tpu.core_type = #tpu.core_type<sc_vector_subcore>, window_params = [{transform_indices = #map}, {transform_indices = #map}, {transform_indices = #map}]} {
    %mul3A = arith.constant 2 : i32
    %mul3A_0 = arith.muli %arg1, %mul3A : i32
    %add3A = arith.addi %mul3A_0, %arg0 : i32
    %lt3A = arith.constant 20 : i32
    %lt3A_1 = arith.cmpi slt, %add3A, %lt3A : i32
    %convert_element_type3A = arith.extui %lt3A_1 : i1 to i32
    %cond3A = arith.constant 0 : i32
    %cond3A_2 = arith.cmpi ne, %convert_element_type3A, %cond3A : i32
    scf.if %cond3A_2 {
      %iota3A = tpu.iota {dimensions = array<i32: 0>} : vector<16xi32>
      %eq3A = arith.constant 0 : i32
      %eq3A_3 = vector.broadcast %eq3A : i32 to vector<16xi32>
      %eq3A_4 = arith.cmpi eq, %iota3A, %eq3A_3 : vector<16xi32>
      %broadcast_in_dim3A = arith.constant -1.000000e+00 : f32
      %broadcast_in_dim3A_5 = vector.broadcast %broadcast_in_dim3A : f32 to vector<16xf32>
      %broadcast_in_dim3A_6 = arith.constant 0.000000e+00 : f32
      %broadcast_in_dim3A_7 = vector.broadcast %broadcast_in_dim3A_6 : f32 to vector<16xf32>
      %dma_start3A = arith.constant 0 : i32
      %dma_start3A_8 = tpu.memref_slice %arg2[%add3A, %dma_start3A] : memref<20x5024xf32, #tpu.memory_space<hbm>> -> memref<1x5024xf32, #tpu.memory_space<hbm>>
      %dma_start3A_9 = tpu.memref_squeeze %dma_start3A_8 : memref<1x5024xf32, #tpu.memory_space<hbm>> -> memref<5024xf32, #tpu.memory_space<hbm>>
      %dma_start3A_10 = arith.constant 0 : i32
      %dma_start3A_11 = tpu.memref_slice %arg2[%add3A, %dma_start3A_10] : memref<20x5024xf32, #tpu.memory_space<hbm>> -> memref<1x5024xf32, #tpu.memory_space<hbm>>
      %dma_start3A_12 = tpu.memref_squeeze %dma_start3A_11 : memref<1x5024xf32, #tpu.memory_space<hbm>> -> memref<5024xf32, #tpu.memory_space<hbm>>
      tpu.enqueue_dma source(%dma_start3A_12 : memref<5024xf32, #tpu.memory_space<hbm>>) target(%arg5 : memref<5024xf32, #tpu.memory_space<vmem>>) target_semaphore(%arg23 : memref<!tpu.dma_semaphore, #tpu.memory_space<semaphore_mem>>)
      %mul3A_13 = arith.constant 4 : i32
      %mul3A_14 = arith.muli %add3A, %mul3A_13 : i32
      %add3A_15 = arith.constant 0 : i32
      %add3A_16 = arith.addi %mul3A_14, %add3A_15 : i32
      %dma_start3A_17 = arith.constant 0 : i32
      %dma_start3A_18 = tpu.memref_slice %arg3[%add3A_16, %dma_start3A_17] : memref<80x5024xf32, #tpu.memory_space<hbm>> -> memref<1x5024xf32, #tpu.memory_space<hbm>>
      %dma_start3A_19 = tpu.memref_squeeze %dma_start3A_18 : memref<1x5024xf32, #tpu.memory_space<hbm>> -> memref<5024xf32, #tpu.memory_space<hbm>>
      %dma_start3A_20 = arith.constant 0 : i32
      %dma_start3A_21 = tpu.memref_slice %arg3[%add3A_16, %dma_start3A_20] : memref<80x5024xf32, #tpu.memory_space<hbm>> -> memref<1x5024xf32, #tpu.memory_space<hbm>>
      %dma_start3A_22 = tpu.memref_squeeze %dma_start3A_21 : memref<1x5024xf32, #tpu.memory_space<hbm>> -> memref<5024xf32, #tpu.memory_space<hbm>>
      tpu.enqueue_dma source(%dma_start3A_22 : memref<5024xf32, #tpu.memory_space<hbm>>) target(%arg6 : memref<5024xf32, #tpu.memory_space<vmem>>) target_semaphore(%arg23 : memref<!tpu.dma_semaphore, #tpu.memory_space<semaphore_mem>>)
      %mul3A_23 = arith.constant 4 : i32
      %mul3A_24 = arith.muli %add3A, %mul3A_23 : i32
      %add3A_25 = arith.constant 1 : i32
      %add3A_26 = arith.addi %mul3A_24, %add3A_25 : i32
      %dma_start3A_27 = arith.constant 0 : i32
      %dma_start3A_28 = tpu.memref_slice %arg3[%add3A_26, %dma_start3A_27] : memref<80x5024xf32, #tpu.memory_space<hbm>> -> memref<1x5024xf32, #tpu.memory_space<hbm>>
      %dma_start3A_29 = tpu.memref_squeeze %dma_start3A_28 : memref<1x5024xf32, #tpu.memory_space<hbm>> -> memref<5024xf32, #tpu.memory_space<hbm>>
      %dma_start3A_30 = arith.constant 0 : i32
      %dma_start3A_31 = tpu.memref_slice %arg3[%add3A_26, %dma_start3A_30] : memref<80x5024xf32, #tpu.memory_space<hbm>> -> memref<1x5024xf32, #tpu.memory_space<hbm>>
      %dma_start3A_32 = tpu.memref_squeeze %dma_start3A_31 : memref<1x5024xf32, #tpu.memory_space<hbm>> -> memref<5024xf32, #tpu.memory_space<hbm>>
      tpu.enqueue_dma source(%dma_start3A_32 : memref<5024xf32, #tpu.memory_space<hbm>>) target(%arg7 : memref<5024xf32, #tpu.memory_space<vmem>>) target_semaphore(%arg23 : memref<!tpu.dma_semaphore, #tpu.memory_space<semaphore_mem>>)
      %mul3A_33 = arith.constant 4 : i32
      %mul3A_34 = arith.muli %add3A, %mul3A_33 : i32
      %add3A_35 = arith.constant 2 : i32
      %add3A_36 = arith.addi %mul3A_34, %add3A_35 : i32
      %dma_start3A_37 = arith.constant 0 : i32
      %dma_start3A_38 = tpu.memref_slice %arg3[%add3A_36, %dma_start3A_37] : memref<80x5024xf32, #tpu.memory_space<hbm>> -> memref<1x5024xf32, #tpu.memory_space<hbm>>
      %dma_start3A_39 = tpu.memref_squeeze %dma_start3A_38 : memref<1x5024xf32, #tpu.memory_space<hbm>> -> memref<5024xf32, #tpu.memory_space<hbm>>
      %dma_start3A_40 = arith.constant 0 : i32
      %dma_start3A_41 = tpu.memref_slice %arg3[%add3A_36, %dma_start3A_40] : memref<80x5024xf32, #tpu.memory_space<hbm>> -> memref<1x5024xf32, #tpu.memory_space<hbm>>
      %dma_start3A_42 = tpu.memref_squeeze %dma_start3A_41 : memref<1x5024xf32, #tpu.memory_space<hbm>> -> memref<5024xf32, #tpu.memory_space<hbm>>
      tpu.enqueue_dma source(%dma_start3A_42 : memref<5024xf32, #tpu.memory_space<hbm>>) target(%arg8 : memref<5024xf32, #tpu.memory_space<vmem>>) target_semaphore(%arg23 : memref<!tpu.dma_semaphore, #tpu.memory_space<semaphore_mem>>)
      %mul3A_43 = arith.constant 4 : i32
      %mul3A_44 = arith.muli %add3A, %mul3A_43 : i32
      %add3A_45 = arith.constant 3 : i32
      %add3A_46 = arith.addi %mul3A_44, %add3A_45 : i32
      %dma_start3A_47 = arith.constant 0 : i32
      %dma_start3A_48 = tpu.memref_slice %arg3[%add3A_46, %dma_start3A_47] : memref<80x5024xf32, #tpu.memory_space<hbm>> -> memref<1x5024xf32, #tpu.memory_space<hbm>>
      %dma_start3A_49 = tpu.memref_squeeze %dma_start3A_48 : memref<1x5024xf32, #tpu.memory_space<hbm>> -> memref<5024xf32, #tpu.memory_space<hbm>>
      %dma_start3A_50 = arith.constant 0 : i32
      %dma_start3A_51 = tpu.memref_slice %arg3[%add3A_46, %dma_start3A_50] : memref<80x5024xf32, #tpu.memory_space<hbm>> -> memref<1x5024xf32, #tpu.memory_space<hbm>>
      %dma_start3A_52 = tpu.memref_squeeze %dma_start3A_51 : memref<1x5024xf32, #tpu.memory_space<hbm>> -> memref<5024xf32, #tpu.memory_space<hbm>>
      tpu.enqueue_dma source(%dma_start3A_52 : memref<5024xf32, #tpu.memory_space<hbm>>) target(%arg9 : memref<5024xf32, #tpu.memory_space<vmem>>) target_semaphore(%arg23 : memref<!tpu.dma_semaphore, #tpu.memory_space<semaphore_mem>>)
      %parallel_loop3A = arith.constant 0 : i32
      %parallel_loop3A_53 = arith.constant 314 : i32
      %parallel_loop3A_54 = arith.constant 1 : i32
      scf.for %parallel_loop3A_178 = %parallel_loop3A to %parallel_loop3A_53 step %parallel_loop3A_54  : i32 {
        %parallel_loop3A_179 = arith.constant 16 : i32
        %parallel_loop3A_180 = arith.muli %parallel_loop3A_178, %parallel_loop3A_179 : i32
        %parallel_loop3A_181 = tpu.assume_multiple %parallel_loop3A_180, 16 : i32
        %parallel_loop3A_182 = arith.index_cast %parallel_loop3A_181 : i32 to index
        %parallel_loop3A_183 = tpu.vector_load %arg10[%parallel_loop3A_182] {strides = array<i32>} : memref<5024xf32, #tpu.memory_space<vmem>>, vector<16xf32>,
        tpu.vector_store %arg10[%parallel_loop3A_182], %broadcast_in_dim3A_5 {strides = array<i32>} : memref<5024xf32, #tpu.memory_space<vmem>>, vector<16xf32>,
        %parallel_loop3A_184 = arith.index_cast %parallel_loop3A_181 : i32 to index
        %parallel_loop3A_185 = tpu.vector_load %arg18[%parallel_loop3A_184] {strides = array<i32>} : memref<5024xf32, #tpu.memory_space<vmem>>, vector<16xf32>,
        tpu.vector_store %arg18[%parallel_loop3A_184], %broadcast_in_dim3A_7 {strides = array<i32>} : memref<5024xf32, #tpu.memory_space<vmem>>, vector<16xf32>,
        %parallel_loop3A_186 = arith.index_cast %parallel_loop3A_181 : i32 to index
        %parallel_loop3A_187 = tpu.vector_load %arg19[%parallel_loop3A_186] {strides = array<i32>} : memref<5024xf32, #tpu.memory_space<vmem>>, vector<16xf32>,
        tpu.vector_store %arg19[%parallel_loop3A_186], %broadcast_in_dim3A_7 {strides = array<i32>} : memref<5024xf32, #tpu.memory_space<vmem>>, vector<16xf32>,
        %parallel_loop3A_188 = arith.index_cast %parallel_loop3A_181 : i32 to index
        %parallel_loop3A_189 = tpu.vector_load %arg20[%parallel_loop3A_188] {strides = array<i32>} : memref<5024xf32, #tpu.memory_space<vmem>>, vector<16xf32>,
        tpu.vector_store %arg20[%parallel_loop3A_188], %broadcast_in_dim3A_7 {strides = array<i32>} : memref<5024xf32, #tpu.memory_space<vmem>>, vector<16xf32>,
        %parallel_loop3A_190 = arith.index_cast %parallel_loop3A_181 : i32 to index
        %parallel_loop3A_191 = tpu.vector_load %arg21[%parallel_loop3A_190] {strides = array<i32>} : memref<5024xf32, #tpu.memory_space<vmem>>, vector<16xf32>,
        tpu.vector_store %arg21[%parallel_loop3A_190], %broadcast_in_dim3A_7 {strides = array<i32>} : memref<5024xf32, #tpu.memory_space<vmem>>, vector<16xf32>,
        %parallel_loop3A_192 = arith.index_cast %parallel_loop3A_181 : i32 to index
        %parallel_loop3A_193 = tpu.vector_load %arg22[%parallel_loop3A_192] {strides = array<i32>} : memref<5024xf32, #tpu.memory_space<vmem>>, vector<16xf32>,
        tpu.vector_store %arg22[%parallel_loop3A_192], %broadcast_in_dim3A_7 {strides = array<i32>} : memref<5024xf32, #tpu.memory_space<vmem>>, vector<16xf32>,
      } {sc.loop_unroll_factor = 4 : i64, sc.parallel_access}
      %scan3A = arith.constant 0 : i32
      %scan3A_55 = arith.constant 0 : i32
      %scan3A_56 = arith.constant 20 : i32
      %scan3A_57 = arith.addi %scan3A_55, %scan3A_56 : i32
      %scan3A_58 = arith.constant 1 : i32
      scf.for %scan3A_178 = %scan3A_55 to %scan3A_57 step %scan3A_58  : i32 {
        %mul3A_179 = arith.constant 16 : i32
        %mul3A_180 = arith.muli %scan3A_178, %mul3A_179 : i32
        %multiple_of3A = tpu.assume_multiple %mul3A_180, 16 : i32
        %swap3A = arith.index_cast %multiple_of3A : i32 to index
        %swap3A_181 = tpu.vector_load %arg17[%swap3A] {strides = array<i32>} : memref<320xf32, #tpu.memory_space<vmem>>, vector<16xf32>,
        tpu.vector_store %arg17[%swap3A], %broadcast_in_dim3A_5 {strides = array<i32>} : memref<320xf32, #tpu.memory_space<vmem>>, vector<16xf32>,
      }
      %scan3A_59 = arith.constant 20 : i32
      %dma_wait3A = arith.constant 0 : i32
      %dma_wait3A_60 = tpu.memref_slice %arg2[%add3A, %dma_wait3A] : memref<20x5024xf32, #tpu.memory_space<hbm>> -> memref<1x5024xf32, #tpu.memory_space<hbm>>
      %dma_wait3A_61 = tpu.memref_squeeze %dma_wait3A_60 : memref<1x5024xf32, #tpu.memory_space<hbm>> -> memref<5024xf32, #tpu.memory_space<hbm>>
      %dma_wait3A_62 = arith.constant 0 : i32
      %dma_wait3A_63 = tpu.memref_slice %arg2[%add3A, %dma_wait3A_62] : memref<20x5024xf32, #tpu.memory_space<hbm>> -> memref<1x5024xf32, #tpu.memory_space<hbm>>
      %dma_wait3A_64 = tpu.memref_squeeze %dma_wait3A_63 : memref<1x5024xf32, #tpu.memory_space<hbm>> -> memref<5024xf32, #tpu.memory_space<hbm>>
      tpu.wait_dma2 semaphore(%arg23 : memref<!tpu.dma_semaphore, #tpu.memory_space<semaphore_mem>>) src(%dma_wait3A_64 : memref<5024xf32, #tpu.memory_space<hbm>>) dst(%arg5 : memref<5024xf32, #tpu.memory_space<vmem>>)
      %dma_wait3A_65 = arith.constant 0 : i32
      %dma_wait3A_66 = tpu.memref_slice %arg3[%add3A_16, %dma_wait3A_65] : memref<80x5024xf32, #tpu.memory_space<hbm>> -> memref<1x5024xf32, #tpu.memory_space<hbm>>
      %dma_wait3A_67 = tpu.memref_squeeze %dma_wait3A_66 : memref<1x5024xf32, #tpu.memory_space<hbm>> -> memref<5024xf32, #tpu.memory_space<hbm>>
      %dma_wait3A_68 = arith.constant 0 : i32
      %dma_wait3A_69 = tpu.memref_slice %arg3[%add3A_16, %dma_wait3A_68] : memref<80x5024xf32, #tpu.memory_space<hbm>> -> memref<1x5024xf32, #tpu.memory_space<hbm>>
      %dma_wait3A_70 = tpu.memref_squeeze %dma_wait3A_69 : memref<1x5024xf32, #tpu.memory_space<hbm>> -> memref<5024xf32, #tpu.memory_space<hbm>>
      tpu.wait_dma2 semaphore(%arg23 : memref<!tpu.dma_semaphore, #tpu.memory_space<semaphore_mem>>) src(%dma_wait3A_70 : memref<5024xf32, #tpu.memory_space<hbm>>) dst(%arg6 : memref<5024xf32, #tpu.memory_space<vmem>>)
      %dma_wait3A_71 = arith.constant 0 : i32
      %dma_wait3A_72 = tpu.memref_slice %arg3[%add3A_26, %dma_wait3A_71] : memref<80x5024xf32, #tpu.memory_space<hbm>> -> memref<1x5024xf32, #tpu.memory_space<hbm>>
      %dma_wait3A_73 = tpu.memref_squeeze %dma_wait3A_72 : memref<1x5024xf32, #tpu.memory_space<hbm>> -> memref<5024xf32, #tpu.memory_space<hbm>>
      %dma_wait3A_74 = arith.constant 0 : i32
      %dma_wait3A_75 = tpu.memref_slice %arg3[%add3A_26, %dma_wait3A_74] : memref<80x5024xf32, #tpu.memory_space<hbm>> -> memref<1x5024xf32, #tpu.memory_space<hbm>>
      %dma_wait3A_76 = tpu.memref_squeeze %dma_wait3A_75 : memref<1x5024xf32, #tpu.memory_space<hbm>> -> memref<5024xf32, #tpu.memory_space<hbm>>
      tpu.wait_dma2 semaphore(%arg23 : memref<!tpu.dma_semaphore, #tpu.memory_space<semaphore_mem>>) src(%dma_wait3A_76 : memref<5024xf32, #tpu.memory_space<hbm>>) dst(%arg7 : memref<5024xf32, #tpu.memory_space<vmem>>)
      %dma_wait3A_77 = arith.constant 0 : i32
      %dma_wait3A_78 = tpu.memref_slice %arg3[%add3A_36, %dma_wait3A_77] : memref<80x5024xf32, #tpu.memory_space<hbm>> -> memref<1x5024xf32, #tpu.memory_space<hbm>>
      %dma_wait3A_79 = tpu.memref_squeeze %dma_wait3A_78 : memref<1x5024xf32, #tpu.memory_space<hbm>> -> memref<5024xf32, #tpu.memory_space<hbm>>
      %dma_wait3A_80 = arith.constant 0 : i32
      %dma_wait3A_81 = tpu.memref_slice %arg3[%add3A_36, %dma_wait3A_80] : memref<80x5024xf32, #tpu.memory_space<hbm>> -> memref<1x5024xf32, #tpu.memory_space<hbm>>
      %dma_wait3A_82 = tpu.memref_squeeze %dma_wait3A_81 : memref<1x5024xf32, #tpu.memory_space<hbm>> -> memref<5024xf32, #tpu.memory_space<hbm>>
      tpu.wait_dma2 semaphore(%arg23 : memref<!tpu.dma_semaphore, #tpu.memory_space<semaphore_mem>>) src(%dma_wait3A_82 : memref<5024xf32, #tpu.memory_space<hbm>>) dst(%arg8 : memref<5024xf32, #tpu.memory_space<vmem>>)
      %dma_wait3A_83 = arith.constant 0 : i32
      %dma_wait3A_84 = tpu.memref_slice %arg3[%add3A_46, %dma_wait3A_83] : memref<80x5024xf32, #tpu.memory_space<hbm>> -> memref<1x5024xf32, #tpu.memory_space<hbm>>
      %dma_wait3A_85 = tpu.memref_squeeze %dma_wait3A_84 : memref<1x5024xf32, #tpu.memory_space<hbm>> -> memref<5024xf32, #tpu.memory_space<hbm>>
      %dma_wait3A_86 = arith.constant 0 : i32
      %dma_wait3A_87 = tpu.memref_slice %arg3[%add3A_46, %dma_wait3A_86] : memref<80x5024xf32, #tpu.memory_space<hbm>> -> memref<1x5024xf32, #tpu.memory_space<hbm>>
      %dma_wait3A_88 = tpu.memref_squeeze %dma_wait3A_87 : memref<1x5024xf32, #tpu.memory_space<hbm>> -> memref<5024xf32, #tpu.memory_space<hbm>>
      tpu.wait_dma2 semaphore(%arg23 : memref<!tpu.dma_semaphore, #tpu.memory_space<semaphore_mem>>) src(%dma_wait3A_88 : memref<5024xf32, #tpu.memory_space<hbm>>) dst(%arg9 : memref<5024xf32, #tpu.memory_space<vmem>>)
      %scan3A_89 = arith.constant 0 : i32
      %scan3A_90 = arith.constant 0 : i32
      %scan3A_91 = arith.constant 314 : i32
      %scan3A_92 = arith.addi %scan3A_90, %scan3A_91 : i32
      %scan3A_93 = arith.constant 1 : i32
      %scan3A_94 = scf.for %scan3A_178 = %scan3A_90 to %scan3A_92 step %scan3A_93 iter_args(%scan3A_179 = %scan3A_89) -> (i32)  : i32 {
        %mul3A_180 = arith.constant 16 : i32
        %mul3A_181 = arith.muli %scan3A_178, %mul3A_180 : i32
        %multiple_of3A = tpu.assume_multiple %mul3A_181, 16 : i32
        %get3A = arith.index_cast %multiple_of3A : i32 to index
        %get3A_182 = tpu.vector_load %arg5[%get3A] {strides = array<i32>} : memref<5024xf32, #tpu.memory_space<vmem>>, vector<16xf32>,
        %gt3A = arith.constant 5.000000e-02 : f32
        %gt3A_183 = vector.broadcast %gt3A : f32 to vector<16xf32>
        %gt3A_184 = arith.cmpf ogt, %get3A_182, %gt3A_183 : vector<16xf32>
        %convert_element_type3A_185 = arith.extui %gt3A_184 : vector<16xi1> to vector<16xi32>
        %broadcast_in_dim3A_186 = arith.constant true
        %broadcast_in_dim3A_187 = vector.broadcast %broadcast_in_dim3A_186 : i1 to vector<16xi1>
        %masked_cumsum3A = tpu.scan <sum>, %convert_element_type3A_185 masked %broadcast_in_dim3A_187 : vector<16xi32>, vector<16xi1> -> vector<16xi32>
        %reduce_max3A_188 = arith.constant true
        %reduce_max3A_189 = vector.broadcast %reduce_max3A_188 : i1 to vector<16xi1>
        %reduce_max3A_190 = arith.constant -2147483648 : i32
        %reduce_max3A_191 = vector.broadcast %reduce_max3A_190 : i32 to vector<16xi32>
        %reduce_max3A_192 = arith.xori %masked_cumsum3A, %reduce_max3A_191 : vector<16xi32>
        %reduce_max3A_193 = tpu.scan <max>, %reduce_max3A_192 masked %reduce_max3A_189 : vector<16xi32>, vector<16xi1> -> vector<16xi32>
        %reduce_max3A_194 = arith.xori %reduce_max3A_193, %reduce_max3A_191 : vector<16xi32>
        %reduce_max3A_195 = vector.extract %reduce_max3A_194[15] : i32 from vector<16xi32>
        %sub3A_196 = arith.constant 1 : i32
        %sub3A_197 = arith.subi %scan3A_179, %sub3A_196 : i32
        %add3A_198 = vector.broadcast %sub3A_197 : i32 to vector<16xi32>
        %add3A_199 = arith.addi %masked_cumsum3A, %add3A_198 : vector<16xi32>
        %get3A_200 = arith.index_cast %multiple_of3A : i32 to index
        %get3A_201 = tpu.vector_load %arg6[%get3A_200] {strides = array<i32>} : memref<5024xf32, #tpu.memory_space<vmem>>, vector<16xf32>,
        %get3A_202 = arith.index_cast %multiple_of3A : i32 to index
        %get3A_203 = tpu.vector_load %arg7[%get3A_202] {strides = array<i32>} : memref<5024xf32, #tpu.memory_space<vmem>>, vector<16xf32>,
        %get3A_204 = arith.index_cast %multiple_of3A : i32 to index
        %get3A_205 = tpu.vector_load %arg8[%get3A_204] {strides = array<i32>} : memref<5024xf32, #tpu.memory_space<vmem>>, vector<16xf32>,
        %get3A_206 = arith.index_cast %multiple_of3A : i32 to index
        %get3A_207 = tpu.vector_load %arg9[%get3A_206] {strides = array<i32>} : memref<5024xf32, #tpu.memory_space<vmem>>, vector<16xf32>,
        tpu.vector_store_idx %arg10[%add3A_199], %get3A_182 masked %gt3A_184 : memref<5024xf32, #tpu.memory_space<vmem>>[vector<16xi32>], vector<16xf32>, vector<16xi1>
        tpu.vector_store_idx %arg11[%add3A_199], %get3A_201 masked %gt3A_184 : memref<5024xf32, #tpu.memory_space<vmem>>[vector<16xi32>], vector<16xf32>, vector<16xi1>
        tpu.vector_store_idx %arg12[%add3A_199], %get3A_203 masked %gt3A_184 : memref<5024xf32, #tpu.memory_space<vmem>>[vector<16xi32>], vector<16xf32>, vector<16xi1>
        tpu.vector_store_idx %arg13[%add3A_199], %get3A_205 masked %gt3A_184 : memref<5024xf32, #tpu.memory_space<vmem>>[vector<16xi32>], vector<16xf32>, vector<16xi1>
        tpu.vector_store_idx %arg14[%add3A_199], %get3A_207 masked %gt3A_184 : memref<5024xf32, #tpu.memory_space<vmem>>[vector<16xi32>], vector<16xf32>, vector<16xi1>
        %mul3A_208 = arith.constant 16 : i32
        %mul3A_209 = arith.muli %scan3A_178, %mul3A_208 : i32
        %add3A_210 = vector.broadcast %mul3A_209 : i32 to vector<16xi32>
        %add3A_211 = arith.addi %iota3A, %add3A_210 : vector<16xi32>
        tpu.vector_store_idx %arg15[%add3A_199], %add3A_211 masked %gt3A_184 : memref<5024xi32, #tpu.memory_space<vmem>>[vector<16xi32>], vector<16xi32>, vector<16xi1>
        %sub3A_212 = arith.subf %get3A_205, %get3A_201 : vector<16xf32>
        %sub3A_213 = arith.subf %get3A_207, %get3A_203 : vector<16xf32>
        %mul3A_214 = arith.mulf %sub3A_212, %sub3A_213 : vector<16xf32>
        %mul3A_215 = arith.constant 0.230769232 : f32
        %mul3A_216 = vector.broadcast %mul3A_215 : f32 to vector<16xf32>
        %mul3A_217 = arith.mulf %mul3A_216, %mul3A_214 : vector<16xf32>
        tpu.vector_store_idx %arg16[%add3A_199], %mul3A_217 masked %gt3A_184 : memref<5024xf32, #tpu.memory_space<vmem>>[vector<16xi32>], vector<16xf32>, vector<16xi1>
        %add3A_218 = arith.addi %scan3A_179, %reduce_max3A_195 : i32
        scf.yield %add3A_218 : i32
      }
      %scan3A_95 = arith.constant 314 : i32
      %add3A_96 = arith.constant 15 : i32
      %add3A_97 = arith.addi %scan3A_94, %add3A_96 : i32
      %jit3A = arith.constant 16 : i32
      %div3A = arith.divsi %add3A_97, %jit3A : i32
      %sign3A = arith.constant 0 : i32
      %sign3A_98 = arith.cmpi sgt, %add3A_97, %sign3A : i32
      %sign3A_99 = arith.extui %sign3A_98 : i1 to i32
      %sign3A_100 = arith.constant 0 : i32
      %sign3A_101 = arith.cmpi slt, %add3A_97, %sign3A_100 : i32
      %sign3A_102 = arith.extui %sign3A_101 : i1 to i32
      %sign3A_103 = arith.subi %sign3A_99, %sign3A_102 : i32
      %sign3A_104 = arith.constant 0 : i32
      %sign3A_105 = arith.cmpi sgt, %jit3A, %sign3A_104 : i32
      %sign3A_106 = arith.extui %sign3A_105 : i1 to i32
      %sign3A_107 = arith.constant 0 : i32
      %sign3A_108 = arith.cmpi slt, %jit3A, %sign3A_107 : i32
      %sign3A_109 = arith.extui %sign3A_108 : i1 to i32
      %sign3A_110 = arith.subi %sign3A_106, %sign3A_109 : i32
      %ne3A = arith.cmpi ne, %sign3A_103, %sign3A_110 : i32
      %rem3A = arith.remsi %add3A_97, %jit3A : i32
      %ne3A_111 = arith.constant 0 : i32
      %ne3A_112 = arith.cmpi ne, %rem3A, %ne3A_111 : i32
      %and3A = arith.andi %ne3A, %ne3A_112 : i1
      %sub3A = arith.constant 1 : i32
      %sub3A_113 = arith.subi %div3A, %sub3A : i32
      %select_n3A = arith.select %and3A, %sub3A_113, %div3A : i32
      %parallel_loop3A_114 = arith.constant 0 : i32
      %parallel_loop3A_115 = arith.constant 1 : i32
      scf.for %parallel_loop3A_178 = %parallel_loop3A_114 to %select_n3A step %parallel_loop3A_115  : i32 {
        %parallel_loop3A_179 = arith.constant 16 : i32
        %parallel_loop3A_180 = arith.muli %parallel_loop3A_178, %parallel_loop3A_179 : i32
        %parallel_loop3A_181 = tpu.assume_multiple %parallel_loop3A_180, 16 : i32
        %parallel_loop3A_182 = arith.index_cast %parallel_loop3A_181 : i32 to index
        %parallel_loop3A_183 = tpu.vector_load %arg10[%parallel_loop3A_182] {strides = array<i32>} : memref<5024xf32, #tpu.memory_space<vmem>>, vector<16xf32>,
        %parallel_loop3A_184 = vector.broadcast %parallel_loop3A_178 : i32 to vector<16xi32>
        %parallel_loop3A_185 = arith.constant true
        %parallel_loop3A_186 = vector.broadcast %parallel_loop3A_185 : i1 to vector<16xi1>
        %parallel_loop3A_187 = tpu.scan <max>, %parallel_loop3A_183 masked %parallel_loop3A_186 : vector<16xf32>, vector<16xi1> -> vector<16xf32>
        %parallel_loop3A_188 = vector.extract %parallel_loop3A_187[15] : f32 from vector<16xf32>
        %parallel_loop3A_189 = vector.broadcast %parallel_loop3A_188 : f32 to vector<16xf32>
        tpu.vector_store_idx %arg17[%parallel_loop3A_184], %parallel_loop3A_189 masked %eq3A_4 : memref<320xf32, #tpu.memory_space<vmem>>[vector<16xi32>], vector<16xf32>, vector<16xi1>
      } {sc.loop_unroll_factor = 4 : i64, sc.parallel_access}
      %add3A_116 = arith.constant 16 : i32
      %add3A_117 = arith.addi %select_n3A, %add3A_116 : i32
      %sub3A_118 = arith.constant 1 : i32
      %sub3A_119 = arith.subi %add3A_117, %sub3A_118 : i32
      %jit3A_120 = arith.constant 16 : i32
      %div3A_121 = arith.divsi %sub3A_119, %jit3A_120 : i32
      %sign3A_122 = arith.constant 0 : i32
      %sign3A_123 = arith.cmpi sgt, %sub3A_119, %sign3A_122 : i32
      %sign3A_124 = arith.extui %sign3A_123 : i1 to i32
      %sign3A_125 = arith.constant 0 : i32
      %sign3A_126 = arith.cmpi slt, %sub3A_119, %sign3A_125 : i32
      %sign3A_127 = arith.extui %sign3A_126 : i1 to i32
      %sign3A_128 = arith.subi %sign3A_124, %sign3A_127 : i32
      %sign3A_129 = arith.constant 0 : i32
      %sign3A_130 = arith.cmpi sgt, %jit3A_120, %sign3A_129 : i32
      %sign3A_131 = arith.extui %sign3A_130 : i1 to i32
      %sign3A_132 = arith.constant 0 : i32
      %sign3A_133 = arith.cmpi slt, %jit3A_120, %sign3A_132 : i32
      %sign3A_134 = arith.extui %sign3A_133 : i1 to i32
      %sign3A_135 = arith.subi %sign3A_131, %sign3A_134 : i32
      %ne3A_136 = arith.cmpi ne, %sign3A_128, %sign3A_135 : i32
      %rem3A_137 = arith.remsi %sub3A_119, %jit3A_120 : i32
      %ne3A_138 = arith.constant 0 : i32
      %ne3A_139 = arith.cmpi ne, %rem3A_137, %ne3A_138 : i32
      %and3A_140 = arith.andi %ne3A_136, %ne3A_139 : i1
      %sub3A_141 = arith.constant 1 : i32
      %sub3A_142 = arith.subi %div3A_121, %sub3A_141 : i32
      %select_n3A_143 = arith.select %and3A_140, %sub3A_142, %div3A_121 : i32
      %while3A = arith.constant 0 : i32
      %while3A_144 = arith.subi %select_n3A_143, %while3A : i32
      %while3A_145 = arith.addi %while3A, %while3A_144 : i32
      %while3A_146 = arith.constant 1 : i32
      %while3A_147 = arith.divsi %while3A_144, %while3A_146 : i32
      %while3A_148 = arith.muli %while3A_147, %while3A_146 : i32
      %while3A_149 = arith.addi %while3A, %while3A_148 : i32
      %while3A_150 = arith.constant 1 : i32
      %while3A_151 = scf.for %while3A_178 = %while3A to %while3A_149 step %while3A_150 iter_args(%while3A_179 = %broadcast_in_dim3A_5) -> (vector<16xf32>)  : i32 {
        %mul3A_180 = arith.constant 16 : i32
        %mul3A_181 = arith.muli %while3A_178, %mul3A_180 : i32
        %multiple_of3A = tpu.assume_multiple %mul3A_181, 16 : i32
        %get3A = arith.index_cast %multiple_of3A : i32 to index
        %get3A_182 = tpu.vector_load %arg17[%get3A] {strides = array<i32>} : memref<320xf32, #tpu.memory_space<vmem>>, vector<16xf32>,
        %max3A = arith.maximumf %while3A_179, %get3A_182 : vector<16xf32>
        scf.yield %max3A : vector<16xf32>
      }
      %while3A_152 = arith.constant 1 : i32
      %while3A_153 = scf.for %while3A_178 = %while3A_149 to %while3A_145 step %while3A_152 iter_args(%while3A_179 = %while3A_151) -> (vector<16xf32>)  : i32 {
        %mul3A_180 = arith.constant 16 : i32
        %mul3A_181 = arith.muli %while3A_178, %mul3A_180 : i32
        %multiple_of3A = tpu.assume_multiple %mul3A_181, 16 : i32
        %get3A = arith.index_cast %multiple_of3A : i32 to index
        %get3A_182 = tpu.vector_load %arg17[%get3A] {strides = array<i32>} : memref<320xf32, #tpu.memory_space<vmem>>, vector<16xf32>,
        %max3A = arith.maximumf %while3A_179, %get3A_182 : vector<16xf32>
        scf.yield %max3A : vector<16xf32>
      }
      %reduce_max3A = arith.constant true
      %reduce_max3A_154 = vector.broadcast %reduce_max3A : i1 to vector<16xi1>
      %reduce_max3A_155 = tpu.scan <max>, %while3A_153 masked %reduce_max3A_154 : vector<16xf32>, vector<16xi1> -> vector<16xf32>
      %reduce_max3A_156 = vector.extract %reduce_max3A_155[15] : f32 from vector<16xf32>
      %while3A_157:2 = scf.while (%while3A_178 = %reduce_max3A_156, %while3A_179 = %select_n3A) : (f32, i32) -> (f32, i32) {
        %gt3A = arith.constant 5.000000e-02 : f32
        %gt3A_180 = arith.cmpf ogt, %while3A_178, %gt3A : f32
        scf.condition(%gt3A_180) %while3A_178, %while3A_179 : f32, i32
      } do {
      ^bb0(%while3A_178: f32, %while3A_179: i32):
        %while3A_180 = arith.constant 0 : i32
        %while3A_181 = arith.constant 0 : i32
        %while3A_182 = arith.subi %while3A_179, %while3A_180 : i32
        %while3A_183 = arith.addi %while3A_180, %while3A_182 : i32
        %while3A_184 = arith.constant 1 : i32
        %while3A_185 = arith.divsi %while3A_182, %while3A_184 : i32
        %while3A_186 = arith.muli %while3A_185, %while3A_184 : i32
        %while3A_187 = arith.addi %while3A_180, %while3A_186 : i32
        %while3A_188 = arith.constant 1 : i32
        %while3A_189 = scf.for %while3A_252 = %while3A_180 to %while3A_187 step %while3A_188 iter_args(%while3A_253 = %while3A_181) -> (i32)  : i32 {
          %mul3A_254 = arith.constant 16 : i32
          %mul3A_255 = arith.muli %while3A_252, %mul3A_254 : i32
          %multiple_of3A = tpu.assume_multiple %mul3A_255, 16 : i32
          %get3A = arith.index_cast %multiple_of3A : i32 to index
          %get3A_256 = tpu.vector_load %arg10[%get3A] {strides = array<i32>} : memref<5024xf32, #tpu.memory_space<vmem>>, vector<16xf32>,
          %get3A_257 = arith.index_cast %multiple_of3A : i32 to index
          %get3A_258 = tpu.vector_load %arg11[%get3A_257] {strides = array<i32>} : memref<5024xf32, #tpu.memory_space<vmem>>, vector<16xf32>,
          %get3A_259 = arith.index_cast %multiple_of3A : i32 to index
          %get3A_260 = tpu.vector_load %arg12[%get3A_259] {strides = array<i32>} : memref<5024xf32, #tpu.memory_space<vmem>>, vector<16xf32>,
          %get3A_261 = arith.index_cast %multiple_of3A : i32 to index
          %get3A_262 = tpu.vector_load %arg13[%get3A_261] {strides = array<i32>} : memref<5024xf32, #tpu.memory_space<vmem>>, vector<16xf32>,
          %get3A_263 = arith.index_cast %multiple_of3A : i32 to index
          %get3A_264 = tpu.vector_load %arg14[%get3A_263] {strides = array<i32>} : memref<5024xf32, #tpu.memory_space<vmem>>, vector<16xf32>,
          %get3A_265 = arith.index_cast %multiple_of3A : i32 to index
          %get3A_266 = tpu.vector_load %arg15[%get3A_265] {strides = array<i32>} : memref<5024xi32, #tpu.memory_space<vmem>>, vector<16xi32>,
          %get3A_267 = arith.index_cast %multiple_of3A : i32 to index
          %get3A_268 = tpu.vector_load %arg16[%get3A_267] {strides = array<i32>} : memref<5024xf32, #tpu.memory_space<vmem>>, vector<16xf32>,
          %gt3A = arith.constant 5.000000e-02 : f32
          %gt3A_269 = vector.broadcast %gt3A : f32 to vector<16xf32>
          %gt3A_270 = arith.cmpf ogt, %get3A_256, %gt3A_269 : vector<16xf32>
          %convert_element_type3A_271 = arith.extui %gt3A_270 : vector<16xi1> to vector<16xi32>
          %broadcast_in_dim3A_272 = arith.constant true
          %broadcast_in_dim3A_273 = vector.broadcast %broadcast_in_dim3A_272 : i1 to vector<16xi1>
          %masked_cumsum3A = tpu.scan <sum>, %convert_element_type3A_271 masked %broadcast_in_dim3A_273 : vector<16xi32>, vector<16xi1> -> vector<16xi32>
          %reduce_max3A_274 = arith.constant true
          %reduce_max3A_275 = vector.broadcast %reduce_max3A_274 : i1 to vector<16xi1>
          %reduce_max3A_276 = arith.constant -2147483648 : i32
          %reduce_max3A_277 = vector.broadcast %reduce_max3A_276 : i32 to vector<16xi32>
          %reduce_max3A_278 = arith.xori %masked_cumsum3A, %reduce_max3A_277 : vector<16xi32>
          %reduce_max3A_279 = tpu.scan <max>, %reduce_max3A_278 masked %reduce_max3A_275 : vector<16xi32>, vector<16xi1> -> vector<16xi32>
          %reduce_max3A_280 = arith.xori %reduce_max3A_279, %reduce_max3A_277 : vector<16xi32>
          %reduce_max3A_281 = vector.extract %reduce_max3A_280[15] : i32 from vector<16xi32>
          %sub3A_282 = arith.constant 1 : i32
          %sub3A_283 = arith.subi %while3A_253, %sub3A_282 : i32
          %add3A_284 = vector.broadcast %sub3A_283 : i32 to vector<16xi32>
          %add3A_285 = arith.addi %masked_cumsum3A, %add3A_284 : vector<16xi32>
          tpu.vector_store_idx %arg10[%add3A_285], %get3A_256 masked %gt3A_270 : memref<5024xf32, #tpu.memory_space<vmem>>[vector<16xi32>], vector<16xf32>, vector<16xi1>
          tpu.vector_store_idx %arg11[%add3A_285], %get3A_258 masked %gt3A_270 : memref<5024xf32, #tpu.memory_space<vmem>>[vector<16xi32>], vector<16xf32>, vector<16xi1>
          tpu.vector_store_idx %arg12[%add3A_285], %get3A_260 masked %gt3A_270 : memref<5024xf32, #tpu.memory_space<vmem>>[vector<16xi32>], vector<16xf32>, vector<16xi1>
          tpu.vector_store_idx %arg13[%add3A_285], %get3A_262 masked %gt3A_270 : memref<5024xf32, #tpu.memory_space<vmem>>[vector<16xi32>], vector<16xf32>, vector<16xi1>
          tpu.vector_store_idx %arg14[%add3A_285], %get3A_264 masked %gt3A_270 : memref<5024xf32, #tpu.memory_space<vmem>>[vector<16xi32>], vector<16xf32>, vector<16xi1>
          tpu.vector_store_idx %arg15[%add3A_285], %get3A_266 masked %gt3A_270 : memref<5024xi32, #tpu.memory_space<vmem>>[vector<16xi32>], vector<16xi32>, vector<16xi1>
          tpu.vector_store_idx %arg16[%add3A_285], %get3A_268 masked %gt3A_270 : memref<5024xf32, #tpu.memory_space<vmem>>[vector<16xi32>], vector<16xf32>, vector<16xi1>
          %add3A_286 = arith.addi %while3A_253, %reduce_max3A_281 : i32
          scf.yield %add3A_286 : i32
        }
        %while3A_190 = arith.constant 1 : i32
        %while3A_191 = scf.for %while3A_252 = %while3A_187 to %while3A_183 step %while3A_190 iter_args(%while3A_253 = %while3A_189) -> (i32)  : i32 {
          %mul3A_254 = arith.constant 16 : i32
          %mul3A_255 = arith.muli %while3A_252, %mul3A_254 : i32
          %multiple_of3A = tpu.assume_multiple %mul3A_255, 16 : i32
          %get3A = arith.index_cast %multiple_of3A : i32 to index
          %get3A_256 = tpu.vector_load %arg10[%get3A] {strides = array<i32>} : memref<5024xf32, #tpu.memory_space<vmem>>, vector<16xf32>,
          %get3A_257 = arith.index_cast %multiple_of3A : i32 to index
          %get3A_258 = tpu.vector_load %arg11[%get3A_257] {strides = array<i32>} : memref<5024xf32, #tpu.memory_space<vmem>>, vector<16xf32>,
          %get3A_259 = arith.index_cast %multiple_of3A : i32 to index
          %get3A_260 = tpu.vector_load %arg12[%get3A_259] {strides = array<i32>} : memref<5024xf32, #tpu.memory_space<vmem>>, vector<16xf32>,
          %get3A_261 = arith.index_cast %multiple_of3A : i32 to index
          %get3A_262 = tpu.vector_load %arg13[%get3A_261] {strides = array<i32>} : memref<5024xf32, #tpu.memory_space<vmem>>, vector<16xf32>,
          %get3A_263 = arith.index_cast %multiple_of3A : i32 to index
          %get3A_264 = tpu.vector_load %arg14[%get3A_263] {strides = array<i32>} : memref<5024xf32, #tpu.memory_space<vmem>>, vector<16xf32>,
          %get3A_265 = arith.index_cast %multiple_of3A : i32 to index
          %get3A_266 = tpu.vector_load %arg15[%get3A_265] {strides = array<i32>} : memref<5024xi32, #tpu.memory_space<vmem>>, vector<16xi32>,
          %get3A_267 = arith.index_cast %multiple_of3A : i32 to index
          %get3A_268 = tpu.vector_load %arg16[%get3A_267] {strides = array<i32>} : memref<5024xf32, #tpu.memory_space<vmem>>, vector<16xf32>,
          %gt3A = arith.constant 5.000000e-02 : f32
          %gt3A_269 = vector.broadcast %gt3A : f32 to vector<16xf32>
          %gt3A_270 = arith.cmpf ogt, %get3A_256, %gt3A_269 : vector<16xf32>
          %convert_element_type3A_271 = arith.extui %gt3A_270 : vector<16xi1> to vector<16xi32>
          %broadcast_in_dim3A_272 = arith.constant true
          %broadcast_in_dim3A_273 = vector.broadcast %broadcast_in_dim3A_272 : i1 to vector<16xi1>
          %masked_cumsum3A = tpu.scan <sum>, %convert_element_type3A_271 masked %broadcast_in_dim3A_273 : vector<16xi32>, vector<16xi1> -> vector<16xi32>
          %reduce_max3A_274 = arith.constant true
          %reduce_max3A_275 = vector.broadcast %reduce_max3A_274 : i1 to vector<16xi1>
          %reduce_max3A_276 = arith.constant -2147483648 : i32
          %reduce_max3A_277 = vector.broadcast %reduce_max3A_276 : i32 to vector<16xi32>
          %reduce_max3A_278 = arith.xori %masked_cumsum3A, %reduce_max3A_277 : vector<16xi32>
          %reduce_max3A_279 = tpu.scan <max>, %reduce_max3A_278 masked %reduce_max3A_275 : vector<16xi32>, vector<16xi1> -> vector<16xi32>
          %reduce_max3A_280 = arith.xori %reduce_max3A_279, %reduce_max3A_277 : vector<16xi32>
          %reduce_max3A_281 = vector.extract %reduce_max3A_280[15] : i32 from vector<16xi32>
          %sub3A_282 = arith.constant 1 : i32
          %sub3A_283 = arith.subi %while3A_253, %sub3A_282 : i32
          %add3A_284 = vector.broadcast %sub3A_283 : i32 to vector<16xi32>
          %add3A_285 = arith.addi %masked_cumsum3A, %add3A_284 : vector<16xi32>
          tpu.vector_store_idx %arg10[%add3A_285], %get3A_256 masked %gt3A_270 : memref<5024xf32, #tpu.memory_space<vmem>>[vector<16xi32>], vector<16xf32>, vector<16xi1>
          tpu.vector_store_idx %arg11[%add3A_285], %get3A_258 masked %gt3A_270 : memref<5024xf32, #tpu.memory_space<vmem>>[vector<16xi32>], vector<16xf32>, vector<16xi1>
          tpu.vector_store_idx %arg12[%add3A_285], %get3A_260 masked %gt3A_270 : memref<5024xf32, #tpu.memory_space<vmem>>[vector<16xi32>], vector<16xf32>, vector<16xi1>
          tpu.vector_store_idx %arg13[%add3A_285], %get3A_262 masked %gt3A_270 : memref<5024xf32, #tpu.memory_space<vmem>>[vector<16xi32>], vector<16xf32>, vector<16xi1>
          tpu.vector_store_idx %arg14[%add3A_285], %get3A_264 masked %gt3A_270 : memref<5024xf32, #tpu.memory_space<vmem>>[vector<16xi32>], vector<16xf32>, vector<16xi1>
          tpu.vector_store_idx %arg15[%add3A_285], %get3A_266 masked %gt3A_270 : memref<5024xi32, #tpu.memory_space<vmem>>[vector<16xi32>], vector<16xi32>, vector<16xi1>
          tpu.vector_store_idx %arg16[%add3A_285], %get3A_268 masked %gt3A_270 : memref<5024xf32, #tpu.memory_space<vmem>>[vector<16xi32>], vector<16xf32>, vector<16xi1>
          %add3A_286 = arith.addi %while3A_253, %reduce_max3A_281 : i32
          scf.yield %add3A_286 : i32
        }
        %add3A_192 = arith.constant 15 : i32
        %add3A_193 = arith.addi %while3A_191, %add3A_192 : i32
        %jit3A_194 = arith.constant 16 : i32
        %div3A_195 = arith.divsi %add3A_193, %jit3A_194 : i32
        %sign3A_196 = arith.constant 0 : i32
        %sign3A_197 = arith.cmpi sgt, %add3A_193, %sign3A_196 : i32
        %sign3A_198 = arith.extui %sign3A_197 : i1 to i32
        %sign3A_199 = arith.constant 0 : i32
        %sign3A_200 = arith.cmpi slt, %add3A_193, %sign3A_199 : i32
        %sign3A_201 = arith.extui %sign3A_200 : i1 to i32
        %sign3A_202 = arith.subi %sign3A_198, %sign3A_201 : i32
        %sign3A_203 = arith.constant 0 : i32
        %sign3A_204 = arith.cmpi sgt, %jit3A_194, %sign3A_203 : i32
        %sign3A_205 = arith.extui %sign3A_204 : i1 to i32
        %sign3A_206 = arith.constant 0 : i32
        %sign3A_207 = arith.cmpi slt, %jit3A_194, %sign3A_206 : i32
        %sign3A_208 = arith.extui %sign3A_207 : i1 to i32
        %sign3A_209 = arith.subi %sign3A_205, %sign3A_208 : i32
        %ne3A_210 = arith.cmpi ne, %sign3A_202, %sign3A_209 : i32
        %rem3A_211 = arith.remsi %add3A_193, %jit3A_194 : i32
        %ne3A_212 = arith.constant 0 : i32
        %ne3A_213 = arith.cmpi ne, %rem3A_211, %ne3A_212 : i32
        %and3A_214 = arith.andi %ne3A_210, %ne3A_213 : i1
        %sub3A_215 = arith.constant 1 : i32
        %sub3A_216 = arith.subi %div3A_195, %sub3A_215 : i32
        %select_n3A_217 = arith.select %and3A_214, %sub3A_216, %div3A_195 : i32
        %parallel_loop3A_218 = arith.constant 0 : i32
        %parallel_loop3A_219 = arith.constant 1 : i32
        scf.for %parallel_loop3A_252 = %parallel_loop3A_218 to %while3A_179 step %parallel_loop3A_219  : i32 {
          %parallel_loop3A_253 = arith.constant 16 : i32
          %parallel_loop3A_254 = arith.muli %parallel_loop3A_252, %parallel_loop3A_253 : i32
          %parallel_loop3A_255 = tpu.assume_multiple %parallel_loop3A_254, 16 : i32
          %parallel_loop3A_256 = arith.constant 16 : i32
          %parallel_loop3A_257 = arith.muli %parallel_loop3A_252, %parallel_loop3A_256 : i32
          %parallel_loop3A_258 = vector.broadcast %parallel_loop3A_257 : i32 to vector<16xi32>
          %parallel_loop3A_259 = arith.addi %iota3A, %parallel_loop3A_258 : vector<16xi32>
          %parallel_loop3A_260 = vector.broadcast %while3A_191 : i32 to vector<16xi32>
          %parallel_loop3A_261 = arith.cmpi slt, %parallel_loop3A_259, %parallel_loop3A_260 : vector<16xi32>
          %parallel_loop3A_262 = arith.index_cast %parallel_loop3A_255 : i32 to index
          %parallel_loop3A_263 = tpu.vector_load %arg10[%parallel_loop3A_262] {strides = array<i32>} : memref<5024xf32, #tpu.memory_space<vmem>>, vector<16xf32>,
          %parallel_loop3A_264 = arith.constant -1.000000e+00 : f32
          %parallel_loop3A_265 = vector.broadcast %parallel_loop3A_264 : f32 to vector<16xf32>
          %parallel_loop3A_266 = arith.select %parallel_loop3A_261, %parallel_loop3A_263, %parallel_loop3A_265 : vector<16xi1>, vector<16xf32>
          %parallel_loop3A_267 = arith.index_cast %parallel_loop3A_255 : i32 to index
          %parallel_loop3A_268 = tpu.vector_load %arg10[%parallel_loop3A_267] {strides = array<i32>} : memref<5024xf32, #tpu.memory_space<vmem>>, vector<16xf32>,
          tpu.vector_store %arg10[%parallel_loop3A_267], %parallel_loop3A_266 {strides = array<i32>} : memref<5024xf32, #tpu.memory_space<vmem>>, vector<16xf32>,
          %parallel_loop3A_269 = vector.broadcast %parallel_loop3A_252 : i32 to vector<16xi32>
          %parallel_loop3A_270 = arith.constant true
          %parallel_loop3A_271 = vector.broadcast %parallel_loop3A_270 : i1 to vector<16xi1>
          %parallel_loop3A_272 = tpu.scan <max>, %parallel_loop3A_266 masked %parallel_loop3A_271 : vector<16xf32>, vector<16xi1> -> vector<16xf32>
          %parallel_loop3A_273 = vector.extract %parallel_loop3A_272[15] : f32 from vector<16xf32>
          %parallel_loop3A_274 = vector.broadcast %parallel_loop3A_273 : f32 to vector<16xf32>
          tpu.vector_store_idx %arg17[%parallel_loop3A_269], %parallel_loop3A_274 masked %eq3A_4 : memref<320xf32, #tpu.memory_space<vmem>>[vector<16xi32>], vector<16xf32>, vector<16xi1>
        } {sc.loop_unroll_factor = 4 : i64, sc.parallel_access}
        %add3A_220 = arith.constant 15 : i32
        %add3A_221 = arith.addi %select_n3A_217, %add3A_220 : i32
        %jit3A_222 = arith.constant 16 : i32
        %div3A_223 = arith.divsi %add3A_221, %jit3A_222 : i32
        %sign3A_224 = arith.constant 0 : i32
        %sign3A_225 = arith.cmpi sgt, %add3A_221, %sign3A_224 : i32
        %sign3A_226 = arith.extui %sign3A_225 : i1 to i32
        %sign3A_227 = arith.constant 0 : i32
        %sign3A_228 = arith.cmpi slt, %add3A_221, %sign3A_227 : i32
        %sign3A_229 = arith.extui %sign3A_228 : i1 to i32
        %sign3A_230 = arith.subi %sign3A_226, %sign3A_229 : i32
        %sign3A_231 = arith.constant 0 : i32
        %sign3A_232 = arith.cmpi sgt, %jit3A_222, %sign3A_231 : i32
        %sign3A_233 = arith.extui %sign3A_232 : i1 to i32
        %sign3A_234 = arith.constant 0 : i32
        %sign3A_235 = arith.cmpi slt, %jit3A_222, %sign3A_234 : i32
        %sign3A_236 = arith.extui %sign3A_235 : i1 to i32
        %sign3A_237 = arith.subi %sign3A_233, %sign3A_236 : i32
        %ne3A_238 = arith.cmpi ne, %sign3A_230, %sign3A_237 : i32
        %rem3A_239 = arith.remsi %add3A_221, %jit3A_222 : i32
        %ne3A_240 = arith.constant 0 : i32
        %ne3A_241 = arith.cmpi ne, %rem3A_239, %ne3A_240 : i32
        %and3A_242 = arith.andi %ne3A_238, %ne3A_241 : i1
        %sub3A_243 = arith.constant 1 : i32
        %sub3A_244 = arith.subi %div3A_223, %sub3A_243 : i32
        %select_n3A_245 = arith.select %and3A_242, %sub3A_244, %div3A_223 : i32
        %scan3A_246 = arith.constant 0 : i32
        %scan3A_247 = arith.constant 8 : i32
        %scan3A_248 = arith.addi %scan3A_246, %scan3A_247 : i32
        %scan3A_249 = arith.constant 1 : i32
        %scan3A_250 = scf.for %scan3A_252 = %scan3A_246 to %scan3A_248 step %scan3A_249 iter_args(%scan3A_253 = %while3A_178) -> (f32)  : i32 {
          %gt3A = arith.constant 5.000000e-02 : f32
          %gt3A_254 = arith.cmpf ogt, %scan3A_253, %gt3A : f32
          %convert_element_type3A_255 = arith.extui %gt3A_254 : i1 to i32
          %cond3A_256 = arith.constant 0 : i32
          %cond3A_257 = arith.cmpi ne, %convert_element_type3A_255, %cond3A_256 : i32
          scf.if %cond3A_257 {
            %broadcast_in_dim3A_273 = arith.constant -2.000000e+00 : f32
            %broadcast_in_dim3A_274 = vector.broadcast %broadcast_in_dim3A_273 : f32 to vector<16xf32>
            %broadcast_in_dim3A_275 = arith.constant 1073741824 : i32
            %broadcast_in_dim3A_276 = vector.broadcast %broadcast_in_dim3A_275 : i32 to vector<16xi32>
            %while3A_277 = arith.constant 0 : i32
            %while3A_278 = arith.subi %select_n3A_245, %while3A_277 : i32
            %while3A_279 = arith.addi %while3A_277, %while3A_278 : i32
            %while3A_280 = arith.constant 1 : i32
            %while3A_281 = arith.divsi %while3A_278, %while3A_280 : i32
            %while3A_282 = arith.muli %while3A_281, %while3A_280 : i32
            %while3A_283 = arith.addi %while3A_277, %while3A_282 : i32
            %while3A_284 = arith.constant 1 : i32
            %while3A_285:2 = scf.for %while3A_1290 = %while3A_277 to %while3A_283 step %while3A_284 iter_args(%while3A_1291 = %broadcast_in_dim3A_274, %while3A_1292 = %broadcast_in_dim3A_276) -> (vector<16xf32>, vector<16xi32>)  : i32 {
              %mul3A_1293 = arith.constant 16 : i32
              %mul3A_1294 = arith.muli %while3A_1290, %mul3A_1293 : i32
              %multiple_of3A_1295 = tpu.assume_multiple %mul3A_1294, 16 : i32
              %get3A_1296 = arith.index_cast %multiple_of3A_1295 : i32 to index
              %get3A_1297 = tpu.vector_load %arg17[%get3A_1296] {strides = array<i32>} : memref<320xf32, #tpu.memory_space<vmem>>, vector<16xf32>,
              %gt3A_1298 = arith.cmpf ogt, %get3A_1297, %while3A_1291 : vector<16xf32>
              %max3A_1299 = arith.maximumf %while3A_1291, %get3A_1297 : vector<16xf32>
              %mul3A_1300 = arith.constant 16 : i32
              %mul3A_1301 = arith.muli %while3A_1290, %mul3A_1300 : i32
              %add3A_1302 = vector.broadcast %mul3A_1301 : i32 to vector<16xi32>
              %add3A_1303 = arith.addi %iota3A, %add3A_1302 : vector<16xi32>
              %select_n3A_1304 = arith.select %gt3A_1298, %add3A_1303, %while3A_1292 : vector<16xi1>, vector<16xi32>
              scf.yield %max3A_1299, %select_n3A_1304 : vector<16xf32>, vector<16xi32>
            }
            %while3A_286 = arith.constant 1 : i32
            %while3A_287:2 = scf.for %while3A_1290 = %while3A_283 to %while3A_279 step %while3A_286 iter_args(%while3A_1291 = %while3A_285#0, %while3A_1292 = %while3A_285#1) -> (vector<16xf32>, vector<16xi32>)  : i32 {
              %mul3A_1293 = arith.constant 16 : i32
              %mul3A_1294 = arith.muli %while3A_1290, %mul3A_1293 : i32
              %multiple_of3A_1295 = tpu.assume_multiple %mul3A_1294, 16 : i32
              %get3A_1296 = arith.index_cast %multiple_of3A_1295 : i32 to index
              %get3A_1297 = tpu.vector_load %arg17[%get3A_1296] {strides = array<i32>} : memref<320xf32, #tpu.memory_space<vmem>>, vector<16xf32>,
              %gt3A_1298 = arith.cmpf ogt, %get3A_1297, %while3A_1291 : vector<16xf32>
              %max3A_1299 = arith.maximumf %while3A_1291, %get3A_1297 : vector<16xf32>
              %mul3A_1300 = arith.constant 16 : i32
              %mul3A_1301 = arith.muli %while3A_1290, %mul3A_1300 : i32
              %add3A_1302 = vector.broadcast %mul3A_1301 : i32 to vector<16xi32>
              %add3A_1303 = arith.addi %iota3A, %add3A_1302 : vector<16xi32>
              %select_n3A_1304 = arith.select %gt3A_1298, %add3A_1303, %while3A_1292 : vector<16xi1>, vector<16xi32>
              scf.yield %max3A_1299, %select_n3A_1304 : vector<16xf32>, vector<16xi32>
            }
            %reduce_max3A_288 = arith.constant true
            %reduce_max3A_289 = vector.broadcast %reduce_max3A_288 : i1 to vector<16xi1>
            %reduce_max3A_290 = tpu.scan <max>, %while3A_287#0 masked %reduce_max3A_289 : vector<16xf32>, vector<16xi1> -> vector<16xf32>
            %reduce_max3A_291 = vector.extract %reduce_max3A_290[15] : f32 from vector<16xf32>
            %eq3A_292 = vector.broadcast %reduce_max3A_291 : f32 to vector<16xf32>
            %eq3A_293 = arith.cmpf oeq, %while3A_287#0, %eq3A_292 : vector<16xf32>
            %jit3A_294 = arith.constant 1073741824 : i32
            %broadcast_in_dim3A_295 = vector.broadcast %jit3A_294 : i32 to vector<16xi32>
            %select_n3A_296 = arith.select %eq3A_293, %while3A_287#1, %broadcast_in_dim3A_295 : vector<16xi1>, vector<16xi32>
            %reduce_min3A = arith.constant true
            %reduce_min3A_297 = vector.broadcast %reduce_min3A : i1 to vector<16xi1>
            %reduce_min3A_298 = arith.constant -2147483648 : i32
            %reduce_min3A_299 = vector.broadcast %reduce_min3A_298 : i32 to vector<16xi32>
            %reduce_min3A_300 = arith.xori %select_n3A_296, %reduce_min3A_299 : vector<16xi32>
            %reduce_min3A_301 = tpu.scan <min>, %reduce_min3A_300 masked %reduce_min3A_297 : vector<16xi32>, vector<16xi1> -> vector<16xi32>
            %reduce_min3A_302 = arith.xori %reduce_min3A_301, %reduce_min3A_299 : vector<16xi32>
            %reduce_min3A_303 = vector.extract %reduce_min3A_302[15] : i32 from vector<16xi32>
            %mul3A_304 = arith.constant 16 : i32
            %mul3A_305 = arith.muli %reduce_min3A_303, %mul3A_304 : i32
            %multiple_of3A = tpu.assume_multiple %mul3A_305, 16 : i32
            %get3A = arith.index_cast %multiple_of3A : i32 to index
            %get3A_306 = tpu.vector_load %arg10[%get3A] {strides = array<i32>} : memref<5024xf32, #tpu.memory_space<vmem>>, vector<16xf32>,
            %eq3A_307 = vector.broadcast %reduce_max3A_291 : f32 to vector<16xf32>
            %eq3A_308 = arith.cmpf oeq, %get3A_306, %eq3A_307 : vector<16xf32>
            %jit3A_309 = arith.constant 1073741824 : i32
            %broadcast_in_dim3A_310 = vector.broadcast %jit3A_309 : i32 to vector<16xi32>
            %select_n3A_311 = arith.select %eq3A_308, %iota3A, %broadcast_in_dim3A_310 : vector<16xi1>, vector<16xi32>
            %reduce_min3A_312 = arith.constant true
            %reduce_min3A_313 = vector.broadcast %reduce_min3A_312 : i1 to vector<16xi1>
            %reduce_min3A_314 = arith.constant -2147483648 : i32
            %reduce_min3A_315 = vector.broadcast %reduce_min3A_314 : i32 to vector<16xi32>
            %reduce_min3A_316 = arith.xori %select_n3A_311, %reduce_min3A_315 : vector<16xi32>
            %reduce_min3A_317 = tpu.scan <min>, %reduce_min3A_316 masked %reduce_min3A_313 : vector<16xi32>, vector<16xi1> -> vector<16xi32>
            %reduce_min3A_318 = arith.xori %reduce_min3A_317, %reduce_min3A_315 : vector<16xi32>
            %reduce_min3A_319 = vector.extract %reduce_min3A_318[15] : i32 from vector<16xi32>
            %mul3A_320 = arith.constant 16 : i32
            %mul3A_321 = arith.muli %reduce_min3A_303, %mul3A_320 : i32
            %add3A_322 = arith.addi %mul3A_321, %reduce_min3A_319 : i32
            %broadcast_in_dim3A_323 = vector.broadcast %add3A_322 : i32 to vector<16xi32>
            %gather3A = tpu.vector_load_idx %arg11[%broadcast_in_dim3A_323] : memref<5024xf32, #tpu.memory_space<vmem>>[vector<16xi32>], vector<16xf32>,
            %gather3A_324 = tpu.vector_load_idx %arg12[%broadcast_in_dim3A_323] : memref<5024xf32, #tpu.memory_space<vmem>>[vector<16xi32>], vector<16xf32>,
            %gather3A_325 = tpu.vector_load_idx %arg13[%broadcast_in_dim3A_323] : memref<5024xf32, #tpu.memory_space<vmem>>[vector<16xi32>], vector<16xf32>,
            %gather3A_326 = tpu.vector_load_idx %arg14[%broadcast_in_dim3A_323] : memref<5024xf32, #tpu.memory_space<vmem>>[vector<16xi32>], vector<16xf32>,
            %gather3A_327 = tpu.vector_load_idx %arg15[%broadcast_in_dim3A_323] : memref<5024xi32, #tpu.memory_space<vmem>>[vector<16xi32>], vector<16xi32>,
            %eq3A_328 = vector.broadcast %reduce_min3A_319 : i32 to vector<16xi32>
            %eq3A_329 = arith.cmpi eq, %iota3A, %eq3A_328 : vector<16xi32>
            %jit3A_330 = arith.constant -1.000000e+00 : f32
            %broadcast_in_dim3A_331 = vector.broadcast %jit3A_330 : f32 to vector<16xf32>
            %select_n3A_332 = arith.select %eq3A_329, %broadcast_in_dim3A_331, %get3A_306 : vector<16xi1>, vector<16xf32>
            %mul3A_333 = arith.constant 16 : i32
            %mul3A_334 = arith.muli %reduce_min3A_303, %mul3A_333 : i32
            %multiple_of3A_335 = tpu.assume_multiple %mul3A_334, 16 : i32
            %swap3A = arith.index_cast %multiple_of3A_335 : i32 to index
            %swap3A_336 = tpu.vector_load %arg10[%swap3A] {strides = array<i32>} : memref<5024xf32, #tpu.memory_space<vmem>>, vector<16xf32>,
            tpu.vector_store %arg10[%swap3A], %select_n3A_332 {strides = array<i32>} : memref<5024xf32, #tpu.memory_space<vmem>>, vector<16xf32>,
            %broadcast_in_dim3A_337 = vector.broadcast %reduce_min3A_303 : i32 to vector<16xi32>
            %reduce_max3A_338 = arith.constant true
            %reduce_max3A_339 = vector.broadcast %reduce_max3A_338 : i1 to vector<16xi1>
            %reduce_max3A_340 = tpu.scan <max>, %select_n3A_332 masked %reduce_max3A_339 : vector<16xf32>, vector<16xi1> -> vector<16xf32>
            %reduce_max3A_341 = vector.extract %reduce_max3A_340[15] : f32 from vector<16xf32>
            %broadcast_in_dim3A_342 = vector.broadcast %reduce_max3A_341 : f32 to vector<16xf32>
            tpu.vector_store_idx %arg17[%broadcast_in_dim3A_337], %broadcast_in_dim3A_342 masked %eq3A_4 : memref<320xf32, #tpu.memory_space<vmem>>[vector<16xi32>], vector<16xf32>, vector<16xi1>
            %gt3A_343 = arith.constant 5.000000e-02 : f32
            %gt3A_344 = arith.cmpf ogt, %reduce_max3A_291, %gt3A_343 : f32
            %broadcast_in_dim3A_345 = vector.broadcast %gt3A_344 : i1 to vector<16xi1>
            %broadcast_in_dim3A_346 = arith.constant -2.000000e+00 : f32
            %broadcast_in_dim3A_347 = vector.broadcast %broadcast_in_dim3A_346 : f32 to vector<16xf32>
            %broadcast_in_dim3A_348 = arith.constant 1073741824 : i32
            %broadcast_in_dim3A_349 = vector.broadcast %broadcast_in_dim3A_348 : i32 to vector<16xi32>
            %while3A_350 = arith.constant 0 : i32
            %while3A_351 = arith.subi %select_n3A_245, %while3A_350 : i32
            %while3A_352 = arith.addi %while3A_350, %while3A_351 : i32
            %while3A_353 = arith.constant 1 : i32
            %while3A_354 = arith.divsi %while3A_351, %while3A_353 : i32
            %while3A_355 = arith.muli %while3A_354, %while3A_353 : i32
            %while3A_356 = arith.addi %while3A_350, %while3A_355 : i32
            %while3A_357 = arith.constant 1 : i32
            %while3A_358:2 = scf.for %while3A_1290 = %while3A_350 to %while3A_356 step %while3A_357 iter_args(%while3A_1291 = %broadcast_in_dim3A_347, %while3A_1292 = %broadcast_in_dim3A_349) -> (vector<16xf32>, vector<16xi32>)  : i32 {
              %mul3A_1293 = arith.constant 16 : i32
              %mul3A_1294 = arith.muli %while3A_1290, %mul3A_1293 : i32
              %multiple_of3A_1295 = tpu.assume_multiple %mul3A_1294, 16 : i32
              %get3A_1296 = arith.index_cast %multiple_of3A_1295 : i32 to index
              %get3A_1297 = tpu.vector_load %arg17[%get3A_1296] {strides = array<i32>} : memref<320xf32, #tpu.memory_space<vmem>>, vector<16xf32>,
              %gt3A_1298 = arith.cmpf ogt, %get3A_1297, %while3A_1291 : vector<16xf32>
              %max3A_1299 = arith.maximumf %while3A_1291, %get3A_1297 : vector<16xf32>
              %mul3A_1300 = arith.constant 16 : i32
              %mul3A_1301 = arith.muli %while3A_1290, %mul3A_1300 : i32
              %add3A_1302 = vector.broadcast %mul3A_1301 : i32 to vector<16xi32>
              %add3A_1303 = arith.addi %iota3A, %add3A_1302 : vector<16xi32>
              %select_n3A_1304 = arith.select %gt3A_1298, %add3A_1303, %while3A_1292 : vector<16xi1>, vector<16xi32>
              scf.yield %max3A_1299, %select_n3A_1304 : vector<16xf32>, vector<16xi32>
            }
            %while3A_359 = arith.constant 1 : i32
            %while3A_360:2 = scf.for %while3A_1290 = %while3A_356 to %while3A_352 step %while3A_359 iter_args(%while3A_1291 = %while3A_358#0, %while3A_1292 = %while3A_358#1) -> (vector<16xf32>, vector<16xi32>)  : i32 {
              %mul3A_1293 = arith.constant 16 : i32
              %mul3A_1294 = arith.muli %while3A_1290, %mul3A_1293 : i32
              %multiple_of3A_1295 = tpu.assume_multiple %mul3A_1294, 16 : i32
              %get3A_1296 = arith.index_cast %multiple_of3A_1295 : i32 to index
              %get3A_1297 = tpu.vector_load %arg17[%get3A_1296] {strides = array<i32>} : memref<320xf32, #tpu.memory_space<vmem>>, vector<16xf32>,
              %gt3A_1298 = arith.cmpf ogt, %get3A_1297, %while3A_1291 : vector<16xf32>
              %max3A_1299 = arith.maximumf %while3A_1291, %get3A_1297 : vector<16xf32>
              %mul3A_1300 = arith.constant 16 : i32
              %mul3A_1301 = arith.muli %while3A_1290, %mul3A_1300 : i32
              %add3A_1302 = vector.broadcast %mul3A_1301 : i32 to vector<16xi32>
              %add3A_1303 = arith.addi %iota3A, %add3A_1302 : vector<16xi32>
              %select_n3A_1304 = arith.select %gt3A_1298, %add3A_1303, %while3A_1292 : vector<16xi1>, vector<16xi32>
              scf.yield %max3A_1299, %select_n3A_1304 : vector<16xf32>, vector<16xi32>
            }
            %reduce_max3A_361 = arith.constant true
            %reduce_max3A_362 = vector.broadcast %reduce_max3A_361 : i1 to vector<16xi1>
            %reduce_max3A_363 = tpu.scan <max>, %while3A_360#0 masked %reduce_max3A_362 : vector<16xf32>, vector<16xi1> -> vector<16xf32>
            %reduce_max3A_364 = vector.extract %reduce_max3A_363[15] : f32 from vector<16xf32>
            %eq3A_365 = vector.broadcast %reduce_max3A_364 : f32 to vector<16xf32>
            %eq3A_366 = arith.cmpf oeq, %while3A_360#0, %eq3A_365 : vector<16xf32>
            %jit3A_367 = arith.constant 1073741824 : i32
            %broadcast_in_dim3A_368 = vector.broadcast %jit3A_367 : i32 to vector<16xi32>
            %select_n3A_369 = arith.select %eq3A_366, %while3A_360#1, %broadcast_in_dim3A_368 : vector<16xi1>, vector<16xi32>
            %reduce_min3A_370 = arith.constant true
            %reduce_min3A_371 = vector.broadcast %reduce_min3A_370 : i1 to vector<16xi1>
            %reduce_min3A_372 = arith.constant -2147483648 : i32
            %reduce_min3A_373 = vector.broadcast %reduce_min3A_372 : i32 to vector<16xi32>
            %reduce_min3A_374 = arith.xori %select_n3A_369, %reduce_min3A_373 : vector<16xi32>
            %reduce_min3A_375 = tpu.scan <min>, %reduce_min3A_374 masked %reduce_min3A_371 : vector<16xi32>, vector<16xi1> -> vector<16xi32>
            %reduce_min3A_376 = arith.xori %reduce_min3A_375, %reduce_min3A_373 : vector<16xi32>
            %reduce_min3A_377 = vector.extract %reduce_min3A_376[15] : i32 from vector<16xi32>
            %mul3A_378 = arith.constant 16 : i32
            %mul3A_379 = arith.muli %reduce_min3A_377, %mul3A_378 : i32
            %multiple_of3A_380 = tpu.assume_multiple %mul3A_379, 16 : i32
            %get3A_381 = arith.index_cast %multiple_of3A_380 : i32 to index
            %get3A_382 = tpu.vector_load %arg10[%get3A_381] {strides = array<i32>} : memref<5024xf32, #tpu.memory_space<vmem>>, vector<16xf32>,
            %eq3A_383 = vector.broadcast %reduce_max3A_364 : f32 to vector<16xf32>
            %eq3A_384 = arith.cmpf oeq, %get3A_382, %eq3A_383 : vector<16xf32>
            %jit3A_385 = arith.constant 1073741824 : i32
            %broadcast_in_dim3A_386 = vector.broadcast %jit3A_385 : i32 to vector<16xi32>
            %select_n3A_387 = arith.select %eq3A_384, %iota3A, %broadcast_in_dim3A_386 : vector<16xi1>, vector<16xi32>
            %reduce_min3A_388 = arith.constant true
            %reduce_min3A_389 = vector.broadcast %reduce_min3A_388 : i1 to vector<16xi1>
            %reduce_min3A_390 = arith.constant -2147483648 : i32
            %reduce_min3A_391 = vector.broadcast %reduce_min3A_390 : i32 to vector<16xi32>
            %reduce_min3A_392 = arith.xori %select_n3A_387, %reduce_min3A_391 : vector<16xi32>
            %reduce_min3A_393 = tpu.scan <min>, %reduce_min3A_392 masked %reduce_min3A_389 : vector<16xi32>, vector<16xi1> -> vector<16xi32>
            %reduce_min3A_394 = arith.xori %reduce_min3A_393, %reduce_min3A_391 : vector<16xi32>
            %reduce_min3A_395 = vector.extract %reduce_min3A_394[15] : i32 from vector<16xi32>
            %mul3A_396 = arith.constant 16 : i32
            %mul3A_397 = arith.muli %reduce_min3A_377, %mul3A_396 : i32
            %add3A_398 = arith.addi %mul3A_397, %reduce_min3A_395 : i32
            %broadcast_in_dim3A_399 = vector.broadcast %add3A_398 : i32 to vector<16xi32>
            %gather3A_400 = tpu.vector_load_idx %arg11[%broadcast_in_dim3A_399] : memref<5024xf32, #tpu.memory_space<vmem>>[vector<16xi32>], vector<16xf32>,
            %gather3A_401 = tpu.vector_load_idx %arg12[%broadcast_in_dim3A_399] : memref<5024xf32, #tpu.memory_space<vmem>>[vector<16xi32>], vector<16xf32>,
            %gather3A_402 = tpu.vector_load_idx %arg13[%broadcast_in_dim3A_399] : memref<5024xf32, #tpu.memory_space<vmem>>[vector<16xi32>], vector<16xf32>,
            %gather3A_403 = tpu.vector_load_idx %arg14[%broadcast_in_dim3A_399] : memref<5024xf32, #tpu.memory_space<vmem>>[vector<16xi32>], vector<16xf32>,
            %gather3A_404 = tpu.vector_load_idx %arg15[%broadcast_in_dim3A_399] : memref<5024xi32, #tpu.memory_space<vmem>>[vector<16xi32>], vector<16xi32>,
            %eq3A_405 = vector.broadcast %reduce_min3A_395 : i32 to vector<16xi32>
            %eq3A_406 = arith.cmpi eq, %iota3A, %eq3A_405 : vector<16xi32>
            %jit3A_407 = arith.constant -1.000000e+00 : f32
            %broadcast_in_dim3A_408 = vector.broadcast %jit3A_407 : f32 to vector<16xf32>
            %select_n3A_409 = arith.select %eq3A_406, %broadcast_in_dim3A_408, %get3A_382 : vector<16xi1>, vector<16xf32>
            %mul3A_410 = arith.constant 16 : i32
            %mul3A_411 = arith.muli %reduce_min3A_377, %mul3A_410 : i32
            %multiple_of3A_412 = tpu.assume_multiple %mul3A_411, 16 : i32
            %swap3A_413 = arith.index_cast %multiple_of3A_412 : i32 to index
            %swap3A_414 = tpu.vector_load %arg10[%swap3A_413] {strides = array<i32>} : memref<5024xf32, #tpu.memory_space<vmem>>, vector<16xf32>,
            tpu.vector_store %arg10[%swap3A_413], %select_n3A_409 {strides = array<i32>} : memref<5024xf32, #tpu.memory_space<vmem>>, vector<16xf32>,
            %broadcast_in_dim3A_415 = vector.broadcast %reduce_min3A_377 : i32 to vector<16xi32>
            %reduce_max3A_416 = arith.constant true
            %reduce_max3A_417 = vector.broadcast %reduce_max3A_416 : i1 to vector<16xi1>
            %reduce_max3A_418 = tpu.scan <max>, %select_n3A_409 masked %reduce_max3A_417 : vector<16xf32>, vector<16xi1> -> vector<16xf32>
            %reduce_max3A_419 = vector.extract %reduce_max3A_418[15] : f32 from vector<16xf32>
            %broadcast_in_dim3A_420 = vector.broadcast %reduce_max3A_419 : f32 to vector<16xf32>
            tpu.vector_store_idx %arg17[%broadcast_in_dim3A_415], %broadcast_in_dim3A_420 masked %eq3A_4 : memref<320xf32, #tpu.memory_space<vmem>>[vector<16xi32>], vector<16xf32>, vector<16xi1>
            %gt3A_421 = arith.constant 5.000000e-02 : f32
            %gt3A_422 = arith.cmpf ogt, %reduce_max3A_364, %gt3A_421 : f32
            %broadcast_in_dim3A_423 = vector.broadcast %gt3A_422 : i1 to vector<16xi1>
            %broadcast_in_dim3A_424 = arith.constant -2.000000e+00 : f32
            %broadcast_in_dim3A_425 = vector.broadcast %broadcast_in_dim3A_424 : f32 to vector<16xf32>
            %broadcast_in_dim3A_426 = arith.constant 1073741824 : i32
            %broadcast_in_dim3A_427 = vector.broadcast %broadcast_in_dim3A_426 : i32 to vector<16xi32>
            %while3A_428 = arith.constant 0 : i32
            %while3A_429 = arith.subi %select_n3A_245, %while3A_428 : i32
            %while3A_430 = arith.addi %while3A_428, %while3A_429 : i32
            %while3A_431 = arith.constant 1 : i32
            %while3A_432 = arith.divsi %while3A_429, %while3A_431 : i32
            %while3A_433 = arith.muli %while3A_432, %while3A_431 : i32
            %while3A_434 = arith.addi %while3A_428, %while3A_433 : i32
            %while3A_435 = arith.constant 1 : i32
            %while3A_436:2 = scf.for %while3A_1290 = %while3A_428 to %while3A_434 step %while3A_435 iter_args(%while3A_1291 = %broadcast_in_dim3A_425, %while3A_1292 = %broadcast_in_dim3A_427) -> (vector<16xf32>, vector<16xi32>)  : i32 {
              %mul3A_1293 = arith.constant 16 : i32
              %mul3A_1294 = arith.muli %while3A_1290, %mul3A_1293 : i32
              %multiple_of3A_1295 = tpu.assume_multiple %mul3A_1294, 16 : i32
              %get3A_1296 = arith.index_cast %multiple_of3A_1295 : i32 to index
              %get3A_1297 = tpu.vector_load %arg17[%get3A_1296] {strides = array<i32>} : memref<320xf32, #tpu.memory_space<vmem>>, vector<16xf32>,
              %gt3A_1298 = arith.cmpf ogt, %get3A_1297, %while3A_1291 : vector<16xf32>
              %max3A_1299 = arith.maximumf %while3A_1291, %get3A_1297 : vector<16xf32>
              %mul3A_1300 = arith.constant 16 : i32
              %mul3A_1301 = arith.muli %while3A_1290, %mul3A_1300 : i32
              %add3A_1302 = vector.broadcast %mul3A_1301 : i32 to vector<16xi32>
              %add3A_1303 = arith.addi %iota3A, %add3A_1302 : vector<16xi32>
              %select_n3A_1304 = arith.select %gt3A_1298, %add3A_1303, %while3A_1292 : vector<16xi1>, vector<16xi32>
              scf.yield %max3A_1299, %select_n3A_1304 : vector<16xf32>, vector<16xi32>
            }
            %while3A_437 = arith.constant 1 : i32
            %while3A_438:2 = scf.for %while3A_1290 = %while3A_434 to %while3A_430 step %while3A_437 iter_args(%while3A_1291 = %while3A_436#0, %while3A_1292 = %while3A_436#1) -> (vector<16xf32>, vector<16xi32>)  : i32 {
              %mul3A_1293 = arith.constant 16 : i32
              %mul3A_1294 = arith.muli %while3A_1290, %mul3A_1293 : i32
              %multiple_of3A_1295 = tpu.assume_multiple %mul3A_1294, 16 : i32
              %get3A_1296 = arith.index_cast %multiple_of3A_1295 : i32 to index
              %get3A_1297 = tpu.vector_load %arg17[%get3A_1296] {strides = array<i32>} : memref<320xf32, #tpu.memory_space<vmem>>, vector<16xf32>,
              %gt3A_1298 = arith.cmpf ogt, %get3A_1297, %while3A_1291 : vector<16xf32>
              %max3A_1299 = arith.maximumf %while3A_1291, %get3A_1297 : vector<16xf32>
              %mul3A_1300 = arith.constant 16 : i32
              %mul3A_1301 = arith.muli %while3A_1290, %mul3A_1300 : i32
              %add3A_1302 = vector.broadcast %mul3A_1301 : i32 to vector<16xi32>
              %add3A_1303 = arith.addi %iota3A, %add3A_1302 : vector<16xi32>
              %select_n3A_1304 = arith.select %gt3A_1298, %add3A_1303, %while3A_1292 : vector<16xi1>, vector<16xi32>
              scf.yield %max3A_1299, %select_n3A_1304 : vector<16xf32>, vector<16xi32>
            }
            %reduce_max3A_439 = arith.constant true
            %reduce_max3A_440 = vector.broadcast %reduce_max3A_439 : i1 to vector<16xi1>
            %reduce_max3A_441 = tpu.scan <max>, %while3A_438#0 masked %reduce_max3A_440 : vector<16xf32>, vector<16xi1> -> vector<16xf32>
            %reduce_max3A_442 = vector.extract %reduce_max3A_441[15] : f32 from vector<16xf32>
            %eq3A_443 = vector.broadcast %reduce_max3A_442 : f32 to vector<16xf32>
            %eq3A_444 = arith.cmpf oeq, %while3A_438#0, %eq3A_443 : vector<16xf32>
            %jit3A_445 = arith.constant 1073741824 : i32
            %broadcast_in_dim3A_446 = vector.broadcast %jit3A_445 : i32 to vector<16xi32>
            %select_n3A_447 = arith.select %eq3A_444, %while3A_438#1, %broadcast_in_dim3A_446 : vector<16xi1>, vector<16xi32>
            %reduce_min3A_448 = arith.constant true
            %reduce_min3A_449 = vector.broadcast %reduce_min3A_448 : i1 to vector<16xi1>
            %reduce_min3A_450 = arith.constant -2147483648 : i32
            %reduce_min3A_451 = vector.broadcast %reduce_min3A_450 : i32 to vector<16xi32>
            %reduce_min3A_452 = arith.xori %select_n3A_447, %reduce_min3A_451 : vector<16xi32>
            %reduce_min3A_453 = tpu.scan <min>, %reduce_min3A_452 masked %reduce_min3A_449 : vector<16xi32>, vector<16xi1> -> vector<16xi32>
            %reduce_min3A_454 = arith.xori %reduce_min3A_453, %reduce_min3A_451 : vector<16xi32>
            %reduce_min3A_455 = vector.extract %reduce_min3A_454[15] : i32 from vector<16xi32>
            %mul3A_456 = arith.constant 16 : i32
            %mul3A_457 = arith.muli %reduce_min3A_455, %mul3A_456 : i32
            %multiple_of3A_458 = tpu.assume_multiple %mul3A_457, 16 : i32
            %get3A_459 = arith.index_cast %multiple_of3A_458 : i32 to index
            %get3A_460 = tpu.vector_load %arg10[%get3A_459] {strides = array<i32>} : memref<5024xf32, #tpu.memory_space<vmem>>, vector<16xf32>,
            %eq3A_461 = vector.broadcast %reduce_max3A_442 : f32 to vector<16xf32>
            %eq3A_462 = arith.cmpf oeq, %get3A_460, %eq3A_461 : vector<16xf32>
            %jit3A_463 = arith.constant 1073741824 : i32
            %broadcast_in_dim3A_464 = vector.broadcast %jit3A_463 : i32 to vector<16xi32>
            %select_n3A_465 = arith.select %eq3A_462, %iota3A, %broadcast_in_dim3A_464 : vector<16xi1>, vector<16xi32>
            %reduce_min3A_466 = arith.constant true
            %reduce_min3A_467 = vector.broadcast %reduce_min3A_466 : i1 to vector<16xi1>
            %reduce_min3A_468 = arith.constant -2147483648 : i32
            %reduce_min3A_469 = vector.broadcast %reduce_min3A_468 : i32 to vector<16xi32>
            %reduce_min3A_470 = arith.xori %select_n3A_465, %reduce_min3A_469 : vector<16xi32>
            %reduce_min3A_471 = tpu.scan <min>, %reduce_min3A_470 masked %reduce_min3A_467 : vector<16xi32>, vector<16xi1> -> vector<16xi32>
            %reduce_min3A_472 = arith.xori %reduce_min3A_471, %reduce_min3A_469 : vector<16xi32>
            %reduce_min3A_473 = vector.extract %reduce_min3A_472[15] : i32 from vector<16xi32>
            %mul3A_474 = arith.constant 16 : i32
            %mul3A_475 = arith.muli %reduce_min3A_455, %mul3A_474 : i32
            %add3A_476 = arith.addi %mul3A_475, %reduce_min3A_473 : i32
            %broadcast_in_dim3A_477 = vector.broadcast %add3A_476 : i32 to vector<16xi32>
            %gather3A_478 = tpu.vector_load_idx %arg11[%broadcast_in_dim3A_477] : memref<5024xf32, #tpu.memory_space<vmem>>[vector<16xi32>], vector<16xf32>,
            %gather3A_479 = tpu.vector_load_idx %arg12[%broadcast_in_dim3A_477] : memref<5024xf32, #tpu.memory_space<vmem>>[vector<16xi32>], vector<16xf32>,
            %gather3A_480 = tpu.vector_load_idx %arg13[%broadcast_in_dim3A_477] : memref<5024xf32, #tpu.memory_space<vmem>>[vector<16xi32>], vector<16xf32>,
            %gather3A_481 = tpu.vector_load_idx %arg14[%broadcast_in_dim3A_477] : memref<5024xf32, #tpu.memory_space<vmem>>[vector<16xi32>], vector<16xf32>,
            %gather3A_482 = tpu.vector_load_idx %arg15[%broadcast_in_dim3A_477] : memref<5024xi32, #tpu.memory_space<vmem>>[vector<16xi32>], vector<16xi32>,
            %eq3A_483 = vector.broadcast %reduce_min3A_473 : i32 to vector<16xi32>
            %eq3A_484 = arith.cmpi eq, %iota3A, %eq3A_483 : vector<16xi32>
            %jit3A_485 = arith.constant -1.000000e+00 : f32
            %broadcast_in_dim3A_486 = vector.broadcast %jit3A_485 : f32 to vector<16xf32>
            %select_n3A_487 = arith.select %eq3A_484, %broadcast_in_dim3A_486, %get3A_460 : vector<16xi1>, vector<16xf32>
            %mul3A_488 = arith.constant 16 : i32
            %mul3A_489 = arith.muli %reduce_min3A_455, %mul3A_488 : i32
            %multiple_of3A_490 = tpu.assume_multiple %mul3A_489, 16 : i32
            %swap3A_491 = arith.index_cast %multiple_of3A_490 : i32 to index
            %swap3A_492 = tpu.vector_load %arg10[%swap3A_491] {strides = array<i32>} : memref<5024xf32, #tpu.memory_space<vmem>>, vector<16xf32>,
            tpu.vector_store %arg10[%swap3A_491], %select_n3A_487 {strides = array<i32>} : memref<5024xf32, #tpu.memory_space<vmem>>, vector<16xf32>,
            %broadcast_in_dim3A_493 = vector.broadcast %reduce_min3A_455 : i32 to vector<16xi32>
            %reduce_max3A_494 = arith.constant true
            %reduce_max3A_495 = vector.broadcast %reduce_max3A_494 : i1 to vector<16xi1>
            %reduce_max3A_496 = tpu.scan <max>, %select_n3A_487 masked %reduce_max3A_495 : vector<16xf32>, vector<16xi1> -> vector<16xf32>
            %reduce_max3A_497 = vector.extract %reduce_max3A_496[15] : f32 from vector<16xf32>
            %broadcast_in_dim3A_498 = vector.broadcast %reduce_max3A_497 : f32 to vector<16xf32>
            tpu.vector_store_idx %arg17[%broadcast_in_dim3A_493], %broadcast_in_dim3A_498 masked %eq3A_4 : memref<320xf32, #tpu.memory_space<vmem>>[vector<16xi32>], vector<16xf32>, vector<16xi1>
            %gt3A_499 = arith.constant 5.000000e-02 : f32
            %gt3A_500 = arith.cmpf ogt, %reduce_max3A_442, %gt3A_499 : f32
            %broadcast_in_dim3A_501 = vector.broadcast %gt3A_500 : i1 to vector<16xi1>
            %broadcast_in_dim3A_502 = arith.constant -2.000000e+00 : f32
            %broadcast_in_dim3A_503 = vector.broadcast %broadcast_in_dim3A_502 : f32 to vector<16xf32>
            %broadcast_in_dim3A_504 = arith.constant 1073741824 : i32
            %broadcast_in_dim3A_505 = vector.broadcast %broadcast_in_dim3A_504 : i32 to vector<16xi32>
            %while3A_506 = arith.constant 0 : i32
            %while3A_507 = arith.subi %select_n3A_245, %while3A_506 : i32
            %while3A_508 = arith.addi %while3A_506, %while3A_507 : i32
            %while3A_509 = arith.constant 1 : i32
            %while3A_510 = arith.divsi %while3A_507, %while3A_509 : i32
            %while3A_511 = arith.muli %while3A_510, %while3A_509 : i32
            %while3A_512 = arith.addi %while3A_506, %while3A_511 : i32
            %while3A_513 = arith.constant 1 : i32
            %while3A_514:2 = scf.for %while3A_1290 = %while3A_506 to %while3A_512 step %while3A_513 iter_args(%while3A_1291 = %broadcast_in_dim3A_503, %while3A_1292 = %broadcast_in_dim3A_505) -> (vector<16xf32>, vector<16xi32>)  : i32 {
              %mul3A_1293 = arith.constant 16 : i32
              %mul3A_1294 = arith.muli %while3A_1290, %mul3A_1293 : i32
              %multiple_of3A_1295 = tpu.assume_multiple %mul3A_1294, 16 : i32
              %get3A_1296 = arith.index_cast %multiple_of3A_1295 : i32 to index
              %get3A_1297 = tpu.vector_load %arg17[%get3A_1296] {strides = array<i32>} : memref<320xf32, #tpu.memory_space<vmem>>, vector<16xf32>,
              %gt3A_1298 = arith.cmpf ogt, %get3A_1297, %while3A_1291 : vector<16xf32>
              %max3A_1299 = arith.maximumf %while3A_1291, %get3A_1297 : vector<16xf32>
              %mul3A_1300 = arith.constant 16 : i32
              %mul3A_1301 = arith.muli %while3A_1290, %mul3A_1300 : i32
              %add3A_1302 = vector.broadcast %mul3A_1301 : i32 to vector<16xi32>
              %add3A_1303 = arith.addi %iota3A, %add3A_1302 : vector<16xi32>
              %select_n3A_1304 = arith.select %gt3A_1298, %add3A_1303, %while3A_1292 : vector<16xi1>, vector<16xi32>
              scf.yield %max3A_1299, %select_n3A_1304 : vector<16xf32>, vector<16xi32>
            }
            %while3A_515 = arith.constant 1 : i32
            %while3A_516:2 = scf.for %while3A_1290 = %while3A_512 to %while3A_508 step %while3A_515 iter_args(%while3A_1291 = %while3A_514#0, %while3A_1292 = %while3A_514#1) -> (vector<16xf32>, vector<16xi32>)  : i32 {
              %mul3A_1293 = arith.constant 16 : i32
              %mul3A_1294 = arith.muli %while3A_1290, %mul3A_1293 : i32
              %multiple_of3A_1295 = tpu.assume_multiple %mul3A_1294, 16 : i32
              %get3A_1296 = arith.index_cast %multiple_of3A_1295 : i32 to index
              %get3A_1297 = tpu.vector_load %arg17[%get3A_1296] {strides = array<i32>} : memref<320xf32, #tpu.memory_space<vmem>>, vector<16xf32>,
              %gt3A_1298 = arith.cmpf ogt, %get3A_1297, %while3A_1291 : vector<16xf32>
              %max3A_1299 = arith.maximumf %while3A_1291, %get3A_1297 : vector<16xf32>
              %mul3A_1300 = arith.constant 16 : i32
              %mul3A_1301 = arith.muli %while3A_1290, %mul3A_1300 : i32
              %add3A_1302 = vector.broadcast %mul3A_1301 : i32 to vector<16xi32>
              %add3A_1303 = arith.addi %iota3A, %add3A_1302 : vector<16xi32>
              %select_n3A_1304 = arith.select %gt3A_1298, %add3A_1303, %while3A_1292 : vector<16xi1>, vector<16xi32>
              scf.yield %max3A_1299, %select_n3A_1304 : vector<16xf32>, vector<16xi32>
            }
            %reduce_max3A_517 = arith.constant true
            %reduce_max3A_518 = vector.broadcast %reduce_max3A_517 : i1 to vector<16xi1>
            %reduce_max3A_519 = tpu.scan <max>, %while3A_516#0 masked %reduce_max3A_518 : vector<16xf32>, vector<16xi1> -> vector<16xf32>
            %reduce_max3A_520 = vector.extract %reduce_max3A_519[15] : f32 from vector<16xf32>
            %eq3A_521 = vector.broadcast %reduce_max3A_520 : f32 to vector<16xf32>
            %eq3A_522 = arith.cmpf oeq, %while3A_516#0, %eq3A_521 : vector<16xf32>
            %jit3A_523 = arith.constant 1073741824 : i32
            %broadcast_in_dim3A_524 = vector.broadcast %jit3A_523 : i32 to vector<16xi32>
            %select_n3A_525 = arith.select %eq3A_522, %while3A_516#1, %broadcast_in_dim3A_524 : vector<16xi1>, vector<16xi32>
            %reduce_min3A_526 = arith.constant true
            %reduce_min3A_527 = vector.broadcast %reduce_min3A_526 : i1 to vector<16xi1>
            %reduce_min3A_528 = arith.constant -2147483648 : i32
            %reduce_min3A_529 = vector.broadcast %reduce_min3A_528 : i32 to vector<16xi32>
            %reduce_min3A_530 = arith.xori %select_n3A_525, %reduce_min3A_529 : vector<16xi32>
            %reduce_min3A_531 = tpu.scan <min>, %reduce_min3A_530 masked %reduce_min3A_527 : vector<16xi32>, vector<16xi1> -> vector<16xi32>
            %reduce_min3A_532 = arith.xori %reduce_min3A_531, %reduce_min3A_529 : vector<16xi32>
            %reduce_min3A_533 = vector.extract %reduce_min3A_532[15] : i32 from vector<16xi32>
            %mul3A_534 = arith.constant 16 : i32
            %mul3A_535 = arith.muli %reduce_min3A_533, %mul3A_534 : i32
            %multiple_of3A_536 = tpu.assume_multiple %mul3A_535, 16 : i32
            %get3A_537 = arith.index_cast %multiple_of3A_536 : i32 to index
            %get3A_538 = tpu.vector_load %arg10[%get3A_537] {strides = array<i32>} : memref<5024xf32, #tpu.memory_space<vmem>>, vector<16xf32>,
            %eq3A_539 = vector.broadcast %reduce_max3A_520 : f32 to vector<16xf32>
            %eq3A_540 = arith.cmpf oeq, %get3A_538, %eq3A_539 : vector<16xf32>
            %jit3A_541 = arith.constant 1073741824 : i32
            %broadcast_in_dim3A_542 = vector.broadcast %jit3A_541 : i32 to vector<16xi32>
            %select_n3A_543 = arith.select %eq3A_540, %iota3A, %broadcast_in_dim3A_542 : vector<16xi1>, vector<16xi32>
            %reduce_min3A_544 = arith.constant true
            %reduce_min3A_545 = vector.broadcast %reduce_min3A_544 : i1 to vector<16xi1>
            %reduce_min3A_546 = arith.constant -2147483648 : i32
            %reduce_min3A_547 = vector.broadcast %reduce_min3A_546 : i32 to vector<16xi32>
            %reduce_min3A_548 = arith.xori %select_n3A_543, %reduce_min3A_547 : vector<16xi32>
            %reduce_min3A_549 = tpu.scan <min>, %reduce_min3A_548 masked %reduce_min3A_545 : vector<16xi32>, vector<16xi1> -> vector<16xi32>
            %reduce_min3A_550 = arith.xori %reduce_min3A_549, %reduce_min3A_547 : vector<16xi32>
            %reduce_min3A_551 = vector.extract %reduce_min3A_550[15] : i32 from vector<16xi32>
            %mul3A_552 = arith.constant 16 : i32
            %mul3A_553 = arith.muli %reduce_min3A_533, %mul3A_552 : i32
            %add3A_554 = arith.addi %mul3A_553, %reduce_min3A_551 : i32
            %broadcast_in_dim3A_555 = vector.broadcast %add3A_554 : i32 to vector<16xi32>
            %gather3A_556 = tpu.vector_load_idx %arg11[%broadcast_in_dim3A_555] : memref<5024xf32, #tpu.memory_space<vmem>>[vector<16xi32>], vector<16xf32>,
            %gather3A_557 = tpu.vector_load_idx %arg12[%broadcast_in_dim3A_555] : memref<5024xf32, #tpu.memory_space<vmem>>[vector<16xi32>], vector<16xf32>,
            %gather3A_558 = tpu.vector_load_idx %arg13[%broadcast_in_dim3A_555] : memref<5024xf32, #tpu.memory_space<vmem>>[vector<16xi32>], vector<16xf32>,
            %gather3A_559 = tpu.vector_load_idx %arg14[%broadcast_in_dim3A_555] : memref<5024xf32, #tpu.memory_space<vmem>>[vector<16xi32>], vector<16xf32>,
            %gather3A_560 = tpu.vector_load_idx %arg15[%broadcast_in_dim3A_555] : memref<5024xi32, #tpu.memory_space<vmem>>[vector<16xi32>], vector<16xi32>,
            %eq3A_561 = vector.broadcast %reduce_min3A_551 : i32 to vector<16xi32>
            %eq3A_562 = arith.cmpi eq, %iota3A, %eq3A_561 : vector<16xi32>
            %jit3A_563 = arith.constant -1.000000e+00 : f32
            %broadcast_in_dim3A_564 = vector.broadcast %jit3A_563 : f32 to vector<16xf32>
            %select_n3A_565 = arith.select %eq3A_562, %broadcast_in_dim3A_564, %get3A_538 : vector<16xi1>, vector<16xf32>
            %mul3A_566 = arith.constant 16 : i32
            %mul3A_567 = arith.muli %reduce_min3A_533, %mul3A_566 : i32
            %multiple_of3A_568 = tpu.assume_multiple %mul3A_567, 16 : i32
            %swap3A_569 = arith.index_cast %multiple_of3A_568 : i32 to index
            %swap3A_570 = tpu.vector_load %arg10[%swap3A_569] {strides = array<i32>} : memref<5024xf32, #tpu.memory_space<vmem>>, vector<16xf32>,
            tpu.vector_store %arg10[%swap3A_569], %select_n3A_565 {strides = array<i32>} : memref<5024xf32, #tpu.memory_space<vmem>>, vector<16xf32>,
            %broadcast_in_dim3A_571 = vector.broadcast %reduce_min3A_533 : i32 to vector<16xi32>
            %reduce_max3A_572 = arith.constant true
            %reduce_max3A_573 = vector.broadcast %reduce_max3A_572 : i1 to vector<16xi1>
            %reduce_max3A_574 = tpu.scan <max>, %select_n3A_565 masked %reduce_max3A_573 : vector<16xf32>, vector<16xi1> -> vector<16xf32>
            %reduce_max3A_575 = vector.extract %reduce_max3A_574[15] : f32 from vector<16xf32>
            %broadcast_in_dim3A_576 = vector.broadcast %reduce_max3A_575 : f32 to vector<16xf32>
            tpu.vector_store_idx %arg17[%broadcast_in_dim3A_571], %broadcast_in_dim3A_576 masked %eq3A_4 : memref<320xf32, #tpu.memory_space<vmem>>[vector<16xi32>], vector<16xf32>, vector<16xi1>
            %gt3A_577 = arith.constant 5.000000e-02 : f32
            %gt3A_578 = arith.cmpf ogt, %reduce_max3A_520, %gt3A_577 : f32
            %broadcast_in_dim3A_579 = vector.broadcast %gt3A_578 : i1 to vector<16xi1>
            %broadcast_in_dim3A_580 = arith.constant -2.000000e+00 : f32
            %broadcast_in_dim3A_581 = vector.broadcast %broadcast_in_dim3A_580 : f32 to vector<16xf32>
            %broadcast_in_dim3A_582 = arith.constant 1073741824 : i32
            %broadcast_in_dim3A_583 = vector.broadcast %broadcast_in_dim3A_582 : i32 to vector<16xi32>
            %while3A_584 = arith.constant 0 : i32
            %while3A_585 = arith.subi %select_n3A_245, %while3A_584 : i32
            %while3A_586 = arith.addi %while3A_584, %while3A_585 : i32
            %while3A_587 = arith.constant 1 : i32
            %while3A_588 = arith.divsi %while3A_585, %while3A_587 : i32
            %while3A_589 = arith.muli %while3A_588, %while3A_587 : i32
            %while3A_590 = arith.addi %while3A_584, %while3A_589 : i32
            %while3A_591 = arith.constant 1 : i32
            %while3A_592:2 = scf.for %while3A_1290 = %while3A_584 to %while3A_590 step %while3A_591 iter_args(%while3A_1291 = %broadcast_in_dim3A_581, %while3A_1292 = %broadcast_in_dim3A_583) -> (vector<16xf32>, vector<16xi32>)  : i32 {
              %mul3A_1293 = arith.constant 16 : i32
              %mul3A_1294 = arith.muli %while3A_1290, %mul3A_1293 : i32
              %multiple_of3A_1295 = tpu.assume_multiple %mul3A_1294, 16 : i32
              %get3A_1296 = arith.index_cast %multiple_of3A_1295 : i32 to index
              %get3A_1297 = tpu.vector_load %arg17[%get3A_1296] {strides = array<i32>} : memref<320xf32, #tpu.memory_space<vmem>>, vector<16xf32>,
              %gt3A_1298 = arith.cmpf ogt, %get3A_1297, %while3A_1291 : vector<16xf32>
              %max3A_1299 = arith.maximumf %while3A_1291, %get3A_1297 : vector<16xf32>
              %mul3A_1300 = arith.constant 16 : i32
              %mul3A_1301 = arith.muli %while3A_1290, %mul3A_1300 : i32
              %add3A_1302 = vector.broadcast %mul3A_1301 : i32 to vector<16xi32>
              %add3A_1303 = arith.addi %iota3A, %add3A_1302 : vector<16xi32>
              %select_n3A_1304 = arith.select %gt3A_1298, %add3A_1303, %while3A_1292 : vector<16xi1>, vector<16xi32>
              scf.yield %max3A_1299, %select_n3A_1304 : vector<16xf32>, vector<16xi32>
            }
            %while3A_593 = arith.constant 1 : i32
            %while3A_594:2 = scf.for %while3A_1290 = %while3A_590 to %while3A_586 step %while3A_593 iter_args(%while3A_1291 = %while3A_592#0, %while3A_1292 = %while3A_592#1) -> (vector<16xf32>, vector<16xi32>)  : i32 {
              %mul3A_1293 = arith.constant 16 : i32
              %mul3A_1294 = arith.muli %while3A_1290, %mul3A_1293 : i32
              %multiple_of3A_1295 = tpu.assume_multiple %mul3A_1294, 16 : i32
              %get3A_1296 = arith.index_cast %multiple_of3A_1295 : i32 to index
              %get3A_1297 = tpu.vector_load %arg17[%get3A_1296] {strides = array<i32>} : memref<320xf32, #tpu.memory_space<vmem>>, vector<16xf32>,
              %gt3A_1298 = arith.cmpf ogt, %get3A_1297, %while3A_1291 : vector<16xf32>
              %max3A_1299 = arith.maximumf %while3A_1291, %get3A_1297 : vector<16xf32>
              %mul3A_1300 = arith.constant 16 : i32
              %mul3A_1301 = arith.muli %while3A_1290, %mul3A_1300 : i32
              %add3A_1302 = vector.broadcast %mul3A_1301 : i32 to vector<16xi32>
              %add3A_1303 = arith.addi %iota3A, %add3A_1302 : vector<16xi32>
              %select_n3A_1304 = arith.select %gt3A_1298, %add3A_1303, %while3A_1292 : vector<16xi1>, vector<16xi32>
              scf.yield %max3A_1299, %select_n3A_1304 : vector<16xf32>, vector<16xi32>
            }
            %reduce_max3A_595 = arith.constant true
            %reduce_max3A_596 = vector.broadcast %reduce_max3A_595 : i1 to vector<16xi1>
            %reduce_max3A_597 = tpu.scan <max>, %while3A_594#0 masked %reduce_max3A_596 : vector<16xf32>, vector<16xi1> -> vector<16xf32>
            %reduce_max3A_598 = vector.extract %reduce_max3A_597[15] : f32 from vector<16xf32>
            %eq3A_599 = vector.broadcast %reduce_max3A_598 : f32 to vector<16xf32>
            %eq3A_600 = arith.cmpf oeq, %while3A_594#0, %eq3A_599 : vector<16xf32>
            %jit3A_601 = arith.constant 1073741824 : i32
            %broadcast_in_dim3A_602 = vector.broadcast %jit3A_601 : i32 to vector<16xi32>
            %select_n3A_603 = arith.select %eq3A_600, %while3A_594#1, %broadcast_in_dim3A_602 : vector<16xi1>, vector<16xi32>
            %reduce_min3A_604 = arith.constant true
            %reduce_min3A_605 = vector.broadcast %reduce_min3A_604 : i1 to vector<16xi1>
            %reduce_min3A_606 = arith.constant -2147483648 : i32
            %reduce_min3A_607 = vector.broadcast %reduce_min3A_606 : i32 to vector<16xi32>
            %reduce_min3A_608 = arith.xori %select_n3A_603, %reduce_min3A_607 : vector<16xi32>
            %reduce_min3A_609 = tpu.scan <min>, %reduce_min3A_608 masked %reduce_min3A_605 : vector<16xi32>, vector<16xi1> -> vector<16xi32>
            %reduce_min3A_610 = arith.xori %reduce_min3A_609, %reduce_min3A_607 : vector<16xi32>
            %reduce_min3A_611 = vector.extract %reduce_min3A_610[15] : i32 from vector<16xi32>
            %mul3A_612 = arith.constant 16 : i32
            %mul3A_613 = arith.muli %reduce_min3A_611, %mul3A_612 : i32
            %multiple_of3A_614 = tpu.assume_multiple %mul3A_613, 16 : i32
            %get3A_615 = arith.index_cast %multiple_of3A_614 : i32 to index
            %get3A_616 = tpu.vector_load %arg10[%get3A_615] {strides = array<i32>} : memref<5024xf32, #tpu.memory_space<vmem>>, vector<16xf32>,
            %eq3A_617 = vector.broadcast %reduce_max3A_598 : f32 to vector<16xf32>
            %eq3A_618 = arith.cmpf oeq, %get3A_616, %eq3A_617 : vector<16xf32>
            %jit3A_619 = arith.constant 1073741824 : i32
            %broadcast_in_dim3A_620 = vector.broadcast %jit3A_619 : i32 to vector<16xi32>
            %select_n3A_621 = arith.select %eq3A_618, %iota3A, %broadcast_in_dim3A_620 : vector<16xi1>, vector<16xi32>
            %reduce_min3A_622 = arith.constant true
            %reduce_min3A_623 = vector.broadcast %reduce_min3A_622 : i1 to vector<16xi1>
            %reduce_min3A_624 = arith.constant -2147483648 : i32
            %reduce_min3A_625 = vector.broadcast %reduce_min3A_624 : i32 to vector<16xi32>
            %reduce_min3A_626 = arith.xori %select_n3A_621, %reduce_min3A_625 : vector<16xi32>
            %reduce_min3A_627 = tpu.scan <min>, %reduce_min3A_626 masked %reduce_min3A_623 : vector<16xi32>, vector<16xi1> -> vector<16xi32>
            %reduce_min3A_628 = arith.xori %reduce_min3A_627, %reduce_min3A_625 : vector<16xi32>
            %reduce_min3A_629 = vector.extract %reduce_min3A_628[15] : i32 from vector<16xi32>
            %mul3A_630 = arith.constant 16 : i32
            %mul3A_631 = arith.muli %reduce_min3A_611, %mul3A_630 : i32
            %add3A_632 = arith.addi %mul3A_631, %reduce_min3A_629 : i32
            %broadcast_in_dim3A_633 = vector.broadcast %add3A_632 : i32 to vector<16xi32>
            %gather3A_634 = tpu.vector_load_idx %arg11[%broadcast_in_dim3A_633] : memref<5024xf32, #tpu.memory_space<vmem>>[vector<16xi32>], vector<16xf32>,
            %gather3A_635 = tpu.vector_load_idx %arg12[%broadcast_in_dim3A_633] : memref<5024xf32, #tpu.memory_space<vmem>>[vector<16xi32>], vector<16xf32>,
            %gather3A_636 = tpu.vector_load_idx %arg13[%broadcast_in_dim3A_633] : memref<5024xf32, #tpu.memory_space<vmem>>[vector<16xi32>], vector<16xf32>,
            %gather3A_637 = tpu.vector_load_idx %arg14[%broadcast_in_dim3A_633] : memref<5024xf32, #tpu.memory_space<vmem>>[vector<16xi32>], vector<16xf32>,
            %gather3A_638 = tpu.vector_load_idx %arg15[%broadcast_in_dim3A_633] : memref<5024xi32, #tpu.memory_space<vmem>>[vector<16xi32>], vector<16xi32>,
            %eq3A_639 = vector.broadcast %reduce_min3A_629 : i32 to vector<16xi32>
            %eq3A_640 = arith.cmpi eq, %iota3A, %eq3A_639 : vector<16xi32>
            %jit3A_641 = arith.constant -1.000000e+00 : f32
            %broadcast_in_dim3A_642 = vector.broadcast %jit3A_641 : f32 to vector<16xf32>
            %select_n3A_643 = arith.select %eq3A_640, %broadcast_in_dim3A_642, %get3A_616 : vector<16xi1>, vector<16xf32>
            %mul3A_644 = arith.constant 16 : i32
            %mul3A_645 = arith.muli %reduce_min3A_611, %mul3A_644 : i32
            %multiple_of3A_646 = tpu.assume_multiple %mul3A_645, 16 : i32
            %swap3A_647 = arith.index_cast %multiple_of3A_646 : i32 to index
            %swap3A_648 = tpu.vector_load %arg10[%swap3A_647] {strides = array<i32>} : memref<5024xf32, #tpu.memory_space<vmem>>, vector<16xf32>,
            tpu.vector_store %arg10[%swap3A_647], %select_n3A_643 {strides = array<i32>} : memref<5024xf32, #tpu.memory_space<vmem>>, vector<16xf32>,
            %broadcast_in_dim3A_649 = vector.broadcast %reduce_min3A_611 : i32 to vector<16xi32>
            %reduce_max3A_650 = arith.constant true
            %reduce_max3A_651 = vector.broadcast %reduce_max3A_650 : i1 to vector<16xi1>
            %reduce_max3A_652 = tpu.scan <max>, %select_n3A_643 masked %reduce_max3A_651 : vector<16xf32>, vector<16xi1> -> vector<16xf32>
            %reduce_max3A_653 = vector.extract %reduce_max3A_652[15] : f32 from vector<16xf32>
            %broadcast_in_dim3A_654 = vector.broadcast %reduce_max3A_653 : f32 to vector<16xf32>
            tpu.vector_store_idx %arg17[%broadcast_in_dim3A_649], %broadcast_in_dim3A_654 masked %eq3A_4 : memref<320xf32, #tpu.memory_space<vmem>>[vector<16xi32>], vector<16xf32>, vector<16xi1>
            %gt3A_655 = arith.constant 5.000000e-02 : f32
            %gt3A_656 = arith.cmpf ogt, %reduce_max3A_598, %gt3A_655 : f32
            %broadcast_in_dim3A_657 = vector.broadcast %gt3A_656 : i1 to vector<16xi1>
            %broadcast_in_dim3A_658 = arith.constant -2.000000e+00 : f32
            %broadcast_in_dim3A_659 = vector.broadcast %broadcast_in_dim3A_658 : f32 to vector<16xf32>
            %broadcast_in_dim3A_660 = arith.constant 1073741824 : i32
            %broadcast_in_dim3A_661 = vector.broadcast %broadcast_in_dim3A_660 : i32 to vector<16xi32>
            %while3A_662 = arith.constant 0 : i32
            %while3A_663 = arith.subi %select_n3A_245, %while3A_662 : i32
            %while3A_664 = arith.addi %while3A_662, %while3A_663 : i32
            %while3A_665 = arith.constant 1 : i32
            %while3A_666 = arith.divsi %while3A_663, %while3A_665 : i32
            %while3A_667 = arith.muli %while3A_666, %while3A_665 : i32
            %while3A_668 = arith.addi %while3A_662, %while3A_667 : i32
            %while3A_669 = arith.constant 1 : i32
            %while3A_670:2 = scf.for %while3A_1290 = %while3A_662 to %while3A_668 step %while3A_669 iter_args(%while3A_1291 = %broadcast_in_dim3A_659, %while3A_1292 = %broadcast_in_dim3A_661) -> (vector<16xf32>, vector<16xi32>)  : i32 {
              %mul3A_1293 = arith.constant 16 : i32
              %mul3A_1294 = arith.muli %while3A_1290, %mul3A_1293 : i32
              %multiple_of3A_1295 = tpu.assume_multiple %mul3A_1294, 16 : i32
              %get3A_1296 = arith.index_cast %multiple_of3A_1295 : i32 to index
              %get3A_1297 = tpu.vector_load %arg17[%get3A_1296] {strides = array<i32>} : memref<320xf32, #tpu.memory_space<vmem>>, vector<16xf32>,
              %gt3A_1298 = arith.cmpf ogt, %get3A_1297, %while3A_1291 : vector<16xf32>
              %max3A_1299 = arith.maximumf %while3A_1291, %get3A_1297 : vector<16xf32>
              %mul3A_1300 = arith.constant 16 : i32
              %mul3A_1301 = arith.muli %while3A_1290, %mul3A_1300 : i32
              %add3A_1302 = vector.broadcast %mul3A_1301 : i32 to vector<16xi32>
              %add3A_1303 = arith.addi %iota3A, %add3A_1302 : vector<16xi32>
              %select_n3A_1304 = arith.select %gt3A_1298, %add3A_1303, %while3A_1292 : vector<16xi1>, vector<16xi32>
              scf.yield %max3A_1299, %select_n3A_1304 : vector<16xf32>, vector<16xi32>
            }
            %while3A_671 = arith.constant 1 : i32
            %while3A_672:2 = scf.for %while3A_1290 = %while3A_668 to %while3A_664 step %while3A_671 iter_args(%while3A_1291 = %while3A_670#0, %while3A_1292 = %while3A_670#1) -> (vector<16xf32>, vector<16xi32>)  : i32 {
              %mul3A_1293 = arith.constant 16 : i32
              %mul3A_1294 = arith.muli %while3A_1290, %mul3A_1293 : i32
              %multiple_of3A_1295 = tpu.assume_multiple %mul3A_1294, 16 : i32
              %get3A_1296 = arith.index_cast %multiple_of3A_1295 : i32 to index
              %get3A_1297 = tpu.vector_load %arg17[%get3A_1296] {strides = array<i32>} : memref<320xf32, #tpu.memory_space<vmem>>, vector<16xf32>,
              %gt3A_1298 = arith.cmpf ogt, %get3A_1297, %while3A_1291 : vector<16xf32>
              %max3A_1299 = arith.maximumf %while3A_1291, %get3A_1297 : vector<16xf32>
              %mul3A_1300 = arith.constant 16 : i32
              %mul3A_1301 = arith.muli %while3A_1290, %mul3A_1300 : i32
              %add3A_1302 = vector.broadcast %mul3A_1301 : i32 to vector<16xi32>
              %add3A_1303 = arith.addi %iota3A, %add3A_1302 : vector<16xi32>
              %select_n3A_1304 = arith.select %gt3A_1298, %add3A_1303, %while3A_1292 : vector<16xi1>, vector<16xi32>
              scf.yield %max3A_1299, %select_n3A_1304 : vector<16xf32>, vector<16xi32>
            }
            %reduce_max3A_673 = arith.constant true
            %reduce_max3A_674 = vector.broadcast %reduce_max3A_673 : i1 to vector<16xi1>
            %reduce_max3A_675 = tpu.scan <max>, %while3A_672#0 masked %reduce_max3A_674 : vector<16xf32>, vector<16xi1> -> vector<16xf32>
            %reduce_max3A_676 = vector.extract %reduce_max3A_675[15] : f32 from vector<16xf32>
            %eq3A_677 = vector.broadcast %reduce_max3A_676 : f32 to vector<16xf32>
            %eq3A_678 = arith.cmpf oeq, %while3A_672#0, %eq3A_677 : vector<16xf32>
            %jit3A_679 = arith.constant 1073741824 : i32
            %broadcast_in_dim3A_680 = vector.broadcast %jit3A_679 : i32 to vector<16xi32>
            %select_n3A_681 = arith.select %eq3A_678, %while3A_672#1, %broadcast_in_dim3A_680 : vector<16xi1>, vector<16xi32>
            %reduce_min3A_682 = arith.constant true
            %reduce_min3A_683 = vector.broadcast %reduce_min3A_682 : i1 to vector<16xi1>
            %reduce_min3A_684 = arith.constant -2147483648 : i32
            %reduce_min3A_685 = vector.broadcast %reduce_min3A_684 : i32 to vector<16xi32>
            %reduce_min3A_686 = arith.xori %select_n3A_681, %reduce_min3A_685 : vector<16xi32>
            %reduce_min3A_687 = tpu.scan <min>, %reduce_min3A_686 masked %reduce_min3A_683 : vector<16xi32>, vector<16xi1> -> vector<16xi32>
            %reduce_min3A_688 = arith.xori %reduce_min3A_687, %reduce_min3A_685 : vector<16xi32>
            %reduce_min3A_689 = vector.extract %reduce_min3A_688[15] : i32 from vector<16xi32>
            %mul3A_690 = arith.constant 16 : i32
            %mul3A_691 = arith.muli %reduce_min3A_689, %mul3A_690 : i32
            %multiple_of3A_692 = tpu.assume_multiple %mul3A_691, 16 : i32
            %get3A_693 = arith.index_cast %multiple_of3A_692 : i32 to index
            %get3A_694 = tpu.vector_load %arg10[%get3A_693] {strides = array<i32>} : memref<5024xf32, #tpu.memory_space<vmem>>, vector<16xf32>,
            %eq3A_695 = vector.broadcast %reduce_max3A_676 : f32 to vector<16xf32>
            %eq3A_696 = arith.cmpf oeq, %get3A_694, %eq3A_695 : vector<16xf32>
            %jit3A_697 = arith.constant 1073741824 : i32
            %broadcast_in_dim3A_698 = vector.broadcast %jit3A_697 : i32 to vector<16xi32>
            %select_n3A_699 = arith.select %eq3A_696, %iota3A, %broadcast_in_dim3A_698 : vector<16xi1>, vector<16xi32>
            %reduce_min3A_700 = arith.constant true
            %reduce_min3A_701 = vector.broadcast %reduce_min3A_700 : i1 to vector<16xi1>
            %reduce_min3A_702 = arith.constant -2147483648 : i32
            %reduce_min3A_703 = vector.broadcast %reduce_min3A_702 : i32 to vector<16xi32>
            %reduce_min3A_704 = arith.xori %select_n3A_699, %reduce_min3A_703 : vector<16xi32>
            %reduce_min3A_705 = tpu.scan <min>, %reduce_min3A_704 masked %reduce_min3A_701 : vector<16xi32>, vector<16xi1> -> vector<16xi32>
            %reduce_min3A_706 = arith.xori %reduce_min3A_705, %reduce_min3A_703 : vector<16xi32>
            %reduce_min3A_707 = vector.extract %reduce_min3A_706[15] : i32 from vector<16xi32>
            %mul3A_708 = arith.constant 16 : i32
            %mul3A_709 = arith.muli %reduce_min3A_689, %mul3A_708 : i32
            %add3A_710 = arith.addi %mul3A_709, %reduce_min3A_707 : i32
            %broadcast_in_dim3A_711 = vector.broadcast %add3A_710 : i32 to vector<16xi32>
            %gather3A_712 = tpu.vector_load_idx %arg11[%broadcast_in_dim3A_711] : memref<5024xf32, #tpu.memory_space<vmem>>[vector<16xi32>], vector<16xf32>,
            %gather3A_713 = tpu.vector_load_idx %arg12[%broadcast_in_dim3A_711] : memref<5024xf32, #tpu.memory_space<vmem>>[vector<16xi32>], vector<16xf32>,
            %gather3A_714 = tpu.vector_load_idx %arg13[%broadcast_in_dim3A_711] : memref<5024xf32, #tpu.memory_space<vmem>>[vector<16xi32>], vector<16xf32>,
            %gather3A_715 = tpu.vector_load_idx %arg14[%broadcast_in_dim3A_711] : memref<5024xf32, #tpu.memory_space<vmem>>[vector<16xi32>], vector<16xf32>,
            %gather3A_716 = tpu.vector_load_idx %arg15[%broadcast_in_dim3A_711] : memref<5024xi32, #tpu.memory_space<vmem>>[vector<16xi32>], vector<16xi32>,
            %eq3A_717 = vector.broadcast %reduce_min3A_707 : i32 to vector<16xi32>
            %eq3A_718 = arith.cmpi eq, %iota3A, %eq3A_717 : vector<16xi32>
            %jit3A_719 = arith.constant -1.000000e+00 : f32
            %broadcast_in_dim3A_720 = vector.broadcast %jit3A_719 : f32 to vector<16xf32>
            %select_n3A_721 = arith.select %eq3A_718, %broadcast_in_dim3A_720, %get3A_694 : vector<16xi1>, vector<16xf32>
            %mul3A_722 = arith.constant 16 : i32
            %mul3A_723 = arith.muli %reduce_min3A_689, %mul3A_722 : i32
            %multiple_of3A_724 = tpu.assume_multiple %mul3A_723, 16 : i32
            %swap3A_725 = arith.index_cast %multiple_of3A_724 : i32 to index
            %swap3A_726 = tpu.vector_load %arg10[%swap3A_725] {strides = array<i32>} : memref<5024xf32, #tpu.memory_space<vmem>>, vector<16xf32>,
            tpu.vector_store %arg10[%swap3A_725], %select_n3A_721 {strides = array<i32>} : memref<5024xf32, #tpu.memory_space<vmem>>, vector<16xf32>,
            %broadcast_in_dim3A_727 = vector.broadcast %reduce_min3A_689 : i32 to vector<16xi32>
            %reduce_max3A_728 = arith.constant true
            %reduce_max3A_729 = vector.broadcast %reduce_max3A_728 : i1 to vector<16xi1>
            %reduce_max3A_730 = tpu.scan <max>, %select_n3A_721 masked %reduce_max3A_729 : vector<16xf32>, vector<16xi1> -> vector<16xf32>
            %reduce_max3A_731 = vector.extract %reduce_max3A_730[15] : f32 from vector<16xf32>
            %broadcast_in_dim3A_732 = vector.broadcast %reduce_max3A_731 : f32 to vector<16xf32>
            tpu.vector_store_idx %arg17[%broadcast_in_dim3A_727], %broadcast_in_dim3A_732 masked %eq3A_4 : memref<320xf32, #tpu.memory_space<vmem>>[vector<16xi32>], vector<16xf32>, vector<16xi1>
            %gt3A_733 = arith.constant 5.000000e-02 : f32
            %gt3A_734 = arith.cmpf ogt, %reduce_max3A_676, %gt3A_733 : f32
            %broadcast_in_dim3A_735 = vector.broadcast %gt3A_734 : i1 to vector<16xi1>
            %min3A = arith.minimumf %gather3A_325, %gather3A_402 : vector<16xf32>
            %max3A = arith.maximumf %gather3A, %gather3A_400 : vector<16xf32>
            %sub3A_736 = arith.subf %min3A, %max3A : vector<16xf32>
            %max3A_737 = arith.constant 0.000000e+00 : f32
            %max3A_738 = vector.broadcast %max3A_737 : f32 to vector<16xf32>
            %max3A_739 = arith.maximumf %sub3A_736, %max3A_738 : vector<16xf32>
            %min3A_740 = arith.minimumf %gather3A_326, %gather3A_403 : vector<16xf32>
            %max3A_741 = arith.maximumf %gather3A_324, %gather3A_401 : vector<16xf32>
            %sub3A_742 = arith.subf %min3A_740, %max3A_741 : vector<16xf32>
            %max3A_743 = arith.constant 0.000000e+00 : f32
            %max3A_744 = vector.broadcast %max3A_743 : f32 to vector<16xf32>
            %max3A_745 = arith.maximumf %sub3A_742, %max3A_744 : vector<16xf32>
            %mul3A_746 = arith.mulf %max3A_739, %max3A_745 : vector<16xf32>
            %sub3A_747 = arith.subf %gather3A_325, %gather3A : vector<16xf32>
            %sub3A_748 = arith.subf %gather3A_326, %gather3A_324 : vector<16xf32>
            %mul3A_749 = arith.mulf %sub3A_747, %sub3A_748 : vector<16xf32>
            %sub3A_750 = arith.subf %gather3A_402, %gather3A_400 : vector<16xf32>
            %sub3A_751 = arith.subf %gather3A_403, %gather3A_401 : vector<16xf32>
            %mul3A_752 = arith.mulf %sub3A_750, %sub3A_751 : vector<16xf32>
            %add3A_753 = arith.addf %mul3A_749, %mul3A_752 : vector<16xf32>
            %sub3A_754 = arith.subf %add3A_753, %mul3A_746 : vector<16xf32>
            %mul3A_755 = arith.constant 3.000000e-01 : f32
            %mul3A_756 = vector.broadcast %mul3A_755 : f32 to vector<16xf32>
            %mul3A_757 = arith.mulf %mul3A_756, %sub3A_754 : vector<16xf32>
            %gt3A_758 = arith.cmpf ogt, %mul3A_746, %mul3A_757 : vector<16xf32>
            %and3A_759 = arith.andi %broadcast_in_dim3A_345, %gt3A_758 : vector<16xi1>
            %not3A = arith.constant dense<true> : vector<16xi1>
            %not3A_760 = arith.xori %and3A_759, %not3A : vector<16xi1>
            %and3A_761 = arith.andi %broadcast_in_dim3A_423, %not3A_760 : vector<16xi1>
            %min3A_762 = arith.minimumf %gather3A_325, %gather3A_480 : vector<16xf32>
            %max3A_763 = arith.maximumf %gather3A, %gather3A_478 : vector<16xf32>
            %sub3A_764 = arith.subf %min3A_762, %max3A_763 : vector<16xf32>
            %max3A_765 = arith.constant 0.000000e+00 : f32
            %max3A_766 = vector.broadcast %max3A_765 : f32 to vector<16xf32>
            %max3A_767 = arith.maximumf %sub3A_764, %max3A_766 : vector<16xf32>
            %min3A_768 = arith.minimumf %gather3A_326, %gather3A_481 : vector<16xf32>
            %max3A_769 = arith.maximumf %gather3A_324, %gather3A_479 : vector<16xf32>
            %sub3A_770 = arith.subf %min3A_768, %max3A_769 : vector<16xf32>
            %max3A_771 = arith.constant 0.000000e+00 : f32
            %max3A_772 = vector.broadcast %max3A_771 : f32 to vector<16xf32>
            %max3A_773 = arith.maximumf %sub3A_770, %max3A_772 : vector<16xf32>
            %mul3A_774 = arith.mulf %max3A_767, %max3A_773 : vector<16xf32>
            %sub3A_775 = arith.subf %gather3A_325, %gather3A : vector<16xf32>
            %sub3A_776 = arith.subf %gather3A_326, %gather3A_324 : vector<16xf32>
            %mul3A_777 = arith.mulf %sub3A_775, %sub3A_776 : vector<16xf32>
            %sub3A_778 = arith.subf %gather3A_480, %gather3A_478 : vector<16xf32>
            %sub3A_779 = arith.subf %gather3A_481, %gather3A_479 : vector<16xf32>
            %mul3A_780 = arith.mulf %sub3A_778, %sub3A_779 : vector<16xf32>
            %add3A_781 = arith.addf %mul3A_777, %mul3A_780 : vector<16xf32>
            %sub3A_782 = arith.subf %add3A_781, %mul3A_774 : vector<16xf32>
            %mul3A_783 = arith.constant 3.000000e-01 : f32
            %mul3A_784 = vector.broadcast %mul3A_783 : f32 to vector<16xf32>
            %mul3A_785 = arith.mulf %mul3A_784, %sub3A_782 : vector<16xf32>
            %gt3A_786 = arith.cmpf ogt, %mul3A_774, %mul3A_785 : vector<16xf32>
            %and3A_787 = arith.andi %broadcast_in_dim3A_345, %gt3A_786 : vector<16xi1>
            %not3A_788 = arith.constant dense<true> : vector<16xi1>
            %not3A_789 = arith.xori %and3A_787, %not3A_788 : vector<16xi1>
            %and3A_790 = arith.andi %broadcast_in_dim3A_501, %not3A_789 : vector<16xi1>
            %min3A_791 = arith.minimumf %gather3A_402, %gather3A_480 : vector<16xf32>
            %max3A_792 = arith.maximumf %gather3A_400, %gather3A_478 : vector<16xf32>
            %sub3A_793 = arith.subf %min3A_791, %max3A_792 : vector<16xf32>
            %max3A_794 = arith.constant 0.000000e+00 : f32
            %max3A_795 = vector.broadcast %max3A_794 : f32 to vector<16xf32>
            %max3A_796 = arith.maximumf %sub3A_793, %max3A_795 : vector<16xf32>
            %min3A_797 = arith.minimumf %gather3A_403, %gather3A_481 : vector<16xf32>
            %max3A_798 = arith.maximumf %gather3A_401, %gather3A_479 : vector<16xf32>
            %sub3A_799 = arith.subf %min3A_797, %max3A_798 : vector<16xf32>
            %max3A_800 = arith.constant 0.000000e+00 : f32
            %max3A_801 = vector.broadcast %max3A_800 : f32 to vector<16xf32>
            %max3A_802 = arith.maximumf %sub3A_799, %max3A_801 : vector<16xf32>
            %mul3A_803 = arith.mulf %max3A_796, %max3A_802 : vector<16xf32>
            %sub3A_804 = arith.subf %gather3A_402, %gather3A_400 : vector<16xf32>
            %sub3A_805 = arith.subf %gather3A_403, %gather3A_401 : vector<16xf32>
            %mul3A_806 = arith.mulf %sub3A_804, %sub3A_805 : vector<16xf32>
            %sub3A_807 = arith.subf %gather3A_480, %gather3A_478 : vector<16xf32>
            %sub3A_808 = arith.subf %gather3A_481, %gather3A_479 : vector<16xf32>
            %mul3A_809 = arith.mulf %sub3A_807, %sub3A_808 : vector<16xf32>
            %add3A_810 = arith.addf %mul3A_806, %mul3A_809 : vector<16xf32>
            %sub3A_811 = arith.subf %add3A_810, %mul3A_803 : vector<16xf32>
            %mul3A_812 = arith.constant 3.000000e-01 : f32
            %mul3A_813 = vector.broadcast %mul3A_812 : f32 to vector<16xf32>
            %mul3A_814 = arith.mulf %mul3A_813, %sub3A_811 : vector<16xf32>
            %gt3A_815 = arith.cmpf ogt, %mul3A_803, %mul3A_814 : vector<16xf32>
            %and3A_816 = arith.andi %and3A_761, %gt3A_815 : vector<16xi1>
            %not3A_817 = arith.constant dense<true> : vector<16xi1>
            %not3A_818 = arith.xori %and3A_816, %not3A_817 : vector<16xi1>
            %and3A_819 = arith.andi %and3A_790, %not3A_818 : vector<16xi1>
            %min3A_820 = arith.minimumf %gather3A_325, %gather3A_558 : vector<16xf32>
            %max3A_821 = arith.maximumf %gather3A, %gather3A_556 : vector<16xf32>
            %sub3A_822 = arith.subf %min3A_820, %max3A_821 : vector<16xf32>
            %max3A_823 = arith.constant 0.000000e+00 : f32
            %max3A_824 = vector.broadcast %max3A_823 : f32 to vector<16xf32>
            %max3A_825 = arith.maximumf %sub3A_822, %max3A_824 : vector<16xf32>
            %min3A_826 = arith.minimumf %gather3A_326, %gather3A_559 : vector<16xf32>
            %max3A_827 = arith.maximumf %gather3A_324, %gather3A_557 : vector<16xf32>
            %sub3A_828 = arith.subf %min3A_826, %max3A_827 : vector<16xf32>
            %max3A_829 = arith.constant 0.000000e+00 : f32
            %max3A_830 = vector.broadcast %max3A_829 : f32 to vector<16xf32>
            %max3A_831 = arith.maximumf %sub3A_828, %max3A_830 : vector<16xf32>
            %mul3A_832 = arith.mulf %max3A_825, %max3A_831 : vector<16xf32>
            %sub3A_833 = arith.subf %gather3A_325, %gather3A : vector<16xf32>
            %sub3A_834 = arith.subf %gather3A_326, %gather3A_324 : vector<16xf32>
            %mul3A_835 = arith.mulf %sub3A_833, %sub3A_834 : vector<16xf32>
            %sub3A_836 = arith.subf %gather3A_558, %gather3A_556 : vector<16xf32>
            %sub3A_837 = arith.subf %gather3A_559, %gather3A_557 : vector<16xf32>
            %mul3A_838 = arith.mulf %sub3A_836, %sub3A_837 : vector<16xf32>
            %add3A_839 = arith.addf %mul3A_835, %mul3A_838 : vector<16xf32>
            %sub3A_840 = arith.subf %add3A_839, %mul3A_832 : vector<16xf32>
            %mul3A_841 = arith.constant 3.000000e-01 : f32
            %mul3A_842 = vector.broadcast %mul3A_841 : f32 to vector<16xf32>
            %mul3A_843 = arith.mulf %mul3A_842, %sub3A_840 : vector<16xf32>
            %gt3A_844 = arith.cmpf ogt, %mul3A_832, %mul3A_843 : vector<16xf32>
            %and3A_845 = arith.andi %broadcast_in_dim3A_345, %gt3A_844 : vector<16xi1>
            %not3A_846 = arith.constant dense<true> : vector<16xi1>
            %not3A_847 = arith.xori %and3A_845, %not3A_846 : vector<16xi1>
            %and3A_848 = arith.andi %broadcast_in_dim3A_579, %not3A_847 : vector<16xi1>
            %min3A_849 = arith.minimumf %gather3A_402, %gather3A_558 : vector<16xf32>
            %max3A_850 = arith.maximumf %gather3A_400, %gather3A_556 : vector<16xf32>
            %sub3A_851 = arith.subf %min3A_849, %max3A_850 : vector<16xf32>
            %max3A_852 = arith.constant 0.000000e+00 : f32
            %max3A_853 = vector.broadcast %max3A_852 : f32 to vector<16xf32>
            %max3A_854 = arith.maximumf %sub3A_851, %max3A_853 : vector<16xf32>
            %min3A_855 = arith.minimumf %gather3A_403, %gather3A_559 : vector<16xf32>
            %max3A_856 = arith.maximumf %gather3A_401, %gather3A_557 : vector<16xf32>
            %sub3A_857 = arith.subf %min3A_855, %max3A_856 : vector<16xf32>
            %max3A_858 = arith.constant 0.000000e+00 : f32
            %max3A_859 = vector.broadcast %max3A_858 : f32 to vector<16xf32>
            %max3A_860 = arith.maximumf %sub3A_857, %max3A_859 : vector<16xf32>
            %mul3A_861 = arith.mulf %max3A_854, %max3A_860 : vector<16xf32>
            %sub3A_862 = arith.subf %gather3A_402, %gather3A_400 : vector<16xf32>
            %sub3A_863 = arith.subf %gather3A_403, %gather3A_401 : vector<16xf32>
            %mul3A_864 = arith.mulf %sub3A_862, %sub3A_863 : vector<16xf32>
            %sub3A_865 = arith.subf %gather3A_558, %gather3A_556 : vector<16xf32>
            %sub3A_866 = arith.subf %gather3A_559, %gather3A_557 : vector<16xf32>
            %mul3A_867 = arith.mulf %sub3A_865, %sub3A_866 : vector<16xf32>
            %add3A_868 = arith.addf %mul3A_864, %mul3A_867 : vector<16xf32>
            %sub3A_869 = arith.subf %add3A_868, %mul3A_861 : vector<16xf32>
            %mul3A_870 = arith.constant 3.000000e-01 : f32
            %mul3A_871 = vector.broadcast %mul3A_870 : f32 to vector<16xf32>
            %mul3A_872 = arith.mulf %mul3A_871, %sub3A_869 : vector<16xf32>
            %gt3A_873 = arith.cmpf ogt, %mul3A_861, %mul3A_872 : vector<16xf32>
            %and3A_874 = arith.andi %and3A_761, %gt3A_873 : vector<16xi1>
            %not3A_875 = arith.constant dense<true> : vector<16xi1>
            %not3A_876 = arith.xori %and3A_874, %not3A_875 : vector<16xi1>
            %and3A_877 = arith.andi %and3A_848, %not3A_876 : vector<16xi1>
            %min3A_878 = arith.minimumf %gather3A_480, %gather3A_558 : vector<16xf32>
            %max3A_879 = arith.maximumf %gather3A_478, %gather3A_556 : vector<16xf32>
            %sub3A_880 = arith.subf %min3A_878, %max3A_879 : vector<16xf32>
            %max3A_881 = arith.constant 0.000000e+00 : f32
            %max3A_882 = vector.broadcast %max3A_881 : f32 to vector<16xf32>
            %max3A_883 = arith.maximumf %sub3A_880, %max3A_882 : vector<16xf32>
            %min3A_884 = arith.minimumf %gather3A_481, %gather3A_559 : vector<16xf32>
            %max3A_885 = arith.maximumf %gather3A_479, %gather3A_557 : vector<16xf32>
            %sub3A_886 = arith.subf %min3A_884, %max3A_885 : vector<16xf32>
            %max3A_887 = arith.constant 0.000000e+00 : f32
            %max3A_888 = vector.broadcast %max3A_887 : f32 to vector<16xf32>
            %max3A_889 = arith.maximumf %sub3A_886, %max3A_888 : vector<16xf32>
            %mul3A_890 = arith.mulf %max3A_883, %max3A_889 : vector<16xf32>
            %sub3A_891 = arith.subf %gather3A_480, %gather3A_478 : vector<16xf32>
            %sub3A_892 = arith.subf %gather3A_481, %gather3A_479 : vector<16xf32>
            %mul3A_893 = arith.mulf %sub3A_891, %sub3A_892 : vector<16xf32>
            %sub3A_894 = arith.subf %gather3A_558, %gather3A_556 : vector<16xf32>
            %sub3A_895 = arith.subf %gather3A_559, %gather3A_557 : vector<16xf32>
            %mul3A_896 = arith.mulf %sub3A_894, %sub3A_895 : vector<16xf32>
            %add3A_897 = arith.addf %mul3A_893, %mul3A_896 : vector<16xf32>
            %sub3A_898 = arith.subf %add3A_897, %mul3A_890 : vector<16xf32>
            %mul3A_899 = arith.constant 3.000000e-01 : f32
            %mul3A_900 = vector.broadcast %mul3A_899 : f32 to vector<16xf32>
            %mul3A_901 = arith.mulf %mul3A_900, %sub3A_898 : vector<16xf32>
            %gt3A_902 = arith.cmpf ogt, %mul3A_890, %mul3A_901 : vector<16xf32>
            %and3A_903 = arith.andi %and3A_819, %gt3A_902 : vector<16xi1>
            %not3A_904 = arith.constant dense<true> : vector<16xi1>
            %not3A_905 = arith.xori %and3A_903, %not3A_904 : vector<16xi1>
            %and3A_906 = arith.andi %and3A_877, %not3A_905 : vector<16xi1>
            %min3A_907 = arith.minimumf %gather3A_325, %gather3A_636 : vector<16xf32>
            %max3A_908 = arith.maximumf %gather3A, %gather3A_634 : vector<16xf32>
            %sub3A_909 = arith.subf %min3A_907, %max3A_908 : vector<16xf32>
            %max3A_910 = arith.constant 0.000000e+00 : f32
            %max3A_911 = vector.broadcast %max3A_910 : f32 to vector<16xf32>
            %max3A_912 = arith.maximumf %sub3A_909, %max3A_911 : vector<16xf32>
            %min3A_913 = arith.minimumf %gather3A_326, %gather3A_637 : vector<16xf32>
            %max3A_914 = arith.maximumf %gather3A_324, %gather3A_635 : vector<16xf32>
            %sub3A_915 = arith.subf %min3A_913, %max3A_914 : vector<16xf32>
            %max3A_916 = arith.constant 0.000000e+00 : f32
            %max3A_917 = vector.broadcast %max3A_916 : f32 to vector<16xf32>
            %max3A_918 = arith.maximumf %sub3A_915, %max3A_917 : vector<16xf32>
            %mul3A_919 = arith.mulf %max3A_912, %max3A_918 : vector<16xf32>
            %sub3A_920 = arith.subf %gather3A_325, %gather3A : vector<16xf32>
            %sub3A_921 = arith.subf %gather3A_326, %gather3A_324 : vector<16xf32>
            %mul3A_922 = arith.mulf %sub3A_920, %sub3A_921 : vector<16xf32>
            %sub3A_923 = arith.subf %gather3A_636, %gather3A_634 : vector<16xf32>
            %sub3A_924 = arith.subf %gather3A_637, %gather3A_635 : vector<16xf32>
            %mul3A_925 = arith.mulf %sub3A_923, %sub3A_924 : vector<16xf32>
            %add3A_926 = arith.addf %mul3A_922, %mul3A_925 : vector<16xf32>
            %sub3A_927 = arith.subf %add3A_926, %mul3A_919 : vector<16xf32>
            %mul3A_928 = arith.constant 3.000000e-01 : f32
            %mul3A_929 = vector.broadcast %mul3A_928 : f32 to vector<16xf32>
            %mul3A_930 = arith.mulf %mul3A_929, %sub3A_927 : vector<16xf32>
            %gt3A_931 = arith.cmpf ogt, %mul3A_919, %mul3A_930 : vector<16xf32>
            %and3A_932 = arith.andi %broadcast_in_dim3A_345, %gt3A_931 : vector<16xi1>
            %not3A_933 = arith.constant dense<true> : vector<16xi1>
            %not3A_934 = arith.xori %and3A_932, %not3A_933 : vector<16xi1>
            %and3A_935 = arith.andi %broadcast_in_dim3A_657, %not3A_934 : vector<16xi1>
            %min3A_936 = arith.minimumf %gather3A_402, %gather3A_636 : vector<16xf32>
            %max3A_937 = arith.maximumf %gather3A_400, %gather3A_634 : vector<16xf32>
            %sub3A_938 = arith.subf %min3A_936, %max3A_937 : vector<16xf32>
            %max3A_939 = arith.constant 0.000000e+00 : f32
            %max3A_940 = vector.broadcast %max3A_939 : f32 to vector<16xf32>
            %max3A_941 = arith.maximumf %sub3A_938, %max3A_940 : vector<16xf32>
            %min3A_942 = arith.minimumf %gather3A_403, %gather3A_637 : vector<16xf32>
            %max3A_943 = arith.maximumf %gather3A_401, %gather3A_635 : vector<16xf32>
            %sub3A_944 = arith.subf %min3A_942, %max3A_943 : vector<16xf32>
            %max3A_945 = arith.constant 0.000000e+00 : f32
            %max3A_946 = vector.broadcast %max3A_945 : f32 to vector<16xf32>
            %max3A_947 = arith.maximumf %sub3A_944, %max3A_946 : vector<16xf32>
            %mul3A_948 = arith.mulf %max3A_941, %max3A_947 : vector<16xf32>
            %sub3A_949 = arith.subf %gather3A_402, %gather3A_400 : vector<16xf32>
            %sub3A_950 = arith.subf %gather3A_403, %gather3A_401 : vector<16xf32>
            %mul3A_951 = arith.mulf %sub3A_949, %sub3A_950 : vector<16xf32>
            %sub3A_952 = arith.subf %gather3A_636, %gather3A_634 : vector<16xf32>
            %sub3A_953 = arith.subf %gather3A_637, %gather3A_635 : vector<16xf32>
            %mul3A_954 = arith.mulf %sub3A_952, %sub3A_953 : vector<16xf32>
            %add3A_955 = arith.addf %mul3A_951, %mul3A_954 : vector<16xf32>
            %sub3A_956 = arith.subf %add3A_955, %mul3A_948 : vector<16xf32>
            %mul3A_957 = arith.constant 3.000000e-01 : f32
            %mul3A_958 = vector.broadcast %mul3A_957 : f32 to vector<16xf32>
            %mul3A_959 = arith.mulf %mul3A_958, %sub3A_956 : vector<16xf32>
            %gt3A_960 = arith.cmpf ogt, %mul3A_948, %mul3A_959 : vector<16xf32>
            %and3A_961 = arith.andi %and3A_761, %gt3A_960 : vector<16xi1>
            %not3A_962 = arith.constant dense<true> : vector<16xi1>
            %not3A_963 = arith.xori %and3A_961, %not3A_962 : vector<16xi1>
            %and3A_964 = arith.andi %and3A_935, %not3A_963 : vector<16xi1>
            %min3A_965 = arith.minimumf %gather3A_480, %gather3A_636 : vector<16xf32>
            %max3A_966 = arith.maximumf %gather3A_478, %gather3A_634 : vector<16xf32>
            %sub3A_967 = arith.subf %min3A_965, %max3A_966 : vector<16xf32>
            %max3A_968 = arith.constant 0.000000e+00 : f32
            %max3A_969 = vector.broadcast %max3A_968 : f32 to vector<16xf32>
            %max3A_970 = arith.maximumf %sub3A_967, %max3A_969 : vector<16xf32>
            %min3A_971 = arith.minimumf %gather3A_481, %gather3A_637 : vector<16xf32>
            %max3A_972 = arith.maximumf %gather3A_479, %gather3A_635 : vector<16xf32>
            %sub3A_973 = arith.subf %min3A_971, %max3A_972 : vector<16xf32>
            %max3A_974 = arith.constant 0.000000e+00 : f32
            %max3A_975 = vector.broadcast %max3A_974 : f32 to vector<16xf32>
            %max3A_976 = arith.maximumf %sub3A_973, %max3A_975 : vector<16xf32>
            %mul3A_977 = arith.mulf %max3A_970, %max3A_976 : vector<16xf32>
            %sub3A_978 = arith.subf %gather3A_480, %gather3A_478 : vector<16xf32>
            %sub3A_979 = arith.subf %gather3A_481, %gather3A_479 : vector<16xf32>
            %mul3A_980 = arith.mulf %sub3A_978, %sub3A_979 : vector<16xf32>
            %sub3A_981 = arith.subf %gather3A_636, %gather3A_634 : vector<16xf32>
            %sub3A_982 = arith.subf %gather3A_637, %gather3A_635 : vector<16xf32>
            %mul3A_983 = arith.mulf %sub3A_981, %sub3A_982 : vector<16xf32>
            %add3A_984 = arith.addf %mul3A_980, %mul3A_983 : vector<16xf32>
            %sub3A_985 = arith.subf %add3A_984, %mul3A_977 : vector<16xf32>
            %mul3A_986 = arith.constant 3.000000e-01 : f32
            %mul3A_987 = vector.broadcast %mul3A_986 : f32 to vector<16xf32>
            %mul3A_988 = arith.mulf %mul3A_987, %sub3A_985 : vector<16xf32>
            %gt3A_989 = arith.cmpf ogt, %mul3A_977, %mul3A_988 : vector<16xf32>
            %and3A_990 = arith.andi %and3A_819, %gt3A_989 : vector<16xi1>
            %not3A_991 = arith.constant dense<true> : vector<16xi1>
            %not3A_992 = arith.xori %and3A_990, %not3A_991 : vector<16xi1>
            %and3A_993 = arith.andi %and3A_964, %not3A_992 : vector<16xi1>
            %min3A_994 = arith.minimumf %gather3A_558, %gather3A_636 : vector<16xf32>
            %max3A_995 = arith.maximumf %gather3A_556, %gather3A_634 : vector<16xf32>
            %sub3A_996 = arith.subf %min3A_994, %max3A_995 : vector<16xf32>
            %max3A_997 = arith.constant 0.000000e+00 : f32
            %max3A_998 = vector.broadcast %max3A_997 : f32 to vector<16xf32>
            %max3A_999 = arith.maximumf %sub3A_996, %max3A_998 : vector<16xf32>
            %min3A_1000 = arith.minimumf %gather3A_559, %gather3A_637 : vector<16xf32>
            %max3A_1001 = arith.maximumf %gather3A_557, %gather3A_635 : vector<16xf32>
            %sub3A_1002 = arith.subf %min3A_1000, %max3A_1001 : vector<16xf32>
            %max3A_1003 = arith.constant 0.000000e+00 : f32
            %max3A_1004 = vector.broadcast %max3A_1003 : f32 to vector<16xf32>
            %max3A_1005 = arith.maximumf %sub3A_1002, %max3A_1004 : vector<16xf32>
            %mul3A_1006 = arith.mulf %max3A_999, %max3A_1005 : vector<16xf32>
            %sub3A_1007 = arith.subf %gather3A_558, %gather3A_556 : vector<16xf32>
            %sub3A_1008 = arith.subf %gather3A_559, %gather3A_557 : vector<16xf32>
            %mul3A_1009 = arith.mulf %sub3A_1007, %sub3A_1008 : vector<16xf32>
            %sub3A_1010 = arith.subf %gather3A_636, %gather3A_634 : vector<16xf32>
            %sub3A_1011 = arith.subf %gather3A_637, %gather3A_635 : vector<16xf32>
            %mul3A_1012 = arith.mulf %sub3A_1010, %sub3A_1011 : vector<16xf32>
            %add3A_1013 = arith.addf %mul3A_1009, %mul3A_1012 : vector<16xf32>
            %sub3A_1014 = arith.subf %add3A_1013, %mul3A_1006 : vector<16xf32>
            %mul3A_1015 = arith.constant 3.000000e-01 : f32
            %mul3A_1016 = vector.broadcast %mul3A_1015 : f32 to vector<16xf32>
            %mul3A_1017 = arith.mulf %mul3A_1016, %sub3A_1014 : vector<16xf32>
            %gt3A_1018 = arith.cmpf ogt, %mul3A_1006, %mul3A_1017 : vector<16xf32>
            %and3A_1019 = arith.andi %and3A_906, %gt3A_1018 : vector<16xi1>
            %not3A_1020 = arith.constant dense<true> : vector<16xi1>
            %not3A_1021 = arith.xori %and3A_1019, %not3A_1020 : vector<16xi1>
            %and3A_1022 = arith.andi %and3A_993, %not3A_1021 : vector<16xi1>
            %min3A_1023 = arith.minimumf %gather3A_325, %gather3A_714 : vector<16xf32>
            %max3A_1024 = arith.maximumf %gather3A, %gather3A_712 : vector<16xf32>
            %sub3A_1025 = arith.subf %min3A_1023, %max3A_1024 : vector<16xf32>
            %max3A_1026 = arith.constant 0.000000e+00 : f32
            %max3A_1027 = vector.broadcast %max3A_1026 : f32 to vector<16xf32>
            %max3A_1028 = arith.maximumf %sub3A_1025, %max3A_1027 : vector<16xf32>
            %min3A_1029 = arith.minimumf %gather3A_326, %gather3A_715 : vector<16xf32>
            %max3A_1030 = arith.maximumf %gather3A_324, %gather3A_713 : vector<16xf32>
            %sub3A_1031 = arith.subf %min3A_1029, %max3A_1030 : vector<16xf32>
            %max3A_1032 = arith.constant 0.000000e+00 : f32
            %max3A_1033 = vector.broadcast %max3A_1032 : f32 to vector<16xf32>
            %max3A_1034 = arith.maximumf %sub3A_1031, %max3A_1033 : vector<16xf32>
            %mul3A_1035 = arith.mulf %max3A_1028, %max3A_1034 : vector<16xf32>
            %sub3A_1036 = arith.subf %gather3A_325, %gather3A : vector<16xf32>
            %sub3A_1037 = arith.subf %gather3A_326, %gather3A_324 : vector<16xf32>
            %mul3A_1038 = arith.mulf %sub3A_1036, %sub3A_1037 : vector<16xf32>
            %sub3A_1039 = arith.subf %gather3A_714, %gather3A_712 : vector<16xf32>
            %sub3A_1040 = arith.subf %gather3A_715, %gather3A_713 : vector<16xf32>
            %mul3A_1041 = arith.mulf %sub3A_1039, %sub3A_1040 : vector<16xf32>
            %add3A_1042 = arith.addf %mul3A_1038, %mul3A_1041 : vector<16xf32>
            %sub3A_1043 = arith.subf %add3A_1042, %mul3A_1035 : vector<16xf32>
            %mul3A_1044 = arith.constant 3.000000e-01 : f32
            %mul3A_1045 = vector.broadcast %mul3A_1044 : f32 to vector<16xf32>
            %mul3A_1046 = arith.mulf %mul3A_1045, %sub3A_1043 : vector<16xf32>
            %gt3A_1047 = arith.cmpf ogt, %mul3A_1035, %mul3A_1046 : vector<16xf32>
            %and3A_1048 = arith.andi %broadcast_in_dim3A_345, %gt3A_1047 : vector<16xi1>
            %not3A_1049 = arith.constant dense<true> : vector<16xi1>
            %not3A_1050 = arith.xori %and3A_1048, %not3A_1049 : vector<16xi1>
            %and3A_1051 = arith.andi %broadcast_in_dim3A_735, %not3A_1050 : vector<16xi1>
            %min3A_1052 = arith.minimumf %gather3A_402, %gather3A_714 : vector<16xf32>
            %max3A_1053 = arith.maximumf %gather3A_400, %gather3A_712 : vector<16xf32>
            %sub3A_1054 = arith.subf %min3A_1052, %max3A_1053 : vector<16xf32>
            %max3A_1055 = arith.constant 0.000000e+00 : f32
            %max3A_1056 = vector.broadcast %max3A_1055 : f32 to vector<16xf32>
            %max3A_1057 = arith.maximumf %sub3A_1054, %max3A_1056 : vector<16xf32>
            %min3A_1058 = arith.minimumf %gather3A_403, %gather3A_715 : vector<16xf32>
            %max3A_1059 = arith.maximumf %gather3A_401, %gather3A_713 : vector<16xf32>
            %sub3A_1060 = arith.subf %min3A_1058, %max3A_1059 : vector<16xf32>
            %max3A_1061 = arith.constant 0.000000e+00 : f32
            %max3A_1062 = vector.broadcast %max3A_1061 : f32 to vector<16xf32>
            %max3A_1063 = arith.maximumf %sub3A_1060, %max3A_1062 : vector<16xf32>
            %mul3A_1064 = arith.mulf %max3A_1057, %max3A_1063 : vector<16xf32>
            %sub3A_1065 = arith.subf %gather3A_402, %gather3A_400 : vector<16xf32>
            %sub3A_1066 = arith.subf %gather3A_403, %gather3A_401 : vector<16xf32>
            %mul3A_1067 = arith.mulf %sub3A_1065, %sub3A_1066 : vector<16xf32>
            %sub3A_1068 = arith.subf %gather3A_714, %gather3A_712 : vector<16xf32>
            %sub3A_1069 = arith.subf %gather3A_715, %gather3A_713 : vector<16xf32>
            %mul3A_1070 = arith.mulf %sub3A_1068, %sub3A_1069 : vector<16xf32>
            %add3A_1071 = arith.addf %mul3A_1067, %mul3A_1070 : vector<16xf32>
            %sub3A_1072 = arith.subf %add3A_1071, %mul3A_1064 : vector<16xf32>
            %mul3A_1073 = arith.constant 3.000000e-01 : f32
            %mul3A_1074 = vector.broadcast %mul3A_1073 : f32 to vector<16xf32>
            %mul3A_1075 = arith.mulf %mul3A_1074, %sub3A_1072 : vector<16xf32>
            %gt3A_1076 = arith.cmpf ogt, %mul3A_1064, %mul3A_1075 : vector<16xf32>
            %and3A_1077 = arith.andi %and3A_761, %gt3A_1076 : vector<16xi1>
            %not3A_1078 = arith.constant dense<true> : vector<16xi1>
            %not3A_1079 = arith.xori %and3A_1077, %not3A_1078 : vector<16xi1>
            %and3A_1080 = arith.andi %and3A_1051, %not3A_1079 : vector<16xi1>
            %min3A_1081 = arith.minimumf %gather3A_480, %gather3A_714 : vector<16xf32>
            %max3A_1082 = arith.maximumf %gather3A_478, %gather3A_712 : vector<16xf32>
            %sub3A_1083 = arith.subf %min3A_1081, %max3A_1082 : vector<16xf32>
            %max3A_1084 = arith.constant 0.000000e+00 : f32
            %max3A_1085 = vector.broadcast %max3A_1084 : f32 to vector<16xf32>
            %max3A_1086 = arith.maximumf %sub3A_1083, %max3A_1085 : vector<16xf32>
            %min3A_1087 = arith.minimumf %gather3A_481, %gather3A_715 : vector<16xf32>
            %max3A_1088 = arith.maximumf %gather3A_479, %gather3A_713 : vector<16xf32>
            %sub3A_1089 = arith.subf %min3A_1087, %max3A_1088 : vector<16xf32>
            %max3A_1090 = arith.constant 0.000000e+00 : f32
            %max3A_1091 = vector.broadcast %max3A_1090 : f32 to vector<16xf32>
            %max3A_1092 = arith.maximumf %sub3A_1089, %max3A_1091 : vector<16xf32>
            %mul3A_1093 = arith.mulf %max3A_1086, %max3A_1092 : vector<16xf32>
            %sub3A_1094 = arith.subf %gather3A_480, %gather3A_478 : vector<16xf32>
            %sub3A_1095 = arith.subf %gather3A_481, %gather3A_479 : vector<16xf32>
            %mul3A_1096 = arith.mulf %sub3A_1094, %sub3A_1095 : vector<16xf32>
            %sub3A_1097 = arith.subf %gather3A_714, %gather3A_712 : vector<16xf32>
            %sub3A_1098 = arith.subf %gather3A_715, %gather3A_713 : vector<16xf32>
            %mul3A_1099 = arith.mulf %sub3A_1097, %sub3A_1098 : vector<16xf32>
            %add3A_1100 = arith.addf %mul3A_1096, %mul3A_1099 : vector<16xf32>
            %sub3A_1101 = arith.subf %add3A_1100, %mul3A_1093 : vector<16xf32>
            %mul3A_1102 = arith.constant 3.000000e-01 : f32
            %mul3A_1103 = vector.broadcast %mul3A_1102 : f32 to vector<16xf32>
            %mul3A_1104 = arith.mulf %mul3A_1103, %sub3A_1101 : vector<16xf32>
            %gt3A_1105 = arith.cmpf ogt, %mul3A_1093, %mul3A_1104 : vector<16xf32>
            %and3A_1106 = arith.andi %and3A_819, %gt3A_1105 : vector<16xi1>
            %not3A_1107 = arith.constant dense<true> : vector<16xi1>
            %not3A_1108 = arith.xori %and3A_1106, %not3A_1107 : vector<16xi1>
            %and3A_1109 = arith.andi %and3A_1080, %not3A_1108 : vector<16xi1>
            %min3A_1110 = arith.minimumf %gather3A_558, %gather3A_714 : vector<16xf32>
            %max3A_1111 = arith.maximumf %gather3A_556, %gather3A_712 : vector<16xf32>
            %sub3A_1112 = arith.subf %min3A_1110, %max3A_1111 : vector<16xf32>
            %max3A_1113 = arith.constant 0.000000e+00 : f32
            %max3A_1114 = vector.broadcast %max3A_1113 : f32 to vector<16xf32>
            %max3A_1115 = arith.maximumf %sub3A_1112, %max3A_1114 : vector<16xf32>
            %min3A_1116 = arith.minimumf %gather3A_559, %gather3A_715 : vector<16xf32>
            %max3A_1117 = arith.maximumf %gather3A_557, %gather3A_713 : vector<16xf32>
            %sub3A_1118 = arith.subf %min3A_1116, %max3A_1117 : vector<16xf32>
            %max3A_1119 = arith.constant 0.000000e+00 : f32
            %max3A_1120 = vector.broadcast %max3A_1119 : f32 to vector<16xf32>
            %max3A_1121 = arith.maximumf %sub3A_1118, %max3A_1120 : vector<16xf32>
            %mul3A_1122 = arith.mulf %max3A_1115, %max3A_1121 : vector<16xf32>
            %sub3A_1123 = arith.subf %gather3A_558, %gather3A_556 : vector<16xf32>
            %sub3A_1124 = arith.subf %gather3A_559, %gather3A_557 : vector<16xf32>
            %mul3A_1125 = arith.mulf %sub3A_1123, %sub3A_1124 : vector<16xf32>
            %sub3A_1126 = arith.subf %gather3A_714, %gather3A_712 : vector<16xf32>
            %sub3A_1127 = arith.subf %gather3A_715, %gather3A_713 : vector<16xf32>
            %mul3A_1128 = arith.mulf %sub3A_1126, %sub3A_1127 : vector<16xf32>
            %add3A_1129 = arith.addf %mul3A_1125, %mul3A_1128 : vector<16xf32>
            %sub3A_1130 = arith.subf %add3A_1129, %mul3A_1122 : vector<16xf32>
            %mul3A_1131 = arith.constant 3.000000e-01 : f32
            %mul3A_1132 = vector.broadcast %mul3A_1131 : f32 to vector<16xf32>
            %mul3A_1133 = arith.mulf %mul3A_1132, %sub3A_1130 : vector<16xf32>
            %gt3A_1134 = arith.cmpf ogt, %mul3A_1122, %mul3A_1133 : vector<16xf32>
            %and3A_1135 = arith.andi %and3A_906, %gt3A_1134 : vector<16xi1>
            %not3A_1136 = arith.constant dense<true> : vector<16xi1>
            %not3A_1137 = arith.xori %and3A_1135, %not3A_1136 : vector<16xi1>
            %and3A_1138 = arith.andi %and3A_1109, %not3A_1137 : vector<16xi1>
            %min3A_1139 = arith.minimumf %gather3A_636, %gather3A_714 : vector<16xf32>
            %max3A_1140 = arith.maximumf %gather3A_634, %gather3A_712 : vector<16xf32>
            %sub3A_1141 = arith.subf %min3A_1139, %max3A_1140 : vector<16xf32>
            %max3A_1142 = arith.constant 0.000000e+00 : f32
            %max3A_1143 = vector.broadcast %max3A_1142 : f32 to vector<16xf32>
            %max3A_1144 = arith.maximumf %sub3A_1141, %max3A_1143 : vector<16xf32>
            %min3A_1145 = arith.minimumf %gather3A_637, %gather3A_715 : vector<16xf32>
            %max3A_1146 = arith.maximumf %gather3A_635, %gather3A_713 : vector<16xf32>
            %sub3A_1147 = arith.subf %min3A_1145, %max3A_1146 : vector<16xf32>
            %max3A_1148 = arith.constant 0.000000e+00 : f32
            %max3A_1149 = vector.broadcast %max3A_1148 : f32 to vector<16xf32>
            %max3A_1150 = arith.maximumf %sub3A_1147, %max3A_1149 : vector<16xf32>
            %mul3A_1151 = arith.mulf %max3A_1144, %max3A_1150 : vector<16xf32>
            %sub3A_1152 = arith.subf %gather3A_636, %gather3A_634 : vector<16xf32>
            %sub3A_1153 = arith.subf %gather3A_637, %gather3A_635 : vector<16xf32>
            %mul3A_1154 = arith.mulf %sub3A_1152, %sub3A_1153 : vector<16xf32>
            %sub3A_1155 = arith.subf %gather3A_714, %gather3A_712 : vector<16xf32>
            %sub3A_1156 = arith.subf %gather3A_715, %gather3A_713 : vector<16xf32>
            %mul3A_1157 = arith.mulf %sub3A_1155, %sub3A_1156 : vector<16xf32>
            %add3A_1158 = arith.addf %mul3A_1154, %mul3A_1157 : vector<16xf32>
            %sub3A_1159 = arith.subf %add3A_1158, %mul3A_1151 : vector<16xf32>
            %mul3A_1160 = arith.constant 3.000000e-01 : f32
            %mul3A_1161 = vector.broadcast %mul3A_1160 : f32 to vector<16xf32>
            %mul3A_1162 = arith.mulf %mul3A_1161, %sub3A_1159 : vector<16xf32>
            %gt3A_1163 = arith.cmpf ogt, %mul3A_1151, %mul3A_1162 : vector<16xf32>
            %and3A_1164 = arith.andi %and3A_1022, %gt3A_1163 : vector<16xi1>
            %not3A_1165 = arith.constant dense<true> : vector<16xi1>
            %not3A_1166 = arith.xori %and3A_1164, %not3A_1165 : vector<16xi1>
            %and3A_1167 = arith.andi %and3A_1138, %not3A_1166 : vector<16xi1>
            %and3A_1168 = arith.andi %eq3A_4, %broadcast_in_dim3A_345 : vector<16xi1>
            tpu.vector_store_idx %arg18[%gather3A_327], %gather3A masked %and3A_1168 : memref<5024xf32, #tpu.memory_space<vmem>>[vector<16xi32>], vector<16xf32>, vector<16xi1>
            tpu.vector_store_idx %arg19[%gather3A_327], %gather3A_324 masked %and3A_1168 : memref<5024xf32, #tpu.memory_space<vmem>>[vector<16xi32>], vector<16xf32>, vector<16xi1>
            tpu.vector_store_idx %arg20[%gather3A_327], %gather3A_325 masked %and3A_1168 : memref<5024xf32, #tpu.memory_space<vmem>>[vector<16xi32>], vector<16xf32>, vector<16xi1>
            tpu.vector_store_idx %arg21[%gather3A_327], %gather3A_326 masked %and3A_1168 : memref<5024xf32, #tpu.memory_space<vmem>>[vector<16xi32>], vector<16xf32>, vector<16xi1>
            %broadcast_in_dim3A_1169 = vector.broadcast %reduce_max3A_291 : f32 to vector<16xf32>
            tpu.vector_store_idx %arg22[%gather3A_327], %broadcast_in_dim3A_1169 masked %and3A_1168 : memref<5024xf32, #tpu.memory_space<vmem>>[vector<16xi32>], vector<16xf32>, vector<16xi1>
            %jit3A_1170 = arith.constant 0.000000e+00 : f32
            %broadcast_in_dim3A_1171 = vector.broadcast %jit3A_1170 : f32 to vector<16xf32>
            %select_n3A_1172 = arith.select %broadcast_in_dim3A_345, %gather3A, %broadcast_in_dim3A_1171 : vector<16xi1>, vector<16xf32>
            %jit3A_1173 = arith.constant 0.000000e+00 : f32
            %broadcast_in_dim3A_1174 = vector.broadcast %jit3A_1173 : f32 to vector<16xf32>
            %select_n3A_1175 = arith.select %broadcast_in_dim3A_345, %gather3A_324, %broadcast_in_dim3A_1174 : vector<16xi1>, vector<16xf32>
            %jit3A_1176 = arith.constant 0.000000e+00 : f32
            %broadcast_in_dim3A_1177 = vector.broadcast %jit3A_1176 : f32 to vector<16xf32>
            %select_n3A_1178 = arith.select %broadcast_in_dim3A_345, %gather3A_325, %broadcast_in_dim3A_1177 : vector<16xi1>, vector<16xf32>
            %jit3A_1179 = arith.constant 0.000000e+00 : f32
            %broadcast_in_dim3A_1180 = vector.broadcast %jit3A_1179 : f32 to vector<16xf32>
            %select_n3A_1181 = arith.select %broadcast_in_dim3A_345, %gather3A_326, %broadcast_in_dim3A_1180 : vector<16xi1>, vector<16xf32>
            %and3A_1182 = arith.andi %eq3A_4, %and3A_761 : vector<16xi1>
            tpu.vector_store_idx %arg18[%gather3A_404], %gather3A_400 masked %and3A_1182 : memref<5024xf32, #tpu.memory_space<vmem>>[vector<16xi32>], vector<16xf32>, vector<16xi1>
            tpu.vector_store_idx %arg19[%gather3A_404], %gather3A_401 masked %and3A_1182 : memref<5024xf32, #tpu.memory_space<vmem>>[vector<16xi32>], vector<16xf32>, vector<16xi1>
            tpu.vector_store_idx %arg20[%gather3A_404], %gather3A_402 masked %and3A_1182 : memref<5024xf32, #tpu.memory_space<vmem>>[vector<16xi32>], vector<16xf32>, vector<16xi1>
            tpu.vector_store_idx %arg21[%gather3A_404], %gather3A_403 masked %and3A_1182 : memref<5024xf32, #tpu.memory_space<vmem>>[vector<16xi32>], vector<16xf32>, vector<16xi1>
            %broadcast_in_dim3A_1183 = vector.broadcast %reduce_max3A_364 : f32 to vector<16xf32>
            tpu.vector_store_idx %arg22[%gather3A_404], %broadcast_in_dim3A_1183 masked %and3A_1182 : memref<5024xf32, #tpu.memory_space<vmem>>[vector<16xi32>], vector<16xf32>, vector<16xi1>
            %jit3A_1184 = arith.constant 0.000000e+00 : f32
            %broadcast_in_dim3A_1185 = vector.broadcast %jit3A_1184 : f32 to vector<16xf32>
            %select_n3A_1186 = arith.select %and3A_761, %gather3A_400, %broadcast_in_dim3A_1185 : vector<16xi1>, vector<16xf32>
            %jit3A_1187 = arith.constant 0.000000e+00 : f32
            %broadcast_in_dim3A_1188 = vector.broadcast %jit3A_1187 : f32 to vector<16xf32>
            %select_n3A_1189 = arith.select %and3A_761, %gather3A_401, %broadcast_in_dim3A_1188 : vector<16xi1>, vector<16xf32>
            %jit3A_1190 = arith.constant 0.000000e+00 : f32
            %broadcast_in_dim3A_1191 = vector.broadcast %jit3A_1190 : f32 to vector<16xf32>
            %select_n3A_1192 = arith.select %and3A_761, %gather3A_402, %broadcast_in_dim3A_1191 : vector<16xi1>, vector<16xf32>
            %jit3A_1193 = arith.constant 0.000000e+00 : f32
            %broadcast_in_dim3A_1194 = vector.broadcast %jit3A_1193 : f32 to vector<16xf32>
            %select_n3A_1195 = arith.select %and3A_761, %gather3A_403, %broadcast_in_dim3A_1194 : vector<16xi1>, vector<16xf32>
            %and3A_1196 = arith.andi %eq3A_4, %and3A_819 : vector<16xi1>
            tpu.vector_store_idx %arg18[%gather3A_482], %gather3A_478 masked %and3A_1196 : memref<5024xf32, #tpu.memory_space<vmem>>[vector<16xi32>], vector<16xf32>, vector<16xi1>
            tpu.vector_store_idx %arg19[%gather3A_482], %gather3A_479 masked %and3A_1196 : memref<5024xf32, #tpu.memory_space<vmem>>[vector<16xi32>], vector<16xf32>, vector<16xi1>
            tpu.vector_store_idx %arg20[%gather3A_482], %gather3A_480 masked %and3A_1196 : memref<5024xf32, #tpu.memory_space<vmem>>[vector<16xi32>], vector<16xf32>, vector<16xi1>
            tpu.vector_store_idx %arg21[%gather3A_482], %gather3A_481 masked %and3A_1196 : memref<5024xf32, #tpu.memory_space<vmem>>[vector<16xi32>], vector<16xf32>, vector<16xi1>
            %broadcast_in_dim3A_1197 = vector.broadcast %reduce_max3A_442 : f32 to vector<16xf32>
            tpu.vector_store_idx %arg22[%gather3A_482], %broadcast_in_dim3A_1197 masked %and3A_1196 : memref<5024xf32, #tpu.memory_space<vmem>>[vector<16xi32>], vector<16xf32>, vector<16xi1>
            %jit3A_1198 = arith.constant 0.000000e+00 : f32
            %broadcast_in_dim3A_1199 = vector.broadcast %jit3A_1198 : f32 to vector<16xf32>
            %select_n3A_1200 = arith.select %and3A_819, %gather3A_478, %broadcast_in_dim3A_1199 : vector<16xi1>, vector<16xf32>
            %jit3A_1201 = arith.constant 0.000000e+00 : f32
            %broadcast_in_dim3A_1202 = vector.broadcast %jit3A_1201 : f32 to vector<16xf32>
            %select_n3A_1203 = arith.select %and3A_819, %gather3A_479, %broadcast_in_dim3A_1202 : vector<16xi1>, vector<16xf32>
            %jit3A_1204 = arith.constant 0.000000e+00 : f32
            %broadcast_in_dim3A_1205 = vector.broadcast %jit3A_1204 : f32 to vector<16xf32>
            %select_n3A_1206 = arith.select %and3A_819, %gather3A_480, %broadcast_in_dim3A_1205 : vector<16xi1>, vector<16xf32>
            %jit3A_1207 = arith.constant 0.000000e+00 : f32
            %broadcast_in_dim3A_1208 = vector.broadcast %jit3A_1207 : f32 to vector<16xf32>
            %select_n3A_1209 = arith.select %and3A_819, %gather3A_481, %broadcast_in_dim3A_1208 : vector<16xi1>, vector<16xf32>
            %and3A_1210 = arith.andi %eq3A_4, %and3A_906 : vector<16xi1>
            tpu.vector_store_idx %arg18[%gather3A_560], %gather3A_556 masked %and3A_1210 : memref<5024xf32, #tpu.memory_space<vmem>>[vector<16xi32>], vector<16xf32>, vector<16xi1>
            tpu.vector_store_idx %arg19[%gather3A_560], %gather3A_557 masked %and3A_1210 : memref<5024xf32, #tpu.memory_space<vmem>>[vector<16xi32>], vector<16xf32>, vector<16xi1>
            tpu.vector_store_idx %arg20[%gather3A_560], %gather3A_558 masked %and3A_1210 : memref<5024xf32, #tpu.memory_space<vmem>>[vector<16xi32>], vector<16xf32>, vector<16xi1>
            tpu.vector_store_idx %arg21[%gather3A_560], %gather3A_559 masked %and3A_1210 : memref<5024xf32, #tpu.memory_space<vmem>>[vector<16xi32>], vector<16xf32>, vector<16xi1>
            %broadcast_in_dim3A_1211 = vector.broadcast %reduce_max3A_520 : f32 to vector<16xf32>
            tpu.vector_store_idx %arg22[%gather3A_560], %broadcast_in_dim3A_1211 masked %and3A_1210 : memref<5024xf32, #tpu.memory_space<vmem>>[vector<16xi32>], vector<16xf32>, vector<16xi1>
            %jit3A_1212 = arith.constant 0.000000e+00 : f32
            %broadcast_in_dim3A_1213 = vector.broadcast %jit3A_1212 : f32 to vector<16xf32>
            %select_n3A_1214 = arith.select %and3A_906, %gather3A_556, %broadcast_in_dim3A_1213 : vector<16xi1>, vector<16xf32>
            %jit3A_1215 = arith.constant 0.000000e+00 : f32
            %broadcast_in_dim3A_1216 = vector.broadcast %jit3A_1215 : f32 to vector<16xf32>
            %select_n3A_1217 = arith.select %and3A_906, %gather3A_557, %broadcast_in_dim3A_1216 : vector<16xi1>, vector<16xf32>
            %jit3A_1218 = arith.constant 0.000000e+00 : f32
            %broadcast_in_dim3A_1219 = vector.broadcast %jit3A_1218 : f32 to vector<16xf32>
            %select_n3A_1220 = arith.select %and3A_906, %gather3A_558, %broadcast_in_dim3A_1219 : vector<16xi1>, vector<16xf32>
            %jit3A_1221 = arith.constant 0.000000e+00 : f32
            %broadcast_in_dim3A_1222 = vector.broadcast %jit3A_1221 : f32 to vector<16xf32>
            %select_n3A_1223 = arith.select %and3A_906, %gather3A_559, %broadcast_in_dim3A_1222 : vector<16xi1>, vector<16xf32>
            %and3A_1224 = arith.andi %eq3A_4, %and3A_1022 : vector<16xi1>
            tpu.vector_store_idx %arg18[%gather3A_638], %gather3A_634 masked %and3A_1224 : memref<5024xf32, #tpu.memory_space<vmem>>[vector<16xi32>], vector<16xf32>, vector<16xi1>
            tpu.vector_store_idx %arg19[%gather3A_638], %gather3A_635 masked %and3A_1224 : memref<5024xf32, #tpu.memory_space<vmem>>[vector<16xi32>], vector<16xf32>, vector<16xi1>
            tpu.vector_store_idx %arg20[%gather3A_638], %gather3A_636 masked %and3A_1224 : memref<5024xf32, #tpu.memory_space<vmem>>[vector<16xi32>], vector<16xf32>, vector<16xi1>
            tpu.vector_store_idx %arg21[%gather3A_638], %gather3A_637 masked %and3A_1224 : memref<5024xf32, #tpu.memory_space<vmem>>[vector<16xi32>], vector<16xf32>, vector<16xi1>
            %broadcast_in_dim3A_1225 = vector.broadcast %reduce_max3A_598 : f32 to vector<16xf32>
            tpu.vector_store_idx %arg22[%gather3A_638], %broadcast_in_dim3A_1225 masked %and3A_1224 : memref<5024xf32, #tpu.memory_space<vmem>>[vector<16xi32>], vector<16xf32>, vector<16xi1>
            %jit3A_1226 = arith.constant 0.000000e+00 : f32
            %broadcast_in_dim3A_1227 = vector.broadcast %jit3A_1226 : f32 to vector<16xf32>
            %select_n3A_1228 = arith.select %and3A_1022, %gather3A_634, %broadcast_in_dim3A_1227 : vector<16xi1>, vector<16xf32>
            %jit3A_1229 = arith.constant 0.000000e+00 : f32
            %broadcast_in_dim3A_1230 = vector.broadcast %jit3A_1229 : f32 to vector<16xf32>
            %select_n3A_1231 = arith.select %and3A_1022, %gather3A_635, %broadcast_in_dim3A_1230 : vector<16xi1>, vector<16xf32>
            %jit3A_1232 = arith.constant 0.000000e+00 : f32
            %broadcast_in_dim3A_1233 = vector.broadcast %jit3A_1232 : f32 to vector<16xf32>
            %select_n3A_1234 = arith.select %and3A_1022, %gather3A_636, %broadcast_in_dim3A_1233 : vector<16xi1>, vector<16xf32>
            %jit3A_1235 = arith.constant 0.000000e+00 : f32
            %broadcast_in_dim3A_1236 = vector.broadcast %jit3A_1235 : f32 to vector<16xf32>
            %select_n3A_1237 = arith.select %and3A_1022, %gather3A_637, %broadcast_in_dim3A_1236 : vector<16xi1>, vector<16xf32>
            %and3A_1238 = arith.andi %eq3A_4, %and3A_1167 : vector<16xi1>
            tpu.vector_store_idx %arg18[%gather3A_716], %gather3A_712 masked %and3A_1238 : memref<5024xf32, #tpu.memory_space<vmem>>[vector<16xi32>], vector<16xf32>, vector<16xi1>
            tpu.vector_store_idx %arg19[%gather3A_716], %gather3A_713 masked %and3A_1238 : memref<5024xf32, #tpu.memory_space<vmem>>[vector<16xi32>], vector<16xf32>, vector<16xi1>
            tpu.vector_store_idx %arg20[%gather3A_716], %gather3A_714 masked %and3A_1238 : memref<5024xf32, #tpu.memory_space<vmem>>[vector<16xi32>], vector<16xf32>, vector<16xi1>
            tpu.vector_store_idx %arg21[%gather3A_716], %gather3A_715 masked %and3A_1238 : memref<5024xf32, #tpu.memory_space<vmem>>[vector<16xi32>], vector<16xf32>, vector<16xi1>
            %broadcast_in_dim3A_1239 = vector.broadcast %reduce_max3A_676 : f32 to vector<16xf32>
            tpu.vector_store_idx %arg22[%gather3A_716], %broadcast_in_dim3A_1239 masked %and3A_1238 : memref<5024xf32, #tpu.memory_space<vmem>>[vector<16xi32>], vector<16xf32>, vector<16xi1>
            %jit3A_1240 = arith.constant 0.000000e+00 : f32
            %broadcast_in_dim3A_1241 = vector.broadcast %jit3A_1240 : f32 to vector<16xf32>
            %select_n3A_1242 = arith.select %and3A_1167, %gather3A_712, %broadcast_in_dim3A_1241 : vector<16xi1>, vector<16xf32>
            %jit3A_1243 = arith.constant 0.000000e+00 : f32
            %broadcast_in_dim3A_1244 = vector.broadcast %jit3A_1243 : f32 to vector<16xf32>
            %select_n3A_1245 = arith.select %and3A_1167, %gather3A_713, %broadcast_in_dim3A_1244 : vector<16xi1>, vector<16xf32>
            %jit3A_1246 = arith.constant 0.000000e+00 : f32
            %broadcast_in_dim3A_1247 = vector.broadcast %jit3A_1246 : f32 to vector<16xf32>
            %select_n3A_1248 = arith.select %and3A_1167, %gather3A_714, %broadcast_in_dim3A_1247 : vector<16xi1>, vector<16xf32>
            %jit3A_1249 = arith.constant 0.000000e+00 : f32
            %broadcast_in_dim3A_1250 = vector.broadcast %jit3A_1249 : f32 to vector<16xf32>
            %select_n3A_1251 = arith.select %and3A_1167, %gather3A_715, %broadcast_in_dim3A_1250 : vector<16xi1>, vector<16xf32>
            %sub3A_1252 = arith.subf %select_n3A_1178, %select_n3A_1172 : vector<16xf32>
            %mul3A_1253 = arith.constant 0.230769232 : f32
            %mul3A_1254 = vector.broadcast %mul3A_1253 : f32 to vector<16xf32>
            %mul3A_1255 = arith.mulf %mul3A_1254, %sub3A_1252 : vector<16xf32>
            %sub3A_1256 = arith.subf %select_n3A_1181, %select_n3A_1175 : vector<16xf32>
            %mul3A_1257 = arith.mulf %mul3A_1255, %sub3A_1256 : vector<16xf32>
            %sub3A_1258 = arith.subf %select_n3A_1192, %select_n3A_1186 : vector<16xf32>
            %mul3A_1259 = arith.constant 0.230769232 : f32
            %mul3A_1260 = vector.broadcast %mul3A_1259 : f32 to vector<16xf32>
            %mul3A_1261 = arith.mulf %mul3A_1260, %sub3A_1258 : vector<16xf32>
            %sub3A_1262 = arith.subf %select_n3A_1195, %select_n3A_1189 : vector<16xf32>
            %mul3A_1263 = arith.mulf %mul3A_1261, %sub3A_1262 : vector<16xf32>
            %sub3A_1264 = arith.subf %select_n3A_1206, %select_n3A_1200 : vector<16xf32>
            %mul3A_1265 = arith.constant 0.230769232 : f32
            %mul3A_1266 = vector.broadcast %mul3A_1265 : f32 to vector<16xf32>
            %mul3A_1267 = arith.mulf %mul3A_1266, %sub3A_1264 : vector<16xf32>
            %sub3A_1268 = arith.subf %select_n3A_1209, %select_n3A_1203 : vector<16xf32>
            %mul3A_1269 = arith.mulf %mul3A_1267, %sub3A_1268 : vector<16xf32>
            %sub3A_1270 = arith.subf %select_n3A_1220, %select_n3A_1214 : vector<16xf32>
            %mul3A_1271 = arith.constant 0.230769232 : f32
            %mul3A_1272 = vector.broadcast %mul3A_1271 : f32 to vector<16xf32>
            %mul3A_1273 = arith.mulf %mul3A_1272, %sub3A_1270 : vector<16xf32>
            %sub3A_1274 = arith.subf %select_n3A_1223, %select_n3A_1217 : vector<16xf32>
            %mul3A_1275 = arith.mulf %mul3A_1273, %sub3A_1274 : vector<16xf32>
            %sub3A_1276 = arith.subf %select_n3A_1234, %select_n3A_1228 : vector<16xf32>
            %mul3A_1277 = arith.constant 0.230769232 : f32
            %mul3A_1278 = vector.broadcast %mul3A_1277 : f32 to vector<16xf32>
            %mul3A_1279 = arith.mulf %mul3A_1278, %sub3A_1276 : vector<16xf32>
            %sub3A_1280 = arith.subf %select_n3A_1237, %select_n3A_1231 : vector<16xf32>
            %mul3A_1281 = arith.mulf %mul3A_1279, %sub3A_1280 : vector<16xf32>
            %sub3A_1282 = arith.subf %select_n3A_1248, %select_n3A_1242 : vector<16xf32>
            %mul3A_1283 = arith.constant 0.230769232 : f32
            %mul3A_1284 = vector.broadcast %mul3A_1283 : f32 to vector<16xf32>
            %mul3A_1285 = arith.mulf %mul3A_1284, %sub3A_1282 : vector<16xf32>
            %sub3A_1286 = arith.subf %select_n3A_1251, %select_n3A_1245 : vector<16xf32>
            %mul3A_1287 = arith.mulf %mul3A_1285, %sub3A_1286 : vector<16xf32>
            %parallel_loop3A_1288 = arith.constant 0 : i32
            %parallel_loop3A_1289 = arith.constant 1 : i32
            scf.for %parallel_loop3A_1290 = %parallel_loop3A_1288 to %select_n3A_217 step %parallel_loop3A_1289  : i32 {
              %parallel_loop3A_1291 = arith.constant 16 : i32
              %parallel_loop3A_1292 = arith.muli %parallel_loop3A_1290, %parallel_loop3A_1291 : i32
              %parallel_loop3A_1293 = tpu.assume_multiple %parallel_loop3A_1292, 16 : i32
              %parallel_loop3A_1294 = arith.index_cast %parallel_loop3A_1293 : i32 to index
              %parallel_loop3A_1295 = tpu.vector_load %arg10[%parallel_loop3A_1294] {strides = array<i32>} : memref<5024xf32, #tpu.memory_space<vmem>>, vector<16xf32>,
              %parallel_loop3A_1296 = arith.index_cast %parallel_loop3A_1293 : i32 to index
              %parallel_loop3A_1297 = tpu.vector_load %arg11[%parallel_loop3A_1296] {strides = array<i32>} : memref<5024xf32, #tpu.memory_space<vmem>>, vector<16xf32>,
              %parallel_loop3A_1298 = arith.index_cast %parallel_loop3A_1293 : i32 to index
              %parallel_loop3A_1299 = tpu.vector_load %arg12[%parallel_loop3A_1298] {strides = array<i32>} : memref<5024xf32, #tpu.memory_space<vmem>>, vector<16xf32>,
              %parallel_loop3A_1300 = arith.index_cast %parallel_loop3A_1293 : i32 to index
              %parallel_loop3A_1301 = tpu.vector_load %arg13[%parallel_loop3A_1300] {strides = array<i32>} : memref<5024xf32, #tpu.memory_space<vmem>>, vector<16xf32>,
              %parallel_loop3A_1302 = arith.index_cast %parallel_loop3A_1293 : i32 to index
              %parallel_loop3A_1303 = tpu.vector_load %arg14[%parallel_loop3A_1302] {strides = array<i32>} : memref<5024xf32, #tpu.memory_space<vmem>>, vector<16xf32>,
              %parallel_loop3A_1304 = arith.index_cast %parallel_loop3A_1293 : i32 to index
              %parallel_loop3A_1305 = tpu.vector_load %arg16[%parallel_loop3A_1304] {strides = array<i32>} : memref<5024xf32, #tpu.memory_space<vmem>>, vector<16xf32>,
              %parallel_loop3A_1306 = arith.minimumf %parallel_loop3A_1301, %select_n3A_1178 : vector<16xf32>
              %parallel_loop3A_1307 = arith.maximumf %parallel_loop3A_1297, %select_n3A_1172 : vector<16xf32>
              %parallel_loop3A_1308 = arith.subf %parallel_loop3A_1306, %parallel_loop3A_1307 : vector<16xf32>
              %parallel_loop3A_1309 = arith.constant 0.000000e+00 : f32
              %parallel_loop3A_1310 = vector.broadcast %parallel_loop3A_1309 : f32 to vector<16xf32>
              %parallel_loop3A_1311 = arith.maximumf %parallel_loop3A_1308, %parallel_loop3A_1310 : vector<16xf32>
              %parallel_loop3A_1312 = arith.minimumf %parallel_loop3A_1303, %select_n3A_1181 : vector<16xf32>
              %parallel_loop3A_1313 = arith.maximumf %parallel_loop3A_1299, %select_n3A_1175 : vector<16xf32>
              %parallel_loop3A_1314 = arith.subf %parallel_loop3A_1312, %parallel_loop3A_1313 : vector<16xf32>
              %parallel_loop3A_1315 = arith.constant 0.000000e+00 : f32
              %parallel_loop3A_1316 = vector.broadcast %parallel_loop3A_1315 : f32 to vector<16xf32>
              %parallel_loop3A_1317 = arith.maximumf %parallel_loop3A_1314, %parallel_loop3A_1316 : vector<16xf32>
              %parallel_loop3A_1318 = arith.mulf %parallel_loop3A_1311, %parallel_loop3A_1317 : vector<16xf32>
              %parallel_loop3A_1319 = arith.addf %parallel_loop3A_1305, %mul3A_1257 : vector<16xf32>
              %parallel_loop3A_1320 = arith.cmpf ogt, %parallel_loop3A_1318, %parallel_loop3A_1319 : vector<16xf32>
              %parallel_loop3A_1321 = arith.minimumf %parallel_loop3A_1301, %select_n3A_1192 : vector<16xf32>
              %parallel_loop3A_1322 = arith.maximumf %parallel_loop3A_1297, %select_n3A_1186 : vector<16xf32>
              %parallel_loop3A_1323 = arith.subf %parallel_loop3A_1321, %parallel_loop3A_1322 : vector<16xf32>
              %parallel_loop3A_1324 = arith.constant 0.000000e+00 : f32
              %parallel_loop3A_1325 = vector.broadcast %parallel_loop3A_1324 : f32 to vector<16xf32>
              %parallel_loop3A_1326 = arith.maximumf %parallel_loop3A_1323, %parallel_loop3A_1325 : vector<16xf32>
              %parallel_loop3A_1327 = arith.minimumf %parallel_loop3A_1303, %select_n3A_1195 : vector<16xf32>
              %parallel_loop3A_1328 = arith.maximumf %parallel_loop3A_1299, %select_n3A_1189 : vector<16xf32>
              %parallel_loop3A_1329 = arith.subf %parallel_loop3A_1327, %parallel_loop3A_1328 : vector<16xf32>
              %parallel_loop3A_1330 = arith.constant 0.000000e+00 : f32
              %parallel_loop3A_1331 = vector.broadcast %parallel_loop3A_1330 : f32 to vector<16xf32>
              %parallel_loop3A_1332 = arith.maximumf %parallel_loop3A_1329, %parallel_loop3A_1331 : vector<16xf32>
              %parallel_loop3A_1333 = arith.mulf %parallel_loop3A_1326, %parallel_loop3A_1332 : vector<16xf32>
              %parallel_loop3A_1334 = arith.addf %parallel_loop3A_1305, %mul3A_1263 : vector<16xf32>
              %parallel_loop3A_1335 = arith.cmpf ogt, %parallel_loop3A_1333, %parallel_loop3A_1334 : vector<16xf32>
              %parallel_loop3A_1336 = arith.ori %parallel_loop3A_1320, %parallel_loop3A_1335 : vector<16xi1>
              %parallel_loop3A_1337 = arith.minimumf %parallel_loop3A_1301, %select_n3A_1206 : vector<16xf32>
              %parallel_loop3A_1338 = arith.maximumf %parallel_loop3A_1297, %select_n3A_1200 : vector<16xf32>
              %parallel_loop3A_1339 = arith.subf %parallel_loop3A_1337, %parallel_loop3A_1338 : vector<16xf32>
              %parallel_loop3A_1340 = arith.constant 0.000000e+00 : f32
              %parallel_loop3A_1341 = vector.broadcast %parallel_loop3A_1340 : f32 to vector<16xf32>
              %parallel_loop3A_1342 = arith.maximumf %parallel_loop3A_1339, %parallel_loop3A_1341 : vector<16xf32>
              %parallel_loop3A_1343 = arith.minimumf %parallel_loop3A_1303, %select_n3A_1209 : vector<16xf32>
              %parallel_loop3A_1344 = arith.maximumf %parallel_loop3A_1299, %select_n3A_1203 : vector<16xf32>
              %parallel_loop3A_1345 = arith.subf %parallel_loop3A_1343, %parallel_loop3A_1344 : vector<16xf32>
              %parallel_loop3A_1346 = arith.constant 0.000000e+00 : f32
              %parallel_loop3A_1347 = vector.broadcast %parallel_loop3A_1346 : f32 to vector<16xf32>
              %parallel_loop3A_1348 = arith.maximumf %parallel_loop3A_1345, %parallel_loop3A_1347 : vector<16xf32>
              %parallel_loop3A_1349 = arith.mulf %parallel_loop3A_1342, %parallel_loop3A_1348 : vector<16xf32>
              %parallel_loop3A_1350 = arith.addf %parallel_loop3A_1305, %mul3A_1269 : vector<16xf32>
              %parallel_loop3A_1351 = arith.cmpf ogt, %parallel_loop3A_1349, %parallel_loop3A_1350 : vector<16xf32>
              %parallel_loop3A_1352 = arith.ori %parallel_loop3A_1336, %parallel_loop3A_1351 : vector<16xi1>
              %parallel_loop3A_1353 = arith.minimumf %parallel_loop3A_1301, %select_n3A_1220 : vector<16xf32>
              %parallel_loop3A_1354 = arith.maximumf %parallel_loop3A_1297, %select_n3A_1214 : vector<16xf32>
              %parallel_loop3A_1355 = arith.subf %parallel_loop3A_1353, %parallel_loop3A_1354 : vector<16xf32>
              %parallel_loop3A_1356 = arith.constant 0.000000e+00 : f32
              %parallel_loop3A_1357 = vector.broadcast %parallel_loop3A_1356 : f32 to vector<16xf32>
              %parallel_loop3A_1358 = arith.maximumf %parallel_loop3A_1355, %parallel_loop3A_1357 : vector<16xf32>
              %parallel_loop3A_1359 = arith.minimumf %parallel_loop3A_1303, %select_n3A_1223 : vector<16xf32>
              %parallel_loop3A_1360 = arith.maximumf %parallel_loop3A_1299, %select_n3A_1217 : vector<16xf32>
              %parallel_loop3A_1361 = arith.subf %parallel_loop3A_1359, %parallel_loop3A_1360 : vector<16xf32>
              %parallel_loop3A_1362 = arith.constant 0.000000e+00 : f32
              %parallel_loop3A_1363 = vector.broadcast %parallel_loop3A_1362 : f32 to vector<16xf32>
              %parallel_loop3A_1364 = arith.maximumf %parallel_loop3A_1361, %parallel_loop3A_1363 : vector<16xf32>
              %parallel_loop3A_1365 = arith.mulf %parallel_loop3A_1358, %parallel_loop3A_1364 : vector<16xf32>
              %parallel_loop3A_1366 = arith.addf %parallel_loop3A_1305, %mul3A_1275 : vector<16xf32>
              %parallel_loop3A_1367 = arith.cmpf ogt, %parallel_loop3A_1365, %parallel_loop3A_1366 : vector<16xf32>
              %parallel_loop3A_1368 = arith.ori %parallel_loop3A_1352, %parallel_loop3A_1367 : vector<16xi1>
              %parallel_loop3A_1369 = arith.minimumf %parallel_loop3A_1301, %select_n3A_1234 : vector<16xf32>
              %parallel_loop3A_1370 = arith.maximumf %parallel_loop3A_1297, %select_n3A_1228 : vector<16xf32>
              %parallel_loop3A_1371 = arith.subf %parallel_loop3A_1369, %parallel_loop3A_1370 : vector<16xf32>
              %parallel_loop3A_1372 = arith.constant 0.000000e+00 : f32
              %parallel_loop3A_1373 = vector.broadcast %parallel_loop3A_1372 : f32 to vector<16xf32>
              %parallel_loop3A_1374 = arith.maximumf %parallel_loop3A_1371, %parallel_loop3A_1373 : vector<16xf32>
              %parallel_loop3A_1375 = arith.minimumf %parallel_loop3A_1303, %select_n3A_1237 : vector<16xf32>
              %parallel_loop3A_1376 = arith.maximumf %parallel_loop3A_1299, %select_n3A_1231 : vector<16xf32>
              %parallel_loop3A_1377 = arith.subf %parallel_loop3A_1375, %parallel_loop3A_1376 : vector<16xf32>
              %parallel_loop3A_1378 = arith.constant 0.000000e+00 : f32
              %parallel_loop3A_1379 = vector.broadcast %parallel_loop3A_1378 : f32 to vector<16xf32>
              %parallel_loop3A_1380 = arith.maximumf %parallel_loop3A_1377, %parallel_loop3A_1379 : vector<16xf32>
              %parallel_loop3A_1381 = arith.mulf %parallel_loop3A_1374, %parallel_loop3A_1380 : vector<16xf32>
              %parallel_loop3A_1382 = arith.addf %parallel_loop3A_1305, %mul3A_1281 : vector<16xf32>
              %parallel_loop3A_1383 = arith.cmpf ogt, %parallel_loop3A_1381, %parallel_loop3A_1382 : vector<16xf32>
              %parallel_loop3A_1384 = arith.ori %parallel_loop3A_1368, %parallel_loop3A_1383 : vector<16xi1>
              %parallel_loop3A_1385 = arith.minimumf %parallel_loop3A_1301, %select_n3A_1248 : vector<16xf32>
              %parallel_loop3A_1386 = arith.maximumf %parallel_loop3A_1297, %select_n3A_1242 : vector<16xf32>
              %parallel_loop3A_1387 = arith.subf %parallel_loop3A_1385, %parallel_loop3A_1386 : vector<16xf32>
              %parallel_loop3A_1388 = arith.constant 0.000000e+00 : f32
              %parallel_loop3A_1389 = vector.broadcast %parallel_loop3A_1388 : f32 to vector<16xf32>
              %parallel_loop3A_1390 = arith.maximumf %parallel_loop3A_1387, %parallel_loop3A_1389 : vector<16xf32>
              %parallel_loop3A_1391 = arith.minimumf %parallel_loop3A_1303, %select_n3A_1251 : vector<16xf32>
              %parallel_loop3A_1392 = arith.maximumf %parallel_loop3A_1299, %select_n3A_1245 : vector<16xf32>
              %parallel_loop3A_1393 = arith.subf %parallel_loop3A_1391, %parallel_loop3A_1392 : vector<16xf32>
              %parallel_loop3A_1394 = arith.constant 0.000000e+00 : f32
              %parallel_loop3A_1395 = vector.broadcast %parallel_loop3A_1394 : f32 to vector<16xf32>
              %parallel_loop3A_1396 = arith.maximumf %parallel_loop3A_1393, %parallel_loop3A_1395 : vector<16xf32>
              %parallel_loop3A_1397 = arith.mulf %parallel_loop3A_1390, %parallel_loop3A_1396 : vector<16xf32>
              %parallel_loop3A_1398 = arith.addf %parallel_loop3A_1305, %mul3A_1287 : vector<16xf32>
              %parallel_loop3A_1399 = arith.cmpf ogt, %parallel_loop3A_1397, %parallel_loop3A_1398 : vector<16xf32>
              %parallel_loop3A_1400 = arith.ori %parallel_loop3A_1384, %parallel_loop3A_1399 : vector<16xi1>
              %parallel_loop3A_1401 = arith.constant -1.000000e+00 : f32
              %parallel_loop3A_1402 = vector.broadcast %parallel_loop3A_1401 : f32 to vector<16xf32>
              %parallel_loop3A_1403 = arith.select %parallel_loop3A_1400, %parallel_loop3A_1402, %parallel_loop3A_1295 : vector<16xi1>, vector<16xf32>
              %parallel_loop3A_1404 = arith.index_cast %parallel_loop3A_1293 : i32 to index
              %parallel_loop3A_1405 = tpu.vector_load %arg10[%parallel_loop3A_1404] {strides = array<i32>} : memref<5024xf32, #tpu.memory_space<vmem>>, vector<16xf32>,
              tpu.vector_store %arg10[%parallel_loop3A_1404], %parallel_loop3A_1403 {strides = array<i32>} : memref<5024xf32, #tpu.memory_space<vmem>>, vector<16xf32>,
              %parallel_loop3A_1406 = vector.broadcast %parallel_loop3A_1290 : i32 to vector<16xi32>
              %parallel_loop3A_1407 = arith.constant true
              %parallel_loop3A_1408 = vector.broadcast %parallel_loop3A_1407 : i1 to vector<16xi1>
              %parallel_loop3A_1409 = tpu.scan <max>, %parallel_loop3A_1403 masked %parallel_loop3A_1408 : vector<16xf32>, vector<16xi1> -> vector<16xf32>
              %parallel_loop3A_1410 = vector.extract %parallel_loop3A_1409[15] : f32 from vector<16xf32>
              %parallel_loop3A_1411 = vector.broadcast %parallel_loop3A_1410 : f32 to vector<16xf32>
              tpu.vector_store_idx %arg17[%parallel_loop3A_1406], %parallel_loop3A_1411 masked %eq3A_4 : memref<320xf32, #tpu.memory_space<vmem>>[vector<16xi32>], vector<16xf32>, vector<16xi1>
            } {sc.loop_unroll_factor = 4 : i64, sc.parallel_access}
          } else {
          }
          %while3A_258 = arith.constant 0 : i32
          %while3A_259 = arith.subi %select_n3A_245, %while3A_258 : i32
          %while3A_260 = arith.addi %while3A_258, %while3A_259 : i32
          %while3A_261 = arith.constant 1 : i32
          %while3A_262 = arith.divsi %while3A_259, %while3A_261 : i32
          %while3A_263 = arith.muli %while3A_262, %while3A_261 : i32
          %while3A_264 = arith.addi %while3A_258, %while3A_263 : i32
          %while3A_265 = arith.constant 1 : i32
          %while3A_266 = scf.for %while3A_273 = %while3A_258 to %while3A_264 step %while3A_265 iter_args(%while3A_274 = %broadcast_in_dim3A_5) -> (vector<16xf32>)  : i32 {
            %mul3A_275 = arith.constant 16 : i32
            %mul3A_276 = arith.muli %while3A_273, %mul3A_275 : i32
            %multiple_of3A = tpu.assume_multiple %mul3A_276, 16 : i32
            %get3A = arith.index_cast %multiple_of3A : i32 to index
            %get3A_277 = tpu.vector_load %arg17[%get3A] {strides = array<i32>} : memref<320xf32, #tpu.memory_space<vmem>>, vector<16xf32>,
            %max3A = arith.maximumf %while3A_274, %get3A_277 : vector<16xf32>
            scf.yield %max3A : vector<16xf32>
          }
          %while3A_267 = arith.constant 1 : i32
          %while3A_268 = scf.for %while3A_273 = %while3A_264 to %while3A_260 step %while3A_267 iter_args(%while3A_274 = %while3A_266) -> (vector<16xf32>)  : i32 {
            %mul3A_275 = arith.constant 16 : i32
            %mul3A_276 = arith.muli %while3A_273, %mul3A_275 : i32
            %multiple_of3A = tpu.assume_multiple %mul3A_276, 16 : i32
            %get3A = arith.index_cast %multiple_of3A : i32 to index
            %get3A_277 = tpu.vector_load %arg17[%get3A] {strides = array<i32>} : memref<320xf32, #tpu.memory_space<vmem>>, vector<16xf32>,
            %max3A = arith.maximumf %while3A_274, %get3A_277 : vector<16xf32>
            scf.yield %max3A : vector<16xf32>
          }
          %reduce_max3A_269 = arith.constant true
          %reduce_max3A_270 = vector.broadcast %reduce_max3A_269 : i1 to vector<16xi1>
          %reduce_max3A_271 = tpu.scan <max>, %while3A_268 masked %reduce_max3A_270 : vector<16xf32>, vector<16xi1> -> vector<16xf32>
          %reduce_max3A_272 = vector.extract %reduce_max3A_271[15] : f32 from vector<16xf32>
          scf.yield %reduce_max3A_272 : f32
        }
        %scan3A_251 = arith.constant 8 : i32
        scf.yield %scan3A_250, %select_n3A_217 : f32, i32
      }
      %mul3A_158 = arith.constant 5 : i32
      %mul3A_159 = arith.muli %add3A, %mul3A_158 : i32
      %add3A_160 = arith.constant 0 : i32
      %add3A_161 = arith.addi %mul3A_159, %add3A_160 : i32
      "tpu.region"() ({
        %run_scoped3A = tpu.sem_alloc : memref<!tpu.dma_semaphore, #tpu.memory_space<semaphore_mem>>
        %dma_start3A_178 = arith.constant 0 : i32
        %dma_start3A_179 = tpu.memref_slice %arg4[%add3A_161, %dma_start3A_178] : memref<100x5024xf32, #tpu.memory_space<hbm>> -> memref<1x5024xf32, #tpu.memory_space<hbm>>
        %dma_start3A_180 = tpu.memref_squeeze %dma_start3A_179 : memref<1x5024xf32, #tpu.memory_space<hbm>> -> memref<5024xf32, #tpu.memory_space<hbm>>
        %dma_start3A_181 = arith.constant 0 : i32
        %dma_start3A_182 = tpu.memref_slice %arg4[%add3A_161, %dma_start3A_181] : memref<100x5024xf32, #tpu.memory_space<hbm>> -> memref<1x5024xf32, #tpu.memory_space<hbm>>
        %dma_start3A_183 = tpu.memref_squeeze %dma_start3A_182 : memref<1x5024xf32, #tpu.memory_space<hbm>> -> memref<5024xf32, #tpu.memory_space<hbm>>
        tpu.enqueue_dma source(%arg18 : memref<5024xf32, #tpu.memory_space<vmem>>) target(%dma_start3A_183 : memref<5024xf32, #tpu.memory_space<hbm>>) target_semaphore(%run_scoped3A : memref<!tpu.dma_semaphore, #tpu.memory_space<semaphore_mem>>)
        %dma_wait3A_184 = arith.constant 0 : i32
        %dma_wait3A_185 = tpu.memref_slice %arg4[%add3A_161, %dma_wait3A_184] : memref<100x5024xf32, #tpu.memory_space<hbm>> -> memref<1x5024xf32, #tpu.memory_space<hbm>>
        %dma_wait3A_186 = tpu.memref_squeeze %dma_wait3A_185 : memref<1x5024xf32, #tpu.memory_space<hbm>> -> memref<5024xf32, #tpu.memory_space<hbm>>
        %dma_wait3A_187 = arith.constant 0 : i32
        %dma_wait3A_188 = tpu.memref_slice %arg4[%add3A_161, %dma_wait3A_187] : memref<100x5024xf32, #tpu.memory_space<hbm>> -> memref<1x5024xf32, #tpu.memory_space<hbm>>
        %dma_wait3A_189 = tpu.memref_squeeze %dma_wait3A_188 : memref<1x5024xf32, #tpu.memory_space<hbm>> -> memref<5024xf32, #tpu.memory_space<hbm>>
        tpu.wait_dma2 semaphore(%run_scoped3A : memref<!tpu.dma_semaphore, #tpu.memory_space<semaphore_mem>>) src(%arg18 : memref<5024xf32, #tpu.memory_space<vmem>>) dst(%dma_wait3A_189 : memref<5024xf32, #tpu.memory_space<hbm>>)
        tpu.yield
      }) : () -> ()
      %mul3A_162 = arith.constant 5 : i32
      %mul3A_163 = arith.muli %add3A, %mul3A_162 : i32
      %add3A_164 = arith.constant 1 : i32
      %add3A_165 = arith.addi %mul3A_163, %add3A_164 : i32
      "tpu.region"() ({
        %run_scoped3A = tpu.sem_alloc : memref<!tpu.dma_semaphore, #tpu.memory_space<semaphore_mem>>
        %dma_start3A_178 = arith.constant 0 : i32
        %dma_start3A_179 = tpu.memref_slice %arg4[%add3A_165, %dma_start3A_178] : memref<100x5024xf32, #tpu.memory_space<hbm>> -> memref<1x5024xf32, #tpu.memory_space<hbm>>
        %dma_start3A_180 = tpu.memref_squeeze %dma_start3A_179 : memref<1x5024xf32, #tpu.memory_space<hbm>> -> memref<5024xf32, #tpu.memory_space<hbm>>
        %dma_start3A_181 = arith.constant 0 : i32
        %dma_start3A_182 = tpu.memref_slice %arg4[%add3A_165, %dma_start3A_181] : memref<100x5024xf32, #tpu.memory_space<hbm>> -> memref<1x5024xf32, #tpu.memory_space<hbm>>
        %dma_start3A_183 = tpu.memref_squeeze %dma_start3A_182 : memref<1x5024xf32, #tpu.memory_space<hbm>> -> memref<5024xf32, #tpu.memory_space<hbm>>
        tpu.enqueue_dma source(%arg19 : memref<5024xf32, #tpu.memory_space<vmem>>) target(%dma_start3A_183 : memref<5024xf32, #tpu.memory_space<hbm>>) target_semaphore(%run_scoped3A : memref<!tpu.dma_semaphore, #tpu.memory_space<semaphore_mem>>)
        %dma_wait3A_184 = arith.constant 0 : i32
        %dma_wait3A_185 = tpu.memref_slice %arg4[%add3A_165, %dma_wait3A_184] : memref<100x5024xf32, #tpu.memory_space<hbm>> -> memref<1x5024xf32, #tpu.memory_space<hbm>>
        %dma_wait3A_186 = tpu.memref_squeeze %dma_wait3A_185 : memref<1x5024xf32, #tpu.memory_space<hbm>> -> memref<5024xf32, #tpu.memory_space<hbm>>
        %dma_wait3A_187 = arith.constant 0 : i32
        %dma_wait3A_188 = tpu.memref_slice %arg4[%add3A_165, %dma_wait3A_187] : memref<100x5024xf32, #tpu.memory_space<hbm>> -> memref<1x5024xf32, #tpu.memory_space<hbm>>
        %dma_wait3A_189 = tpu.memref_squeeze %dma_wait3A_188 : memref<1x5024xf32, #tpu.memory_space<hbm>> -> memref<5024xf32, #tpu.memory_space<hbm>>
        tpu.wait_dma2 semaphore(%run_scoped3A : memref<!tpu.dma_semaphore, #tpu.memory_space<semaphore_mem>>) src(%arg19 : memref<5024xf32, #tpu.memory_space<vmem>>) dst(%dma_wait3A_189 : memref<5024xf32, #tpu.memory_space<hbm>>)
        tpu.yield
      }) : () -> ()
      %mul3A_166 = arith.constant 5 : i32
      %mul3A_167 = arith.muli %add3A, %mul3A_166 : i32
      %add3A_168 = arith.constant 2 : i32
      %add3A_169 = arith.addi %mul3A_167, %add3A_168 : i32
      "tpu.region"() ({
        %run_scoped3A = tpu.sem_alloc : memref<!tpu.dma_semaphore, #tpu.memory_space<semaphore_mem>>
        %dma_start3A_178 = arith.constant 0 : i32
        %dma_start3A_179 = tpu.memref_slice %arg4[%add3A_169, %dma_start3A_178] : memref<100x5024xf32, #tpu.memory_space<hbm>> -> memref<1x5024xf32, #tpu.memory_space<hbm>>
        %dma_start3A_180 = tpu.memref_squeeze %dma_start3A_179 : memref<1x5024xf32, #tpu.memory_space<hbm>> -> memref<5024xf32, #tpu.memory_space<hbm>>
        %dma_start3A_181 = arith.constant 0 : i32
        %dma_start3A_182 = tpu.memref_slice %arg4[%add3A_169, %dma_start3A_181] : memref<100x5024xf32, #tpu.memory_space<hbm>> -> memref<1x5024xf32, #tpu.memory_space<hbm>>
        %dma_start3A_183 = tpu.memref_squeeze %dma_start3A_182 : memref<1x5024xf32, #tpu.memory_space<hbm>> -> memref<5024xf32, #tpu.memory_space<hbm>>
        tpu.enqueue_dma source(%arg20 : memref<5024xf32, #tpu.memory_space<vmem>>) target(%dma_start3A_183 : memref<5024xf32, #tpu.memory_space<hbm>>) target_semaphore(%run_scoped3A : memref<!tpu.dma_semaphore, #tpu.memory_space<semaphore_mem>>)
        %dma_wait3A_184 = arith.constant 0 : i32
        %dma_wait3A_185 = tpu.memref_slice %arg4[%add3A_169, %dma_wait3A_184] : memref<100x5024xf32, #tpu.memory_space<hbm>> -> memref<1x5024xf32, #tpu.memory_space<hbm>>
        %dma_wait3A_186 = tpu.memref_squeeze %dma_wait3A_185 : memref<1x5024xf32, #tpu.memory_space<hbm>> -> memref<5024xf32, #tpu.memory_space<hbm>>
        %dma_wait3A_187 = arith.constant 0 : i32
        %dma_wait3A_188 = tpu.memref_slice %arg4[%add3A_169, %dma_wait3A_187] : memref<100x5024xf32, #tpu.memory_space<hbm>> -> memref<1x5024xf32, #tpu.memory_space<hbm>>
        %dma_wait3A_189 = tpu.memref_squeeze %dma_wait3A_188 : memref<1x5024xf32, #tpu.memory_space<hbm>> -> memref<5024xf32, #tpu.memory_space<hbm>>
        tpu.wait_dma2 semaphore(%run_scoped3A : memref<!tpu.dma_semaphore, #tpu.memory_space<semaphore_mem>>) src(%arg20 : memref<5024xf32, #tpu.memory_space<vmem>>) dst(%dma_wait3A_189 : memref<5024xf32, #tpu.memory_space<hbm>>)
        tpu.yield
      }) : () -> ()
      %mul3A_170 = arith.constant 5 : i32
      %mul3A_171 = arith.muli %add3A, %mul3A_170 : i32
      %add3A_172 = arith.constant 3 : i32
      %add3A_173 = arith.addi %mul3A_171, %add3A_172 : i32
      "tpu.region"() ({
        %run_scoped3A = tpu.sem_alloc : memref<!tpu.dma_semaphore, #tpu.memory_space<semaphore_mem>>
        %dma_start3A_178 = arith.constant 0 : i32
        %dma_start3A_179 = tpu.memref_slice %arg4[%add3A_173, %dma_start3A_178] : memref<100x5024xf32, #tpu.memory_space<hbm>> -> memref<1x5024xf32, #tpu.memory_space<hbm>>
        %dma_start3A_180 = tpu.memref_squeeze %dma_start3A_179 : memref<1x5024xf32, #tpu.memory_space<hbm>> -> memref<5024xf32, #tpu.memory_space<hbm>>
        %dma_start3A_181 = arith.constant 0 : i32
        %dma_start3A_182 = tpu.memref_slice %arg4[%add3A_173, %dma_start3A_181] : memref<100x5024xf32, #tpu.memory_space<hbm>> -> memref<1x5024xf32, #tpu.memory_space<hbm>>
        %dma_start3A_183 = tpu.memref_squeeze %dma_start3A_182 : memref<1x5024xf32, #tpu.memory_space<hbm>> -> memref<5024xf32, #tpu.memory_space<hbm>>
        tpu.enqueue_dma source(%arg21 : memref<5024xf32, #tpu.memory_space<vmem>>) target(%dma_start3A_183 : memref<5024xf32, #tpu.memory_space<hbm>>) target_semaphore(%run_scoped3A : memref<!tpu.dma_semaphore, #tpu.memory_space<semaphore_mem>>)
        %dma_wait3A_184 = arith.constant 0 : i32
        %dma_wait3A_185 = tpu.memref_slice %arg4[%add3A_173, %dma_wait3A_184] : memref<100x5024xf32, #tpu.memory_space<hbm>> -> memref<1x5024xf32, #tpu.memory_space<hbm>>
        %dma_wait3A_186 = tpu.memref_squeeze %dma_wait3A_185 : memref<1x5024xf32, #tpu.memory_space<hbm>> -> memref<5024xf32, #tpu.memory_space<hbm>>
        %dma_wait3A_187 = arith.constant 0 : i32
        %dma_wait3A_188 = tpu.memref_slice %arg4[%add3A_173, %dma_wait3A_187] : memref<100x5024xf32, #tpu.memory_space<hbm>> -> memref<1x5024xf32, #tpu.memory_space<hbm>>
        %dma_wait3A_189 = tpu.memref_squeeze %dma_wait3A_188 : memref<1x5024xf32, #tpu.memory_space<hbm>> -> memref<5024xf32, #tpu.memory_space<hbm>>
        tpu.wait_dma2 semaphore(%run_scoped3A : memref<!tpu.dma_semaphore, #tpu.memory_space<semaphore_mem>>) src(%arg21 : memref<5024xf32, #tpu.memory_space<vmem>>) dst(%dma_wait3A_189 : memref<5024xf32, #tpu.memory_space<hbm>>)
        tpu.yield
      }) : () -> ()
      %mul3A_174 = arith.constant 5 : i32
      %mul3A_175 = arith.muli %add3A, %mul3A_174 : i32
      %add3A_176 = arith.constant 4 : i32
      %add3A_177 = arith.addi %mul3A_175, %add3A_176 : i32
      "tpu.region"() ({
        %run_scoped3A = tpu.sem_alloc : memref<!tpu.dma_semaphore, #tpu.memory_space<semaphore_mem>>
        %dma_start3A_178 = arith.constant 0 : i32
        %dma_start3A_179 = tpu.memref_slice %arg4[%add3A_177, %dma_start3A_178] : memref<100x5024xf32, #tpu.memory_space<hbm>> -> memref<1x5024xf32, #tpu.memory_space<hbm>>
        %dma_start3A_180 = tpu.memref_squeeze %dma_start3A_179 : memref<1x5024xf32, #tpu.memory_space<hbm>> -> memref<5024xf32, #tpu.memory_space<hbm>>
        %dma_start3A_181 = arith.constant 0 : i32
        %dma_start3A_182 = tpu.memref_slice %arg4[%add3A_177, %dma_start3A_181] : memref<100x5024xf32, #tpu.memory_space<hbm>> -> memref<1x5024xf32, #tpu.memory_space<hbm>>
        %dma_start3A_183 = tpu.memref_squeeze %dma_start3A_182 : memref<1x5024xf32, #tpu.memory_space<hbm>> -> memref<5024xf32, #tpu.memory_space<hbm>>
        tpu.enqueue_dma source(%arg22 : memref<5024xf32, #tpu.memory_space<vmem>>) target(%dma_start3A_183 : memref<5024xf32, #tpu.memory_space<hbm>>) target_semaphore(%run_scoped3A : memref<!tpu.dma_semaphore, #tpu.memory_space<semaphore_mem>>)
        %dma_wait3A_184 = arith.constant 0 : i32
        %dma_wait3A_185 = tpu.memref_slice %arg4[%add3A_177, %dma_wait3A_184] : memref<100x5024xf32, #tpu.memory_space<hbm>> -> memref<1x5024xf32, #tpu.memory_space<hbm>>
        %dma_wait3A_186 = tpu.memref_squeeze %dma_wait3A_185 : memref<1x5024xf32, #tpu.memory_space<hbm>> -> memref<5024xf32, #tpu.memory_space<hbm>>
        %dma_wait3A_187 = arith.constant 0 : i32
        %dma_wait3A_188 = tpu.memref_slice %arg4[%add3A_177, %dma_wait3A_187] : memref<100x5024xf32, #tpu.memory_space<hbm>> -> memref<1x5024xf32, #tpu.memory_space<hbm>>
        %dma_wait3A_189 = tpu.memref_squeeze %dma_wait3A_188 : memref<1x5024xf32, #tpu.memory_space<hbm>> -> memref<5024xf32, #tpu.memory_space<hbm>>
        tpu.wait_dma2 semaphore(%run_scoped3A : memref<!tpu.dma_semaphore, #tpu.memory_space<semaphore_mem>>) src(%arg22 : memref<5024xf32, #tpu.memory_space<vmem>>) dst(%dma_wait3A_189 : memref<5024xf32, #tpu.memory_space<hbm>>)
        tpu.yield
      }) : () -> ()
    } else {
    }
    return
  }
}

</mosaic_0001>

<sc_bundles>
// kernel: kernel.3.cloned.1.call-start
scs
__scs_entry_jumppad:
0x0: {  	(pc) =	sbr.rel $0x88, $3  }
0x1: {  	(tag) =	ssettag $0x0;
	lr =	simm.s32 $0x1  }
0x2: {  	[smem:$0x3F9F] =	sst lr;
	_ =	strace $0xD0000000  }
0x3: {  	_ = 	snop  }
0x4: {  	_ = 	snop  }
0x5: {  	_ = 	snop  }
0x6: {  	_ = 	snop  }
0x7: {  	_ = 	snop  }
__scs_overlays_trampoline_lowered:
0x8: {  	[smem:$0x3FAE] =	sst s0  }
0x9: {  	[smem:$0x3FAF] =	sst s1  }
0xa: {  	[smem:$0x3FB0] =	sst s2  }
0xb: {  	[smem:$0x3FB1] =	sst s3  }
0xc: {  	[smem:$0x3FB2] =	sst s4  }
0xd: {  	[smem:$0x3FB3] =	sst s5  }
0xe: {  	[smem:$0x3FB4] =	sst s6  }
0xf: {  	[smem:$0x3FB5] =	sst s7  }
0x10: {  	[smem:$0x3FB6] =	sst s8  }
0x11: {  	[smem:$0x3FB7] =	sst s9;
	s0 =	simm.s32 @!p0 $0x0  }
0x12: {  	s1 =	sld [smem:$0x3F9D];
	s0 =	simm.s32 @p0 $0x1  }
0x13: {  	[smem:$0x3FB8] =	sst s0;
	s0 =	simm.s32 @!p1 $0x0  }
0x14: {  	s2 =	sld [smem:$0x3F9C];
	s0 =	simm.s32 @p1 $0x1  }
0x15: {  	[smem:$0x3FB9] =	sst s0;
	s0 =	simm.s32 @!p2 $0x0  }
0x16: {  	s3 =	sld [smem:$0x3FDB];
	s0 =	simm.s32 @p2 $0x1  }
0x17: {  	s4 =	simm.s32 $0x1BF5;
	[smem:$0x3FBB] =	sst s0  }
0x18: {  	s0 =	sld [smem:$0x3F9E];
	_ =	swait.ge [sflag:s4], $0x0  }
0x19: {  	s7 =	sld [smem:$0x3F9F]  }
0x1a: {  	s8 =	sadd.s32 $0xFFFFE003, lr  }
0x1b: {  	s9 =	sadd.s32 $0xFFFFFEF7, lr;
	s5 =	simm.s32 $0xFFFFFFFF;
	p2 =	slt.u32 s8, $0xFFFFF086  }
0x1c: {  	p1 =	slt.u32 s9, $0xF7A;
	s5 =	simm.s32 @!p2 $0x0  }
0x1d: {  	s5 =	simm.s32 @p1 $0x1;
	p0 =	seq.s32 s7, s2  }
0x1e: {  	s7 =	smul.u32 @!p0 $0xF7A, s2;
	p2 =	seq.s32 @!p0 s5, $0x0  }
0x1f: {  	s9 =	smul.u32 $0xF7A, s1;
	s8 =	simm.s32 @!p0 $0x1BF5;
	p2 =	por !p2, p0  }
0x20: {  	[sflag:s8] =	ssyncset.s32 @!p0 $0xFFFFF086;
	s6 =	sadd.s32 @!p0 s3, s7;
	s7 =	simm.s32 @!p0 $0x108  }
0x21: {  	s3 =	sadd.s32 s3, s9;
	s6 =	sadd.s32 @!p0 $0x88, s6;
	s7 =	simm.s32 @p2 $0x1082  }
0x22: {  	[simem:s7], [sflag:s8] =	dma.local @!p0 [hbm:s6], $0xF7A  }
0x23: {  	s9 =	sor.u32 $0xD0000000, s2;
	s6 =	simm.s32 $0x108;
	_ =	swait.ge @!p0 [sflag:s8], $0x0  }
0x24: {  	s3 =	sadd.s32 $0x88, s3;
	s6 =	simm.s32 @!p1 $0x1082;
	[sflag:s4] =	ssyncset.s32 $0xFFFFF086  }
0x25: {  	[simem:s6], [sflag:s4] =	dma.local [hbm:s3], $0xF7A  }
0x26: {  	[smem:$0x3F9F] =	sst s1;
	(tag) =	ssettag s2;
	_ =	strace s9  }
0x27: {  	s1 =	sld [smem:$0x3FAF]  }
0x28: {  	s2 =	sld [smem:$0x3FB0]  }
0x29: {  	s4 =	sld [smem:$0x3FB2]  }
0x2a: {  	p0 =	seq.s32 s5, $0x0;
	s5 =	sld [smem:$0x3FB3]  }
0x2b: {  	s6 =	sld [smem:$0x3FB4]  }
0x2c: {  	s7 =	sld [smem:$0x3FB5]  }
0x2d: {  	s3 =	simm.s32 $0x108;
	s8 =	sld [smem:$0x3FB6]  }
0x2e: {  	s3 =	simm.s32 @!p0 $0x1082;
	s9 =	sld [smem:$0x3FB7]  }
0x2f: {  	lr =	sadd.s32 s0, s3;
	s0 =	sld [smem:$0x3FAE]  }
0x30: {  	s3 =	sld [smem:$0x3FB1]  }
0x31: {  	[smem:$0x3FBA] =	sst s10  }
0x32: {  	s10 =	sld [smem:$0x3FB8];
	_ =	sdelay $0x3  }
0x33: {  	p0 =	seq.s32 s10, $0x1;
	s10 =	sld [smem:$0x3FBA];
	_ =	sdelay $0x3  }
0x34: {  	[smem:$0x3FBA] =	sst s10  }
0x35: {  	s10 =	sld [smem:$0x3FB9];
	_ =	sdelay $0x3  }
0x36: {  	p1 =	seq.s32 s10, $0x1;
	s10 =	sld [smem:$0x3FBA];
	_ =	sdelay $0x3  }
0x37: {  	[smem:$0x3FBA] =	sst s10  }
0x38: {  	s10 =	sld [smem:$0x3FBB]  }
0x39: {  	_ = 	snop;
	(pc) =	sbr.ind lr, $3  }
0x3a: {  	_ = 	snop  }
0x3b: {  	_ = 	snop  }
0x3c: {  	p2 =	seq.s32 s10, $0x1;
	s10 =	sld [smem:$0x3FBA]  }
0x3d: {  	_ =	shalt  }
0x3e: {  	_ =	shalt  }
0x3f: {  	_ =	shalt  }
0x40: {  	_ =	shalt  }
0x41: {  	_ =	shalt  }
0x42: {  	_ =	shalt  }
0x43: {  	_ =	shalt  }
0x44: {  	_ =	shalt  }
0x45: {  	_ =	shalt  }
0x46: {  	_ =	shalt  }
0x47: {  	_ =	shalt  }
0x48: {  	_ =	shalt  }
0x49: {  	_ =	shalt  }
0x4a: {  	_ =	shalt  }
0x4b: {  	_ =	shalt  }
0x4c: {  	_ =	shalt  }
0x4d: {  	_ =	shalt  }
0x4e: {  	_ =	shalt  }
0x4f: {  	_ =	shalt  }
0x50: {  	_ =	shalt  }
0x51: {  	_ =	shalt  }
0x52: {  	_ =	shalt  }
0x53: {  	_ =	shalt  }
0x54: {  	_ =	shalt  }
0x55: {  	_ =	shalt  }
0x56: {  	_ =	shalt  }
0x57: {  	_ =	shalt  }
0x58: {  	_ =	shalt  }
0x59: {  	_ =	shalt  }
0x5a: {  	_ =	shalt  }
0x5b: {  	_ =	shalt  }
0x5c: {  	_ =	shalt  }
0x5d: {  	_ =	shalt  }
0x5e: {  	_ =	shalt  }
0x5f: {  	_ =	shalt  }
0x60: {  	_ =	shalt  }
0x61: {  	_ =	shalt  }
0x62: {  	_ =	shalt  }
0x63: {  	_ =	shalt  }
0x64: {  	_ =	shalt  }
0x65: {  	_ =	shalt  }
0x66: {  	_ =	shalt  }
0x67: {  	_ =	shalt  }
0x68: {  	_ =	shalt  }
0x69: {  	_ =	shalt  }
0x6a: {  	_ =	shalt  }
0x6b: {  	_ =	shalt  }
0x6c: {  	_ =	shalt  }
0x6d: {  	_ =	shalt  }
0x6e: {  	_ =	shalt  }
0x6f: {  	_ =	shalt  }
0x70: {  	_ =	shalt  }
0x71: {  	_ =	shalt  }
0x72: {  	_ =	shalt  }
0x73: {  	_ =	shalt  }
0x74: {  	_ =	shalt  }
0x75: {  	_ =	shalt  }
0x76: {  	_ =	shalt  }
0x77: {  	_ =	shalt  }
0x78: {  	_ =	shalt  }
0x79: {  	_ =	shalt  }
0x7a: {  	_ =	shalt  }
0x7b: {  	_ =	shalt  }
0x7c: {  	_ =	shalt  }
0x7d: {  	_ =	shalt  }
0x7e: {  	_ =	shalt  }
0x7f: {  	_ =	shalt  }
0x80: {  	_ =	shalt  }
0x81: {  	_ =	shalt  }
0x82: {  	_ =	shalt  }
0x83: {  	_ =	shalt  }
0x84: {  	_ =	shalt  }
0x85: {  	_ =	shalt  }
0x86: {  	_ =	shalt  }
0x87: {  	_ =	shalt  }
.Lfunc_end0:
.L_simem_size_0:
called_computation_lowered:
.L_overlay_start_0:
0x88: {  	s2 =	sld [smem:$0x3FD9]  }
0x89: {  	s3 =	sld [smem:$0x3FFE];
	_ =	sdelay $0x1  }
0x8a: {  	s1 =	srdreg.scid  }
0x8b: {  	s0 =	sand.u32 $0x1, s1  }
0x8c: {  	s17 =	sshll.u32 s0, $0xA;
	s2 =	sadd.s32 s3, s2  }
0x8d: {  	s2 =	sadd.s32 s2, s17  }
0x8e: {  	[smem:$0x3FC6] =	sst s2  }
0x8f: {  	_ = 	snop  }
0x90: {  	s2 =	sld [smem:$0x3FD0];
	(tm) =	ssettm $0x1  }
0x91: {  	s18 =	sld [smem:$0x3FFB];
	_ =	sdelay $0x3  }
0x92: {  	_ =	strace s18  }
0x93: {  	s3 =	sld [smem:$0x3FFC];
	_ =	sdelay $0x3  }
0x94: {  	_ =	strace s3  }
0x95: {  	s3 =	sld [smem:$0x3FFD];
	_ =	sdelay $0x3  }
0x96: {  	_ =	strace s3  }
0x97: {  	_ =	strace $0x8FFFFFFF  }
0x98: {  	s19 =	sld [smem:$0x3FDB];
	_ =	sdelay $0x1  }
0x99: {  	s4 =	simm.s32 $_scs_section_size  }
0x9a: {  	s5 =	simm.s32 $_size__tile_overlayer_lowered;
	s6 =	simm.s32 $_tile_overlayer_lowered  }
0x9b: {  	s22 =	simm.s32 $0x1BFF;
	s21 =	sshll.u32 s6, $0x1;
	s3 =	sadd.s32 s4, s19  }
0x9c: {  	s7 =	simm.s32 $0x0;
	s20 =	sshll.u32 s5, $0x1;
	s5 =	sadd.s32 s21, s3  }
0x9d: {  	[timem:s7], [sflag:s22] =	dma.local [hbm:s5], s20  }
0x9e: {  	_ =	swait.ge [sflag:s22], s20  }
0x9f: {  	s4 =	ssub.s32 $0x0, s20;
	[sflag:s22] =	ssyncset.done $0x0  }
0xa0: {  	[sflag:s22] =	ssyncadd.s32 s4;
	_ =	sdelay $0x1  }
0xa1: {  	s23 =	simm.s32 $0x1B8B  }
0xa2: {  	_ =	swait.ge [sflag:s23], $0x1  }
0xa3: {  	[sflag:s23] =	ssyncset.done $0x0  }
0xa4: {  	s25 =	simm.s32 $0x1B8E;
	s24 =	sld [smem:$0x3FFE];
	[sflag:s23] =	ssyncadd.s32 $0xFFFFFFFF  }
0xa5: {  	s26 =	simm.s32 $execute0_lowered;
	[smem:$0x3FD2] =	sst s25  }
0xa6: {  	s5 =	sshll.u32 s26, $0x1;
	_ =	strace $0x80000046;
	[dreg:$0x1] =	wrdreg $0xFFFFFFFF  }
0xa7: {  	s28 =	simm.s32 $_size_execute0_lowered;
	s3 =	sadd.s32 s3, s5;
	[dreg:$0x0] =	wrdreg $0x0  }
0xa8: {  	s5 =	sshll.u32 s28, $0x1;
	[dreg:$0x2] =	wrdreg s3  }
0xa9: {  	[dreg:$0x3] =	wrdreg s5  }
0xaa: {  	[dreg:$0x4] =	wrdreg $0xC0  }
0xab: {  	_ =	task [dreg:s7], $0x5FFFF  }
0xac: {  	[dreg:$0x1] =	wrdreg $0xFFFFFFFF  }
0xad: {  	[dreg:$0x0] =	wrdreg $0x60  }
0xae: {  	[dreg:$0x2] =	wrdreg s24  }
0xaf: {  	[dreg:$0x3] =	wrdreg s2  }
0xb0: {  	[dreg:$0x4] =	wrdreg $0x9  }
0xb1: {  	_ =	task.clear_ibuf [dreg:s7], $0x5FFFF;
	_ =	strace $0x90000046  }
0xb2: {  	s29 =	simm.s32 $0x9;
	_ =	strace $0x80000048  }
0xb3: {  	_ =	swait.ge [sflag:s29], $0x1  }
0xb4: {  	[sflag:s29] =	ssyncadd.s32 $0xFFFFFFFF  }
0xb5: {  	_ =	strace $0x90000048  }
0xb6: {  	_ =	sfence  }
0xb7: {  	s30 =	sld [smem:$0x0];
	_ =	sdelay $0x2  }
0xb8: {  	s31 =	sshll.u32 s1, $0xD;
	s1 =	sshrl.u32 s1, $0x2  }
0xb9: {  	s3 =	sand.u32 $0x4000, s31;
	s1 =	sadd.s32 s1, s30  }
0xba: {  	s0 =	sor.u32 s3, s0;
	s1 =	sshll.u32 s1, $0x11  }
0xbb: {  	s0 =	sor.u32 s1, s0  }
0xbc: {  	s0 =	sadd.s32 $0x8F2B, s0  }
0xbd: {  	[sflag:s0] =	ssyncadd.remote.s32 $0x1  }
0xbe: {  	_ =	sfence.sel $0xFFFF  }
0xbf: {  	[dreg:$0x0] =	wrdreg $0xFFFFFFFF;
	(pc) =	sbr.abs _section_cstart, $3  }
0xc0: {  	[dreg:$0x1] =	wrdreg $0xFFFFFFFF  }
0xc1: {  	_ =	task.clear_ibuf [dreg:s7], $0x2FFFF;
	_ =	strace $0x9FFFFFFF  }
0xc2: {  	(tm) =	ssettm $0x7FFFFFFF  }
0xc3: {  	_ =	shalt  }
tec
execute0_lowered:
.L_overlay_start_1:
0x0: {  	(tag) =	ssettag $0x1  }
0x1: {  	s2 =	stileid.u32  }
0x2: {  	p0 =	sgt.u32 s2, $0x9  }
.Ltmp0:
0x3: {  	_ = 	snop;
	(pc) =	sbr.rel @p0 .LBB2_19-.Ltmp0, $4  }
0x4: {  	_ = 	snop  }
0x5: {  	s1 =	rddreg [dreg:$0x0];
	s3 =	simm.s32 $0x0  }
0x6: {  	[smem:$0x7FF] =	sst s3  }
0x7: {  	s0 =	rddreg [dreg:$0x1];
	_ =	strace $0x80000047  }
0x8: {  	s2 =	srdreg.scid;
	s10 =	stileid.u32  }
0x9: {  	s9 =	sadd.s32 $0xCC00, s1;
	s21 =	sadd.s32 $0x400, s1;
	s28 =	simm.s32 $0xDC00  }
0xa: {  	s29 =	simm.s32 $0xF000;
	s2 =	sand.u32 $0x1, s2;
	s3 =	sshll.u32 s10, $0x1  }
0xb: {  	s30 =	simm.s32 $0xF180;
	s15 =	smul.u32 $0xA000, s10;
	s3 =	sor.u32 s2, s3  }
0xc: {  	s31 =	simm.s32 $0x10580;
	s1 =	simm.s32 $0x12D80;
	s4 =	smul.u32 $0x5, s3  }
0xd: {  	s17 =	sshll.u32 s2, $0x9;
	s2 =	ssub.s32 $0x2, s2;
	s7 =	smul.u32 $0x280, s3  }
0xe: {  	s18 =	sshrl.u32 s10, $0x2;
	s3 =	sshll.u32 s3, $0x7;
	s19 =	sshrl.u32 s2, $0x1  }
0xf: {  	s5 =	sshrl.u32 s4, $0x3;
	s6 =	sadd.s32 $0x1, s4;
	s7 =	sand.u32 $0x380, s7  }
0x10: {  	s22 =	sadd.s32 $0x2, s4;
	s26 =	sadd.s32 $0x3, s4;
	s4 =	sadd.s32 $0x4, s4  }
0x11: {  	s5 =	smul.u32 $0xA000, s5;
	s8 =	sshrl.u32 s6, $0x3;
	s6 =	sshll.u32 s6, $0x7  }
0x12: {  	s24 =	sshrl.u32 s22, $0x3;
	s25 =	sshll.u32 s22, $0x7;
	s11 =	sshrl.u32 s26, $0x3  }
0x13: {  	s13 =	sshrl.u32 s4, $0x3;
	s4 =	sshll.u32 s4, $0x7;
	s8 =	smul.u32 $0xA000, s8  }
0x14: {  	s22 =	ssub.s32 s2, s19;
	s6 =	sand.u32 $0x380, s6;
	s12 =	smul.u32 $0xA000, s11  }
0x15: {  	s4 =	sand.u32 $0x380, s4;
	s5 =	sor.u32 s7, s5;
	s7 =	sshll.u32 s26, $0x7  }
0x16: {  	s26 =	smax.u32 s22, $0x1;
	s22 =	simm.s32 $0x7800;
	s6 =	sor.u32 s6, s8  }
0x17: {  	s5 =	sshrl.u32 s5, $0x3;
	s8 =	smul.u32 $0xA000, s13;
	s7 =	sand.u32 $0x380, s7  }
0x18: {  	[dreg:$0xd] =	wrdreg s26;
	s26 =	simm.s32 $0xC800;
	s5 =	sadd.s32 s0, s5  }
0x19: {  	s6 =	sshrl.u32 s6, $0x3;
	[dreg:$0x3] =	wrdreg s5;
	s5 =	smul.u32 $0xA000, s24  }
0x1a: {  	s23 =	sadd.s32 s0, s6;
	s6 =	sand.u32 $0x380, s25;
	s4 =	sor.u32 s4, s8  }
0x1b: {  	s14 =	sor.u32 s7, s12;
	s4 =	sshrl.u32 s4, $0x3;
	s5 =	sor.u32 s6, s5  }
0x1c: {  	[dreg:$0x4] =	wrdreg s23;
	s16 =	sadd.s32 s0, s4;
	s5 =	sshrl.u32 s5, $0x3  }
0x1d: {  	s4 =	smul.u32 $0xA000, s18;
	[dreg:$0x7] =	wrdreg s16;
	s5 =	sadd.s32 s0, s5  }
0x1e: {  	s16 =	simm.s32 $0x14180;
	[dreg:$0x5] =	wrdreg s5;
	s5 =	sshrl.u32 s14, $0x3  }
0x1f: {  	s5 =	sadd.s32 s0, s5;
	s0 =	sor.u32 s17, s15;
	s17 =	simm.s32 $0x2  }
0x20: {  	[dreg:$0x6] =	wrdreg s5;
	s0 =	sshrl.u32 s0, $0x3;
	s5 =	simm.s32 $0x400  }
0x21: {  	s20 =	sadd.s32 s21, s0;
	s21 =	sand.u32 $0x380, s3;
	s3 =	simm.s32 $0x0  }
0x22: {  	s23 =	sadd.s32 $0x30, s20;
	s0 =	sor.u32 s4, s21;
	[dreg:$0x8] =	wrdreg s20  }
.Ltmp1:
0x23: {  	s24 =	sadd.s32 $0x20, s20;
	[dreg:$0x9] =	wrdreg s23;
	(pc) =	sbr.rel .LBB2_2-.Ltmp1, $4  }
0x24: {  	s25 =	sadd.s32 $0x10, s20;
	s4 =	simm.s32 $0x80;
	[dreg:$0xa] =	wrdreg s24  }
0x25: {  	v63 =	vlaneseq.u32;
	s21 =	simm.s32 $0x6400;
	[dreg:$0xb] =	wrdreg s25;
	s0 =	sshrl.u32 s0, $0x3  }
0x26: {  	v57 =	vor.u32 $0x80000000, v63;
	s23 =	simm.s32 $0x8C00;
	s24 =	simm.s32 $0xA000;
	s0 =	sadd.s32 s9, s0  }
0x27: {  	v0 =	vimm.f32 $-1.000000000e+00;
	v1 =	vimm.f32 $0.0e+00;
	[tilespmem:$0x1FFF0] =	vst v57;
	s25 =	simm.s32 $0xB400;
	[dreg:$0xc] =	wrdreg s0;
	s0 =	simm.s32 $0x11980  }
.LBB2_18:
0x28: {  	s2 =	rddreg [dreg:$0x3];
	s4 =	simm.s32 $0x80;
	s5 =	simm.s32 $0x400  }
0x29: {  	[hbm4b:s2+s4] =	stream.strided.scatter [tilespmem:s30], [sflag:$0x2], $0x1400, s5, s4, $0x38;
	[tilespmem:$0x15580] =	vst v63  }
0x2a: {  	_ =	swait.ge [sflag:s17], $0x1400  }
0x2b: {  	[sflag:s17] =	ssyncset.done $0x0  }
0x2c: {  	s14 =	rddreg [dreg:$0x4];
	[sflag:s17] =	ssyncadd.s32 $0xFFFFEC00  }
0x2d: {  	[hbm4b:s14+s4] =	stream.strided.scatter [tilespmem:s31], [sflag:$0x2], $0x1400, s5, s4, $0x38;
	[tilespmem:$0x15580] =	vst v63  }
0x2e: {  	_ =	swait.ge [sflag:s17], $0x1400  }
0x2f: {  	[sflag:s17] =	ssyncset.done $0x0  }
0x30: {  	s15 =	rddreg [dreg:$0x5];
	[sflag:s17] =	ssyncadd.s32 $0xFFFFEC00  }
0x31: {  	[hbm4b:s15+s4] =	stream.strided.scatter [tilespmem:s0], [sflag:$0x2], $0x1400, s5, s4, $0x38;
	[tilespmem:$0x15580] =	vst v63  }
0x32: {  	_ =	swait.ge [sflag:s17], $0x1400  }
0x33: {  	[sflag:s17] =	ssyncset.done $0x0  }
0x34: {  	s18 =	rddreg [dreg:$0x6];
	[sflag:s17] =	ssyncadd.s32 $0xFFFFEC00  }
0x35: {  	[hbm4b:s18+s4] =	stream.strided.scatter [tilespmem:s1], [sflag:$0x2], $0x1400, s5, s4, $0x38;
	[tilespmem:$0x15580] =	vst v63  }
0x36: {  	_ =	swait.ge [sflag:s17], $0x1400  }
0x37: {  	[sflag:s17] =	ssyncset.done $0x0  }
0x38: {  	s19 =	rddreg [dreg:$0x7];
	[sflag:s17] =	ssyncadd.s32 $0xFFFFEC00  }
0x39: {  	[hbm4b:s19+s4] =	stream.strided.scatter [tilespmem:s16], [sflag:$0x2], $0x1400, s5, s4, $0x38;
	[tilespmem:$0x15580] =	vst v63  }
0x3a: {  	_ =	swait.ge [sflag:s17], $0x1400  }
0x3b: {  	s3 =	rddreg [dreg:$0xe]  }
0x3c: {  	s20 =	rddreg [dreg:$0xd];
	s3 =	sadd.s32 $0x1, s3  }
0x3d: {  	p0 =	sne.s32 s3, s20  }
.Ltmp2:
0x3e: {  	_ = 	snop;
	(pc) =	sbr.rel @!p0 .LBB2_19-.Ltmp2, $3  }
0x3f: {  	_ =	sdelay $0x1  }
0x40: {  	[sflag:s17] =	ssyncset.done $0x0  }
0x41: {  	v0 =	vimm.f32 $-1.000000000e+00;
	v1 =	vimm.f32 $0.0e+00;
	[sflag:s17] =	ssyncadd.s32 $0xFFFFEC00  }
.LBB2_2:
0x42: {  	[dreg:$0xe] =	wrdreg s3  }
0x43: {  	s2 =	simm.s32 $0x0;
	s10 =	rddreg [dreg:$0xc]  }
0x44: {  	[tilespmem:s2], [sflag:$0x1] =	stream.strided.gather [hbm4b:s10+s4], $0x1400, s5, s4, $0x38;
	[tilespmem:$0x15580] =	vst v63  }
0x45: {  	s11 =	rddreg [dreg:$0x8];
	s12 =	simm.s32 $0x1400  }
0x46: {  	[tilespmem:s12], [sflag:$0x1] =	stream.strided.gather [hbm4b:s11+s4], $0x1400, s5, s4, $0x38;
	[tilespmem:$0x15580] =	vst v63  }
0x47: {  	s13 =	rddreg [dreg:$0xb];
	s14 =	simm.s32 $0x2800  }
0x48: {  	[tilespmem:s14], [sflag:$0x1] =	stream.strided.gather [hbm4b:s13+s4], $0x1400, s5, s4, $0x38;
	[tilespmem:$0x15580] =	vst v63  }
0x49: {  	s15 =	rddreg [dreg:$0xa];
	s18 =	simm.s32 $0x3C00  }
0x4a: {  	[tilespmem:s18], [sflag:$0x1] =	stream.strided.gather [hbm4b:s15+s4], $0x1400, s5, s4, $0x38;
	[tilespmem:$0x15580] =	vst v63  }
0x4b: {  	s19 =	rddreg [dreg:$0x9];
	s20 =	simm.s32 $0x5000;
	s7 =	simm.s32 $0x6420  }
0x4c: {  	[tilespmem:s20], [sflag:$0x1] =	stream.strided.gather [hbm4b:s19+s4], $0x1400, s5, s4, $0x38;
	[tilespmem:$0x15580] =	vst v63  }
0x4d: {  	[tilespmem:s7+$0xFFFFFFF0] =	vst v0  }
0x4e: {  	[tilespmem:s7+$0x0] =	vst v0  }
0x4f: {  	[tilespmem:s7+$0x10] =	vst v0  }
0x50: {  	s2 =	simm.s32 $0xF1A0;
	[tilespmem:s7+$0xFFFFFFE0] =	vst v0  }
0x51: {  	[tilespmem:s2+$0xFFFFFFF0] =	vst v1  }
0x52: {  	[tilespmem:s2+$0x0] =	vst v1  }
0x53: {  	[tilespmem:s2+$0x10] =	vst v1  }
0x54: {  	s3 =	simm.s32 $0x105A0;
	[tilespmem:s2+$0xFFFFFFE0] =	vst v1  }
0x55: {  	[tilespmem:s3+$0xFFFFFFF0] =	vst v1  }
0x56: {  	[tilespmem:s3+$0x0] =	vst v1  }
0x57: {  	[tilespmem:s3+$0x10] =	vst v1  }
0x58: {  	s4 =	simm.s32 $0x119A0;
	[tilespmem:s3+$0xFFFFFFE0] =	vst v1  }
0x59: {  	[tilespmem:s4+$0xFFFFFFF0] =	vst v1  }
0x5a: {  	[tilespmem:s4+$0x0] =	vst v1  }
0x5b: {  	[tilespmem:s4+$0x10] =	vst v1  }
0x5c: {  	s5 =	simm.s32 $0x12DA0;
	[tilespmem:s4+$0xFFFFFFE0] =	vst v1  }
0x5d: {  	[tilespmem:s5+$0xFFFFFFF0] =	vst v1  }
0x5e: {  	[tilespmem:s5+$0x0] =	vst v1  }
0x5f: {  	[tilespmem:s5+$0x10] =	vst v1  }
0x60: {  	s6 =	simm.s32 $0x141A0;
	[tilespmem:s5+$0xFFFFFFE0] =	vst v1  }
0x61: {  	[tilespmem:s6+$0xFFFFFFF0] =	vst v1  }
0x62: {  	[tilespmem:s6+$0x0] =	vst v1  }
0x63: {  	[tilespmem:s6+$0x10] =	vst v1  }
0x64: {  	s8 =	simm.s32 $0x6460;
	s7 =	simm.s32 $0x0;
	[tilespmem:s6+$0xFFFFFFE0] =	vst v1  }
.LBB2_3:
0x65: {  	[tilespmem:s8+$0xFFFFFFF0] =	vst v0;
	s2 =	sadd.s32 $0x40, s2  }
0x66: {  	s3 =	sadd.s32 $0x40, s3;
	[tilespmem:s2+$0xFFFFFFF0] =	vst v1  }
0x67: {  	s4 =	sadd.s32 $0x40, s4;
	[tilespmem:s3+$0xFFFFFFF0] =	vst v1  }
0x68: {  	s5 =	sadd.s32 $0x40, s5;
	[tilespmem:s4+$0xFFFFFFF0] =	vst v1  }
0x69: {  	s6 =	sadd.s32 $0x40, s6;
	[tilespmem:s5+$0xFFFFFFF0] =	vst v1  }
0x6a: {  	[tilespmem:s6+$0xFFFFFFF0] =	vst v1  }
0x6b: {  	[tilespmem:s8+$0x0] =	vst v0  }
0x6c: {  	[tilespmem:s2+$0x0] =	vst v1  }
0x6d: {  	[tilespmem:s3+$0x0] =	vst v1  }
0x6e: {  	[tilespmem:s4+$0x0] =	vst v1  }
0x6f: {  	[tilespmem:s5+$0x0] =	vst v1  }
0x70: {  	[tilespmem:s6+$0x0] =	vst v1  }
0x71: {  	[tilespmem:s8+$0x10] =	vst v0  }
0x72: {  	[tilespmem:s2+$0x10] =	vst v1  }
0x73: {  	[tilespmem:s3+$0x10] =	vst v1  }
0x74: {  	[tilespmem:s4+$0x10] =	vst v1  }
0x75: {  	[tilespmem:s5+$0x10] =	vst v1  }
0x76: {  	s7 =	sadd.s32 $0x4, s7;
	[tilespmem:s6+$0x10] =	vst v1  }
0x77: {  	p0 =	slt.u32 s7, $0x134;
	[tilespmem:s8+$0xFFFFFFE0] =	vst v0  }
.Ltmp3:
0x78: {  	[tilespmem:s2+$0xFFFFFFE0] =	vst v1;
	(pc) =	sbr.rel @p0 .LBB2_3-.Ltmp3, $4  }
0x79: {  	[tilespmem:s3+$0xFFFFFFE0] =	vst v1  }
0x7a: {  	[tilespmem:s4+$0xFFFFFFE0] =	vst v1  }
0x7b: {  	[tilespmem:s5+$0xFFFFFFE0] =	vst v1  }
0x7c: {  	s9 =	simm.s32 $0x0;
	s8 =	sadd.s32 $0x40, s8;
	[tilespmem:s6+$0xFFFFFFE0] =	vst v1  }
.LBB2_4:
0x7d: {  	s2 =	sshra.s32 s9, $0x2  }
0x7e: {  	p0 =	sne.s32 s9, $0x40;
	[tilespmem:s2+$0x7780] =	vst v0  }
.Ltmp4:
0x7f: {  	[tilespmem:s2+$0x10500] =	vst v1;
	(pc) =	sbr.rel @p0 .LBB2_4-.Ltmp4, $4  }
0x80: {  	[tilespmem:s2+$0x11900] =	vst v1  }
0x81: {  	[tilespmem:s2+$0x12D00] =	vst v1  }
0x82: {  	[tilespmem:s2+$0x14100] =	vst v1  }
0x83: {  	s9 =	sadd.s32 $0x40, s9;
	[tilespmem:s2+$0x15500] =	vst v1  }
0x84: {  	[tilespmem:$0xF000] =	vst v0  }
0x85: {  	[tilespmem:$0xF010] =	vst v0  }
0x86: {  	[tilespmem:$0xF020] =	vst v0  }
0x87: {  	[tilespmem:$0xF030] =	vst v0  }
0x88: {  	[tilespmem:$0xF040] =	vst v0  }
0x89: {  	[tilespmem:$0xF050] =	vst v0  }
0x8a: {  	[tilespmem:$0xF060] =	vst v0  }
0x8b: {  	[tilespmem:$0xF070] =	vst v0  }
0x8c: {  	[tilespmem:$0xF080] =	vst v0  }
0x8d: {  	[tilespmem:$0xF090] =	vst v0  }
0x8e: {  	[tilespmem:$0xF0A0] =	vst v0  }
0x8f: {  	[tilespmem:$0xF0B0] =	vst v0  }
0x90: {  	[tilespmem:$0xF0C0] =	vst v0  }
0x91: {  	[tilespmem:$0xF0D0] =	vst v0  }
0x92: {  	[tilespmem:$0xF0E0] =	vst v0  }
0x93: {  	[tilespmem:$0xF0F0] =	vst v0  }
0x94: {  	[tilespmem:$0xF100] =	vst v0  }
0x95: {  	[tilespmem:$0xF110] =	vst v0  }
0x96: {  	[tilespmem:$0xF120] =	vst v0  }
0x97: {  	[tilespmem:$0xF130] =	vst v0;
	s2 =	simm.s32 $0x1  }
0x98: {  	_ =	swait.ge [sflag:s2], $0x1400  }
0x99: {  	[sflag:s2] =	ssyncset.done $0x0  }
0x9a: {  	[sflag:s2] =	ssyncadd.s32 $0xFFFFEC00  }
0x9b: {  	_ =	swait.ge [sflag:s2], $0x1400  }
0x9c: {  	[sflag:s2] =	ssyncset.done $0x0  }
0x9d: {  	[sflag:s2] =	ssyncadd.s32 $0xFFFFEC00  }
0x9e: {  	_ =	swait.ge [sflag:s2], $0x1400  }
0x9f: {  	[sflag:s2] =	ssyncset.done $0x0  }
0xa0: {  	[sflag:s2] =	ssyncadd.s32 $0xFFFFEC00  }
0xa1: {  	_ =	swait.ge [sflag:s2], $0x1400  }
0xa2: {  	[sflag:s2] =	ssyncset.done $0x0  }
0xa3: {  	[sflag:s2] =	ssyncadd.s32 $0xFFFFEC00  }
0xa4: {  	_ =	swait.ge [sflag:s2], $0x1400  }
0xa5: {  	[sflag:s2] =	ssyncset.done $0x0  }
0xa6: {  	s18 =	simm.s32 $0x0;
	[sflag:s2] =	ssyncadd.s32 $0xFFFFEC00  }
0xa7: {  	v5 =	vld [tilespmem:s18+$0x0];
	_ =	sdelay $0x4  }
0xa8: {  	v0 =	vimm.s32 $0x0;
	vm0 =	vgt.f32 v5, $5.000000070e-02  }
0xa9: {  	v6 =	vsel vm0, $0x1, v0  }
0xaa: {  	(xrf0) =	vadd.scan.msk.s32 $0xffff, v6;
	_ =	sdelay $0x4  }
0xab: {  	s5 =	simm.s32 $0x3C00  }
0xac: {  	s4 =	simm.s32 $0x2800;
	v8 =	vld [tilespmem:s5+$0x0];
	v6, _, _ =	vpop (xrf0)  }
0xad: {  	s3 =	simm.s32 $0x5000;
	v9 =	vld [tilespmem:s4+$0x0];
	v7 =	vxor.u32 $0x80000000, v6  }
0xae: {  	s19 =	simm.s32 $0xFFFFFFFF;
	(xrf0) =	vmax.scan.msk.u32 $0xffff, v7;
	v7 =	vld [tilespmem:s3+$0x0];
	s3 =	simm.s32 $0x1400  }
0xaf: {  	v6 =	vadd.s32 s19, v6;
	v10 =	vld [tilespmem:s3+$0x0];
	_ =	sdelay $0x4  }
0xb0: {  	[tilespmem:v6+s21+$0x0] =	vst.idx.msk vm0, v5;
	v62 =	vsub.f32 v7, v9;
	v11, _, _ =	vpop (xrf0);
	v5 =	vsub.f32 v8, v10  }
0xb1: {  	[tilespmem:v6+s22+$0x0] =	vst.idx.msk vm0, v10;
	(v2sf) =	vpush v11, $0xF  }
0xb2: {  	[tilespmem:v6+s23+$0x0] =	vst.idx.msk vm0, v9;
	v5 =	vmul.f32 v62, v5  }
0xb3: {  	[tilespmem:v6+s24+$0x0] =	vst.idx.msk vm0, v8  }
0xb4: {  	[tilespmem:v6+s25+$0x0] =	vst.idx.msk vm0, v7;
	v7 =	vor.u32 s18, v63;
	v5 =	vmul.f32 $2.307692320e-01, v5  }
0xb5: {  	[tilespmem:v6+s26+$0x0] =	vst.idx.msk vm0, v7  }
0xb6: {  	s2 =	simm.s32 $0x10;
	[tilespmem:v6+s28+$0x0] =	vst.idx.msk vm0, v5  }
0xb7: {  	v5 =	vld [tilespmem:s2+$0x0];
	_ =	sdelay $0x4  }
0xb8: {  	vm1 =	vgt.f32 v5, $5.000000070e-02  }
0xb9: {  	v6 =	vsel vm1, $0x1, v0  }
0xba: {  	(xrf0) =	vadd.scan.msk.s32 $0xffff, v6;
	_ =	sdelay $0x1  }
0xbb: {  	s6 =	simm.s32 $0x20;
	s7 =	simm.s32 $0x5010;
	s20 =	spop (v2sf)  }
0xbc: {  	s8 =	simm.s32 $0x10;
	s5 =	simm.s32 $0x3C10;
	v6 =	vld [tilespmem:s7+$0x0];
	s9 =	sadd.s32 $0x0, s20  }
.LBB2_6:
0xbd: {  	s9 =	sadd.s32 $0x80000000, s9  }
0xbe: {  	v7 =	vld [tilespmem:s5+$0x0];
	s3 =	sadd.s32 $0x10, s3;
	s4 =	sadd.s32 $0x10, s4;
	s10 =	smov.u32 s6  }
0xbf: {  	p0 =	sne.s32 s6, $0x1390;
	s6 =	sadd.s32 $0x10, s6;
	s11 =	sadd.s32 $0xFFFFFFFF, s9;
	v8 =	vld [tilespmem:s4+$0x0];
	v9, _, _ =	vpop (xrf0)  }
0xc0: {  	v10 =	vxor.u32 $0x80000000, v9;
	v9 =	vadd.s32 s11, v9;
	v11 =	vld [tilespmem:s3+$0x0]  }
0xc1: {  	(xrf0) =	vmax.scan.msk.u32 $0xffff, v10;
	_ =	sdelay $0x2  }
0xc2: {  	v10 =	vsub.f32 v6, v8  }
0xc3: {  	[tilespmem:v9+s21+$0x0] =	vst.idx.msk vm1, v5;
	v5 =	vsub.f32 v7, v11  }
0xc4: {  	[tilespmem:v9+s22+$0x0] =	vst.idx.msk vm1, v11  }
0xc5: {  	[tilespmem:v9+s23+$0x0] =	vst.idx.msk vm1, v8;
	v5 =	vmul.f32 v10, v5;
	v8, _, _ =	vpop (xrf0)  }
0xc6: {  	[tilespmem:v9+s24+$0x0] =	vst.idx.msk vm1, v7;
	(v2sf) =	vpush v8, $0xF  }
0xc7: {  	[tilespmem:v9+s25+$0x0] =	vst.idx.msk vm1, v6;
	v6 =	vor.u32 s2, v63;
	v5 =	vmul.f32 $2.307692320e-01, v5;
	s2 =	smov.u32 s10  }
0xc8: {  	[tilespmem:v9+s26+$0x0] =	vst.idx.msk vm1, v6  }
0xc9: {  	[tilespmem:v9+s28+$0x0] =	vst.idx.msk vm1, v5  }
0xca: {  	s8 =	sadd.s32 $0x10, s8  }
0xcb: {  	v5 =	vld [tilespmem:s8+$0x0];
	_ =	sdelay $0x4  }
0xcc: {  	vm1 =	vgt.f32 v5, $5.000000070e-02  }
0xcd: {  	v6 =	vsel vm1, $0x1, v0  }
.Ltmp5:
0xce: {  	(xrf0) =	vadd.scan.msk.s32 $0xffff, v6;
	(pc) =	sbr.rel @p0 .LBB2_6-.Ltmp5, $3  }
0xcf: {  	_ =	sdelay $0x1  }
0xd0: {  	s7 =	sadd.s32 $0x10, s7;
	s10 =	spop (v2sf)  }
0xd1: {  	s5 =	sadd.s32 $0x10, s5;
	v6 =	vld [tilespmem:s7+$0x0];
	s9 =	sadd.s32 s10, s9  }
0xd2: {  	_ = 	snop  }
0xd3: {  	v7, _, _ =	vpop (xrf0)  }
0xd4: {  	v8 =	vxor.u32 $0x80000000, v7  }
0xd5: {  	(xrf0) =	vmax.scan.msk.u32 $0xffff, v8;
	_ =	sdelay $0x5  }
0xd6: {  	v8, _, _ =	vpop (xrf0)  }
0xd7: {  	(v2sf) =	vpush v8, $0xF;
	_ =	sdelay $0xe  }
0xd8: {  	s6 =	sadd.s32 $0x80000000, s9;
	s7 =	spop (v2sf)  }
0xd9: {  	s14 =	sadd.s32 s7, s6  }
0xda: {  	s15 =	sadd.s32 $0x80000000, s14  }
0xdb: {  	s4 =	sadd.s32 $0x10, s4;
	s18 =	sadd.s32 $0xF, s15  }
0xdc: {  	s3 =	sadd.s32 $0x10, s3;
	v9 =	vld [tilespmem:s4+$0x0];
	s4 =	sand.u32 $0xF, s18  }
0xdd: {  	s19 =	sshra.s32 s18, $0x1F;
	p0 =	slt.s32 s18, $0x1;
	p1 =	sne.s32 s4, $0x0  }
0xde: {  	v60 =	vld [tilespmem:s5+$0x0];
	s6 =	sadd.s32 $0xFFFFFFFF, s6;
	s20 =	sshrl.u32 s19, $0x1C;
	p0 =	por !p0, !p1  }
0xdf: {  	v10 =	vld [tilespmem:s3+$0x0];
	v7 =	vadd.s32 s6, v7;
	s4 =	simm.s32 $0x1;
	s3 =	sadd.s32 s20, s18;
	p0 =	por !p0, !p0  }
0xe0: {  	s3 =	sshra.s32 s3, $0x4;
	s4 =	simm.s32 @!p0 $0x0  }
0xe1: {  	s19 =	ssub.s32 s3, s4  }
0xe2: {  	s3 =	sshrl.u32 s19, $0x1E  }
0xe3: {  	s3 =	sadd.s32 s3, s19  }
0xe4: {  	v62 =	vor.u32 s2, v63;
	v11 =	vsub.f32 v6, v9;
	v61 =	vsub.f32 v60, v10;
	[tilespmem:v7+s21+$0x0] =	vst.idx.msk vm1, v5;
	s2 =	sand.u32 $0xFFFFFFFC, s3  }
0xe5: {  	[tilespmem:v7+s22+$0x0] =	vst.idx.msk vm1, v10;
	p0 =	slt.s32 s2, $0x1  }
.Ltmp6:
0xe6: {  	v5 =	vmul.f32 v11, v61;
	[tilespmem:v7+s23+$0x0] =	vst.idx.msk vm1, v9;
	(pc) =	sbr.rel @p0 .LBB2_10-.Ltmp6, $4  }
0xe7: {  	[tilespmem:v7+s24+$0x0] =	vst.idx.msk vm1, v60  }
0xe8: {  	v5 =	vmul.f32 $2.307692320e-01, v5;
	[tilespmem:v7+s25+$0x0] =	vst.idx.msk vm1, v6  }
0xe9: {  	[tilespmem:v7+s26+$0x0] =	vst.idx.msk vm1, v62  }
0xea: {  	[tilespmem:v7+s28+$0x0] =	vst.idx.msk vm1, v5  }
0xeb: {  	s5 =	simm.s32 $0x6420  }
0xec: {  	p2 =	sgt.s32 s2, $0x4;
	v10 =	vld [tilespmem:s5+$0xFFFFFFE0]  }
.Ltmp7:
0xed: {  	_ = 	snop;
	(pc) =	sbr.rel @!p2 .LBB2_9-.Ltmp7, $4  }
0xee: {  	_ = 	snop  }
0xef: {  	s6 =	simm.s32 $0x1;
	s7 =	simm.s32 $0x2;
	v5 =	vld [tilespmem:s5+$0xFFFFFFF0]  }
0xf0: {  	s3 =	simm.s32 $0x0;
	s4 =	simm.s32 $0x4;
	s20 =	simm.s32 $0x3;
	v6 =	vmov s6;
	v8 =	vmov s7;
	v7 =	vld [tilespmem:s5+$0x0]  }
0xf1: {  	p0 =	por $0x0, $0x0;
	p1 =	por $0x0, $0x0;
	v14 =	vmov s20;
	v9 =	vand.u32 $0xFFFFFFFD, v6;
	v6 =	vand.u32 $0xFFFFFFFE, v8;
	v8 =	vld [tilespmem:s5+$0x10];
	s5 =	simm.s32 $0x6460;
	(xrf0) =	vmax.scan.msk.f32 $0xffff, v10  }
0xf2: {  	v10 =	vld [tilespmem:s5+$0xFFFFFFE0];
	s6 =	simm.s32 $0x5;
	p2 =	sgt.s32 s2, $0x8  }
.Ltmp8:
0xf3: {  	v11 =	vmov s6;
	(pc) =	sbr.rel @!p2 .LBB2_21-.Ltmp8, $4  }
0xf4: {  	(xrf0) =	vmax.scan.msk.f32 $0xffff, v5;
	v20 =	vand.u32 $0xFFFFFFFD, v11;
	v11 =	vmov s3  }
0xf5: {  	s7 =	simm.s32 $0x6;
	v5 =	vld [tilespmem:s5+$0xFFFFFFF0];
	(xrf0) =	vmax.scan.msk.f32 $0xffff, v7  }
0xf6: {  	s20 =	simm.s32 $0x7;
	v16 =	vbroadcast v9, $0x0;
	v17 =	vbroadcast v6, $0x0;
	v12 =	vmov s7;
	v7 =	vld [tilespmem:s5+$0x0];
	(xrf0) =	vmax.scan.msk.f32 $0xffff, v8  }
0xf7: {  	p0 =	por $0x1, $0x1;
	v13 =	vmov s20;
	v19 =	vand.u32 $0xFFFFFFFE, v12;
	s3 =	simm.s32 $0x8;
	v18 =	vand.u32 $0xFFFFFFFC, v11;
	v8 =	vld [tilespmem:s5+$0x10];
	s5 =	simm.s32 $0x64A0;
	(xrf0) =	vmax.scan.msk.f32 $0xffff, v10;
	v11, _, _ =	vpop (xrf0)  }
0xf8: {  	_ =	sdelay $0x1  }
0xf9: {  	v21 =	vld [tilespmem:s5+$0xFFFFFFE0];
	s6 =	simm.s32 $0x9;
	s7 =	simm.s32 $0xA;
	v10 =	vbroadcast v18, $0x0;
	p2 =	sgt.s32 s2, $0xC;
	v6, _, _ =	vpop (xrf0)  }
.Ltmp9:
0xfa: {  	v12 =	vmov s7;
	(xrf0) =	vmax.scan.msk.f32 $0xffff, v5;
	v5 =	vmov s6;
	v15 =	vbroadcast v6, $0xF;
	v18, _, _ =	vpop (xrf0);
	(pc) =	sbr.rel @!p2 .LBB2_23-.Ltmp9, $4  }
0xfb: {  	s20 =	simm.s32 $0xB;
	(xrf0) =	vmax.scan.msk.f32 $0xffff, v7;
	v9 =	vand.u32 $0xFFFFFFFD, v5;
	v6 =	vand.u32 $0xFFFFFFFE, v12;
	v18 =	vbroadcast v18, $0xF;
	v7, _, _ =	vpop (xrf0)  }
0xfc: {  	v5 =	vld [tilespmem:s5+$0xFFFFFFF0];
	v12 =	vmov s20;
	(xrf0) =	vmax.scan.msk.f32 $0xffff, v8;
	[tilespmem:v16+s29+$0x0] =	vst.idx.msk $0x1, v15;
	v22 =	vbroadcast v7, $0xF  }
0xfd: {  	v7 =	vld [tilespmem:s5+$0x0];
	v16 =	vbroadcast v20, $0x0;
	v20 =	vmov s4;
	v15 =	vbroadcast v11, $0xF;
	[tilespmem:v17+s29+$0x0] =	vst.idx.msk $0x1, v18  }
0xfe: {  	p1 =	por $0x1, $0x1;
	v8 =	vld [tilespmem:s5+$0x10];
	s4 =	simm.s32 $0xC;
	s5 =	simm.s32 $0x64E0;
	(xrf0) =	vmax.scan.msk.f32 $0xffff, v21;
	v11, _, _ =	vpop (xrf0);
	v17 =	vbroadcast v19, $0x0;
	v18 =	vand.u32 $0xFFFFFFFC, v20;
	[tilespmem:v14+s29+$0x0] =	vst.idx.msk $0x1, v22  }
.LBB2_24:
0xff: {  	s6 =	sadd.s32 $0x1, s4  }
0x100: {  	s7 =	sadd.s32 $0x2, s4;
	s8 =	smov.u32 s4;
	s4 =	sadd.s32 $0x4, s4  }
0x101: {  	v14 =	vld [tilespmem:s5+$0xFFFFFFE0];
	(xrf0) =	vmax.scan.msk.f32 $0xffff, v5;
	v19, _, _ =	vpop (xrf0);
	[tilespmem:v10+s29+$0x0] =	vst.idx.msk $0x1, v15;
	v10 =	vbroadcast v18, $0x0;
	v20 =	vmov v12;
	p2 =	slt.s32 s4, s2  }
.Ltmp10:
0x102: {  	v5 =	vld [tilespmem:s5+$0xFFFFFFF0];
	v12 =	vmov s6;
	v0 =	vmov s7;
	(xrf0) =	vmax.scan.msk.f32 $0xffff, v7;
	v18 =	vbroadcast v19, $0xF;
	v19, _, _ =	vpop (xrf0);
	(pc) =	sbr.rel @p2 .LBB2_24-.Ltmp10, $4  }
0x103: {  	s6 =	sadd.s32 $0x3, s8;
	v21 =	vand.u32 $0xFFFFFFFD, v12;
	v7 =	vld [tilespmem:s5+$0x0];
	v22 =	vand.u32 $0xFFFFFFFE, v0;
	(xrf0) =	vmax.scan.msk.f32 $0xffff, v8;
	v19 =	vbroadcast v19, $0xF;
	v15, _, _ =	vpop (xrf0)  }
0x104: {  	v12 =	vmov s6;
	v8 =	vld [tilespmem:s5+$0x10];
	[tilespmem:v16+s29+$0x0] =	vst.idx.msk $0x1, v18;
	v16 =	vbroadcast v9, $0x0;
	v23 =	vbroadcast v15, $0xF;
	v9 =	vmovc v21  }
0x105: {  	v18 =	vmov s3;
	v15 =	vbroadcast v11, $0xF;
	s3 =	smov.u32 s8;
	[tilespmem:v17+s29+$0x0] =	vst.idx.msk $0x1, v19;
	v17 =	vbroadcast v6, $0x0;
	v6 =	vmovc v22  }
0x106: {  	s5 =	sadd.s32 $0x40, s5;
	v18 =	vand.u32 $0xFFFFFFFC, v18;
	(xrf0) =	vmax.scan.msk.f32 $0xffff, v14;
	v11, _, _ =	vpop (xrf0);
	[tilespmem:v13+s29+$0x0] =	vst.idx.msk $0x1, v23;
	v13 =	vmov v20  }
0x107: {  	v14 =	vmov v13  }
.LBB2_26:
0x108: {  	_ = 	snop  }
0x109: {  	(xrf0) =	vmax.scan.msk.f32 $0xffff, v5;
	v5 =	vbroadcast @p0 v18, $0x0;
	v13 =	vmov s3  }
0x10a: {  	v9 =	vbroadcast v9, $0x0;
	(xrf0) =	vmax.scan.msk.f32 $0xffff, v7;
	v7, _, _ =	vpop @p0 (xrf0);
	v53 =	vand.u32 $0xFFFFFFFC, v13  }
0x10b: {  	(xrf0) =	vmax.scan.msk.f32 $0xffff, v8;
	v8, _, _ =	vpop @p0 (xrf0);
	v7 =	vbroadcast @p0 v7, $0xF;
	v5 =	vpsel p0, v5, v0;
	v55 =	vbroadcast v53, $0x0  }
0x10c: {  	[tilespmem:v10+s29+$0x0] =	vst.idx.msk @p1 $0x1, v15;
	v6 =	vbroadcast v6, $0x0;
	v8 =	vbroadcast @p0 v8, $0xF;
	v10, _, _ =	vpop @p0 (xrf0)  }
0x10d: {  	[tilespmem:v16+s29+$0x0] =	vst.idx.msk @p0 $0x1, v7;
	v7 =	vbroadcast @p0 v10, $0xF;
	v10 =	vbroadcast @p0 v11, $0xF  }
0x10e: {  	v54, _, _ =	vpop (xrf0);
	[tilespmem:v17+s29+$0x0] =	vst.idx.msk @p0 $0x1, v8  }
0x10f: {  	v62 =	vbroadcast v54, $0xF;
	v56, _, _ =	vpop (xrf0);
	[tilespmem:v14+s29+$0x0] =	vst.idx.msk @p0 $0x1, v7;
	v7 =	vpsel p0, v10, v0  }
0x110: {  	v58 =	vbroadcast v56, $0xF;
	v59, _, _ =	vpop (xrf0);
	[tilespmem:v5+s29+$0x0] =	vst.idx.msk @p0 $0x1, v7  }
0x111: {  	v60 =	vbroadcast v59, $0xF;
	v61, _, _ =	vpop (xrf0);
	[tilespmem:v55+s29+$0x0] =	vst.idx.msk $0x1, v62  }
0x112: {  	[tilespmem:v9+s29+$0x0] =	vst.idx.msk $0x1, v58;
	v7 =	vbroadcast v61, $0xF  }
0x113: {  	[tilespmem:v6+s29+$0x0] =	vst.idx.msk $0x1, v60  }
0x114: {  	[tilespmem:v12+s29+$0x0] =	vst.idx.msk $0x1, v7  }
.LBB2_10:
0x115: {  	s3 =	ssub.s32 s19, s2  }
0x116: {  	p0 =	slt.s32 s3, $0x1  }
.Ltmp11:
0x117: {  	_ = 	snop;
	(pc) =	sbr.rel @p0 .LBB2_13-.Ltmp11, $1  }
0x118: {  	_ =	sdelay $0x3  }
0x119: {  	s3 =	sshll.u32 s2, $0x6  }
0x11a: {  	s3 =	sshra.s32 s3, $0x2  }
0x11b: {  	s3 =	sadd.s32 $0x6400, s3  }
.LBB2_12:
0x11c: {  	v5 =	vld [tilespmem:s3+$0x0];
	_ =	sdelay $0x4  }
0x11d: {  	(xrf0) =	vmax.scan.msk.f32 $0xffff, v5;
	_ =	sdelay $0x2  }
0x11e: {  	v62 =	vmov s2;
	s2 =	sadd.s32 $0x1, s2  }
0x11f: {  	p0 =	slt.s32 s2, s19  }
.Ltmp12:
0x120: {  	_ = 	snop;
	(pc) =	sbr.rel @p0 .LBB2_12-.Ltmp12, $3  }
0x121: {  	v6, _, _ =	vpop (xrf0)  }
0x122: {  	v6 =	vbroadcast v6, $0xF;
	_ =	sdelay $0x1  }
0x123: {  	s3 =	sadd.s32 $0x10, s3;
	[tilespmem:v62+s29+$0x0] =	vst.idx.msk $0x1, v6  }
.LBB2_13:
0x124: {  	s2 =	sadd.s32 $0xF, s19  }
0x125: {  	s3 =	sand.u32 $0xF, s2  }
0x126: {  	p1 =	slt.s32 s19, $0xFFFFFFF2;
	s20 =	sshra.s32 s2, $0x1F;
	p0 =	sne.s32 s3, $0x0  }
0x127: {  	s3 =	sshrl.u32 s20, $0x1C;
	p0 =	por !p1, !p0  }
0x128: {  	s2 =	sadd.s32 s3, s2;
	s3 =	simm.s32 $0x1;
	p0 =	por !p0, !p0  }
0x129: {  	s2 =	sshra.s32 s2, $0x4;
	s3 =	simm.s32 @!p0 $0x0  }
0x12a: {  	s3 =	ssub.s32 s2, s3  }
0x12b: {  	p0 =	slt.s32 s3, $0x1  }
.Ltmp13:
0x12c: {  	_ = 	snop;
	(pc) =	sbr.rel @p0 .LBB2_17-.Ltmp13, $2  }
0x12d: {  	_ =	sdelay $0x2  }
0x12e: {  	v5 =	vimm.f32 $-1.000000000e+00;
	s2 =	simm.s32 $0xF000  }
0x12f: {  	p0 =	sne.s32 s3, $0x1  }
.Ltmp14:
0x130: {  	_ = 	snop;
	(pc) =	sbr.rel @!p0 .LBB2_16-.Ltmp14, $2  }
0x131: {  	_ =	sdelay $0x2  }
0x132: {  	s3 =	sadd.s32 $0xFFFFFFFF, s3;
	v6 =	vld [tilespmem:s2+$0x0]  }
.LBB2_15:
0x133: {  	p0 =	sne.s32 s3, $0x1  }
.Ltmp15:
0x134: {  	_ = 	snop;
	(pc) =	sbr.rel @p0 .LBB2_15-.Ltmp15, $3  }
0x135: {  	_ =	sdelay $0x1  }
0x136: {  	s3 =	sadd.s32 $0xFFFFFFFF, s3;
	s2 =	sadd.s32 $0x10, s2;
	v5 =	vmax.f32 v5, v6  }
0x137: {  	v6 =	vld [tilespmem:s2+$0x0]  }
.LBB2_16:
0x138: {  	_ =	sdelay $0x3  }
0x139: {  	v5 =	vmax.f32 v5, v6  }
.LBB2_17:
0x13a: {  	(xrf0) =	vmax.scan.msk.f32 $0xffff, v5;
	_ =	sdelay $0x5  }
0x13b: {  	v5, _, _ =	vpop (xrf0)  }
0x13c: {  	(v2sf) =	vpush v5, $0xF;
	_ =	sdelay $0xe  }
0x13d: {  	s5 =	spop (v2sf)  }
0x13e: {  	p0 =	sgt.f32 s5, $5.000000070e-02  }
.Ltmp16:
0x13f: {  	_ = 	snop;
	(pc) =	sbr.rel @p0 .LBB2_28-.Ltmp16, $4  }
.Ltmp17:
0x140: {  	_ = 	snop;
	(pc) =	sbr.rel @!p0 .LBB2_18-.Ltmp17, $4  }
0x141: {  	_ = 	snop  }
0x142: {  	_ = 	snop  }
0x143: {  	_ = 	snop  }
0x144: {  	_ = 	snop  }
.LBB2_27:
0x145: {  	p0 =	sgt.f32 s5, $5.000000070e-02  }
.Ltmp18:
0x146: {  	_ = 	snop;
	(pc) =	sbr.rel @!p0 .LBB2_18-.Ltmp18, $1  }
0x147: {  	_ =	sdelay $0x3  }
.LBB2_28:
0x148: {  	p0 =	slt.s32 s19, $0x1  }
.Ltmp19:
0x149: {  	_ = 	snop;
	(pc) =	sbr.rel @p0 .LBB2_35-.Ltmp19, $2  }
0x14a: {  	_ =	sdelay $0x2  }
0x14b: {  	s2 =	simm.s32 $0x0;
	v0 =	vimm.s32 $0x0  }
0x14c: {  	p1 =	sne.s32 s19, $0x1  }
.Ltmp20:
0x14d: {  	_ = 	snop;
	(pc) =	sbr.rel @!p1 .LBB2_30-.Ltmp20, $4  }
0x14e: {  	_ = 	snop  }
0x14f: {  	s8 =	simm.s32 $0x6400;
	s7 =	simm.s32 $0x7800;
	s9 =	simm.s32 $0xDC00  }
0x150: {  	s6 =	simm.s32 $0x8C00;
	s4 =	simm.s32 $0xA000;
	s3 =	simm.s32 $0xB400;
	v5 =	vld [tilespmem:s9+$0x0]  }
0x151: {  	s10 =	sadd.s32 $0xFFFFFFFF, s19;
	p0 =	por $0x0, $0x0;
	s9 =	simm.s32 $0xC800;
	v6 =	vld [tilespmem:s8+$0x0]  }
0x152: {  	_ =	sdelay $0x3  }
0x153: {  	vm0 =	vgt.f32 v6, $5.000000070e-02  }
0x154: {  	v7 =	vsel vm0, $0x1, v0  }
0x155: {  	(xrf0) =	vadd.scan.msk.s32 $0xffff, v7;
	_ =	sdelay $0x5  }
0x156: {  	s8 =	simm.s32 $0xFFFFFFFF;
	v7, _, _ =	vpop (xrf0)  }
0x157: {  	v9 =	vadd.s32 s8, v7;
	v7 =	vxor.u32 $0x80000000, v7  }
0x158: {  	v10 =	vld [tilespmem:s7+$0x0];
	(xrf0) =	vmax.scan.msk.u32 $0xffff, v7  }
0x159: {  	v11 =	vld [tilespmem:s6+$0x0]  }
0x15a: {  	v12 =	vld [tilespmem:s4+$0x0]  }
0x15b: {  	v13 =	vld [tilespmem:s3+$0x0]  }
0x15c: {  	v8 =	vld [tilespmem:s9+$0x0];
	[tilespmem:v9+s21+$0x0] =	vst.idx.msk vm0, v6  }
0x15d: {  	[tilespmem:v9+s22+$0x0] =	vst.idx.msk vm0, v10  }
0x15e: {  	[tilespmem:v9+s23+$0x0] =	vst.idx.msk vm0, v11;
	v6, _, _ =	vpop (xrf0)  }
0x15f: {  	p1 =	sne.s32 s10, $0x1;
	[tilespmem:v9+s24+$0x0] =	vst.idx.msk vm0, v12;
	(v2sf) =	vpush v6, $0xF  }
.Ltmp21:
0x160: {  	[tilespmem:v9+s25+$0x0] =	vst.idx.msk vm0, v13;
	(pc) =	sbr.rel @!p1 .LBB2_32-.Ltmp21, $4  }
0x161: {  	s15 =	simm.s32 $0x6410;
	[tilespmem:v9+s26+$0x0] =	vst.idx.msk vm0, v8  }
0x162: {  	s18 =	sadd.s32 $0xFFFFFFFF, s10;
	s9 =	simm.s32 $0xC810;
	s8 =	simm.s32 $0xDC10;
	[tilespmem:v9+s28+$0x0] =	vst.idx.msk vm0, v5  }
0x163: {  	p0 =	por $0x1, $0x1;
	s10 =	simm.s32 $0xB400;
	s11 =	simm.s32 $0xA000;
	v5 =	vld [tilespmem:s8+$0x0]  }
0x164: {  	s12 =	simm.s32 $0x8C00;
	s13 =	simm.s32 $0x7800;
	s14 =	simm.s32 $0x0;
	v6 =	vld [tilespmem:s15+$0x0]  }
.LBB2_33:
0x165: {  	p1 =	sne.s32 s18, $0x1;
	v7 =	vld [tilespmem:s9+$0x0];
	s10 =	sadd.s32 $0x10, s10  }
0x166: {  	s11 =	sadd.s32 $0x10, s11;
	v8 =	vld [tilespmem:s10+$0x0]  }
0x167: {  	s12 =	sadd.s32 $0x10, s12;
	v9 =	vld [tilespmem:s11+$0x0]  }
0x168: {  	s13 =	sadd.s32 $0x10, s13;
	v10 =	vld [tilespmem:s12+$0x0]  }
0x169: {  	v11 =	vld [tilespmem:s13+$0x0];
	vm0 =	vgt.f32 v6, $5.000000070e-02  }
0x16a: {  	v12 =	vsel vm0, $0x1, v0  }
0x16b: {  	(xrf0) =	vadd.scan.msk.s32 $0xffff, v12;
	_ =	sdelay $0x2  }
0x16c: {  	s20 =	spop (v2sf)  }
0x16d: {  	s14 =	sadd.s32 s20, s14  }
0x16e: {  	s14 =	sadd.s32 $0x80000000, s14  }
0x16f: {  	s20 =	sadd.s32 $0xFFFFFFFF, s14;
	v12, _, _ =	vpop (xrf0)  }
0x170: {  	v13 =	vxor.u32 $0x80000000, v12;
	v12 =	vadd.s32 s20, v12  }
0x171: {  	(xrf0) =	vmax.scan.msk.u32 $0xffff, v13;
	_ =	sdelay $0x3  }
0x172: {  	[tilespmem:v12+s21+$0x0] =	vst.idx.msk vm0, v6  }
0x173: {  	[tilespmem:v12+s22+$0x0] =	vst.idx.msk vm0, v11  }
0x174: {  	[tilespmem:v12+s23+$0x0] =	vst.idx.msk vm0, v10;
	v6, _, _ =	vpop (xrf0)  }
0x175: {  	[tilespmem:v12+s24+$0x0] =	vst.idx.msk vm0, v9;
	(v2sf) =	vpush v6, $0xF  }
.Ltmp22:
0x176: {  	[tilespmem:v12+s25+$0x0] =	vst.idx.msk vm0, v8;
	(pc) =	sbr.rel @p1 .LBB2_33-.Ltmp22, $4  }
0x177: {  	[tilespmem:v12+s26+$0x0] =	vst.idx.msk vm0, v7  }
0x178: {  	s8 =	sadd.s32 $0x10, s8;
	[tilespmem:v12+s28+$0x0] =	vst.idx.msk vm0, v5  }
0x179: {  	s15 =	sadd.s32 $0x10, s15;
	v5 =	vld [tilespmem:s8+$0x0]  }
0x17a: {  	s18 =	sadd.s32 $0xFFFFFFFF, s18;
	s9 =	sadd.s32 $0x10, s9;
	v6 =	vld [tilespmem:s15+$0x0]  }
.LBB2_34:
0x17b: {  	_ =	sdelay $0x3  }
0x17c: {  	vm0 =	vgt.f32 v6, $5.000000070e-02  }
0x17d: {  	v7 =	vsel vm0, $0x1, v0  }
0x17e: {  	(xrf0) =	vadd.scan.msk.s32 $0xffff, v7;
	_ =	sdelay $0x5  }
0x17f: {  	v7, _, _ =	vpop (xrf0)  }
0x180: {  	v8 =	vxor.u32 $0x80000000, v7  }
0x181: {  	(xrf0) =	vmax.scan.msk.u32 $0xffff, v8;
	_ =	sdelay $0x5  }
0x182: {  	v8, _, _ =	vpop (xrf0)  }
0x183: {  	(v2sf) =	vpush v8, $0xF  }
0x184: {  	s8 =	spop @p0 (v2sf)  }
0x185: {  	s8 =	sadd.s32 @p0 s8, s14  }
0x186: {  	s8 =	sadd.s32 @p0 $0x80000000, s8  }
0x187: {  	s2 =	smov.u32 @p0 s8  }
0x188: {  	s8 =	sadd.s32 @p0 $0x10, s13;
	s18 =	sadd.s32 $0xFFFFFFFF, s2  }
0x189: {  	v62 =	vld [tilespmem:s9+$0x0];
	s9 =	sadd.s32 @p0 $0x10, s12;
	s7 =	smov.u32 @p0 s8;
	v7 =	vadd.s32 s18, v7  }
0x18a: {  	s6 =	smov.u32 @p0 s9;
	s8 =	sadd.s32 @p0 $0x10, s11;
	v9 =	vld [tilespmem:s7+$0x0]  }
0x18b: {  	v10 =	vld [tilespmem:s6+$0x0];
	s7 =	sadd.s32 @p0 $0x10, s10;
	s4 =	smov.u32 @p0 s8  }
0x18c: {  	s3 =	smov.u32 @p0 s7;
	v11 =	vld [tilespmem:s4+$0x0]  }
0x18d: {  	v12 =	vld [tilespmem:s3+$0x0]  }
0x18e: {  	[tilespmem:v7+s21+$0x0] =	vst.idx.msk vm0, v6  }
0x18f: {  	[tilespmem:v7+s22+$0x0] =	vst.idx.msk vm0, v9  }
0x190: {  	[tilespmem:v7+s23+$0x0] =	vst.idx.msk vm0, v10  }
0x191: {  	[tilespmem:v7+s24+$0x0] =	vst.idx.msk vm0, v11  }
0x192: {  	[tilespmem:v7+s25+$0x0] =	vst.idx.msk vm0, v12;
	s20 =	spop (v2sf)  }
0x193: {  	[tilespmem:v7+s26+$0x0] =	vst.idx.msk vm0, v62;
	s2 =	sadd.s32 s20, s2  }
0x194: {  	[tilespmem:v7+s28+$0x0] =	vst.idx.msk vm0, v5;
	s2 =	sadd.s32 $0x80000000, s2  }
.LBB2_35:
0x195: {  	s3 =	sshra.s32 s19, $0x1F  }
0x196: {  	s3 =	sshrl.u32 s3, $0x1E  }
0x197: {  	s3 =	sadd.s32 s3, s19  }
0x198: {  	s3 =	sand.u32 $0xFFFFFFFC, s3  }
0x199: {  	p0 =	slt.s32 s3, $0x1  }
.Ltmp23:
0x19a: {  	_ = 	snop;
	(pc) =	sbr.rel @p0 .LBB2_38-.Ltmp23, $2  }
0x19b: {  	_ =	sdelay $0x2  }
0x19c: {  	v5 =	vmov s2  }
0x19d: {  	s7 =	simm.s32 $0x6420  }
0x19e: {  	v6 =	vld [tilespmem:s7+$0x10]  }
0x19f: {  	v7 =	vld [tilespmem:s7+$0xFFFFFFE0]  }
0x1a0: {  	s6 =	simm.s32 $0x30;
	v8 =	vld [tilespmem:s7+$0xFFFFFFF0]  }
0x1a1: {  	s4 =	simm.s32 $0x0;
	v9 =	vld [tilespmem:s7+$0x0];
	v10 =	vor.u32 s6, v63  }
0x1a2: {  	s20 =	simm.s32 $0x10;
	p1 =	sgt.s32 s3, $0x4;
	v11 =	vor.u32 s4, v63;
	vm0 =	vlt.s32 v10, v5  }
.Ltmp24:
0x1a3: {  	s8 =	simm.s32 $0x20;
	v10 =	vor.u32 s20, v63;
	vm1 =	vlt.s32 v11, v5;
	v6 =	vnsel vm0, $0xBF800000, v6;
	(pc) =	sbr.rel @!p1 .LBB2_37-.Ltmp24, $4  }
0x1a4: {  	vm14 =	vlt.s32 v10, v5;
	v10 =	vor.u32 s8, v63;
	v11 =	vnsel vm1, $0xBF800000, v7;
	(xrf0) =	vmax.scan.msk.f32 $0xffff, v6  }
0x1a5: {  	vm15 =	vlt.s32 v10, v5;
	v7 =	vnsel vm14, $0xBF800000, v8;
	(xrf0) =	vmax.scan.msk.f32 $0xffff, v11  }
0x1a6: {  	s9 =	simm.s32 $0x1;
	s10 =	simm.s32 $0x2;
	s11 =	simm.s32 $0x3;
	v8 =	vmov s4;
	v9 =	vnsel vm15, $0xBF800000, v9;
	(xrf0) =	vmax.scan.msk.f32 $0xffff, v7  }
0x1a7: {  	p0 =	por $0x0, $0x0;
	s8 =	simm.s32 $0x4;
	s4 =	simm.s32 $0x6460;
	[tilespmem:s7+$0xFFFFFFE0] =	vst v11;
	v11 =	vand.u32 $0xFFFFFFFC, v8;
	(xrf0) =	vmax.scan.msk.f32 $0xffff, v9  }
0x1a8: {  	v10 =	vld [tilespmem:s4+$0x10];
	v8 =	vmov s9  }
0x1a9: {  	v12 =	vmov s10;
	v13 =	vmov s11;
	v14 =	vld [tilespmem:s4+$0xFFFFFFE0];
	v11 =	vbroadcast v11, $0x0;
	s6 =	simm.s32 $0x40  }
0x1aa: {  	s15 =	simm.s32 $0x50;
	s18 =	simm.s32 $0x70;
	v8 =	vand.u32 $0xFFFFFFFD, v8;
	v12 =	vand.u32 $0xFFFFFFFE, v12;
	v15 =	vor.u32 s6, v63  }
0x1ab: {  	v16 =	vld [tilespmem:s4+$0xFFFFFFF0];
	[tilespmem:s7+$0x0] =	vst v9;
	s20 =	simm.s32 $0x60;
	v9 =	vor.u32 s15, v63;
	v19 =	vor.u32 s18, v63;
	v17 =	vbroadcast v8, $0x0  }
0x1ac: {  	v18 =	vld [tilespmem:s4+$0x0];
	v8 =	vbroadcast v12, $0x0;
	v59, _, _ =	vpop (xrf0);
	vm0 =	vlt.s32 v9, v5;
	v9 =	vor.u32 s20, v63  }
0x1ad: {  	[tilespmem:s7+$0x10] =	vst v6;
	p1 =	sgt.s32 s3, $0x8;
	vm1 =	vlt.s32 v19, v5;
	vm2 =	vlt.s32 v15, v5;
	v12 =	vbroadcast v59, $0xF  }
.Ltmp25:
0x1ae: {  	[tilespmem:s7+$0xFFFFFFF0] =	vst v7;
	v7, _, _ =	vpop (xrf0);
	v6 =	vnsel vm1, $0xBF800000, v10;
	v10 =	vnsel vm2, $0xBF800000, v14;
	(pc) =	sbr.rel @!p1 .LBB2_71-.Ltmp25, $4  }
0x1af: {  	vm3 =	vlt.s32 v9, v5;
	v60 =	vbroadcast v7, $0xF;
	v9, _, _ =	vpop (xrf0);
	[tilespmem:v13+s29+$0x0] =	vst.idx.msk $0x1, v12;
	(xrf0) =	vmax.scan.msk.f32 $0xffff, v6  }
0x1b0: {  	v7 =	vnsel vm0, $0xBF800000, v16;
	v61 =	vbroadcast v9, $0xF;
	[tilespmem:s4+$0xFFFFFFE0] =	vst v10;
	(xrf0) =	vmax.scan.msk.f32 $0xffff, v10  }
0x1b1: {  	s7 =	simm.s32 $0x8;
	v62 =	vmov s8;
	s9 =	simm.s32 $0x5;
	s10 =	simm.s32 $0x6;
	v9 =	vnsel vm3, $0xBF800000, v18;
	[tilespmem:v11+s29+$0x0] =	vst.idx.msk $0x1, v60;
	v10, _, _ =	vpop (xrf0);
	(xrf0) =	vmax.scan.msk.f32 $0xffff, v7  }
0x1b2: {  	s11 =	simm.s32 $0x7;
	s8 =	simm.s32 $0x64A0;
	p0 =	por $0x1, $0x1;
	v11 =	vand.u32 $0xFFFFFFFC, v62;
	[tilespmem:v17+s29+$0x0] =	vst.idx.msk $0x1, v61;
	v10 =	vbroadcast v10, $0xF;
	(xrf0) =	vmax.scan.msk.f32 $0xffff, v9  }
.LBB2_72:
0x1b3: {  	v12 =	vld [tilespmem:s8+$0x10]  }
0x1b4: {  	v13 =	vmov s9;
	[tilespmem:s4+$0x0] =	vst v9;
	v9 =	vmov s10;
	v14 =	vmov s11;
	s11 =	smov.u32 s7;
	s7 =	sadd.s32 $0x4, s7  }
0x1b5: {  	v11 =	vbroadcast v11, $0x0;
	s6 =	sadd.s32 $0x40, s6;
	v15 =	vld [tilespmem:s8+$0xFFFFFFE0];
	p1 =	slt.s32 s7, s3;
	v13 =	vand.u32 $0xFFFFFFFD, v13;
	v9 =	vand.u32 $0xFFFFFFFE, v9;
	[tilespmem:v8+s29+$0x0] =	vst.idx.msk $0x1, v10  }
0x1b6: {  	v10 =	vor.u32 s6, v63;
	s9 =	sadd.s32 $0x10, s6;
	s10 =	sadd.s32 $0x20, s6;
	s12 =	sadd.s32 $0x30, s6;
	v16 =	vld [tilespmem:s8+$0xFFFFFFF0];
	[tilespmem:s4+$0xFFFFFFF0] =	vst v7;
	v13 =	vbroadcast v13, $0x0;
	v8 =	vbroadcast v9, $0x0;
	v7, _, _ =	vpop (xrf0)  }
0x1b7: {  	v2 =	vor.u32 s9, v63;
	v0 =	vor.u32 s12, v63;
	v17 =	vld [tilespmem:s8+$0x0];
	v7 =	vbroadcast v7, $0xF;
	v19, _, _ =	vpop (xrf0)  }
0x1b8: {  	v1 =	vor.u32 s10, v63;
	vm0 =	vlt.s32 v2, v5;
	vm1 =	vlt.s32 v0, v5;
	[tilespmem:s4+$0x10] =	vst v6;
	v18, _, _ =	vpop (xrf0);
	s4 =	smov.u32 s8  }
.Ltmp26:
0x1b9: {  	vm2 =	vlt.s32 v10, v5;
	vm3 =	vlt.s32 v1, v5;
	v6 =	vnsel vm1, $0xBF800000, v12;
	[tilespmem:v14+s29+$0x0] =	vst.idx.msk $0x1, v7;
	v9, _, _ =	vpop (xrf0);
	(pc) =	sbr.rel @p1 .LBB2_72-.Ltmp26, $4  }
0x1ba: {  	v12 =	vbroadcast v19, $0xF;
	v14 =	vbroadcast v18, $0xF;
	v10 =	vnsel vm2, $0xBF800000, v15;
	(xrf0) =	vmax.scan.msk.f32 $0xffff, v6  }
0x1bb: {  	[tilespmem:s8+$0xFFFFFFE0] =	vst v10;
	v7 =	vnsel vm0, $0xBF800000, v16;
	(xrf0) =	vmax.scan.msk.f32 $0xffff, v10;
	v10 =	vbroadcast v9, $0xF  }
0x1bc: {  	s9 =	sadd.s32 $0x1, s11;
	v15 =	vmov s11;
	v9 =	vnsel vm3, $0xBF800000, v17;
	(xrf0) =	vmax.scan.msk.f32 $0xffff, v7;
	[tilespmem:v11+s29+$0x0] =	vst.idx.msk $0x1, v12  }
0x1bd: {  	s10 =	sadd.s32 $0x2, s11;
	s11 =	sadd.s32 $0x3, s11;
	s8 =	sadd.s32 $0x40, s8;
	v11 =	vand.u32 $0xFFFFFFFC, v15;
	(xrf0) =	vmax.scan.msk.f32 $0xffff, v9;
	[tilespmem:v13+s29+$0x0] =	vst.idx.msk $0x1, v14  }
0x1be: {  	s7 =	smov.u32 s4  }
.LBB2_74:
0x1bf: {  	v12 =	vmov s9;
	v13 =	vmov s10  }
0x1c0: {  	v14 =	vmov s11;
	v11 =	vbroadcast v11, $0x0;
	v12 =	vand.u32 $0xFFFFFFFD, v12;
	v61, _, _ =	vpop (xrf0)  }
0x1c1: {  	[tilespmem:s7+$0xFFFFFFF0] =	vst v7;
	v59 =	vand.u32 $0xFFFFFFFE, v13;
	v12 =	vbroadcast v12, $0x0;
	v7 =	vbroadcast v61, $0xF  }
0x1c2: {  	[tilespmem:s7+$0x0] =	vst v9;
	v60 =	vbroadcast v59, $0x0  }
0x1c3: {  	[tilespmem:v8+s29+$0x0] =	vst.idx.msk @p0 $0x1, v10;
	v62, _, _ =	vpop (xrf0)  }
0x1c4: {  	[tilespmem:s7+$0x10] =	vst v6;
	v6, _, _ =	vpop (xrf0);
	v9 =	vbroadcast v62, $0xF  }
0x1c5: {  	v6 =	vbroadcast v6, $0xF;
	[tilespmem:v14+s29+$0x0] =	vst.idx.msk $0x1, v7;
	v7, _, _ =	vpop (xrf0)  }
0x1c6: {  	[tilespmem:v11+s29+$0x0] =	vst.idx.msk $0x1, v9;
	v7 =	vbroadcast v7, $0xF  }
0x1c7: {  	[tilespmem:v12+s29+$0x0] =	vst.idx.msk $0x1, v6  }
0x1c8: {  	[tilespmem:v60+s29+$0x0] =	vst.idx.msk $0x1, v7  }
.LBB2_38:
0x1c9: {  	s4 =	ssub.s32 s19, s3  }
0x1ca: {  	p0 =	slt.s32 s4, $0x1  }
.Ltmp27:
0x1cb: {  	_ = 	snop;
	(pc) =	sbr.rel @p0 .LBB2_41-.Ltmp27, $1  }
0x1cc: {  	_ =	sdelay $0x3  }
0x1cd: {  	s6 =	sshll.u32 s19, $0x6;
	s7 =	sshll.u32 s4, $0x6  }
0x1ce: {  	s6 =	ssub.s32 s6, s7  }
0x1cf: {  	s20 =	sshll.u32 s19, $0x4;
	s8 =	sshll.u32 s4, $0x4;
	s6 =	sshra.s32 s6, $0x2  }
0x1d0: {  	s4 =	sadd.s32 $0x6400, s6;
	s6 =	ssub.s32 s20, s8  }
.LBB2_40:
0x1d1: {  	v6 =	vld [tilespmem:s4+$0x0];
	_ =	sdelay $0x2  }
0x1d2: {  	v7 =	vor.u32 s6, v63  }
0x1d3: {  	vm0 =	vlt.s32 v7, v5  }
0x1d4: {  	v6 =	vnsel vm0, $0xBF800000, v6  }
0x1d5: {  	(xrf0) =	vmax.scan.msk.f32 $0xffff, v6;
	_ =	sdelay $0x2  }
0x1d6: {  	v7 =	vmov s3;
	s3 =	sadd.s32 $0x1, s3  }
0x1d7: {  	p0 =	slt.s32 s3, s19  }
.Ltmp28:
0x1d8: {  	_ = 	snop;
	(pc) =	sbr.rel @p0 .LBB2_40-.Ltmp28, $4  }
0x1d9: {  	v8, _, _ =	vpop (xrf0)  }
0x1da: {  	v8 =	vbroadcast v8, $0xF  }
0x1db: {  	[tilespmem:s4+$0x0] =	vst v6  }
0x1dc: {  	s6 =	sadd.s32 $0x10, s6;
	s4 =	sadd.s32 $0x10, s4;
	[tilespmem:v7+s29+$0x0] =	vst.idx.msk $0x1, v8  }
.LBB2_41:
0x1dd: {  	s2 =	sadd.s32 $0xF, s2  }
0x1de: {  	s3 =	sand.u32 $0xF, s2  }
0x1df: {  	s4 =	sshra.s32 s2, $0x1F;
	p0 =	slt.s32 s2, $0x1;
	p1 =	sne.s32 s3, $0x0  }
0x1e0: {  	s13 =	sshrl.u32 s4, $0x1C;
	p0 =	por !p0, !p1  }
0x1e1: {  	s3 =	simm.s32 $0x1;
	s2 =	sadd.s32 s13, s2;
	p0 =	por !p0, !p0  }
0x1e2: {  	s2 =	sshra.s32 s2, $0x4;
	s3 =	simm.s32 @!p0 $0x0  }
0x1e3: {  	s19 =	ssub.s32 s2, s3  }
0x1e4: {  	s4 =	simm.s32 $0x1;
	s2 =	sadd.s32 $0xF, s19  }
0x1e5: {  	p5 =	slt.s32 s19, $0xFFFFFFF2;
	s14 =	sshra.s32 s2, $0x1F;
	s15 =	sand.u32 $0xF, s2  }
0x1e6: {  	s18 =	sshrl.u32 s19, $0x1E;
	s3 =	sshrl.u32 s14, $0x1C;
	p6 =	sne.s32 s15, $0x0  }
0x1e7: {  	s2 =	sadd.s32 s3, s2;
	p0 =	por !p5, !p6;
	s3 =	sadd.s32 s18, s19  }
0x1e8: {  	p0 =	por !p0, !p0;
	s6 =	sshra.s32 s2, $0x4;
	s2 =	sand.u32 $0xFFFFFFFC, s3  }
0x1e9: {  	s4 =	simm.s32 @!p0 $0x0;
	s20 =	sshll.u32 s2, $0x6  }
0x1ea: {  	s3 =	ssub.s32 s6, s4;
	s6 =	sshra.s32 s20, $0x2  }
.Ltmp29:
0x1eb: {  	v58 =	vmov s6;
	(pc) =	sbr.rel .LBB2_42-.Ltmp29, $3  }
0x1ec: {  	_ =	sdelay $0x1  }
0x1ed: {  	s7 =	ssub.s32 s19, s2;
	p1 =	slt.s32 s2, $0x1  }
0x1ee: {  	s4 =	simm.s32 $0x0;
	p2 =	slt.s32 s7, $0x1;
	p0 =	slt.s32 s3, $0x1;
	[tilespmem:$0x1FFE0] =	vst v58  }
.LBB2_81:
0x1ef: {  	v6 =	vmax.f32 v6, v7  }
.LBB2_82:
0x1f0: {  	(xrf0) =	vmax.scan.msk.f32 $0xffff, v6;
	_ =	sdelay $0x5  }
0x1f1: {  	v0, _, _ =	vpop (xrf0)  }
0x1f2: {  	(v2sf) =	vpush v0, $0xF;
	_ =	sdelay $0x8  }
0x1f3: {  	s4 =	sadd.s32 $0x1, s4  }
0x1f4: {  	p3 =	seq.s32 s4, $0x8  }
.Ltmp30:
0x1f5: {  	_ = 	snop;
	(pc) =	sbr.rel @p3 .LBB2_27-.Ltmp30, $2  }
0x1f6: {  	_ =	sdelay $0x2  }
0x1f7: {  	s5 =	spop (v2sf)  }
.LBB2_42:
0x1f8: {  	p3 =	sgt.f32 s5, $5.000000070e-02  }
.Ltmp31:
0x1f9: {  	_ = 	snop;
	(pc) =	sbr.rel @!p3 .LBB2_78-.Ltmp31, $1  }
0x1fa: {  	_ =	sdelay $0x3  }
.Ltmp32:
0x1fb: {  	(pc) =	sbr.rel @p0 .LBB2_47-.Ltmp32, $3  }
0x1fc: {  	_ =	sdelay $0x1  }
0x1fd: {  	v14 =	vimm.s32 $0xC0000000  }
0x1fe: {  	v13 =	vimm.f32 $-2.000000000e+00;
	v6 =	vimm.f32 $-2.000000000e+00;
	v7 =	vimm.s32 $0xC0000000  }
0x1ff: {  	s5 =	simm.s32 $0xF000  }
0x200: {  	p3 =	sne.s32 s3, $0x1;
	v7 =	vld [tilespmem:s5+$0x0]  }
.Ltmp33:
0x201: {  	_ = 	snop;
	(pc) =	sbr.rel @!p3 .LBB2_46-.Ltmp33, $3  }
0x202: {  	_ =	sdelay $0x1  }
0x203: {  	v6 =	vimm.s32 $0x40000000;
	s5 =	simm.s32 $0x0  }
0x204: {  	s6 =	sadd.s32 $0xFFFFFFFF, s3;
	s7 =	simm.s32 $0xF010;
	v8 =	vimm.f32 $-2.000000000e+00;
	v9 =	vor.u32 s5, v63;
	vm0 =	vgt.f32 v7, v13  }
.LBB2_45:
0x205: {  	v10 =	vld [tilespmem:s7+$0x0];
	p3 =	sne.s32 s6, $0x1;
	s6 =	sadd.s32 $0xFFFFFFFF, s6;
	v6 =	vsel vm0, v9, v6  }
.Ltmp34:
0x206: {  	(pc) =	sbr.rel @p3 .LBB2_45-.Ltmp34, $3  }
0x207: {  	_ =	sdelay $0x1  }
0x208: {  	v8 =	vmax.f32 v8, v7;
	s5 =	sadd.s32 $0x10, s5  }
0x209: {  	s7 =	sadd.s32 $0x10, s7;
	v9 =	vor.u32 s5, v63;
	vm0 =	vgt.f32 v10, v8;
	v7 =	vmov v10  }
.LBB2_46:
0x20a: {  	v9 =	vsel vm0, v9, v6  }
0x20b: {  	v6 =	vmax.f32 v8, v7;
	v7 =	vxor.u32 $0x80000000, v9  }
.LBB2_47:
0x20c: {  	(xrf0) =	vmax.scan.msk.f32 $0xffff, v6;
	_ =	sdelay $0x5  }
0x20d: {  	v8, _, _ =	vpop (xrf0)  }
0x20e: {  	v10 =	vbroadcast v8, $0xF;
	_ =	sdelay $0x1  }
0x20f: {  	vm0 =	veq.f32 v6, v10  }
0x210: {  	v6 =	vnsel vm0, $0xC0000000, v7  }
0x211: {  	(xrf0) =	vmin.scan.msk.u32 $0xffff, v6;
	_ =	sdelay $0x5  }
0x212: {  	(v2sf) =	vpush v8, $0xF;
	v6, _, _ =	vpop (xrf0)  }
0x213: {  	(v2sf) =	vpush v6, $0xF;
	_ =	sdelay $0xd  }
0x214: {  	s5 =	spop (v2sf)  }
0x215: {  	s6 =	spop (v2sf)  }
0x216: {  	s7 =	sshll.u32 s6, $0x4  }
0x217: {  	v6 =	vld [tilespmem:s7+$0x6400];
	_ =	sdelay $0x4  }
0x218: {  	vm14 =	veq.f32 v6, v10  }
0x219: {  	v7 =	vnsel vm14, $0xC0000000, v57  }
0x21a: {  	(xrf0) =	vmin.scan.msk.u32 $0xffff, v7;
	_ =	sdelay $0x5  }
0x21b: {  	v7, _, _ =	vpop (xrf0)  }
0x21c: {  	(v2sf) =	vpush v7, $0xF;
	_ =	sdelay $0xe  }
0x21d: {  	s8 =	spop (v2sf)  }
0x21e: {  	s8 =	sxor.u32 $0x80000000, s8  }
0x21f: {  	v7 =	vmov s8  }
0x220: {  	s9 =	sadd.s32 s7, s8;
	vm15 =	veq.s32 v7, v63  }
0x221: {  	v11 =	vmov s9;
	v12 =	vsel vm15, $0xBF800000, v6  }
0x222: {  	(xrf0) =	vmax.scan.msk.f32 $0xffff, v12;
	_ =	sdelay $0x2  }
0x223: {  	s6 =	sxor.u32 $0x80000000, s6  }
0x224: {  	v15 =	vmov s6;
	v6 =	vld.idx.msk [tilespmem:v11+s22+$0x0], $0xffff  }
.Ltmp35:
0x225: {  	v7 =	vld.idx.msk [tilespmem:v11+s23+$0x0], $0xffff;
	(pc) =	sbr.rel @p0 .LBB2_51-.Ltmp35, $4  }
0x226: {  	v8 =	vld.idx.msk [tilespmem:v11+s24+$0x0], $0xffff;
	v16, _, _ =	vpop (xrf0)  }
0x227: {  	v9 =	vld.idx.msk [tilespmem:v11+s25+$0x0], $0xffff;
	v16 =	vbroadcast v16, $0xF  }
0x228: {  	v11 =	vld.idx.msk [tilespmem:v11+s26+$0x0], $0xffff;
	[tilespmem:s7+$0x6400] =	vst v12;
	s7 =	simm.s32 $0xF000  }
0x229: {  	[tilespmem:v15+s7+$0x0] =	vst.idx.msk $0x1, v16  }
0x22a: {  	v14 =	vld [tilespmem:s7+$0x0];
	p3 =	sne.s32 s3, $0x1  }
.Ltmp36:
0x22b: {  	_ = 	snop;
	(pc) =	sbr.rel @!p3 .LBB2_50-.Ltmp36, $3  }
0x22c: {  	_ =	sdelay $0x1  }
0x22d: {  	s6 =	simm.s32 $0x0  }
0x22e: {  	v12 =	vimm.s32 $0x40000000;
	s8 =	sadd.s32 $0xFFFFFFFF, s3;
	s9 =	simm.s32 $0xF010;
	v15 =	vor.u32 s6, v63;
	vm0 =	vgt.f32 v14, v13  }
.LBB2_49:
0x22f: {  	v16 =	vld [tilespmem:s9+$0x0];
	p3 =	sne.s32 s8, $0x1;
	s8 =	sadd.s32 $0xFFFFFFFF, s8;
	v12 =	vsel vm0, v15, v12  }
.Ltmp37:
0x230: {  	(pc) =	sbr.rel @p3 .LBB2_49-.Ltmp37, $3  }
0x231: {  	_ =	sdelay $0x1  }
0x232: {  	v13 =	vmax.f32 v13, v14;
	s6 =	sadd.s32 $0x10, s6  }
0x233: {  	s9 =	sadd.s32 $0x10, s9;
	v15 =	vor.u32 s6, v63;
	vm0 =	vgt.f32 v16, v13;
	v14 =	vmov v16  }
.LBB2_50:
0x234: {  	v12 =	vsel vm0, v15, v12  }
0x235: {  	v13 =	vmax.f32 v13, v14;
	v14 =	vxor.u32 $0x80000000, v12  }
.LBB2_51:
0x236: {  	(xrf0) =	vmax.scan.msk.f32 $0xffff, v13;
	_ =	sdelay $0x5  }
0x237: {  	v15, _, _ =	vpop (xrf0)  }
0x238: {  	v12 =	vbroadcast v15, $0xF;
	_ =	sdelay $0x1  }
0x239: {  	vm0 =	veq.f32 v13, v12  }
0x23a: {  	v13 =	vnsel vm0, $0xC0000000, v14  }
0x23b: {  	(xrf0) =	vmin.scan.msk.u32 $0xffff, v13;
	_ =	sdelay $0x5  }
0x23c: {  	(v2sf) =	vpush v15, $0xF;
	v13, _, _ =	vpop (xrf0)  }
0x23d: {  	(v2sf) =	vpush v13, $0xF;
	_ =	sdelay $0xd  }
0x23e: {  	s6 =	spop (v2sf)  }
0x23f: {  	s8 =	spop (v2sf)  }
0x240: {  	s9 =	sshll.u32 s8, $0x4  }
0x241: {  	v13 =	vld [tilespmem:s9+$0x6400];
	_ =	sdelay $0x4  }
0x242: {  	vm14 =	veq.f32 v13, v12  }
0x243: {  	v14 =	vnsel vm14, $0xC0000000, v57  }
0x244: {  	(xrf0) =	vmin.scan.msk.u32 $0xffff, v14;
	_ =	sdelay $0x5  }
0x245: {  	v14, _, _ =	vpop (xrf0)  }
0x246: {  	(v2sf) =	vpush v14, $0xF;
	_ =	sdelay $0xe  }
0x247: {  	s10 =	spop (v2sf)  }
0x248: {  	s10 =	sxor.u32 $0x80000000, s10  }
0x249: {  	v14 =	vmov s10  }
0x24a: {  	s11 =	sadd.s32 s9, s10;
	vm15 =	veq.s32 v14, v63  }
0x24b: {  	v17 =	vmov s11;
	v18 =	vsel vm15, $0xBF800000, v13  }
0x24c: {  	(xrf0) =	vmax.scan.msk.f32 $0xffff, v18;
	_ =	sdelay $0x2  }
0x24d: {  	s8 =	sxor.u32 $0x80000000, s8  }
0x24e: {  	v19 =	vmov s8;
	v13 =	vld.idx.msk [tilespmem:v17+s22+$0x0], $0xffff  }
.Ltmp38:
0x24f: {  	v14 =	vld.idx.msk [tilespmem:v17+s23+$0x0], $0xffff;
	(pc) =	sbr.rel @p0 .LBB2_55-.Ltmp38, $4  }
0x250: {  	v15 =	vld.idx.msk [tilespmem:v17+s24+$0x0], $0xffff;
	v20, _, _ =	vpop (xrf0)  }
0x251: {  	v16 =	vld.idx.msk [tilespmem:v17+s25+$0x0], $0xffff;
	v20 =	vbroadcast v20, $0xF  }
0x252: {  	v26 =	vimm.s32 $0xC0000000;
	v17 =	vld.idx.msk [tilespmem:v17+s26+$0x0], $0xffff;
	[tilespmem:s9+$0x6400] =	vst v18  }
0x253: {  	v25 =	vimm.f32 $-2.000000000e+00;
	[tilespmem:v19+s7+$0x0] =	vst.idx.msk $0x1, v20;
	v19 =	vimm.f32 $-2.000000000e+00;
	v20 =	vimm.s32 $0xC0000000  }
0x254: {  	v19 =	vld [tilespmem:s7+$0x0];
	p3 =	sne.s32 s3, $0x1  }
.Ltmp39:
0x255: {  	_ = 	snop;
	(pc) =	sbr.rel @!p3 .LBB2_54-.Ltmp39, $3  }
0x256: {  	_ =	sdelay $0x1  }
0x257: {  	v18 =	vimm.s32 $0x40000000;
	s7 =	simm.s32 $0x0  }
0x258: {  	s8 =	sadd.s32 $0xFFFFFFFF, s3;
	s9 =	simm.s32 $0xF010;
	v20 =	vimm.f32 $-2.000000000e+00;
	v21 =	vor.u32 s7, v63;
	vm0 =	vgt.f32 v19, v25  }
.LBB2_53:
0x259: {  	v22 =	vld [tilespmem:s9+$0x0];
	p3 =	sne.s32 s8, $0x1;
	s8 =	sadd.s32 $0xFFFFFFFF, s8;
	v18 =	vsel vm0, v21, v18  }
.Ltmp40:
0x25a: {  	(pc) =	sbr.rel @p3 .LBB2_53-.Ltmp40, $3  }
0x25b: {  	_ =	sdelay $0x1  }
0x25c: {  	v20 =	vmax.f32 v20, v19;
	s7 =	sadd.s32 $0x10, s7  }
0x25d: {  	s9 =	sadd.s32 $0x10, s9;
	v21 =	vor.u32 s7, v63;
	vm0 =	vgt.f32 v22, v20;
	v19 =	vmov v22  }
.LBB2_54:
0x25e: {  	v18 =	vsel vm0, v21, v18  }
0x25f: {  	v19 =	vmax.f32 v20, v19;
	v20 =	vxor.u32 $0x80000000, v18  }
.LBB2_55:
0x260: {  	(xrf0) =	vmax.scan.msk.f32 $0xffff, v19;
	_ =	sdelay $0x5  }
0x261: {  	v21, _, _ =	vpop (xrf0)  }
0x262: {  	v18 =	vbroadcast v21, $0xF;
	_ =	sdelay $0x1  }
0x263: {  	vm0 =	veq.f32 v19, v18  }
0x264: {  	v19 =	vnsel vm0, $0xC0000000, v20  }
0x265: {  	(xrf0) =	vmin.scan.msk.u32 $0xffff, v19;
	_ =	sdelay $0x5  }
0x266: {  	(v2sf) =	vpush v21, $0xF;
	v19, _, _ =	vpop (xrf0)  }
0x267: {  	(v2sf) =	vpush v19, $0xF;
	_ =	sdelay $0xd  }
0x268: {  	s10 =	spop (v2sf)  }
0x269: {  	s7 =	spop (v2sf)  }
0x26a: {  	s8 =	sshll.u32 s7, $0x4  }
0x26b: {  	v19 =	vld [tilespmem:s8+$0x6400];
	_ =	sdelay $0x4  }
0x26c: {  	vm14 =	veq.f32 v19, v18  }
0x26d: {  	v20 =	vnsel vm14, $0xC0000000, v57  }
0x26e: {  	(xrf0) =	vmin.scan.msk.u32 $0xffff, v20;
	_ =	sdelay $0x5  }
0x26f: {  	v20, _, _ =	vpop (xrf0)  }
0x270: {  	(v2sf) =	vpush v20, $0xF;
	_ =	sdelay $0xe  }
0x271: {  	s9 =	spop (v2sf)  }
0x272: {  	s9 =	sxor.u32 $0x80000000, s9  }
0x273: {  	v20 =	vmov s9  }
0x274: {  	s11 =	sadd.s32 s8, s9;
	vm15 =	veq.s32 v20, v63  }
0x275: {  	v23 =	vmov s11;
	v24 =	vsel vm15, $0xBF800000, v19  }
0x276: {  	(xrf0) =	vmax.scan.msk.f32 $0xffff, v24;
	_ =	sdelay $0x2  }
0x277: {  	s7 =	sxor.u32 $0x80000000, s7  }
0x278: {  	v27 =	vmov s7;
	v20 =	vld.idx.msk [tilespmem:v23+s22+$0x0], $0xffff  }
.Ltmp41:
0x279: {  	v19 =	vld.idx.msk [tilespmem:v23+s23+$0x0], $0xffff;
	(pc) =	sbr.rel @p0 .LBB2_59-.Ltmp41, $4  }
0x27a: {  	v21 =	vld.idx.msk [tilespmem:v23+s24+$0x0], $0xffff;
	v28, _, _ =	vpop (xrf0)  }
0x27b: {  	v22 =	vld.idx.msk [tilespmem:v23+s25+$0x0], $0xffff;
	v28 =	vbroadcast v28, $0xF  }
0x27c: {  	s7 =	simm.s32 $0xF000;
	v23 =	vld.idx.msk [tilespmem:v23+s26+$0x0], $0xffff;
	[tilespmem:s8+$0x6400] =	vst v24  }
0x27d: {  	[tilespmem:v27+s7+$0x0] =	vst.idx.msk $0x1, v28  }
0x27e: {  	v26 =	vld [tilespmem:s7+$0x0];
	p3 =	sne.s32 s3, $0x1  }
.Ltmp42:
0x27f: {  	_ = 	snop;
	(pc) =	sbr.rel @!p3 .LBB2_58-.Ltmp42, $3  }
0x280: {  	_ =	sdelay $0x1  }
0x281: {  	s8 =	simm.s32 $0x0  }
0x282: {  	v24 =	vimm.s32 $0x40000000;
	s9 =	sadd.s32 $0xFFFFFFFF, s3;
	s11 =	simm.s32 $0xF010;
	v27 =	vor.u32 s8, v63;
	vm0 =	vgt.f32 v26, v25  }
.LBB2_57:
0x283: {  	v28 =	vld [tilespmem:s11+$0x0];
	p3 =	sne.s32 s9, $0x1;
	s9 =	sadd.s32 $0xFFFFFFFF, s9;
	v24 =	vsel vm0, v27, v24  }
.Ltmp43:
0x284: {  	(pc) =	sbr.rel @p3 .LBB2_57-.Ltmp43, $3  }
0x285: {  	_ =	sdelay $0x1  }
0x286: {  	v25 =	vmax.f32 v25, v26;
	s8 =	sadd.s32 $0x10, s8  }
0x287: {  	s11 =	sadd.s32 $0x10, s11;
	v27 =	vor.u32 s8, v63;
	vm0 =	vgt.f32 v28, v25;
	v26 =	vmov v28  }
.LBB2_58:
0x288: {  	v24 =	vsel vm0, v27, v24  }
0x289: {  	v25 =	vmax.f32 v25, v26;
	v26 =	vxor.u32 $0x80000000, v24  }
.LBB2_59:
0x28a: {  	(xrf0) =	vmax.scan.msk.f32 $0xffff, v25;
	_ =	sdelay $0x5  }
0x28b: {  	v27, _, _ =	vpop (xrf0)  }
0x28c: {  	v24 =	vbroadcast v27, $0xF;
	_ =	sdelay $0x1  }
0x28d: {  	vm0 =	veq.f32 v25, v24  }
0x28e: {  	v25 =	vnsel vm0, $0xC0000000, v26  }
0x28f: {  	(xrf0) =	vmin.scan.msk.u32 $0xffff, v25;
	_ =	sdelay $0x5  }
0x290: {  	(v2sf) =	vpush v27, $0xF;
	v25, _, _ =	vpop (xrf0)  }
0x291: {  	(v2sf) =	vpush v25, $0xF;
	_ =	sdelay $0xd  }
0x292: {  	s9 =	spop (v2sf)  }
0x293: {  	s8 =	spop (v2sf)  }
0x294: {  	s11 =	sshll.u32 s8, $0x4  }
0x295: {  	v25 =	vld [tilespmem:s11+$0x6400];
	_ =	sdelay $0x4  }
0x296: {  	vm14 =	veq.f32 v25, v24  }
0x297: {  	v26 =	vnsel vm14, $0xC0000000, v57  }
0x298: {  	(xrf0) =	vmin.scan.msk.u32 $0xffff, v26;
	_ =	sdelay $0x5  }
0x299: {  	v26, _, _ =	vpop (xrf0)  }
0x29a: {  	(v2sf) =	vpush v26, $0xF;
	_ =	sdelay $0xe  }
0x29b: {  	s12 =	spop (v2sf)  }
0x29c: {  	s12 =	sxor.u32 $0x80000000, s12  }
0x29d: {  	v26 =	vmov s12  }
0x29e: {  	s13 =	sadd.s32 s11, s12;
	vm15 =	veq.s32 v26, v63  }
0x29f: {  	v29 =	vmov s13;
	v30 =	vsel vm15, $0xBF800000, v25  }
0x2a0: {  	(xrf0) =	vmax.scan.msk.f32 $0xffff, v30;
	_ =	sdelay $0x2  }
0x2a1: {  	s8 =	sxor.u32 $0x80000000, s8  }
0x2a2: {  	v31 =	vmov s8;
	v25 =	vld.idx.msk [tilespmem:v29+s22+$0x0], $0xffff  }
.Ltmp44:
0x2a3: {  	v26 =	vld.idx.msk [tilespmem:v29+s23+$0x0], $0xffff;
	(pc) =	sbr.rel @p0 .LBB2_63-.Ltmp44, $4  }
0x2a4: {  	v28 =	vld.idx.msk [tilespmem:v29+s24+$0x0], $0xffff;
	v32, _, _ =	vpop (xrf0)  }
0x2a5: {  	v27 =	vld.idx.msk [tilespmem:v29+s25+$0x0], $0xffff;
	v32 =	vbroadcast v32, $0xF  }
0x2a6: {  	v38 =	vimm.s32 $0xC0000000;
	v29 =	vld.idx.msk [tilespmem:v29+s26+$0x0], $0xffff;
	[tilespmem:s11+$0x6400] =	vst v30  }
0x2a7: {  	v37 =	vimm.f32 $-2.000000000e+00;
	[tilespmem:v31+s7+$0x0] =	vst.idx.msk $0x1, v32;
	v31 =	vimm.f32 $-2.000000000e+00;
	v32 =	vimm.s32 $0xC0000000  }
0x2a8: {  	v31 =	vld [tilespmem:s7+$0x0];
	p3 =	sne.s32 s3, $0x1  }
.Ltmp45:
0x2a9: {  	_ = 	snop;
	(pc) =	sbr.rel @!p3 .LBB2_62-.Ltmp45, $3  }
0x2aa: {  	_ =	sdelay $0x1  }
0x2ab: {  	v30 =	vimm.s32 $0x40000000;
	s7 =	simm.s32 $0x0  }
0x2ac: {  	s8 =	sadd.s32 $0xFFFFFFFF, s3;
	s11 =	simm.s32 $0xF010;
	v32 =	vimm.f32 $-2.000000000e+00;
	v33 =	vor.u32 s7, v63;
	vm0 =	vgt.f32 v31, v37  }
.LBB2_61:
0x2ad: {  	v34 =	vld [tilespmem:s11+$0x0];
	p3 =	sne.s32 s8, $0x1;
	s8 =	sadd.s32 $0xFFFFFFFF, s8;
	v30 =	vsel vm0, v33, v30  }
.Ltmp46:
0x2ae: {  	(pc) =	sbr.rel @p3 .LBB2_61-.Ltmp46, $3  }
0x2af: {  	_ =	sdelay $0x1  }
0x2b0: {  	v32 =	vmax.f32 v32, v31;
	s7 =	sadd.s32 $0x10, s7  }
0x2b1: {  	s11 =	sadd.s32 $0x10, s11;
	v33 =	vor.u32 s7, v63;
	vm0 =	vgt.f32 v34, v32;
	v31 =	vmov v34  }
.LBB2_62:
0x2b2: {  	v30 =	vsel vm0, v33, v30  }
0x2b3: {  	v31 =	vmax.f32 v32, v31;
	v32 =	vxor.u32 $0x80000000, v30  }
.LBB2_63:
0x2b4: {  	(xrf0) =	vmax.scan.msk.f32 $0xffff, v31;
	_ =	sdelay $0x5  }
0x2b5: {  	v33, _, _ =	vpop (xrf0)  }
0x2b6: {  	v30 =	vbroadcast v33, $0xF;
	_ =	sdelay $0x1  }
0x2b7: {  	vm0 =	veq.f32 v31, v30  }
0x2b8: {  	v31 =	vnsel vm0, $0xC0000000, v32  }
0x2b9: {  	(xrf0) =	vmin.scan.msk.u32 $0xffff, v31;
	_ =	sdelay $0x5  }
0x2ba: {  	(v2sf) =	vpush v33, $0xF;
	v31, _, _ =	vpop (xrf0)  }
0x2bb: {  	(v2sf) =	vpush v31, $0xF;
	_ =	sdelay $0xd  }
0x2bc: {  	s7 =	spop (v2sf)  }
0x2bd: {  	s8 =	spop (v2sf)  }
0x2be: {  	s11 =	sshll.u32 s8, $0x4  }
0x2bf: {  	v31 =	vld [tilespmem:s11+$0x6400];
	_ =	sdelay $0x4  }
0x2c0: {  	vm14 =	veq.f32 v31, v30  }
0x2c1: {  	v60 =	vnsel vm14, $0xC0000000, v57  }
0x2c2: {  	(xrf0) =	vmin.scan.msk.u32 $0xffff, v60;
	_ =	sdelay $0x5  }
0x2c3: {  	v32, _, _ =	vpop (xrf0)  }
0x2c4: {  	(v2sf) =	vpush v32, $0xF;
	_ =	sdelay $0xe  }
0x2c5: {  	s12 =	spop (v2sf)  }
0x2c6: {  	s12 =	sxor.u32 $0x80000000, s12  }
0x2c7: {  	v61 =	vmov s12  }
0x2c8: {  	s13 =	sadd.s32 s11, s12;
	vm15 =	veq.s32 v61, v63  }
0x2c9: {  	v36 =	vmov s13;
	v39 =	vsel vm15, $0xBF800000, v31  }
0x2ca: {  	(xrf0) =	vmax.scan.msk.f32 $0xffff, v39;
	_ =	sdelay $0x2  }
0x2cb: {  	s8 =	sxor.u32 $0x80000000, s8  }
0x2cc: {  	v40 =	vmov s8;
	v35 =	vld.idx.msk [tilespmem:v36+s22+$0x0], $0xffff  }
.Ltmp47:
0x2cd: {  	v34 =	vld.idx.msk [tilespmem:v36+s23+$0x0], $0xffff;
	(pc) =	sbr.rel @p0 .LBB2_67-.Ltmp47, $4  }
0x2ce: {  	v59 =	vld.idx.msk [tilespmem:v36+s24+$0x0], $0xffff;
	v41, _, _ =	vpop (xrf0)  }
0x2cf: {  	v32 =	vld.idx.msk [tilespmem:v36+s25+$0x0], $0xffff;
	v62 =	vbroadcast v41, $0xF  }
0x2d0: {  	s8 =	simm.s32 $0xF000;
	v31 =	vld.idx.msk [tilespmem:v36+s26+$0x0], $0xffff;
	[tilespmem:s11+$0x6400] =	vst v39  }
0x2d1: {  	[tilespmem:v40+s8+$0x0] =	vst.idx.msk $0x1, v62  }
0x2d2: {  	v38 =	vld [tilespmem:s8+$0x0];
	p3 =	sne.s32 s3, $0x1  }
.Ltmp48:
0x2d3: {  	_ = 	snop;
	(pc) =	sbr.rel @!p3 .LBB2_66-.Ltmp48, $3  }
0x2d4: {  	_ =	sdelay $0x1  }
0x2d5: {  	s8 =	simm.s32 $0x0  }
0x2d6: {  	v36 =	vimm.s32 $0x40000000;
	s11 =	sadd.s32 $0xFFFFFFFF, s3;
	s12 =	simm.s32 $0xF010;
	v39 =	vor.u32 s8, v63;
	vm0 =	vgt.f32 v38, v37  }
.LBB2_65:
0x2d7: {  	v40 =	vld [tilespmem:s12+$0x0];
	p3 =	sne.s32 s11, $0x1;
	s11 =	sadd.s32 $0xFFFFFFFF, s11;
	v36 =	vsel vm0, v39, v36  }
.Ltmp49:
0x2d8: {  	(pc) =	sbr.rel @p3 .LBB2_65-.Ltmp49, $3  }
0x2d9: {  	_ =	sdelay $0x1  }
0x2da: {  	v37 =	vmax.f32 v37, v38;
	s8 =	sadd.s32 $0x10, s8  }
0x2db: {  	s12 =	sadd.s32 $0x10, s12;
	v39 =	vor.u32 s8, v63;
	vm0 =	vgt.f32 v40, v37;
	v38 =	vmov v40  }
.LBB2_66:
0x2dc: {  	v36 =	vsel vm0, v39, v36  }
0x2dd: {  	v37 =	vmax.f32 v37, v38;
	v38 =	vxor.u32 $0x80000000, v36  }
.LBB2_67:
0x2de: {  	(xrf0) =	vmax.scan.msk.f32 $0xffff, v37;
	_ =	sdelay $0x5  }
0x2df: {  	v39, _, _ =	vpop (xrf0)  }
0x2e0: {  	v36 =	vbroadcast v39, $0xF;
	_ =	sdelay $0x1  }
0x2e1: {  	vm0 =	veq.f32 v37, v36  }
0x2e2: {  	v37 =	vnsel vm0, $0xC0000000, v38  }
0x2e3: {  	(xrf0) =	vmin.scan.msk.u32 $0xffff, v37;
	_ =	sdelay $0x5  }
0x2e4: {  	(v2sf) =	vpush v39, $0xF;
	v37, _, _ =	vpop (xrf0)  }
0x2e5: {  	(v2sf) =	vpush v37, $0xF;
	_ =	sdelay $0xd  }
0x2e6: {  	s11 =	spop (v2sf)  }
0x2e7: {  	s13 =	spop (v2sf)  }
0x2e8: {  	s12 =	sshll.u32 s13, $0x4  }
0x2e9: {  	v54 =	vmin.f32 v8, v15;
	v55 =	vsub.f32 v8, v6;
	v46 =	vld [tilespmem:s12+$0x6400]  }
0x2ea: {  	v56 =	vsub.f32 v9, v7;
	v40 =	vmax.f32 v6, v13;
	v41 =	vsub.f32 v15, v13  }
0x2eb: {  	v42 =	vsub.f32 v16, v14;
	v60 =	vmin.f32 v9, v16;
	v43 =	vmax.f32 v7, v14  }
0x2ec: {  	v62 =	vmin.f32 v8, v21;
	v0 =	vmax.f32 v6, v20;
	v1 =	vmin.f32 v9, v22  }
0x2ed: {  	v44 =	vmax.f32 v7, v19;
	vm11 =	vmxor vm11, vm11;
	v4 =	vsub.f32 v21, v20  }
0x2ee: {  	v5 =	vsub.f32 v22, v19;
	v48 =	vmin.f32 v15, v21;
	vm13 =	veq.f32 v46, v36  }
0x2ef: {  	v49 =	vmax.f32 v13, v20;
	v50 =	vmin.f32 v16, v22;
	v53 =	vnsel vm13, $0xC0000000, v57  }
0x2f0: {  	v51 =	vmax.f32 v14, v19;
	v2 =	vsub.f32 v62, v0;
	v3 =	vsub.f32 v1, v44;
	(xrf0) =	vmin.scan.msk.u32 $0xffff, v53  }
0x2f1: {  	p3 =	sgt.f32 s5, $5.000000070e-02;
	vm1 =	vmmov vm11;
	v33 =	vsub.f32 v48, v49;
	v52 =	vsub.f32 v50, v51  }
0x2f2: {  	v0 =	vmin.f32 v9, v27;
	v1 =	vmax.f32 v7, v26;
	vm3 =	vmmov vm11  }
0x2f3: {  	v45 =	vmul.f32 v56, v55;
	vm1 =	vmneg @p3 vm1;
	v55 =	vmin.f32 v8, v28  }
0x2f4: {  	v56 =	vmax.f32 v6, v25;
	v51 =	vsub.f32 v0, v1;
	v0 =	vsub.f32 v59, v35  }
0x2f5: {  	v1 =	vsub.f32 v32, v34;
	v44 =	vmax.f32 v33, $0.0e+00;
	v48 =	vmax.f32 v52, $0.0e+00  }
0x2f6: {  	v52 =	vmin.f32 v16, v27;
	v51 =	vmax.f32 v51, $0.0e+00;
	v38 =	vmax.f32 v2, $0.0e+00;
	v37, _, _ =	vpop (xrf0)  }
0x2f7: {  	p4 =	sgt.f32 s6, $5.000000070e-02;
	vm0 =	vmmov vm11;
	(v2sf) =	vpush v37, $0xF;
	v37 =	vsub.f32 v54, v40  }
0x2f8: {  	v2 =	vmin.f32 v15, v28;
	v40 =	vsub.f32 v60, v43;
	v43 =	vmul.f32 v42, v41  }
0x2f9: {  	vm0 =	vmneg @p4 vm0;
	v42 =	vmul.f32 v5, v4;
	v37 =	vmax.f32 v37, $0.0e+00  }
0x2fa: {  	p4 =	sgt.f32 s10, $5.000000070e-02;
	v61 =	vmax.f32 v40, $0.0e+00;
	v39 =	vadd.f32 v43, v45;
	v40 =	vmax.f32 v3, $0.0e+00  }
0x2fb: {  	v53 =	vadd.f32 v42, v45;
	v37 =	vmul.f32 v61, v37;
	v38 =	vmul.f32 v40, v38  }
0x2fc: {  	vm3 =	vmneg @p4 vm3;
	v60 =	vsub.f32 v28, v25;
	v54 =	vadd.f32 v42, v43  }
0x2fd: {  	v39 =	vsub.f32 v39, v37;
	v40 =	vsub.f32 v53, v38;
	v53 =	vmax.f32 v14, v26  }
0x2fe: {  	v3 =	vmax.f32 v13, v25;
	v61 =	vsub.f32 v27, v26;
	v4 =	vsub.f32 v52, v53  }
0x2ff: {  	v52 =	vmin.f32 v22, v27;
	v53 =	vmax.f32 v19, v26;
	v39 =	vmul.f32 $3.000000120e-01, v39  }
0x300: {  	v40 =	vmul.f32 $3.000000120e-01, v40;
	v49 =	vmax.f32 v4, $0.0e+00;
	v4 =	vmin.f32 v15, v59  }
0x301: {  	vm2 =	vgt.f32 v37, v39;
	v37 =	vmul.f32 v48, v44;
	v44 =	vsub.f32 v55, v56  }
0x302: {  	v48 =	vsub.f32 v2, v3;
	vm4 =	vgt.f32 v38, v40;
	v55 =	vmin.f32 v8, v59  }
0x303: {  	v56 =	vmax.f32 v6, v35;
	vm2 =	vmand vm1, vm2;
	vm4 =	vmand vm1, vm4  }
0x304: {  	v39 =	vsub.f32 v54, v37;
	vm2 =	vmneg vm2;
	v62 =	vmax.f32 v44, $0.0e+00  }
0x305: {  	v44 =	vmul.f32 v61, v60;
	v48 =	vmax.f32 v48, $0.0e+00;
	v54 =	vsub.f32 v52, v53  }
0x306: {  	v60 =	vmin.f32 v9, v32;
	v61 =	vmax.f32 v7, v34;
	v50 =	vmul.f32 v51, v62  }
0x307: {  	v48 =	vmul.f32 v49, v48;
	vm2 =	vmand vm0, vm2;
	v62 =	vsub.f32 v60, v61  }
0x308: {  	v5 =	vadd.f32 v44, v45;
	v39 =	vmul.f32 $3.000000120e-01, v39;
	v33 =	vadd.f32 v44, v43  }
0x309: {  	v38 =	vmax.f32 v54, $0.0e+00;
	v54 =	vmin.f32 v22, v32;
	v3 =	vmax.f32 v62, $0.0e+00  }
0x30a: {  	v62 =	vmin.f32 v16, v32;
	s8 =	spop (v2sf);
	v51 =	vsub.f32 v5, v50;
	vm5 =	vgt.f32 v37, v39  }
0x30b: {  	v49 =	vsub.f32 v33, v48;
	v5 =	vmax.f32 v13, v35;
	v33 =	vadd.f32 v44, v42;
	s18 =	sxor.u32 $0x80000000, s8  }
0x30c: {  	vm6 =	vmand vm2, vm5;
	v60 =	vsub.f32 v4, v5;
	v47 =	vmov s18  }
0x30d: {  	s8 =	sadd.s32 s12, s18;
	v40 =	vmul.f32 $3.000000120e-01, v51;
	v39 =	vmul.f32 $3.000000120e-01, v49;
	v51 =	vmax.f32 v20, v25  }
0x30e: {  	p4 =	sgt.f32 s9, $5.000000070e-02;
	vm12 =	vmor vm4, vm6;
	vm6 =	vmmov vm11;
	v41 =	vmov s8  }
0x30f: {  	vm14 =	veq.s32 v47, v63;
	v47 =	vmul.f32 v1, v0;
	v0 =	vmax.f32 v14, v34  }
0x310: {  	v1 =	vmin.f32 v21, v59;
	vm6 =	vmneg @p4 vm6;
	vm4 =	vmneg vm12  }
0x311: {  	vm15 =	vgt.f32 v50, v40;
	v50 =	vmin.f32 v21, v28;
	v40 =	vsub.f32 v55, v56  }
0x312: {  	v55 =	vmax.f32 v19, v34;
	vm8 =	vgt.f32 v48, v39;
	v46 =	vsel vm14, $0xBF800000, v46  }
0x313: {  	vm4 =	vmand vm3, vm4;
	vm3 =	vmmov $0x1;
	v37 =	vsub.f32 v50, v51  }
0x314: {  	v61 =	vadd.f32 v47, v45;
	v5 =	vadd.f32 v47, v43;
	vm13 =	vmand vm1, vm15  }
0x315: {  	vm14 =	vmand vm2, vm8;
	vm8 =	vmand vm4, vm3;
	v2 =	vmax.f32 v40, $0.0e+00  }
0x316: {  	v40 =	vsub.f32 v62, v0;
	v0 =	vmin.f32 v28, v59;
	vm5 =	vmor vm13, vm14  }
0x317: {  	v37 =	vmax.f32 v37, $0.0e+00;
	v52 =	vmul.f32 v3, v2;
	v2 =	vmax.f32 v20, v35  }
0x318: {  	v3 =	vsub.f32 v54, v55;
	v51 =	vmul.f32 v38, v37;
	v37 =	vmax.f32 v60, $0.0e+00  }
0x319: {  	v40 =	vmax.f32 v40, $0.0e+00;
	v49 =	vsub.f32 v1, v2;
	v38 =	vld.idx.msk [tilespmem:v41+s23+$0x0], $0xffff;
	v1 =	vmax.f32 v25, v35  }
0x31a: {  	v39 =	vld.idx.msk [tilespmem:v41+s24+$0x0], $0xffff;
	v4 =	vsub.f32 v61, v52;
	v55 =	vmul.f32 v40, v37;
	v53 =	vmax.f32 v3, $0.0e+00  }
0x31b: {  	v37 =	vld.idx.msk [tilespmem:v41+s22+$0x0], $0xffff;
	v50 =	vsub.f32 v33, v51;
	v49 =	vmax.f32 v49, $0.0e+00;
	v33 =	vadd.f32 v47, v42  }
0x31c: {  	v40 =	vld.idx.msk [tilespmem:v41+s25+$0x0], $0xffff;
	v48 =	vmul.f32 v53, v49;
	v60 =	vmul.f32 $3.000000120e-01, v4;
	v61 =	vsub.f32 v5, v55  }
0x31d: {  	v2 =	vmin.f32 v27, v32;
	v3 =	vmax.f32 v26, v34;
	v50 =	vmul.f32 $3.000000120e-01, v50  }
0x31e: {  	v49 =	vsub.f32 v33, v48;
	vm7 =	vgt.f32 v52, v60;
	v62 =	vmul.f32 $3.000000120e-01, v61  }
0x31f: {  	v52 =	vsub.f32 v2, v3;
	v4 =	vmin.f32 v8, v39;
	v56 =	vmax.f32 v7, v38  }
0x320: {  	v3 =	vmin.f32 v15, v39;
	vm9 =	vgt.f32 v51, v50;
	v51 =	vsub.f32 v0, v1  }
0x321: {  	v5 =	vmax.f32 v6, v37;
	v33 =	vmin.f32 v9, v40;
	v1 =	vsub.f32 v39, v37  }
0x322: {  	v2 =	vsub.f32 v40, v38;
	vm7 =	vmand vm1, vm7;
	v49 =	vmul.f32 $3.000000120e-01, v49  }
0x323: {  	v53 =	vsub.f32 v4, v5;
	v54 =	vsub.f32 v33, v56;
	vm10 =	vgt.f32 v55, v62  }
0x324: {  	v61 =	vmax.f32 v52, $0.0e+00;
	v4 =	vmax.f32 v13, v37;
	v5 =	vmin.f32 v16, v40  }
0x325: {  	v33 =	vmax.f32 v14, v38;
	vm15 =	vmand vm4, vm9;
	v56 =	vmin.f32 v27, v40  }
0x326: {  	v60 =	vmax.f32 v51, $0.0e+00;
	v52 =	vsub.f32 v3, v4;
	v50 =	vmul.f32 v2, v1  }
0x327: {  	vm5 =	vmor vm15, vm5;
	v1 =	vmin.f32 v22, v40;
	v2 =	vmax.f32 v19, v38  }
0x328: {  	vm12 =	vmand vm2, vm10;
	vm15 =	vmand vm1, vm3;
	vm0 =	vgt.f32 v48, v49  }
0x329: {  	s20 =	sxor.u32 $0x80000000, s13;
	(xrf0) =	vmax.scan.msk.f32 $0xffff, v46;
	v62 =	vmax.f32 v53, $0.0e+00;
	v0 =	vmax.f32 v54, $0.0e+00;
	v48 =	vmul.f32 v61, v60  }
0x32a: {  	v61 =	vadd.f32 v47, v44;
	v53 =	vsub.f32 v5, v33;
	v54 =	vmov s20  }
0x32b: {  	vm5 =	vmneg vm5;
	vm7 =	vmor vm7, vm12;
	v5 =	vmin.f32 v28, v39  }
0x32c: {  	v33 =	vmax.f32 v25, v37;
	vm12 =	vmand vm2, vm3;
	v49 =	vmul.f32 v0, v62  }
0x32d: {  	v45 =	vadd.f32 v50, v45;
	v52 =	vmax.f32 v52, $0.0e+00;
	v43 =	vadd.f32 v50, v43  }
0x32e: {  	v62 =	vmin.f32 v21, v39;
	v42 =	vadd.f32 v50, v42;
	v44 =	vadd.f32 v50, v44  }
0x32f: {  	v47 =	vadd.f32 v50, v47;
	v50 =	vnsel vm4, $0x0, v21;
	v60, _, _ =	vpop (xrf0);
	v51 =	vsub.f32 v61, v48  }
0x330: {  	v41 =	vld.idx.msk [tilespmem:v41+s26+$0x0], $0xffff;
	[tilespmem:s12+$0x6400] =	vst v46;
	v53 =	vmax.f32 v53, $0.0e+00;
	v55 =	vbroadcast v60, $0xF;
	v45 =	vsub.f32 v45, v49  }
0x331: {  	[tilespmem:$0x1FFC0] =	vst v50;
	v52 =	vmul.f32 v53, v52;
	v60 =	vmax.f32 v26, v38;
	v51 =	vmul.f32 $3.000000120e-01, v51  }
0x332: {  	v0 =	vmax.f32 v20, v37;
	vm5 =	vmand vm6, vm5;
	v61 =	vsub.f32 v56, v60;
	[tilespmem:v54+s29+$0x0] =	vst.idx.msk $0x1, v55  }
0x333: {  	v45 =	vmul.f32 $3.000000120e-01, v45;
	v43 =	vsub.f32 v43, v52;
	vm9 =	vgt.f32 v48, v51;
	[tilespmem:v11+s30+$0x0] =	vst.idx.msk vm15, v6  }
0x334: {  	vm0 =	vmand vm4, vm0;
	v48 =	vsub.f32 v62, v0;
	v51 =	vsub.f32 v1, v2;
	[tilespmem:v11+s31+$0x0] =	vst.idx.msk vm15, v7  }
0x335: {  	v43 =	vmul.f32 $3.000000120e-01, v43;
	vm13 =	vgt.f32 v49, v45;
	v49 =	vnsel vm4, $0x0, v20;
	[tilespmem:v11+s0+$0x0] =	vst.idx.msk vm15, v8  }
0x336: {  	v62 =	vmin.f32 v59, v39;
	v0 =	vmax.f32 v35, v37;
	v45 =	vsub.f32 v5, v33;
	[tilespmem:$0x1FFB0] =	vst v49  }
0x337: {  	v3 =	vmax.f32 v48, $0.0e+00;
	v4 =	vmax.f32 v51, $0.0e+00;
	vm14 =	vgt.f32 v52, v43;
	[tilespmem:v11+s1+$0x0] =	vst.idx.msk vm15, v9  }
0x338: {  	v43 =	vmul.f32 v4, v3;
	v3 =	vsub.f32 v62, v0;
	v0 =	vnsel vm4, $0x0, v19;
	[tilespmem:v11+s16+$0x0] =	vst.idx.msk vm15, v10  }
0x339: {  	v1 =	vmin.f32 v32, v40;
	v48 =	vmax.f32 v61, $0.0e+00;
	v45 =	vmax.f32 v45, $0.0e+00;
	[tilespmem:$0x1FFD0] =	vst v0  }
0x33a: {  	v2 =	vmax.f32 v34, v38;
	v45 =	vmul.f32 v48, v45;
	v48 =	vnsel vm2, $0x0, v16;
	[tilespmem:v17+s30+$0x0] =	vst.idx.msk vm12, v13  }
0x33b: {  	vm0 =	vmor vm0, vm7;
	vm9 =	vmand vm5, vm9;
	v4 =	vsub.f32 v1, v2;
	[tilespmem:$0x1FF90] =	vst v48  }
0x33c: {  	p4 =	sgt.f32 s7, $5.000000070e-02;
	vm0 =	vmor vm9, vm0;
	v46 =	vmax.f32 v3, $0.0e+00;
	v3 =	vnsel vm2, $0x0, v13;
	[tilespmem:v17+s31+$0x0] =	vst.idx.msk vm12, v14  }
0x33d: {  	vm1 =	vmand vm1, vm13;
	vm9 =	vmmov vm11;
	v5 =	vmax.f32 v4, $0.0e+00;
	[tilespmem:$0x1FF80] =	vst v3  }
0x33e: {  	vm9 =	vmneg @p4 vm9;
	v46 =	vmul.f32 v5, v46;
	v5 =	vnsel vm2, $0x0, v15;
	[tilespmem:v17+s0+$0x0] =	vst.idx.msk vm12, v15  }
0x33f: {  	vm0 =	vmneg vm0;
	v2 =	vpsel !p3, $0x0, v8;
	v1 =	vnsel vm4, $0x0, v22;
	[tilespmem:$0x1FF70] =	vst v5  }
0x340: {  	vm6 =	vmand vm2, vm14;
	vm0 =	vmand vm9, vm0;
	v42 =	vsub.f32 v42, v43;
	[tilespmem:v17+s1+$0x0] =	vst.idx.msk vm12, v16  }
0x341: {  	v62 =	vmovc v2;
	v2 =	vnsel vm5, $0x0, v25;
	v33 =	vsub.f32 v47, v46;
	v47 =	vnsel vm2, $0x0, v14;
	[tilespmem:v17+s16+$0x0] =	vst.idx.msk vm12, v12  }
0x342: {  	v44 =	vsub.f32 v44, v45;
	v42 =	vmul.f32 $3.000000120e-01, v42;
	vm12 =	vmand vm5, vm3;
	[tilespmem:$0x1FFA0] =	vst v47  }
0x343: {  	v51 =	vsub.f32 v1, v0;
	vm1 =	vmor vm1, vm6;
	v13 =	vnsel vm5, $0x0, v26;
	[tilespmem:v23+s30+$0x0] =	vst.idx.msk vm8, v20  }
0x344: {  	v4 =	vnsel vm5, $0x0, v28;
	v44 =	vmul.f32 $3.000000120e-01, v44;
	vm13 =	vgt.f32 v43, v42;
	[tilespmem:v23+s31+$0x0] =	vst.idx.msk vm8, v19  }
0x345: {  	v15 =	vnsel vm0, $0x0, v35;
	vm6 =	vmand vm4, vm13;
	v10 =	vmul.f32 $3.000000120e-01, v33;
	[tilespmem:v23+s0+$0x0] =	vst.idx.msk vm8, v21  }
0x346: {  	v14 =	vnsel vm5, $0x0, v27;
	vm14 =	vgt.f32 v45, v44;
	vm1 =	vmor vm6, vm1;
	[tilespmem:v23+s1+$0x0] =	vst.idx.msk vm8, v22  }
0x347: {  	vm6 =	vmand vm5, vm14;
	vm14 =	vmand vm0, vm3;
	vm15 =	vgt.f32 v46, v10;
	[tilespmem:v23+s16+$0x0] =	vst.idx.msk vm8, v18  }
0x348: {  	p4 =	sgt.f32 s11, $5.000000070e-02;
	v16 =	vnsel vm0, $0x0, v34;
	vm1 =	vmor vm6, vm1;
	vm13 =	vmand vm0, vm15;
	[tilespmem:v29+s30+$0x0] =	vst.idx.msk vm12, v25  }
0x349: {  	v12 =	vpsel !p3, $0x0, v6;
	vm6 =	vmmov vm11;
	vm1 =	vmor vm13, vm1;
	[tilespmem:v29+s31+$0x0] =	vst.idx.msk vm12, v26  }
0x34a: {  	v17 =	vnsel vm0, $0x0, v59;
	vm6 =	vmneg @p4 vm6;
	vm1 =	vmneg vm1;
	[tilespmem:v29+s0+$0x0] =	vst.idx.msk vm12, v28  }
0x34b: {  	v45 =	vpsel !p3, $0x0, v7;
	v46 =	vpsel !p3, $0x0, v9;
	vm1 =	vmand vm6, vm1;
	[tilespmem:v29+s1+$0x0] =	vst.idx.msk vm12, v27  }
0x34c: {  	v55 =	vsub.f32 v14, v13;
	v44 =	vsub.f32 v46, v45;
	vm15 =	vmand vm1, vm3;
	[tilespmem:v29+s16+$0x0] =	vst.idx.msk vm12, v24  }
0x34d: {  	v23 =	vmov v46;
	v46 =	vsub.f32 v48, v47;
	v47 =	vsub.f32 v50, v49;
	[tilespmem:v31+s30+$0x0] =	vst.idx.msk vm14, v35  }
0x34e: {  	v18 =	vnsel vm0, $0x0, v32;
	v49 =	vsub.f32 v4, v2;
	v50 =	vsub.f32 v17, v15;
	[tilespmem:v31+s31+$0x0] =	vst.idx.msk vm14, v34  }
0x34f: {  	v61 =	vsub.f32 v18, v16;
	v28 =	vsub.f32 v62, v12;
	[tilespmem:v31+s0+$0x0] =	vst.idx.msk vm14, v59  }
0x350: {  	v54 =	vmul.f32 $2.307692320e-01, v49;
	v19 =	vnsel vm1, $0x0, v37;
	v29 =	vsub.f32 v5, v3;
	[tilespmem:v31+s1+$0x0] =	vst.idx.msk vm14, v32  }
0x351: {  	v20 =	vmovc v12;
	v33 =	vmovc v62;
	v56 =	vnsel vm1, $0x0, v38;
	v53 =	vnsel vm1, $0x0, v39;
	v43 =	vmul.f32 $2.307692320e-01, v28;
	[tilespmem:v31+s16+$0x0] =	vst.idx.msk vm14, v30  }
.Ltmp50:
0x352: {  	v21 =	vmovc v45;
	v52 =	vsub.f32 v53, v19;
	v3 =	vmul.f32 $2.307692320e-01, v47;
	v45 =	vmul.f32 $2.307692320e-01, v29;
	[tilespmem:v41+s30+$0x0] =	vst.idx.msk vm15, v37;
	(pc) =	sbr.rel @p1 .LBB2_75-.Ltmp50, $4  }
0x353: {  	v27 =	vmovc v4;
	v60 =	vmul.f32 v44, v43;
	v34 =	vmul.f32 $2.307692320e-01, v50;
	v59 =	vnsel vm1, $0x0, v40;
	[tilespmem:v41+s31+$0x0] =	vst.idx.msk vm15, v38  }
0x354: {  	v28 =	vmul.f32 v3, v51;
	v62 =	vsub.f32 v59, v56;
	v37 =	vmul.f32 $2.307692320e-01, v52;
	[tilespmem:v41+s0+$0x0] =	vst.idx.msk vm15, v39  }
0x355: {  	v44 =	vmul.f32 v54, v55;
	v48 =	vmul.f32 v45, v46;
	v32 =	vmov v1;
	[tilespmem:v41+s1+$0x0] =	vst.idx.msk vm15, v40  }
0x356: {  	v29 =	vmov v2;
	v26 =	vmul.f32 v34, v61;
	v50 =	vmul.f32 v37, v62;
	[tilespmem:v41+s16+$0x0] =	vst.idx.msk vm15, v36  }
0x357: {  	s6 =	simm.s32 $0xDC20  }
0x358: {  	s11 =	simm.s32 $0x7820;
	v36 =	vld [tilespmem:s6+$0x10]  }
0x359: {  	s10 =	simm.s32 $0x8C20;
	v37 =	vld [tilespmem:s11+$0x10]  }
0x35a: {  	s9 =	simm.s32 $0xA020;
	v38 =	vld [tilespmem:s10+$0x10]  }
0x35b: {  	s7 =	simm.s32 $0xB420;
	v39 =	vld [tilespmem:s9+$0x10]  }
0x35c: {  	v40 =	vld [tilespmem:s7+$0x10];
	_ =	sdelay $0x1  }
0x35d: {  	v7 =	vld [tilespmem:$0x1FFC0];
	v42 =	vadd.f32 v36, v26;
	v45 =	vadd.f32 v36, v50  }
0x35e: {  	v5 =	vmov v44;
	v6 =	vld [tilespmem:$0x1FFB0];
	v46 =	vadd.f32 v36, v28;
	v47 =	vadd.f32 v36, v44  }
0x35f: {  	v3 =	vmovc v48;
	v9 =	vld [tilespmem:$0x1FFD0];
	v44 =	vadd.f32 v36, v60;
	v48 =	vadd.f32 v36, v48;
	v36 =	vmin.f32 v39, v53  }
0x360: {  	v41 =	vmax.f32 v37, v19;
	v43 =	vmin.f32 v40, v59;
	v49 =	vmax.f32 v38, v56  }
0x361: {  	v4 =	vld [tilespmem:$0x1FF70];
	v34 =	vmin.f32 v39, v17;
	v51 =	vmax.f32 v37, v15;
	v52 =	vmin.f32 v40, v18  }
0x362: {  	v1 =	vmovc v60;
	v11 =	vld [tilespmem:$0x1FF80];
	v35 =	vmin.f32 v39, v27;
	v54 =	vmax.f32 v37, v29;
	v55 =	vmax.f32 v38, v16  }
0x363: {  	[tilespmem:$0x1FF40] =	vst v56;
	v56 =	vmin.f32 v39, v7;
	v57 =	vmin.f32 v40, v14;
	v58 =	vmax.f32 v38, v13  }
0x364: {  	[tilespmem:$0x1FF00] =	vst v59;
	v59 =	vmax.f32 v37, v6;
	v60 =	vmin.f32 v40, v32;
	v61 =	vmax.f32 v38, v9  }
0x365: {  	v2 =	vld [tilespmem:$0x1FF90];
	[tilespmem:$0x1FF60] =	vst v50;
	v62 =	vmin.f32 v39, v33;
	v50 =	vmax.f32 v37, v20;
	v41 =	vsub.f32 v36, v41  }
0x366: {  	v39 =	vmin.f32 v39, v4;
	v43 =	vsub.f32 v43, v49;
	v49 =	vsub.f32 v34, v51  }
0x367: {  	v0 =	vmovc v53;
	v37 =	vmax.f32 v37, v11;
	v51 =	vsub.f32 v52, v55;
	v53 =	vsub.f32 v35, v54  }
0x368: {  	v34 =	vmin.f32 v40, v23;
	v55 =	vsub.f32 v57, v58;
	v56 =	vsub.f32 v56, v59  }
0x369: {  	v35 =	vmax.f32 v38, v21;
	v57 =	vsub.f32 v60, v61;
	v50 =	vsub.f32 v62, v50  }
0x36a: {  	v8 =	vmovc v28;
	v28 =	vld [tilespmem:$0x1FFA0];
	v40 =	vmin.f32 v40, v2;
	v52 =	vsub.f32 v34, v35;
	v34 =	vsub.f32 v39, v37  }
0x36b: {  	v36 =	vld [tilespmem:s9+$0xFFFFFFE0];
	v49 =	vmax.f32 v49, $0.0e+00;
	v59 =	vmax.f32 v41, $0.0e+00;
	v60 =	vmax.f32 v43, $0.0e+00  }
0x36c: {  	v35 =	vmax.f32 v50, $0.0e+00;
	v43 =	vmax.f32 v56, $0.0e+00;
	v61 =	vmax.f32 v51, $0.0e+00  }
0x36d: {  	v37 =	vld [tilespmem:s11+$0xFFFFFFE0];
	v53 =	vmax.f32 v53, $0.0e+00;
	v55 =	vmax.f32 v55, $0.0e+00;
	v62 =	vmax.f32 v52, $0.0e+00  }
0x36e: {  	v39 =	vld [tilespmem:s7+$0xFFFFFFE0];
	v10 =	vmax.f32 v34, $0.0e+00;
	v58 =	vmul.f32 v55, v53;
	v49 =	vmul.f32 v61, v49  }
0x36f: {  	v41 =	vld [tilespmem:s10+$0xFFFFFFF0];
	v61 =	vmul.f32 v60, v59;
	v38 =	vmax.f32 v38, v28;
	v51 =	vmul.f32 v62, v35  }
0x370: {  	v35 =	vmax.f32 v57, $0.0e+00;
	v54 =	vmin.f32 v36, v33;
	v40 =	vsub.f32 v40, v38  }
0x371: {  	v38 =	vld [tilespmem:s10+$0xFFFFFFE0];
	v56 =	vmul.f32 v35, v43;
	vm5 =	vgt.f32 v58, v47;
	vm4 =	vgt.f32 v49, v42  }
0x372: {  	v43 =	vld [tilespmem:s9+$0xFFFFFFF0];
	vm1 =	vgt.f32 v61, v45;
	vm9 =	vgt.f32 v51, v44;
	v62 =	vmax.f32 v37, v20  }
0x373: {  	v47 =	vld [tilespmem:s7+$0x0];
	v49 =	vmin.f32 v39, v23;
	v51 =	vmin.f32 v36, v4;
	v34 =	vmax.f32 v40, $0.0e+00  }
0x374: {  	v44 =	vld [tilespmem:s7+$0xFFFFFFF0];
	vm6 =	vgt.f32 v56, v46;
	v59 =	vmax.f32 v41, v21;
	v54 =	vsub.f32 v54, v62  }
0x375: {  	v42 =	vld [tilespmem:s6+$0xFFFFFFE0];
	v55 =	vmax.f32 v41, v28;
	v52 =	vmul.f32 v34, v10;
	v10 =	vmax.f32 v37, v11  }
0x376: {  	v40 =	vld [tilespmem:s11+$0xFFFFFFF0];
	v34 =	vmin.f32 v39, v2;
	v10 =	vsub.f32 v51, v10;
	v54 =	vmax.f32 v54, $0.0e+00  }
0x377: {  	vm10 =	vgt.f32 v52, v48;
	v50 =	vmax.f32 v38, v21;
	v35 =	vmax.f32 v38, v28  }
0x378: {  	v56 =	vmin.f32 v43, v33;
	v60 =	vmin.f32 v43, v4;
	v62 =	vmin.f32 v47, v23  }
0x379: {  	v58 =	vmin.f32 v44, v23;
	v49 =	vsub.f32 v49, v50;
	v52 =	vmin.f32 v44, v2  }
0x37a: {  	v48 =	vld [tilespmem:s9+$0x0];
	v53 =	vsub.f32 v34, v35;
	v50 =	vmax.f32 v10, $0.0e+00;
	v34 =	vadd.f32 v42, v1  }
0x37b: {  	v46 =	vld [tilespmem:s10+$0x0];
	v35 =	vadd.f32 v42, v3;
	v10 =	vimm.s32 $0x0;
	v57 =	vmax.f32 v40, v20  }
0x37c: {  	v51 =	vmax.f32 v40, v11;
	v58 =	vsub.f32 v58, v59;
	v52 =	vsub.f32 v52, v55  }
0x37d: {  	v45 =	vld [tilespmem:s11+$0x0];
	v49 =	vmax.f32 v49, $0.0e+00;
	v53 =	vmax.f32 v53, $0.0e+00;
	v56 =	vsub.f32 v56, v57  }
0x37e: {  	v51 =	vsub.f32 v60, v51;
	v49 =	vmul.f32 v49, v54;
	v50 =	vmul.f32 v53, v50  }
0x37f: {  	v58 =	vmax.f32 v58, $0.0e+00;
	v52 =	vmax.f32 v52, $0.0e+00;
	v61 =	vmin.f32 v48, v33  }
0x380: {  	v53 =	vmin.f32 v48, v4;
	v4 =	vmax.f32 v46, v28;
	v56 =	vmax.f32 v56, $0.0e+00  }
0x381: {  	v51 =	vmax.f32 v51, $0.0e+00;
	vm0 =	vgt.f32 v49, v34;
	vm3 =	vgt.f32 v50, v35  }
0x382: {  	v50 =	vmax.f32 v46, v21;
	v34 =	vmax.f32 v45, v11;
	v35 =	vmin.f32 v47, v2  }
0x383: {  	s20 =	simm.s32 $0x3;
	v11 =	vmax.f32 v37, v6;
	v56 =	vmul.f32 v58, v56;
	v51 =	vmul.f32 v52, v51  }
0x384: {  	v58 =	vmov s20;
	v10 =	vsel vm0, $0xFFFFFFFF, v10;
	v53 =	vsub.f32 v53, v34  }
0x385: {  	v34 =	vmin.f32 v39, v32;
	v55 =	vsub.f32 v35, v4;
	v35 =	vmax.f32 v38, v9  }
0x386: {  	vm0 =	vmor vm9, vm10;
	[tilespmem:$0x1FF50] =	vst v10;
	v10 =	vmax.f32 v45, v20;
	v57 =	vsub.f32 v34, v35  }
0x387: {  	v35 =	vmax.f32 v41, v9;
	vm0 =	vmor vm6, vm0;
	v54 =	vsub.f32 v61, v10  }
0x388: {  	v10 =	vmin.f32 v36, v7;
	v61 =	vsub.f32 v62, v50;
	v62 =	vmin.f32 v43, v7  }
0x389: {  	v49 =	vld [tilespmem:s6+$0xFFFFFFF0];
	v53 =	vmax.f32 v53, $0.0e+00;
	v55 =	vmax.f32 v55, $0.0e+00;
	vm6 =	vmor vm5, vm0  }
0x38a: {  	v60 =	vsub.f32 v10, v11;
	v10 =	vmax.f32 v40, v6;
	v11 =	vmin.f32 v44, v32  }
0x38b: {  	v50 =	vld [tilespmem:s6+$0x0];
	v6 =	vmax.f32 v45, v6;
	v53 =	vmul.f32 v55, v53;
	v57 =	vmax.f32 v57, $0.0e+00  }
0x38c: {  	vm6 =	vmor vm4, vm6;
	v59 =	vsub.f32 v62, v10;
	v52 =	vsub.f32 v11, v35  }
0x38d: {  	v11 =	vmax.f32 v46, v9;
	v54 =	vmax.f32 v54, $0.0e+00;
	vm1 =	vmor vm1, vm6  }
0x38e: {  	v35 =	vmax.f32 v60, $0.0e+00;
	v52 =	vmax.f32 v52, $0.0e+00;
	v4 =	vadd.f32 v49, v1  }
0x38f: {  	v55 =	vmul.f32 v57, v35;
	v35 =	vmax.f32 v38, v13;
	v34 =	vadd.f32 v49, v3  }
0x390: {  	v62 =	vadd.f32 v50, v1;
	v9 =	vadd.f32 v49, v8;
	vm7 =	vgt.f32 v56, v4  }
0x391: {  	v4 =	vmin.f32 v48, v7;
	vm8 =	vgt.f32 v51, v34;
	v7 =	vmin.f32 v47, v32  }
0x392: {  	v34 =	vmax.f32 v61, $0.0e+00;
	v61 =	vmax.f32 v59, $0.0e+00;
	v10 =	vsub.f32 v4, v6  }
0x393: {  	v51 =	vsub.f32 v7, v11;
	v54 =	vmul.f32 v34, v54;
	v52 =	vmul.f32 v52, v61  }
0x394: {  	v4 =	vadd.f32 v50, v3;
	v6 =	vadd.f32 v42, v8;
	v7 =	vmin.f32 v36, v27  }
0x395: {  	v11 =	vadd.f32 v50, v8;
	v34 =	vmin.f32 v39, v14;
	v61 =	vmin.f32 v43, v27  }
0x396: {  	[tilespmem:$0x1FF20] =	vst v8;
	v8 =	vmax.f32 v45, v29;
	vm7 =	vmor vm7, vm8;
	v56 =	vmax.f32 v10, $0.0e+00  }
0x397: {  	v51 =	vmax.f32 v51, $0.0e+00;
	vm9 =	vgt.f32 v54, v62;
	vm10 =	vgt.f32 v53, v4  }
0x398: {  	v10 =	vmax.f32 v37, v29;
	vm11 =	vgt.f32 v55, v6;
	vm12 =	vgt.f32 v52, v9  }
0x399: {  	v62 =	vmax.f32 v40, v29;
	v4 =	vmin.f32 v44, v14;
	v6 =	vmax.f32 v41, v13  }
0x39a: {  	v52 =	vsub.f32 v34, v35;
	v9 =	vmin.f32 v47, v14;
	v34 =	vmin.f32 v36, v17  }
0x39b: {  	v35 =	vadd.f32 v49, v5;
	v36 =	vmin.f32 v36, v0;
	v51 =	vmul.f32 v51, v56  }
0x39c: {  	v56 =	vsub.f32 v7, v10;
	v7 =	vmin.f32 v48, v27;
	v54 =	vsub.f32 v4, v6  }
0x39d: {  	v10 =	vadd.f32 v42, v5;
	vm13 =	vgt.f32 v51, v11;
	v11 =	vmax.f32 v46, v13  }
0x39e: {  	v4 =	vmax.f32 v38, v16;
	v53 =	vsub.f32 v7, v8;
	v55 =	vsub.f32 v9, v11  }
0x39f: {  	v6 =	vmin.f32 v43, v17;
	vm8 =	vmor vm9, vm10;
	vm7 =	vmor vm12, vm7  }
0x3a0: {  	v52 =	vmax.f32 v52, $0.0e+00;
	v53 =	vmax.f32 v53, $0.0e+00;
	v55 =	vmax.f32 v55, $0.0e+00  }
0x3a1: {  	v7 =	vmax.f32 v40, v15;
	v56 =	vmax.f32 v56, $0.0e+00;
	v53 =	vmul.f32 v55, v53  }
0x3a2: {  	v59 =	vld [tilespmem:$0x1FF00];
	v8 =	vmin.f32 v44, v18;
	v40 =	vmax.f32 v40, v19;
	v52 =	vmul.f32 v52, v56  }
0x3a3: {  	v51 =	vsub.f32 v61, v62;
	v9 =	vmax.f32 v41, v16;
	v11 =	vadd.f32 v50, v5  }
0x3a4: {  	v56 =	vsub.f32 v8, v9;
	v9 =	vmin.f32 v48, v0;
	vm14 =	vgt.f32 v52, v10  }
0x3a5: {  	v52 =	vsub.f32 v6, v7;
	v7 =	vmin.f32 v43, v0;
	vm0 =	vgt.f32 v53, v11;
	v53 =	vmovc v0;
	v0 =	vld [tilespmem:$0x1FF60]  }
0x3a6: {  	v54 =	vmax.f32 v54, $0.0e+00;
	v61 =	vmax.f32 v37, v15;
	v62 =	vmin.f32 v39, v18  }
0x3a7: {  	[tilespmem:$0x1FF30] =	vst v5;
	v37 =	vmax.f32 v37, v19;
	v39 =	vmin.f32 v39, v59;
	v5 =	vmax.f32 v46, v16  }
0x3a8: {  	v36 =	vsub.f32 v36, v37;
	vm8 =	vmor vm13, vm8;
	v51 =	vmax.f32 v51, $0.0e+00  }
0x3a9: {  	v8 =	vmin.f32 v44, v59;
	v51 =	vmul.f32 v54, v51;
	v54 =	vsub.f32 v34, v61  }
0x3aa: {  	s5 =	simm.s32 $0x6420;
	[tilespmem:$0x1FF10] =	vst v3;
	v34 =	vadd.f32 v42, v26;
	v61 =	vmin.f32 v48, v17;
	v42 =	vadd.f32 v42, v0;
	v0 =	vld [tilespmem:$0x1FF60]  }
0x3ab: {  	v6 =	vld [tilespmem:s5+$0x10];
	v48 =	vmin.f32 v47, v59;
	v36 =	vmax.f32 v36, $0.0e+00;
	v10 =	vmax.f32 v56, $0.0e+00  }
0x3ac: {  	v56 =	vld [tilespmem:$0x1FF40];
	vm15 =	vgt.f32 v51, v35;
	v51 =	vsub.f32 v62, v4;
	v54 =	vmax.f32 v54, $0.0e+00  }
0x3ad: {  	v52 =	vmax.f32 v52, $0.0e+00;
	v35 =	vadd.f32 v49, v26;
	v62 =	vmax.f32 v45, v15  }
0x3ae: {  	v4 =	vmin.f32 v47, v18;
	v52 =	vmul.f32 v10, v52;
	v51 =	vmax.f32 v51, $0.0e+00  }
0x3af: {  	v10 =	vmax.f32 v45, v19;
	v51 =	vmul.f32 v51, v54;
	v54 =	vadd.f32 v49, v0;
	v0 =	vld [tilespmem:$0x1FF50]  }
0x3b0: {  	vm7 =	vmor vm15, vm7;
	vm0 =	vmor vm0, vm8;
	vm4 =	vgt.f32 v52, v35  }
0x3b1: {  	v52 =	vsub.f32 v4, v5;
	v37 =	vsel vm1, $0xBF800000, v6;
	v38 =	vmax.f32 v38, v56  }
0x3b2: {  	v41 =	vmax.f32 v41, v56;
	vm5 =	vgt.f32 v51, v34;
	v51 =	vsub.f32 v61, v62  }
0x3b3: {  	vm4 =	vmor vm4, vm7;
	v38 =	vsub.f32 v39, v38;
	v39 =	vsub.f32 v7, v40  }
0x3b4: {  	(xrf0) =	vmax.scan.msk.f32 $0xffff, v37;
	v40 =	vsub.f32 v8, v41;
	v34 =	vmax.f32 v52, $0.0e+00;
	vm1 =	vnez.u8 v0;
	v0 =	vld [tilespmem:$0x1FF60]  }
0x3b5: {  	v11 =	vmax.f32 v51, $0.0e+00;
	v51 =	vmax.f32 v46, v56;
	v38 =	vmax.f32 v38, $0.0e+00  }
0x3b6: {  	v41 =	vsub.f32 v9, v10;
	v36 =	vmul.f32 v38, v36;
	v44 =	vsub.f32 v48, v51  }
0x3b7: {  	v52 =	vadd.f32 v50, v26;
	v39 =	vmax.f32 v39, $0.0e+00;
	v40 =	vmax.f32 v40, $0.0e+00  }
0x3b8: {  	p4 =	sgt.s32 s2, $0x4;
	v55 =	vmax.f32 v41, $0.0e+00;
	vm2 =	vgt.f32 v36, v42;
	v57 =	vmax.f32 v44, $0.0e+00  }
.Ltmp51:
0x3b9: {  	v36 =	vmul.f32 v57, v55;
	vm1 =	vmor vm1, vm3;
	v61 =	vadd.f32 v50, v0;
	(pc) =	sbr.rel @!p4 .LBB2_69-.Ltmp51, $4  }
0x3ba: {  	v2 =	vld [tilespmem:s5+$0x0];
	v35 =	vmul.f32 v34, v11;
	v39 =	vmul.f32 v40, v39;
	v62, _, _ =	vpop (xrf0);
	vm9 =	vmor vm11, vm1  }
0x3bb: {  	v60 =	vmovc v1;
	v1 =	vld [tilespmem:s5+$0xFFFFFFF0];
	vm9 =	vmor vm14, vm9;
	vm1 =	vgt.f32 v36, v61;
	v36 =	vbroadcast v62, $0xF  }
0x3bc: {  	s12 =	simm.s32 $0x0;
	vm6 =	vgt.f32 v35, v52;
	vm3 =	vgt.f32 v39, v54;
	vm5 =	vmor vm5, vm9;
	v50 =	vld [tilespmem:$0x1FF60];
	[tilespmem:s5+$0x10] =	vst v37  }
0x3bd: {  	s13 =	simm.s32 $0xDC60;
	p3 =	por $0x0, $0x0;
	s6 =	simm.s32 $0x4;
	vm0 =	vmor vm6, vm0;
	vm3 =	vmor vm3, vm4;
	v0 =	vld [tilespmem:s5+$0xFFFFFFE0];
	vm2 =	vmor vm2, vm5;
	[tilespmem:v58+s29+$0x0] =	vst.idx.msk $0x1, v36  }
0x3be: {  	v39 =	vld [tilespmem:s13+$0x10]  }
0x3bf: {  	s7 =	simm.s32 $0x7860;
	v4 =	vld [tilespmem:$0x1FF30]  }
0x3c0: {  	s9 =	simm.s32 $0x8C60;
	v40 =	vld [tilespmem:s7+$0x10]  }
0x3c1: {  	s11 =	simm.s32 $0xB460;
	v41 =	vld [tilespmem:s9+$0x10]  }
0x3c2: {  	vm0 =	vmor vm1, vm0;
	v46 =	vld [tilespmem:s11+$0x10]  }
0x3c3: {  	s10 =	simm.s32 $0xA060;
	v37 =	vsel vm0, $0xBF800000, v2;
	v2 =	vld [tilespmem:$0x1FF10]  }
0x3c4: {  	v45 =	vld [tilespmem:s10+$0x10];
	_ =	sdelay $0x1  }
0x3c5: {  	v7 =	vld [tilespmem:$0x1FFC0];
	v36 =	vsel vm3, $0xBF800000, v1;
	v48 =	vadd.f32 v39, v26;
	v49 =	vadd.f32 v39, v50  }
0x3c6: {  	v5 =	vld [tilespmem:$0x1FFB0];
	v38 =	vsel vm2, $0xBF800000, v0;
	v51 =	vadd.f32 v39, v4;
	v47 =	vadd.f32 v39, v60  }
0x3c7: {  	v9 =	vld [tilespmem:$0x1FFD0];
	v52 =	vadd.f32 v39, v2;
	v42 =	vmax.f32 v40, v19;
	v43 =	vmin.f32 v46, v59  }
0x3c8: {  	v1 =	vld [tilespmem:$0x1FF90];
	v44 =	vmax.f32 v41, v56;
	v35 =	vmin.f32 v45, v17;
	v54 =	vmax.f32 v40, v15  }
0x3c9: {  	v0 =	vld [tilespmem:$0x1FF20];
	v55 =	vmin.f32 v46, v18;
	v12 =	vmin.f32 v45, v27;
	v57 =	vmax.f32 v40, v29  }
0x3ca: {  	v3 =	vld [tilespmem:$0x1FF70];
	v58 =	vmax.f32 v41, v16;
	v59 =	vmin.f32 v45, v7;
	v34 =	vmin.f32 v46, v14  }
0x3cb: {  	v11 =	vld [tilespmem:$0x1FF80];
	v61 =	vmax.f32 v41, v13;
	v62 =	vmax.f32 v40, v5;
	v63 =	vmin.f32 v46, v32  }
0x3cc: {  	v25 =	vld [tilespmem:$0x1FFA0];
	v43 =	vsub.f32 v43, v44;
	v44 =	vmax.f32 v41, v9;
	v56 =	vsub.f32 v12, v57  }
0x3cd: {  	v12 =	vmin.f32 v46, v23;
	v59 =	vsub.f32 v59, v62;
	v46 =	vmin.f32 v46, v1  }
0x3ce: {  	v44 =	vsub.f32 v63, v44;
	v50 =	vadd.f32 v39, v0;
	v39 =	vmin.f32 v45, v53  }
0x3cf: {  	v6 =	vmovc v53;
	v53 =	vsub.f32 v35, v54;
	v54 =	vsub.f32 v55, v58;
	v55 =	vmin.f32 v45, v33  }
0x3d0: {  	v35 =	vmax.f32 v40, v20;
	v58 =	vsub.f32 v34, v61;
	v34 =	vmax.f32 v41, v21  }
0x3d1: {  	v45 =	vmin.f32 v45, v3;
	v40 =	vmax.f32 v40, v11;
	v41 =	vmax.f32 v41, v25  }
0x3d2: {  	v59 =	vmax.f32 v59, $0.0e+00;
	v42 =	vsub.f32 v39, v42;
	v55 =	vsub.f32 v55, v35  }
0x3d3: {  	v56 =	vmax.f32 v56, $0.0e+00;
	v35 =	vsub.f32 v12, v34;
	v45 =	vsub.f32 v45, v40  }
0x3d4: {  	v39 =	vld [tilespmem:s10+$0xFFFFFFE0];
	v46 =	vsub.f32 v46, v41;
	v12 =	vmax.f32 v43, $0.0e+00;
	v34 =	vmax.f32 v44, $0.0e+00  }
0x3d5: {  	v40 =	vld [tilespmem:s7+$0xFFFFFFE0];
	v53 =	vmax.f32 v53, $0.0e+00;
	v54 =	vmax.f32 v54, $0.0e+00;
	v58 =	vmax.f32 v58, $0.0e+00  }
0x3d6: {  	v41 =	vld [tilespmem:s9+$0xFFFFFFE0];
	v61 =	vmax.f32 v42, $0.0e+00;
	v55 =	vmax.f32 v55, $0.0e+00;
	v57 =	vmax.f32 v35, $0.0e+00  }
0x3d7: {  	v43 =	vld [tilespmem:s7+$0xFFFFFFF0];
	v45 =	vmax.f32 v45, $0.0e+00;
	v35 =	vmul.f32 v34, v59;
	v59 =	vmul.f32 v58, v56  }
0x3d8: {  	v44 =	vld [tilespmem:s9+$0xFFFFFFF0];
	v46 =	vmax.f32 v46, $0.0e+00;
	v63 =	vmul.f32 v54, v53;
	v55 =	vmul.f32 v57, v55  }
0x3d9: {  	v45 =	vmul.f32 v46, v45;
	v12 =	vmul.f32 v12, v61;
	vm5 =	vgt.f32 v35, v50  }
0x3da: {  	v8 =	vmovc v60;
	v42 =	vld [tilespmem:s11+$0xFFFFFFE0];
	vm4 =	vgt.f32 v59, v51;
	vm2 =	vgt.f32 v63, v48;
	v60 =	vmin.f32 v39, v33  }
0x3db: {  	v46 =	vld [tilespmem:s10+$0xFFFFFFF0];
	vm0 =	vgt.f32 v55, v47;
	vm1 =	vgt.f32 v45, v52;
	v50 =	vmax.f32 v40, v20  }
0x3dc: {  	v34 =	vmax.f32 v41, v21;
	v53 =	vmin.f32 v39, v3;
	v54 =	vmax.f32 v40, v11  }
0x3dd: {  	v35 =	vmax.f32 v41, v25;
	v58 =	vmax.f32 v43, v20;
	v61 =	vmax.f32 v44, v21  }
0x3de: {  	v51 =	vld [tilespmem:s7+$0x0];
	vm3 =	vmor vm0, vm1;
	vm1 =	vgt.f32 v12, v49;
	v12 =	vmax.f32 v43, v11  }
0x3df: {  	v47 =	vld [tilespmem:s11+$0xFFFFFFF0];
	v50 =	vsub.f32 v60, v50;
	v54 =	vsub.f32 v53, v54;
	v48 =	vmin.f32 v42, v23  }
0x3e0: {  	v55 =	vmin.f32 v42, v1;
	vm3 =	vmor vm5, vm3;
	v57 =	vmin.f32 v46, v33  }
0x3e1: {  	v49 =	vld [tilespmem:s10+$0x0];
	v62 =	vmin.f32 v46, v3;
	v48 =	vsub.f32 v48, v34;
	v55 =	vsub.f32 v55, v35  }
0x3e2: {  	v45 =	vld [tilespmem:s13+$0xFFFFFFE0];
	v35 =	vmax.f32 v44, v25;
	v50 =	vmax.f32 v50, $0.0e+00;
	v54 =	vmax.f32 v54, $0.0e+00  }
0x3e3: {  	v52 =	vld [tilespmem:s11+$0x0];
	vm3 =	vmor vm4, vm3;
	v57 =	vsub.f32 v57, v58;
	v60 =	vmax.f32 v51, v20  }
0x3e4: {  	v63 =	vmax.f32 v51, v5;
	vm5 =	vmor vm2, vm3;
	v59 =	vmin.f32 v47, v23  }
0x3e5: {  	v34 =	vmin.f32 v47, v1;
	v48 =	vmax.f32 v48, $0.0e+00;
	v55 =	vmax.f32 v55, $0.0e+00  }
0x3e6: {  	v53 =	vld [tilespmem:s9+$0x0];
	vm5 =	vmor vm1, vm5;
	v58 =	vsub.f32 v59, v61;
	v59 =	vmin.f32 v49, v33  }
0x3e7: {  	v61 =	vsub.f32 v62, v12;
	v50 =	vmul.f32 v48, v50;
	v12 =	vadd.f32 v45, v8  }
0x3e8: {  	v56 =	vsub.f32 v34, v35;
	v54 =	vmul.f32 v55, v54;
	v34 =	vmin.f32 v52, v23  }
0x3e9: {  	v35 =	vadd.f32 v45, v2;
	v62 =	vmax.f32 v51, v11;
	v57 =	vmax.f32 v57, $0.0e+00  }
0x3ea: {  	v59 =	vsub.f32 v59, v60;
	v60 =	vmin.f32 v49, v3;
	vm6 =	vgt.f32 v50, v12  }
0x3eb: {  	v12 =	vmax.f32 v53, v21;
	vm7 =	vgt.f32 v54, v35;
	v54 =	vmin.f32 v52, v1  }
0x3ec: {  	v48 =	vld [tilespmem:s13+$0xFFFFFFF0];
	v58 =	vmax.f32 v58, $0.0e+00;
	v61 =	vmax.f32 v61, $0.0e+00;
	v56 =	vmax.f32 v56, $0.0e+00  }
0x3ed: {  	v60 =	vsub.f32 v60, v62;
	v62 =	vmax.f32 v53, v9;
	v55 =	vsub.f32 v34, v12  }
0x3ee: {  	v50 =	vld [tilespmem:s13+$0x0];
	v57 =	vmul.f32 v58, v57;
	v59 =	vmax.f32 v59, $0.0e+00;
	v56 =	vmul.f32 v56, v61  }
0x3ef: {  	v12 =	vmax.f32 v53, v25;
	v58 =	vmin.f32 v39, v7;
	v61 =	vmin.f32 v42, v32  }
0x3f0: {  	v54 =	vsub.f32 v54, v12;
	v12 =	vmin.f32 v47, v32;
	v60 =	vmax.f32 v60, $0.0e+00  }
0x3f1: {  	v34 =	vadd.f32 v48, v8;
	v55 =	vmax.f32 v55, $0.0e+00;
	v35 =	vadd.f32 v48, v2  }
0x3f2: {  	v55 =	vmul.f32 v55, v59;
	v59 =	vmax.f32 v40, v5;
	v54 =	vmax.f32 v54, $0.0e+00  }
0x3f3: {  	vm8 =	vgt.f32 v57, v34;
	vm9 =	vgt.f32 v56, v35;
	v34 =	vadd.f32 v50, v8  }
0x3f4: {  	v35 =	vmax.f32 v41, v9;
	v57 =	vmin.f32 v46, v7;
	v58 =	vsub.f32 v58, v59  }
0x3f5: {  	v59 =	vmin.f32 v52, v32;
	v54 =	vmul.f32 v54, v60;
	v60 =	vmax.f32 v40, v29  }
0x3f6: {  	v61 =	vsub.f32 v61, v35;
	v35 =	vmin.f32 v49, v7;
	v59 =	vsub.f32 v59, v62  }
0x3f7: {  	v62 =	vmin.f32 v46, v27;
	vm10 =	vgt.f32 v55, v34;
	v55 =	vmax.f32 v43, v5  }
0x3f8: {  	vm9 =	vmor vm8, vm9;
	v34 =	vmax.f32 v44, v9;
	v55 =	vsub.f32 v57, v55  }
0x3f9: {  	v58 =	vmax.f32 v58, $0.0e+00;
	v56 =	vsub.f32 v12, v34;
	v57 =	vsub.f32 v35, v63  }
0x3fa: {  	v61 =	vmax.f32 v61, $0.0e+00;
	v12 =	vadd.f32 v50, v2;
	v34 =	vadd.f32 v45, v0  }
0x3fb: {  	v35 =	vadd.f32 v48, v0;
	v59 =	vmax.f32 v59, $0.0e+00;
	v63 =	vmin.f32 v49, v6  }
0x3fc: {  	v58 =	vmul.f32 v61, v58;
	v61 =	vmin.f32 v39, v27;
	v55 =	vmax.f32 v55, $0.0e+00  }
0x3fd: {  	v56 =	vmax.f32 v56, $0.0e+00;
	vm11 =	vgt.f32 v54, v12;
	v54 =	vmin.f32 v42, v14  }
0x3fe: {  	v12 =	vmax.f32 v41, v13;
	v60 =	vsub.f32 v61, v60;
	v57 =	vmax.f32 v57, $0.0e+00  }
0x3ff: {  	v55 =	vmul.f32 v56, v55;
	vm12 =	vgt.f32 v58, v34;
	v34 =	vmax.f32 v43, v29  }
0x400: {  	v56 =	vmin.f32 v47, v14;
	v54 =	vsub.f32 v54, v12;
	v12 =	vmin.f32 v49, v27  }
0x401: {  	v57 =	vmul.f32 v59, v57;
	v59 =	vmax.f32 v40, v15;
	v40 =	vmax.f32 v40, v19  }
0x402: {  	vm11 =	vmor vm10, vm11;
	v60 =	vmax.f32 v60, $0.0e+00;
	vm13 =	vgt.f32 v55, v35  }
0x403: {  	v35 =	vmax.f32 v44, v13;
	v55 =	vsub.f32 v62, v34;
	v34 =	vmax.f32 v51, v29  }
0x404: {  	v54 =	vmax.f32 v54, $0.0e+00;
	v62 =	vmin.f32 v42, v18;
	v56 =	vsub.f32 v56, v35  }
0x405: {  	v35 =	vmin.f32 v52, v14;
	v58 =	vsub.f32 v12, v34;
	v12 =	vmax.f32 v53, v13  }
0x406: {  	[tilespmem:$0x1FE60] =	vst v13;
	v13 =	vadd.f32 v50, v0;
	v54 =	vmul.f32 v54, v60;
	v60 =	vmin.f32 v39, v17  }
0x407: {  	[tilespmem:$0x1FE50] =	vst v14;
	v14 =	vadd.f32 v45, v4;
	v34 =	vadd.f32 v48, v4;
	v39 =	vmin.f32 v39, v6  }
0x408: {  	v55 =	vmax.f32 v55, $0.0e+00;
	v61 =	vsub.f32 v35, v12;
	v35 =	vmax.f32 v41, v16  }
0x409: {  	v12 =	vmin.f32 v46, v17;
	v59 =	vsub.f32 v60, v59;
	v39 =	vsub.f32 v39, v40  }
0x40a: {  	v56 =	vmax.f32 v56, $0.0e+00;
	vm14 =	vgt.f32 v57, v13;
	vm15 =	vgt.f32 v54, v14  }
0x40b: {  	v13 =	vmax.f32 v43, v15;
	v14 =	vmin.f32 v47, v18;
	v54 =	vsub.f32 v62, v35  }
0x40c: {  	[tilespmem:$0x1FE70] =	vst v17;
	v35 =	vmin.f32 v49, v17;
	v58 =	vmax.f32 v58, $0.0e+00;
	v17 =	vadd.f32 v45, v26  }
0x40d: {  	[tilespmem:$0x1FE40] =	vst v8;
	v43 =	vmax.f32 v43, v19;
	v55 =	vmul.f32 v56, v55;
	v61 =	vmax.f32 v61, $0.0e+00  }
0x40e: {  	[tilespmem:$0x1FE80] =	vst v15;
	v59 =	vmax.f32 v59, $0.0e+00;
	v58 =	vmul.f32 v61, v58;
	v54 =	vmax.f32 v54, $0.0e+00  }
0x40f: {  	[tilespmem:$0x1FE90] =	vst v18;
	v61 =	vmin.f32 v46, v6;
	vm0 =	vgt.f32 v55, v34;
	v34 =	vmax.f32 v44, v16  }
0x410: {  	[tilespmem:$0x1FEA0] =	vst v16;
	v55 =	vsub.f32 v12, v13;
	v12 =	vmax.f32 v51, v15;
	v56 =	vsub.f32 v14, v34  }
0x411: {  	[tilespmem:s5+$0xFFFFFFE0] =	vst v38;
	v13 =	vmin.f32 v52, v18;
	v54 =	vmul.f32 v54, v59;
	v15 =	vadd.f32 v50, v4  }
0x412: {  	[tilespmem:s5+$0xFFFFFFF0] =	vst v36;
	v14 =	vmax.f32 v53, v16;
	v55 =	vmax.f32 v55, $0.0e+00;
	v56 =	vmax.f32 v56, $0.0e+00  }
0x413: {  	v57 =	vsub.f32 v35, v12;
	v60 =	vsub.f32 v13, v14;
	v55 =	vmul.f32 v56, v55;
	v56 =	vld [tilespmem:$0x1FF40];
	[tilespmem:s5+$0x0] =	vst v37  }
0x414: {  	v34 =	vadd.f32 v48, v26;
	v35 =	vadd.f32 v50, v26;
	v12 =	vmax.f32 v51, v19;
	s5 =	simm.s32 $0x6460;
	v0 =	vld [tilespmem:$0x1FF60]  }
0x415: {  	s18 =	simm.s32 $0x1;
	vm4 =	vgt.f32 v58, v15;
	v57 =	vmax.f32 v57, $0.0e+00;
	v16 =	vmax.f32 v60, $0.0e+00;
	v60 =	vld [tilespmem:s5+$0x10]  }
0x416: {  	(xrf0) =	vmax.scan.msk.f32 $0xffff, v38;
	vm3 =	vgt.f32 v54, v17;
	v58 =	vmov s18;
	v57 =	vmul.f32 v16, v57;
	v59 =	vld [tilespmem:$0x1FF00]  }
0x417: {  	s8 =	simm.s32 $0x7;
	(xrf0) =	vmax.scan.msk.f32 $0xffff, v36;
	v16 =	vmax.f32 v39, $0.0e+00;
	vm2 =	vgt.f32 v55, v34;
	v34 =	vmov s12  }
0x418: {  	(xrf0) =	vmax.scan.msk.f32 $0xffff, v37;
	v55 =	vmov s8;
	vm1 =	vgt.f32 v57, v35;
	v37 =	vand.u32 $0xFFFFFFFC, v34  }
0x419: {  	v9 =	vbroadcast v37, $0x0;
	v41 =	vmax.f32 v41, v56;
	v51 =	vadd.f32 v45, v0;
	v0 =	vld [tilespmem:$0x1FF60]  }
0x41a: {  	v44 =	vmax.f32 v44, v56;
	v14 =	vmax.f32 v53, v56;
	v15 =	vsel vm5, $0xBF800000, v60  }
0x41b: {  	v42 =	vmin.f32 v42, v59;
	v62 =	vmin.f32 v47, v59;
	v13 =	vmin.f32 v52, v59;
	(xrf0) =	vmax.scan.msk.f32 $0xffff, v15  }
0x41c: {  	vm5 =	vmor vm6, vm7;
	v41 =	vsub.f32 v42, v41;
	v42 =	vsub.f32 v61, v43  }
0x41d: {  	vm6 =	vmor vm13, vm9;
	v43 =	vsub.f32 v62, v44;
	v44 =	vsub.f32 v63, v12  }
0x41e: {  	v3, _, _ =	vpop (xrf0);
	vm7 =	vmor vm14, vm11;
	v46 =	vsub.f32 v13, v14;
	v54 =	vadd.f32 v48, v0;
	v0 =	vld [tilespmem:$0x1FF60]  }
0x41f: {  	s20 =	simm.s32 $0x2;
	v10, _, _ =	vpop (xrf0);
	vm5 =	vmor vm12, vm5;
	vm0 =	vmor vm0, vm6;
	vm4 =	vmor vm4, vm7  }
0x420: {  	v11, _, _ =	vpop (xrf0);
	[tilespmem:$0x1FEB0] =	vst v6;
	v61 =	vmov s20;
	v62 =	vand.u32 $0xFFFFFFFD, v58;
	vm5 =	vmor vm15, vm5  }
0x421: {  	[tilespmem:$0x1FEC0] =	vst v19;
	vm6 =	vmor vm2, vm0;
	vm0 =	vmor vm1, vm4;
	v8 =	vbroadcast v62, $0x0;
	v60, _, _ =	vpop (xrf0)  }
0x422: {  	p4 =	sgt.s32 s2, $0x8;
	v1 =	vld [tilespmem:s5+$0xFFFFFFF0];
	v17 =	vmax.f32 v41, $0.0e+00;
	v35 =	vmax.f32 v42, $0.0e+00;
	v63 =	vbroadcast v60, $0xF  }
.Ltmp52:
0x423: {  	v49 =	vmax.f32 v43, $0.0e+00;
	v52 =	vmax.f32 v44, $0.0e+00;
	v57 =	vadd.f32 v50, v0;
	v50 =	vld [tilespmem:$0x1FF60];
	[tilespmem:s5+$0x10] =	vst v15;
	(pc) =	sbr.rel @!p4 .LBB2_84-.Ltmp52, $4  }
0x424: {  	v2 =	vld [tilespmem:s5+$0x0];
	v53 =	vmax.f32 v46, $0.0e+00;
	v36 =	vmul.f32 v17, v16;
	v38 =	vmul.f32 v49, v35;
	[tilespmem:v55+s29+$0x0] =	vst.idx.msk $0x1, v63  }
0x425: {  	vm3 =	vmor vm3, vm5;
	v44 =	vand.u32 $0xFFFFFFFE, v61;
	v42 =	vmul.f32 v53, v52;
	v0 =	vld [tilespmem:s5+$0xFFFFFFE0];
	[tilespmem:$0x1FED0] =	vst v21  }
0x426: {  	v7 =	vbroadcast v44, $0x0;
	vm5 =	vgt.f32 v36, v51;
	vm15 =	vgt.f32 v38, v54;
	[tilespmem:$0x1FEE0] =	vst v20  }
0x427: {  	p3 =	por $0x1, $0x1;
	s13 =	simm.s32 $0xDCA0;
	s12 =	simm.s32 $0x8;
	vm2 =	vmor vm5, vm3;
	vm3 =	vmor vm15, vm6;
	vm1 =	vgt.f32 v42, v57;
	[tilespmem:$0x1FEF0] =	vst v26  }
.LBB2_85:
0x428: {  	v45 =	vld [tilespmem:s13+$0x10]  }
0x429: {  	v35 =	vld [tilespmem:$0x1FEC0]  }
0x42a: {  	v34 =	vld [tilespmem:$0x1FE70]  }
0x42b: {  	v30 =	vld [tilespmem:$0x1FE90]  }
0x42c: {  	v31 =	vld [tilespmem:$0x1FEA0]  }
0x42d: {  	v24 =	vld [tilespmem:$0x1FE50]  }
0x42e: {  	v47 =	vmov s6;
	v28 =	vld [tilespmem:$0x1FE60]  }
0x42f: {  	s7 =	sadd.s32 $0x40, s7;
	v25 =	vld [tilespmem:$0x1FF80];
	v38 =	vand.u32 $0xFFFFFFFC, v47  }
0x430: {  	s9 =	sadd.s32 $0x40, s9;
	v46 =	vld [tilespmem:s7+$0x10];
	v44 =	vsel vm2, $0xBF800000, v0;
	v0 =	vbroadcast v38, $0x0  }
0x431: {  	s8 =	sadd.s32 $0x1, s6;
	s11 =	sadd.s32 $0x40, s11;
	v60 =	vld [tilespmem:s9+$0x10];
	v39 =	vbroadcast v3, $0xF;
	[tilespmem:s5+$0xFFFFFFE0] =	vst v44  }
0x432: {  	v61 =	vld [tilespmem:s11+$0x10];
	v58 =	vmov s8;
	[tilespmem:$0x1FDE0] =	vst v0;
	v0 =	vadd.f32 v45, v50  }
0x433: {  	v38 =	vld [tilespmem:$0x1FE40];
	[tilespmem:v9+s29+$0x0] =	vst.idx.msk $0x1, v39;
	v39 =	vand.u32 $0xFFFFFFFD, v58  }
0x434: {  	s10 =	sadd.s32 $0x40, s10;
	v42 =	vsel vm3, $0xBF800000, v1;
	v1 =	vld [tilespmem:$0x1FEB0];
	[tilespmem:$0x1FDA0] =	vst v0;
	v0 =	vbroadcast v39, $0x0  }
0x435: {  	(xrf0) =	vmax.scan.msk.f32 $0xffff, v44;
	v44 =	vld [tilespmem:s10+$0x10]  }
0x436: {  	v40 =	vbroadcast v10, $0xF;
	[tilespmem:$0x1FE30] =	vst v0;
	v0 =	vld [tilespmem:$0x1FF20]  }
0x437: {  	[tilespmem:s5+$0xFFFFFFF0] =	vst v42;
	v63 =	vadd.f32 v45, v26;
	v26 =	vld [tilespmem:$0x1FFC0]  }
0x438: {  	vm0 =	vmor vm1, vm0;
	[tilespmem:v8+s29+$0x0] =	vst.idx.msk $0x1, v40;
	v40 =	vld [tilespmem:$0x1FE80]  }
0x439: {  	s18 =	sadd.s32 $0x2, s6;
	v37 =	vmovc v23;
	v43 =	vsel vm0, $0xBF800000, v2;
	v41 =	vbroadcast v11, $0xF;
	v17 =	vmin.f32 v61, v23;
	v23 =	vld [tilespmem:$0x1FFA0]  }
0x43a: {  	v59 =	vmov s18;
	[tilespmem:s5+$0x0] =	vst v43;
	(xrf0) =	vmax.scan.msk.f32 $0xffff, v42;
	v53 =	vld [tilespmem:s10+$0xFFFFFFE0]  }
0x43b: {  	v42 =	vand.u32 $0xFFFFFFFE, v59;
	[tilespmem:v7+s29+$0x0] =	vst.idx.msk $0x1, v41;
	v47 =	vmax.f32 v46, v35;
	v22 =	vadd.f32 v45, v0;
	v0 =	vld [tilespmem:$0x1FF30]  }
0x43c: {  	v3 =	vmax.f32 v60, v56;
	v2 =	vmin.f32 v61, v30;
	v8 =	vmax.f32 v60, v31;
	v50 =	vld [tilespmem:s7+$0xFFFFFFF0]  }
0x43d: {  	v7 =	vmax.f32 v46, v29;
	v10 =	vmin.f32 v61, v24;
	v57 =	vld [tilespmem:s11+$0xFFFFFFF0];
	v2 =	vsub.f32 v2, v8  }
0x43e: {  	v11 =	vmax.f32 v60, v28;
	v13 =	vmin.f32 v61, v32;
	v16 =	vmax.f32 v46, v20;
	v39 =	vld [tilespmem:$0x1FF10]  }
0x43f: {  	v18 =	vmax.f32 v60, v21;
	v41 =	vmovc v32;
	v32 =	vld [tilespmem:$0x1FFD0];
	v4 =	vadd.f32 v45, v38;
	v2 =	vmax.f32 v2, $0.0e+00  }
0x440: {  	(xrf0) =	vmax.scan.msk.f32 $0xffff, v43;
	v56 =	vld [tilespmem:s9+$0x0];
	v6 =	vmin.f32 v44, v27;
	v9 =	vmin.f32 v44, v26;
	v62 =	vadd.f32 v45, v0;
	v0, _, _ =	vpop (xrf0)  }
0x441: {  	v43 =	vmovc v33;
	v15 =	vmin.f32 v44, v33;
	v33 =	vld [tilespmem:$0x1FF90];
	v6 =	vsub.f32 v6, v7;
	[tilespmem:$0x1FDF0] =	vst v0;
	v0 =	vbroadcast v42, $0x0  }
0x442: {  	v5 =	vmax.f32 v46, v40;
	v7 =	vsub.f32 v10, v11;
	v11 =	vsub.f32 v15, v16;
	v42 =	vmovc v27;
	v27 =	vld [tilespmem:$0x1FFB0]  }
0x443: {  	v52 =	vld [tilespmem:s9+$0xFFFFFFF0];
	v16 =	vmax.f32 v60, v23;
	[tilespmem:$0x1FE10] =	vst v0;
	v0 =	vadd.f32 v45, v39;
	v45 =	vmin.f32 v44, v1;
	v1, _, _ =	vpop (xrf0)  }
0x444: {  	v14 =	vmax.f32 v60, v32;
	v11 =	vmax.f32 v11, $0.0e+00;
	v6 =	vmax.f32 v6, $0.0e+00;
	[tilespmem:$0x1FDC0] =	vst v1;
	v1 =	vld [tilespmem:$0x1FF00]  }
0x445: {  	v55 =	vld [tilespmem:s7+$0x0];
	v7 =	vmax.f32 v7, $0.0e+00;
	v60 =	vmax.f32 v56, v21;
	v10 =	vsub.f32 v13, v14  }
0x446: {  	v36 =	vld [tilespmem:$0x1FF70];
	v14 =	vmin.f32 v53, v43;
	v13 =	vmax.f32 v50, v25;
	v8 =	vmin.f32 v61, v33  }
0x447: {  	v15 =	vmin.f32 v57, v33;
	v8 =	vsub.f32 v8, v16;
	v12 =	vmax.f32 v46, v27  }
0x448: {  	v58 =	vld [tilespmem:s10+$0x0];
	v16 =	vmax.f32 v52, v23;
	v19 =	vsub.f32 v45, v47;
	v9 =	vsub.f32 v9, v12  }
0x449: {  	v54 =	vld [tilespmem:s10+$0xFFFFFFF0];
	v8 =	vmax.f32 v8, $0.0e+00;
	v59 =	vmin.f32 v61, v1;
	v61 =	vsub.f32 v17, v18  }
0x44a: {  	v1, _, _ =	vpop (xrf0);
	v17 =	vmax.f32 v19, $0.0e+00;
	v9 =	vmax.f32 v9, $0.0e+00;
	v18 =	vmax.f32 v55, v20  }
0x44b: {  	v49 =	vld [tilespmem:s7+$0xFFFFFFE0];
	[tilespmem:$0x1FDB0] =	vst v1;
	v1 =	vmin.f32 v44, v34;
	v3 =	vsub.f32 v59, v3;
	v44 =	vmin.f32 v44, v36  }
0x44c: {  	v1 =	vsub.f32 v1, v5;
	v5 =	vmax.f32 v46, v25;
	v12 =	vmax.f32 v61, $0.0e+00  }
0x44d: {  	v59 =	vld [tilespmem:s11+$0x0];
	v61 =	vmin.f32 v58, v36;
	v5 =	vsub.f32 v44, v5;
	v11 =	vmul.f32 v12, v11  }
0x44e: {  	v3 =	vmax.f32 v3, $0.0e+00;
	v12 =	vmin.f32 v54, v36;
	v44 =	vmax.f32 v55, v25  }
0x44f: {  	v51 =	vld [tilespmem:s11+$0xFFFFFFE0];
	v1 =	vmax.f32 v1, $0.0e+00;
	v5 =	vmax.f32 v5, $0.0e+00;
	vm0 =	vgt.f32 v11, v4  }
0x450: {  	v1 =	vmul.f32 v2, v1;
	v4 =	vmax.f32 v49, v25;
	v11 =	vmax.f32 v52, v21  }
0x451: {  	s5 =	sadd.s32 $0x40, s5;
	v48 =	vld [tilespmem:s9+$0xFFFFFFE0];
	v25 =	vmax.f32 v56, v28;
	v5 =	vmul.f32 v8, v5;
	v8 =	vmax.f32 v10, $0.0e+00  }
0x452: {  	v2 =	vld [tilespmem:s5+$0xFFFFFFF0];
	v10 =	vmin.f32 v57, v37;
	v19 =	vmin.f32 v59, v37;
	v8 =	vmul.f32 v8, v9  }
0x453: {  	v9 =	vmax.f32 v50, v20;
	vm1 =	vgt.f32 v5, v0;
	v0 =	vmul.f32 v7, v6  }
0x454: {  	v6 =	vmin.f32 v51, v33;
	vm0 =	vmor vm0, vm1;
	vm1 =	vgt.f32 v8, v22  }
0x455: {  	vm0 =	vmor vm1, vm0;
	vm1 =	vgt.f32 v0, v62;
	v0 =	vmul.f32 v3, v17;
	v3 =	vld [tilespmem:s5+$0x0]  }
0x456: {  	v7 =	vmax.f32 v48, v23;
	v8 =	vmin.f32 v54, v43;
	v22 =	vmin.f32 v58, v42  }
0x457: {  	v47 =	vld [tilespmem:s13+$0x0];
	[tilespmem:$0x1FDD0] =	vst v2;
	v2 =	vmax.f32 v49, v20;
	v17 =	vmin.f32 v58, v43;
	v8 =	vsub.f32 v8, v9  }
0x458: {  	v20 =	vmin.f32 v59, v33;
	v9 =	vsub.f32 v10, v11;
	v10 =	vsub.f32 v15, v16  }
0x459: {  	vm0 =	vmor vm1, vm0;
	vm1 =	vgt.f32 v1, v63;
	v1 =	vld [tilespmem:s5+$0xFFFFFFE0];
	v2 =	vsub.f32 v14, v2  }
0x45a: {  	v62 =	vmin.f32 v57, v24;
	v11 =	vsub.f32 v17, v18;
	v14 =	vsub.f32 v61, v44;
	[tilespmem:$0x1FE20] =	vst v3;
	v3 =	vld [tilespmem:$0x1FDA0]  }
0x45b: {  	v44 =	vmax.f32 v50, v27;
	v18 =	vmin.f32 v57, v41;
	v17 =	vmax.f32 v49, v29  }
0x45c: {  	v61 =	vmax.f32 v50, v29;
	v63 =	vadd.f32 v47, v39;
	vm0 =	vmor vm1, vm0  }
0x45d: {  	v8 =	vmax.f32 v8, $0.0e+00;
	v9 =	vmax.f32 v9, $0.0e+00;
	v10 =	vmax.f32 v10, $0.0e+00  }
0x45e: {  	s6 =	smov.u32 s12;
	v2 =	vmax.f32 v2, $0.0e+00;
	v11 =	vmax.f32 v11, $0.0e+00;
	v14 =	vmax.f32 v14, $0.0e+00  }
0x45f: {  	s20 =	sadd.s32 $0x3, s6;
	[tilespmem:$0x1FE00] =	vst v1;
	v1 =	vmin.f32 v51, v37;
	vm1 =	vgt.f32 v0, v3;
	v0 =	vmax.f32 v48, v21  }
0x460: {  	v5 =	vld [tilespmem:s5+$0x10];
	v3 =	vmin.f32 v53, v36;
	v36 =	vmov s20;
	v21 =	vmax.f32 v56, v23  }
0x461: {  	v23 =	vmax.f32 v55, v29;
	vm0 =	vmor vm1, vm0;
	v0 =	vsub.f32 v1, v0  }
0x462: {  	v1 =	vmin.f32 v53, v26;
	v3 =	vsub.f32 v3, v4;
	v4 =	vsub.f32 v6, v7  }
0x463: {  	v7 =	vmax.f32 v49, v27;
	v15 =	vsub.f32 v20, v21;
	v20 =	vmin.f32 v58, v26  }
0x464: {  	v21 =	vmax.f32 v55, v27;
	v22 =	vsub.f32 v22, v23;
	v27 =	vmax.f32 v52, v31  }
0x465: {  	v5 =	vsel vm0, $0xBF800000, v5;
	v1 =	vsub.f32 v1, v7;
	v7 =	vmin.f32 v59, v41  }
0x466: {  	(xrf0) =	vmax.scan.msk.f32 $0xffff, v5;
	[tilespmem:s5+$0x10] =	vst v5;
	v5 =	vsub.f32 v12, v13;
	v12 =	vsub.f32 v19, v60  }
0x467: {  	v13 =	vmax.f32 v48, v32;
	v19 =	vmax.f32 v52, v32;
	v60 =	vmin.f32 v54, v42  }
0x468: {  	v0 =	vmax.f32 v0, $0.0e+00;
	v3 =	vmax.f32 v3, $0.0e+00;
	v4 =	vmax.f32 v4, $0.0e+00  }
0x469: {  	v15 =	vmax.f32 v15, $0.0e+00;
	v18 =	vsub.f32 v18, v19;
	v19 =	vsub.f32 v20, v21  }
0x46a: {  	v45 =	vld [tilespmem:s13+$0xFFFFFFE0];
	v20 =	vmin.f32 v51, v24;
	v21 =	vmax.f32 v48, v28;
	v24 =	vmin.f32 v59, v24  }
0x46b: {  	v0 =	vmul.f32 v0, v2;
	v2 =	vmul.f32 v4, v3;
	v3 =	vmax.f32 v56, v31  }
0x46c: {  	v1 =	vmax.f32 v1, $0.0e+00;
	v23 =	vsub.f32 v24, v25;
	v25 =	vmax.f32 v48, v31;
	v31 =	vld [tilespmem:$0x1FEB0]  }
0x46d: {  	v4 =	vmul.f32 v9, v8;
	v9 =	vmul.f32 v15, v14;
	v5 =	vmax.f32 v5, $0.0e+00  }
0x46e: {  	v12 =	vmax.f32 v12, $0.0e+00;
	v24 =	vmin.f32 v51, v30;
	v5 =	vmul.f32 v10, v5  }
0x46f: {  	v8 =	vmul.f32 v12, v11;
	v15 =	vsub.f32 v24, v25;
	v25 =	vadd.f32 v45, v38;
	v33, _, _ =	vpop (xrf0)  }
0x470: {  	vm5 =	vgt.f32 v9, v63;
	v6 =	vbroadcast v33, $0xF;
	v33 =	vmax.f32 v56, v32  }
0x471: {  	vm0 =	vgt.f32 v0, v25;
	v32 =	vmin.f32 v54, v31;
	v7 =	vsub.f32 v7, v33  }
0x472: {  	v46 =	vld [tilespmem:s13+$0xFFFFFFF0];
	v11 =	vmax.f32 v18, $0.0e+00;
	[tilespmem:v36+s29+$0x0] =	vst.idx.msk $0x1, v6;
	v6 =	vmin.f32 v51, v41;
	v36 =	vmin.f32 v54, v26  }
0x473: {  	v26 =	vmin.f32 v57, v30;
	v30 =	vmin.f32 v59, v30;
	v6 =	vsub.f32 v6, v13  }
0x474: {  	v13 =	vmin.f32 v53, v42;
	v16 =	vsub.f32 v36, v44;
	v36 =	vmax.f32 v52, v28  }
0x475: {  	v33 =	vmovc v43;
	v44 =	vmovc v29;
	v28 =	vmin.f32 v58, v34;
	v29 =	vmax.f32 v55, v40;
	v43 =	vmax.f32 v19, $0.0e+00  }
0x476: {  	v7 =	vmax.f32 v7, $0.0e+00;
	v19 =	vsub.f32 v26, v27;
	v3 =	vsub.f32 v30, v3  }
0x477: {  	v26 =	vadd.f32 v45, v39;
	v30 =	vadd.f32 v46, v39;
	v55 =	vmax.f32 v55, v35  }
0x478: {  	v13 =	vsub.f32 v13, v17;
	v17 =	vsub.f32 v20, v21;
	v20 =	vmin.f32 v53, v34  }
0x479: {  	v21 =	vsub.f32 v60, v61;
	v60 =	vsub.f32 v62, v36;
	v61 =	vmax.f32 v49, v40  }
0x47a: {  	v62 =	vmin.f32 v54, v34;
	v36 =	vmax.f32 v50, v40;
	v24 =	vsub.f32 v28, v29  }
0x47b: {  	v29 =	vadd.f32 v46, v38;
	v34 =	vmax.f32 v50, v35;
	v7 =	vmul.f32 v7, v43  }
0x47c: {  	v6 =	vmax.f32 v6, $0.0e+00;
	v10 =	vmax.f32 v16, $0.0e+00;
	v14 =	vsub.f32 v20, v61  }
0x47d: {  	v16 =	vmin.f32 v53, v31;
	v18 =	vsub.f32 v62, v36;
	v20 =	vmax.f32 v49, v35  }
0x47e: {  	v62 =	vadd.f32 v47, v38;
	v36 =	vmin.f32 v58, v31;
	v0 =	vsub.f32 v32, v34  }
0x47f: {  	v27 =	vld [tilespmem:$0x1FF00];
	vm1 =	vgt.f32 v2, v26;
	vm3 =	vgt.f32 v5, v30;
	v3 =	vmax.f32 v3, $0.0e+00  }
0x480: {  	v28 =	vld [tilespmem:$0x1FF40];
	v1 =	vmul.f32 v6, v1;
	v6 =	vmul.f32 v11, v10;
	v11 =	vmax.f32 v13, $0.0e+00  }
0x481: {  	v54 =	vld [tilespmem:$0x1FF00];
	v39 =	vmax.f32 v17, $0.0e+00;
	v40 =	vmax.f32 v21, $0.0e+00;
	v43 =	vmax.f32 v60, $0.0e+00  }
0x482: {  	v61 =	vld [tilespmem:$0x1FF40];
	v21 =	vmax.f32 v22, $0.0e+00;
	v16 =	vsub.f32 v16, v20;
	v22 =	vmax.f32 v23, $0.0e+00  }
0x483: {  	v38 =	vld [tilespmem:$0x1FF00];
	v2 =	vsub.f32 v36, v55;
	vm2 =	vgt.f32 v4, v29;
	v55 =	vmax.f32 v15, $0.0e+00  }
0x484: {  	v26 =	vld [tilespmem:$0x1FF20];
	v60 =	vmax.f32 v19, $0.0e+00;
	vm0 =	vmor vm0, vm1;
	vm4 =	vgt.f32 v8, v62  }
0x485: {  	v10 =	vld [tilespmem:$0x1FF40];
	v8 =	vmul.f32 v39, v11;
	v11 =	vmul.f32 v43, v40;
	v9 =	vmax.f32 v14, $0.0e+00  }
0x486: {  	v58 =	vmax.f32 v18, $0.0e+00;
	vm1 =	vmor vm2, vm3;
	v0 =	vmax.f32 v0, $0.0e+00  }
0x487: {  	v27 =	vmin.f32 v51, v27;
	vm4 =	vmor vm4, vm5;
	v2 =	vmax.f32 v2, $0.0e+00  }
0x488: {  	v28 =	vmax.f32 v48, v28;
	v50 =	vmin.f32 v57, v54;
	v51 =	vmax.f32 v52, v61  }
0x489: {  	v57 =	vmin.f32 v59, v38;
	v20 =	vsub.f32 v27, v28;
	v25 =	vadd.f32 v45, v26  }
0x48a: {  	v4 =	vadd.f32 v46, v26;
	v5 =	vadd.f32 v47, v26;
	v10 =	vmax.f32 v56, v10  }
0x48b: {  	v61 =	vmax.f32 v24, $0.0e+00;
	v10 =	vsub.f32 v57, v10;
	v57 =	vmul.f32 v22, v21;
	v21 =	vld [tilespmem:$0x1FF30]  }
0x48c: {  	v59 =	vld [tilespmem:$0x1FF00];
	v23 =	vsub.f32 v50, v51;
	v3 =	vmul.f32 v3, v61;
	vm2 =	vgt.f32 v1, v25  }
0x48d: {  	v26 =	vld [tilespmem:$0x1FEF0];
	vm3 =	vgt.f32 v6, v4;
	v1 =	vmul.f32 v55, v9;
	v4 =	vmul.f32 v60, v58  }
0x48e: {  	v56 =	vld [tilespmem:$0x1FF40];
	vm5 =	vgt.f32 v7, v5;
	v5 =	vmax.f32 v16, $0.0e+00;
	v6 =	vmax.f32 v20, $0.0e+00  }
0x48f: {  	v50 =	vld [tilespmem:$0x1FF60];
	v7 =	vmax.f32 v23, $0.0e+00;
	vm0 =	vmor vm2, vm0;
	vm1 =	vmor vm3, vm1  }
0x490: {  	v20 =	vld [tilespmem:$0x1FEE0];
	vm4 =	vmor vm5, vm4;
	v10 =	vmax.f32 v10, $0.0e+00;
	v19 =	vadd.f32 v46, v21  }
0x491: {  	v2 =	vmul.f32 v10, v2;
	v10 =	vld [tilespmem:$0x1FDC0];
	v18 =	vadd.f32 v45, v21;
	v21 =	vadd.f32 v47, v21  }
0x492: {  	v0 =	vmul.f32 v7, v0;
	v9 =	vadd.f32 v45, v26;
	vm3 =	vgt.f32 v11, v19;
	v11 =	vld [tilespmem:$0x1FDB0]  }
0x493: {  	v62 =	vadd.f32 v46, v26;
	vm2 =	vgt.f32 v8, v18;
	vm5 =	vgt.f32 v57, v21;
	v21 =	vld [tilespmem:$0x1FED0]  }
0x494: {  	s12 =	sadd.s32 $0x4, s12;
	v7 =	vadd.f32 v46, v50;
	vm0 =	vmor vm2, vm0;
	vm2 =	vgt.f32 v1, v9;
	v1 =	vld [tilespmem:$0x1FDD0]  }
0x495: {  	p4 =	slt.s32 s12, s2;
	v5 =	vmul.f32 v6, v5;
	v63 =	vadd.f32 v47, v26;
	v6 =	vadd.f32 v45, v50;
	v9 =	vld [tilespmem:$0x1FDE0]  }
.Ltmp53:
0x496: {  	v8 =	vadd.f32 v47, v50;
	vm4 =	vmor vm5, vm4;
	vm5 =	vgt.f32 v0, v7;
	v0 =	vld [tilespmem:$0x1FE00];
	(pc) =	sbr.rel @p4 .LBB2_85-.Ltmp53, $4  }
0x497: {  	vm1 =	vmor vm3, vm1;
	vm3 =	vgt.f32 v4, v62;
	v7 =	vld [tilespmem:$0x1FE10];
	vm2 =	vmor vm2, vm0  }
0x498: {  	vm1 =	vmor vm3, vm1;
	vm0 =	vgt.f32 v3, v63;
	v3 =	vld [tilespmem:$0x1FDF0];
	vm3 =	vgt.f32 v5, v6  }
0x499: {  	vm2 =	vmor vm3, vm2;
	vm3 =	vmor vm5, vm1;
	vm1 =	vgt.f32 v2, v8;
	v2 =	vld [tilespmem:$0x1FE20]  }
0x49a: {  	s13 =	sadd.s32 $0x40, s13;
	v32 =	vmovc v41;
	v29 =	vmovc v44;
	v27 =	vmov v42;
	v23 =	vmov v37;
	vm0 =	vmor vm0, vm4;
	v8 =	vld [tilespmem:$0x1FE30]  }
0x49b: {  	v6 =	vld [tilespmem:$0x1FF30]  }
0x49c: {  	v28 =	vld [tilespmem:$0x1FF20]  }
0x49d: {  	v48 =	vld [tilespmem:$0x1FF10]  }
0x49e: {  	v13 =	vld [tilespmem:$0x1FE60]  }
0x49f: {  	v14 =	vld [tilespmem:$0x1FE50]  }
0x4a0: {  	v15 =	vld [tilespmem:$0x1FE80]  }
0x4a1: {  	v16 =	vld [tilespmem:$0x1FEA0]  }
0x4a2: {  	v17 =	vld [tilespmem:$0x1FE70]  }
0x4a3: {  	v18 =	vld [tilespmem:$0x1FE90]  }
0x4a4: {  	v19 =	vld [tilespmem:$0x1FEC0]  }
0x4a5: {  	v53 =	vld [tilespmem:$0x1FEB0]  }
0x4a6: {  	s12 =	smov.u32 s6;
	v63 =	vlaneseq.u32;
	v60 =	vld [tilespmem:$0x1FE40]  }
.LBB2_87:
0x4a7: {  	v0 =	vsel vm2, $0xBF800000, v0  }
0x4a8: {  	v1 =	vsel vm3, $0xBF800000, v1;
	vm0 =	vmor vm1, vm0;
	(xrf0) =	vmax.scan.msk.f32 $0xffff, v0  }
0x4a9: {  	v4 =	vmov s12;
	s6 =	sadd.s32 $0x1, s12;
	v2 =	vsel vm0, $0xBF800000, v2;
	(xrf0) =	vmax.scan.msk.f32 $0xffff, v1  }
0x4aa: {  	v3 =	vbroadcast @p3 v3, $0xF;
	s7 =	sadd.s32 $0x2, s12;
	v4 =	vand.u32 $0xFFFFFFFC, v4;
	v5 =	vmov s6;
	(xrf0) =	vmax.scan.msk.f32 $0xffff, v2  }
0x4ab: {  	v55 =	vmov s7;
	[tilespmem:s5+$0xFFFFFFE0] =	vst v0;
	v4 =	vbroadcast v4, $0x0;
	v5 =	vand.u32 $0xFFFFFFFD, v5  }
0x4ac: {  	[tilespmem:v9+s29+$0x0] =	vst.idx.msk @p3 $0x1, v3;
	v3 =	vand.u32 $0xFFFFFFFE, v55;
	v5 =	vbroadcast v5, $0x0  }
0x4ad: {  	v0 =	vbroadcast @p3 v10, $0xF;
	[tilespmem:s5+$0xFFFFFFF0] =	vst v1;
	v57 =	vbroadcast v3, $0x0  }
0x4ae: {  	[tilespmem:s5+$0x0] =	vst v2;
	v3 =	vbroadcast @p3 v11, $0xF;
	v58, _, _ =	vpop (xrf0)  }
0x4af: {  	[tilespmem:v8+s29+$0x0] =	vst.idx.msk @p3 $0x1, v0;
	v61, _, _ =	vpop (xrf0);
	v0 =	vbroadcast v58, $0xF  }
0x4b0: {  	[tilespmem:v7+s29+$0x0] =	vst.idx.msk @p3 $0x1, v3;
	v62, _, _ =	vpop (xrf0);
	v2 =	vbroadcast v61, $0xF  }
0x4b1: {  	v3 =	vbroadcast v62, $0xF;
	[tilespmem:v4+s29+$0x0] =	vst.idx.msk $0x1, v0  }
0x4b2: {  	[tilespmem:v5+s29+$0x0] =	vst.idx.msk $0x1, v2  }
0x4b3: {  	[tilespmem:v57+s29+$0x0] =	vst.idx.msk $0x1, v3  }
0x4b4: {  	v58 =	vld [tilespmem:$0x1FFE0];
	_ =	sdelay $0x6  }
0x4b5: {  	v44 =	vmov v6;
	v57 =	vld [tilespmem:$0x1FFF0]  }
.LBB2_75:
.Ltmp54:
0x4b6: {  	(pc) =	sbr.rel @p2 .LBB2_78-.Ltmp54, $1  }
0x4b7: {  	_ =	sdelay $0x3  }
0x4b8: {  	s5 =	simm.s32 $0x6400  }
0x4b9: {  	s6 =	simm.s32 $0x7800;
	s7 =	simm.s32 $0x8C00;
	s9 =	simm.s32 $0xA000  }
0x4ba: {  	s10 =	simm.s32 $0xB400;
	s11 =	simm.s32 $0xDC00;
	s12 =	smov.u32 s2  }
.LBB2_77:
0x4bb: {  	v0 =	vld.idx.msk [tilespmem:v58+s6+$0x0 ss:$0x1], $0xffff  }
0x4bc: {  	v1 =	vld.idx.msk [tilespmem:v58+s7+$0x0 ss:$0x1], $0xffff  }
0x4bd: {  	v2 =	vld.idx.msk [tilespmem:v58+s9+$0x0 ss:$0x1], $0xffff  }
0x4be: {  	v3 =	vld.idx.msk [tilespmem:v58+s10+$0x0 ss:$0x1], $0xffff  }
0x4bf: {  	v8 =	vld [tilespmem:$0x1FF80]  }
0x4c0: {  	v9 =	vld [tilespmem:$0x1FF90]  }
0x4c1: {  	v10 =	vld [tilespmem:$0x1FFA0]  }
0x4c2: {  	v12 =	vld [tilespmem:$0x1FFD0];
	_ =	sdelay $0x2  }
0x4c3: {  	v4 =	vmin.f32 v2, v33;
	v5 =	vmax.f32 v0, v20;
	v6 =	vmin.f32 v3, v23  }
0x4c4: {  	v47 =	vld [tilespmem:$0x1FF70];
	v7 =	vmax.f32 v1, v21;
	v8 =	vmax.f32 v0, v8;
	v9 =	vmin.f32 v3, v9  }
0x4c5: {  	v51 =	vld [tilespmem:$0x1FFC0];
	v10 =	vmax.f32 v1, v10;
	v11 =	vmin.f32 v3, v32;
	v12 =	vmax.f32 v1, v12  }
0x4c6: {  	v52 =	vld [tilespmem:$0x1FFB0];
	v37 =	vmin.f32 v2, v27;
	v38 =	vmax.f32 v0, v29;
	v39 =	vmin.f32 v3, v14  }
0x4c7: {  	v40 =	vmax.f32 v1, v13;
	v41 =	vmin.f32 v2, v17;
	v42 =	vmax.f32 v0, v15  }
0x4c8: {  	v43 =	vmin.f32 v3, v18;
	v45 =	vmax.f32 v1, v16;
	v3 =	vmin.f32 v3, v59  }
0x4c9: {  	v1 =	vmax.f32 v1, v56;
	v4 =	vsub.f32 v4, v5;
	v46 =	vsub.f32 v6, v7  }
0x4ca: {  	v6 =	vld.idx.msk [tilespmem:v58+s11+$0x0 ss:$0x1], $0xffff;
	v7 =	vmin.f32 v2, v47;
	v49 =	vsub.f32 v9, v10;
	v9 =	vmin.f32 v2, v51  }
0x4cb: {  	v10 =	vmax.f32 v0, v52;
	v55 =	vsub.f32 v11, v12;
	v2 =	vmin.f32 v2, v53  }
0x4cc: {  	v0 =	vmax.f32 v0, v19;
	v1 =	vsub.f32 v3, v1;
	v7 =	vsub.f32 v7, v8  }
0x4cd: {  	v54 =	vsub.f32 v9, v10;
	v0 =	vsub.f32 v2, v0;
	v4 =	vmax.f32 v4, $0.0e+00  }
0x4ce: {  	v5 =	vmax.f32 v46, $0.0e+00;
	v8 =	vmax.f32 v49, $0.0e+00;
	v35 =	vmax.f32 v55, $0.0e+00  }
0x4cf: {  	v1 =	vmax.f32 v1, $0.0e+00;
	v4 =	vmul.f32 v5, v4;
	v61 =	vadd.f32 v6, v60  }
0x4d0: {  	v7 =	vmax.f32 v7, $0.0e+00;
	v34 =	vmax.f32 v54, $0.0e+00;
	v5 =	vsub.f32 v39, v40  }
0x4d1: {  	v36 =	vadd.f32 v6, v28;
	vm0 =	vgt.f32 v4, v61;
	v4 =	vmul.f32 v35, v34  }
0x4d2: {  	v0 =	vmax.f32 v0, $0.0e+00;
	v7 =	vmul.f32 v8, v7;
	v62 =	vadd.f32 v6, v48  }
0x4d3: {  	v8 =	vsub.f32 v43, v45;
	vm12 =	vgt.f32 v4, v36;
	v4 =	vsub.f32 v37, v38  }
0x4d4: {  	v0 =	vmul.f32 v1, v0;
	vm1 =	vgt.f32 v7, v62;
	v7 =	vsub.f32 v41, v42  }
0x4d5: {  	v5 =	vmax.f32 v5, $0.0e+00;
	v47 =	vadd.f32 v6, v44;
	v4 =	vmax.f32 v4, $0.0e+00  }
0x4d6: {  	v8 =	vmax.f32 v8, $0.0e+00;
	v7 =	vmax.f32 v7, $0.0e+00;
	v46 =	vmul.f32 v5, v4  }
0x4d7: {  	v51 =	vld.idx.msk [tilespmem:v58+s5+$0x0 ss:$0x1], $0xffff;
	v52 =	vadd.f32 v6, v26;
	vm0 =	vmor vm0, vm1;
	v49 =	vmul.f32 v8, v7  }
0x4d8: {  	v54 =	vadd.f32 v6, v50;
	vm0 =	vmor vm12, vm0;
	vm13 =	vgt.f32 v46, v47  }
0x4d9: {  	vm14 =	vgt.f32 v49, v52;
	vm0 =	vmor vm13, vm0  }
0x4da: {  	vm15 =	vgt.f32 v0, v54;
	vm0 =	vmor vm14, vm0  }
0x4db: {  	vm0 =	vmor vm15, vm0  }
0x4dc: {  	v55 =	vsel vm0, $0xBF800000, v51  }
0x4dd: {  	(xrf0) =	vmax.scan.msk.f32 $0xffff, v55;
	_ =	sdelay $0x2  }
0x4de: {  	v61 =	vmov s12;
	s12 =	sadd.s32 $0x1, s12  }
0x4df: {  	p3 =	slt.s32 s12, s19  }
.Ltmp55:
0x4e0: {  	_ = 	snop;
	(pc) =	sbr.rel @p3 .LBB2_77-.Ltmp55, $4  }
0x4e1: {  	v62, _, _ =	vpop (xrf0)  }
0x4e2: {  	v0 =	vbroadcast v62, $0xF  }
0x4e3: {  	s6 =	sadd.s32 $0x10, s6;
	s7 =	sadd.s32 $0x10, s7;
	s9 =	sadd.s32 $0x10, s9;
	[tilespmem:v58+s5+$0x0 ss:$0x1] =	vst.idx.msk $0xffff, v55  }
0x4e4: {  	s10 =	sadd.s32 $0x10, s10;
	s11 =	sadd.s32 $0x10, s11;
	s5 =	sadd.s32 $0x10, s5;
	[tilespmem:v61+s29+$0x0] =	vst.idx.msk $0x1, v0  }
.LBB2_78:
.Ltmp56:
0x4e5: {  	(pc) =	sbr.rel @p0 .LBB2_82-.Ltmp56, $2  }
0x4e6: {  	_ =	sdelay $0x2  }
0x4e7: {  	v6 =	vimm.f32 $-1.000000000e+00;
	s5 =	simm.s32 $0xF000  }
0x4e8: {  	p3 =	sne.s32 s3, $0x1  }
.Ltmp57:
0x4e9: {  	v7 =	vld [tilespmem:s5+$0x0];
	(pc) =	sbr.rel @!p3 .LBB2_81-.Ltmp57, $2  }
0x4ea: {  	_ =	sdelay $0x2  }
0x4eb: {  	s6 =	sadd.s32 $0xFFFFFFFF, s3  }
.LBB2_80:
0x4ec: {  	p3 =	sne.s32 s6, $0x1  }
.Ltmp58:
0x4ed: {  	_ = 	snop;
	(pc) =	sbr.rel @p3 .LBB2_80-.Ltmp58, $3  }
0x4ee: {  	_ =	sdelay $0x1  }
0x4ef: {  	s6 =	sadd.s32 $0xFFFFFFFF, s6;
	v6 =	vmax.f32 v6, v7;
	s5 =	sadd.s32 $0x10, s5  }
0x4f0: {  	v7 =	vld [tilespmem:s5+$0x0]  }
.Ltmp59:
0x4f1: {  	_ = 	snop;
	(pc) =	sbr.rel .LBB2_81-.Ltmp59, $1  }
0x4f2: {  	_ =	sdelay $0x3  }
.LBB2_69:
.Ltmp60:
0x4f3: {  	(pc) =	sbr.rel .LBB2_87-.Ltmp60, $4  }
0x4f4: {  	_ = 	snop  }
0x4f5: {  	v6 =	vld [tilespmem:$0x1FF30]  }
0x4f6: {  	v28 =	vld [tilespmem:$0x1FF20]  }
0x4f7: {  	v48 =	vld [tilespmem:$0x1FF10]  }
.LBB2_84:
0x4f8: {  	v6 =	vld [tilespmem:$0x1FF30]  }
0x4f9: {  	v28 =	vld [tilespmem:$0x1FF20]  }
0x4fa: {  	v48 =	vld [tilespmem:$0x1FF10]  }
0x4fb: {  	v13 =	vld [tilespmem:$0x1FE60]  }
0x4fc: {  	v14 =	vld [tilespmem:$0x1FE50]  }
0x4fd: {  	v15 =	vld [tilespmem:$0x1FE80]  }
0x4fe: {  	v16 =	vld [tilespmem:$0x1FEA0]  }
.Ltmp61:
0x4ff: {  	v17 =	vld [tilespmem:$0x1FE70];
	(pc) =	sbr.rel .LBB2_87-.Ltmp61, $4  }
0x500: {  	v18 =	vld [tilespmem:$0x1FE90]  }
0x501: {  	v19 =	vld [tilespmem:$0x1FEC0]  }
0x502: {  	v53 =	vld [tilespmem:$0x1FEB0]  }
0x503: {  	s12 =	simm.s32 $0x4;
	v63 =	vlaneseq.u32;
	v60 =	vld [tilespmem:$0x1FE40]  }
.LBB2_30:
.Ltmp62:
0x504: {  	(pc) =	sbr.rel .LBB2_34-.Ltmp62, $3  }
0x505: {  	_ =	sdelay $0x1  }
0x506: {  	s10 =	simm.s32 $0xB400;
	s11 =	simm.s32 $0xA000  }
0x507: {  	s12 =	simm.s32 $0x8C00;
	s13 =	simm.s32 $0x7800;
	s14 =	simm.s32 $0x0  }
.LBB2_37:
.Ltmp63:
0x508: {  	(pc) =	sbr.rel .LBB2_74-.Ltmp63, $2  }
0x509: {  	_ =	sdelay $0x2  }
0x50a: {  	_ = 	snop  }
.LBB2_32:
.Ltmp64:
0x50b: {  	(pc) =	sbr.rel .LBB2_34-.Ltmp64, $3  }
0x50c: {  	_ =	sdelay $0x1  }
0x50d: {  	s10 =	simm.s32 $0xB400;
	s11 =	simm.s32 $0xA000  }
0x50e: {  	s12 =	simm.s32 $0x8C00;
	s13 =	simm.s32 $0x7800;
	s14 =	simm.s32 $0x0  }
.LBB2_71:
.Ltmp65:
0x50f: {  	(pc) =	sbr.rel .LBB2_74-.Ltmp65, $2  }
0x510: {  	_ =	sdelay $0x2  }
0x511: {  	s7 =	simm.s32 $0x6460  }
.LBB2_9:
.Ltmp66:
0x512: {  	(pc) =	sbr.rel .LBB2_26-.Ltmp66, $2  }
0x513: {  	_ =	sdelay $0x2  }
0x514: {  	v12 =	vmov v14  }
.LBB2_21:
.Ltmp67:
0x515: {  	(pc) =	sbr.rel .LBB2_26-.Ltmp67, $2  }
0x516: {  	_ =	sdelay $0x2  }
0x517: {  	v12 =	vmov v13;
	v9 =	vmov v20;
	s3 =	simm.s32 $0x4;
	v6 =	vmov v19  }
.LBB2_23:
.Ltmp68:
0x518: {  	(pc) =	sbr.rel .LBB2_26-.Ltmp68, $2  }
0x519: {  	_ =	sdelay $0x2  }
0x51a: {  	s3 =	simm.s32 $0x8;
	v14 =	vmov v13  }
.LBB2_19:
0x51b: {  	_ =	sfence.sel $0x180000  }
0x51c: {  	[bflag:$0x0] =	sbarrier.arrive $0xFFFF  }
0x51d: {  	_ =	strace $0x90000047  }
0x51e: {  	s0 =	stileid.u32;
	[bflag:$0x2] =	sbarrier.arrive $0xFFFF  }
0x51f: {  	p0 =	sne.s32 s0, $0x0;
	s0 =	rddreg [dreg:$0x2]  }
0x520: {  	s0 =	sadd.s32 @!p0 $0x100000, s0  }
0x521: {  	[sflag:s0] =	ssyncadd.tile.s32 @!p0 $0x1;
	_ =	shalt  }
.Lfunc_end2:
_tile_overlayer_lowered:
.L_overlay_start_2:
0x522: {  	(tag) =	ssettag $0x2  }
0x523: {  	s0 =	rddreg [dreg:$0x0];
	s2 =	stileid.u32  }
0x524: {  	s1 =	rddreg [dreg:$0x1];
	p0 =	sne.s32 s2, $0x0  }
0x525: {  	s3 =	rddreg [dreg:$0x2];
	[bflag:$0x3] =	sbarrier.arrive $0xFFFF;
	s2 =	simm.s32 @!p0 $0x1C02  }
0x526: {  	[timem:s3], [sflag:s2] =	dma.local @!p0 [hbm:s0], s1  }
0x527: {  	s0 =	simm.s32 @!p0 $0x2  }
0x528: {  	_ =	swait.ge @!p0 [sflag:s0], s1  }
0x529: {  	s1 =	ssub.s32 @!p0 $0x0, s1;
	[sflag:s0] =	ssyncset.done @!p0 $0x0  }
0x52a: {  	[sflag:s0] =	ssyncadd.s32 @!p0 s1  }
0x52b: {  	[bflag:$0x3] =	sbarrier.arrive $0xFFFF  }
0x52c: {  	_ =	shalt  }

</sc_bundles>
